<compile_context>
chip_gen: v7x
topology: tpu7x:2x2x1
jax: 0.10.2.dev20260603
libtpu: 0.0.44.dev20260713+nightly
codegen_flags: <defaults>
</compile_context>

<pallas_src>
import functools

import jax
import jax.numpy as jnp
from jax import lax
from jax.experimental import pallas as pl
from jax.experimental.pallas import tpu as pltpu
from jax.experimental.pallas import tpu_sc as plsc

_N = 10000
_H = 32
_G = 64
_C = 10

_NC = 2
_NS = 16
_NW = _NC * _NS
_CHUNK = 128
_NCHUNK = 80
_EPW = _CHUNK * _NCHUNK
_EPAD = _EPW * _NW
_PR = _N // 4
_NA = _N + 8
_OUTR = 2504


def _segsum_sc(yp, src_w, dst_w, z):
    mesh = plsc.VectorSubcoreMesh(core_axis_name="c", subcore_axis_name="s")

    @functools.partial(
        pl.kernel,
        mesh=mesh,
        compiler_params=pltpu.CompilerParams(use_tc_tiling_on_sc=False),
        out_type=jax.ShapeDtypeStruct((_NC, _OUTR, 128), jnp.float32),
        scratch_types=[
            pltpu.VMEM((_NCHUNK, _CHUNK), jnp.int32),
            pltpu.VMEM((_NCHUNK, _CHUNK), jnp.int32),
            pltpu.VMEM((8, _CHUNK, _H), jnp.float32),
            pltpu.VMEM_SHARED((_N, _H), jnp.float32),
            pltpu.VMEM_SHARED((_NA, _H), jnp.float32),
            pltpu.SemaphoreType.DMA,
            pltpu.SemaphoreType.DMA,
            pltpu.SemaphoreType.DMA,
            pltpu.SemaphoreType.DMA,
        ],
    )
    def k(y_hbm, src_hbm, dst_hbm, z_hbm, out_hbm, sidx, didx, rows, ys, acc,
          sg0, sg1, ss0, ss1):
        c = lax.axis_index("c")
        s = lax.axis_index("s")
        wid = s * _NC + c
        hs = [pltpu.async_copy(
                  src_hbm.at[pl.ds(wid * _NCHUNK, _NCHUNK)], sidx, ss0),
              pltpu.async_copy(
                  dst_hbm.at[pl.ds(wid * _NCHUNK, _NCHUNK)], didx, ss1)]

        @pl.when(s < _NS - 1)
        def _():
            hz = pltpu.async_copy(z_hbm.at[pl.ds(s * 632, 632)],
                                  acc.at[pl.ds(s * 632, 632)], sg0)
            hy = [pltpu.async_copy(
                      y_hbm.at[pl.ds(s * 160, 160), pl.ds(32 * kk, 32)],
                      ys.at[pl.ds(kk * _PR + s * 160, 160)], sg1)
                  for kk in range(4)]
            hz.wait()
            for h in hy:
                h.wait()

        @pl.when(s == _NS - 1)
        def _():
            hz = pltpu.async_copy(z_hbm.at[pl.ds(9480, _NA - 9480)],
                                  acc.at[pl.ds(9480, _NA - 9480)], sg0)
            hy = [pltpu.async_copy(
                      y_hbm.at[pl.ds(2400, _PR - 2400), pl.ds(32 * kk, 32)],
                      ys.at[pl.ds(kk * _PR + 2400, _PR - 2400)], sg1)
                  for kk in range(4)]
            hz.wait()
            for h in hy:
                h.wait()

        for h in hs:
            h.wait()
        plsc.subcore_barrier()

        @pl.loop(0, _NCHUNK // 8)
        def _(u):
            c0 = u * 8
            hg0 = [pltpu.async_copy(ys.at[sidx.at[c0 + j]], rows.at[j], sg0)
                   for j in range(4)]
            hg1 = [pltpu.async_copy(ys.at[sidx.at[c0 + 4 + j]],
                                    rows.at[4 + j], sg1) for j in range(4)]
            for h in hg0:
                h.wait()
            hs0 = [pltpu.async_copy(rows.at[j], acc.at[didx.at[c0 + j]],
                                    ss0, add=True) for j in range(4)]
            for h in hg1:
                h.wait()
            hs1 = [pltpu.async_copy(rows.at[4 + j],
                                    acc.at[didx.at[c0 + 4 + j]],
                                    ss1, add=True) for j in range(4)]
            for h in hs0 + hs1:
                h.wait()

        plsc.subcore_barrier()

        @pl.when(s < _NS - 1)
        def _():
            hw = [pltpu.async_copy(
                      acc.at[pl.ds(kk * _PR + s * 160, 160)],
                      out_hbm.at[c, pl.ds(s * 160, 160), pl.ds(32 * kk, 32)],
                      sg0) for kk in range(4)]
            for h in hw:
                h.wait()

        @pl.when(s == _NS - 1)
        def _():
            hw = [pltpu.async_copy(
                      acc.at[pl.ds(kk * _PR + 2400, _PR - 2400)],
                      out_hbm.at[c, pl.ds(2400, _PR - 2400),
                                 pl.ds(32 * kk, 32)], sg0)
                  for kk in range(4)]
            for h in hw:
                h.wait()

    return k(yp, src_w, dst_w, z)


def _leaky(v):
    return jnp.where(v >= 0, v, 0.01 * v)


def _dot(a, b):
    return jnp.dot(a, b, preferred_element_type=jnp.float32)


def _fold4(v):
    return (v[:, 0:32] + v[:, 32:64] + v[:, 64:96] + v[:, 96:128]) * 0.25


def _tile4(v):
    return jnp.concatenate([v, v, v, v], axis=1)


def _proj(x, w1):
    def body(x_ref, w_ref, o_ref):
        w = w_ref[...]
        for kk in range(4):
            o_ref[:, 32 * kk:32 * (kk + 1)] = _dot(
                x_ref[_PR * kk:_PR * (kk + 1), :], w)

    return pl.pallas_call(
        body,
        out_shape=jax.ShapeDtypeStruct((_PR, 128), jnp.float32),
    )(x, w1)


def _mlp_block(t, agg, b1, gamma, beta, w2x4, b2, wnx4):

    def body(t_ref, a_ref, b1_ref, g_ref, be_ref, w2_ref, b2_ref, wn_ref,
             o_ref, t2_ref):
        pre = t_ref[...] + a_ref[0, :_PR, :] + a_ref[1, :_PR, :] + b1_ref[...]
        m = _tile4(_fold4(jnp.mean(pre, axis=0, keepdims=True)))
        d = pre - m
        v = _tile4(_fold4(jnp.mean(d * d, axis=0, keepdims=True)))
        hn = d * (g_ref[...] * lax.rsqrt(v + 1e-5)) + be_ref[...]
        hn = _leaky(hn)
        h = _leaky(_dot(hn, w2_ref[...]) + b2_ref[...])
        o_ref[...] = h
        t2_ref[...] = _dot(h, wn_ref[...])

    outs = (jax.ShapeDtypeStruct((_PR, 128), jnp.float32),
            jax.ShapeDtypeStruct((_PR, 128), jnp.float32))
    return pl.pallas_call(body, out_shape=outs)(
        t, agg, b1, gamma, beta, w2x4, b2, wnx4)


def _mlp3_head(t, agg, b1, gamma, beta, w2x4, b2, h1, h2, batch4,
               lw1, lb1, lw2, lb2):

    def body(t_ref, a_ref, b1_ref, g_ref, be_ref, w2_ref, b2_ref,
             h1_ref, h2_ref, bt_ref, lw1_ref, lb1_ref, lw2_ref, lb2_ref,
             o_ref):
        pre = t_ref[...] + a_ref[0, :_PR, :] + a_ref[1, :_PR, :] + b1_ref[...]
        m = _tile4(_fold4(jnp.mean(pre, axis=0, keepdims=True)))
        d = pre - m
        v = _tile4(_fold4(jnp.mean(d * d, axis=0, keepdims=True)))
        hn = d * (g_ref[...] * lax.rsqrt(v + 1e-5)) + be_ref[...]
        hn = _leaky(hn)
        h3 = _leaky(_dot(hn, w2_ref[...]) + b2_ref[...])
        seg = lax.broadcasted_iota(jnp.int32, (_G, _PR), 0)
        ps = []
        for hv in (h1_ref[...], h2_ref[...], h3):
            p = jnp.zeros((_G, _H), jnp.float32)
            for kk in range(4):
                onehot = (seg == bt_ref[kk, :]).astype(jnp.float32)
                p = p + _dot(onehot, hv[:, 32 * kk:32 * (kk + 1)])
            ps.append(p)
        p = jnp.concatenate(ps, axis=1)
        z = jnp.maximum(_dot(p, lw1_ref[...]) + lb1_ref[...], 0.0)
        z = _dot(z, lw2_ref[...]) + lb2_ref[...]
        o_ref[...] = _leaky(z)

    return pl.pallas_call(
        body,
        out_shape=jax.ShapeDtypeStruct((_G, _C), jnp.float32),
    )(t, agg, b1, gamma, beta, w2x4, b2, h1, h2, batch4, lw1, lb1, lw2, lb2)


def _blockdiag4(w):
    a, b = w.shape
    z = jnp.zeros((a, b), w.dtype)
    return jnp.block([[w if i == j else z for j in range(4)]
                      for i in range(4)])


def kernel(x, x_e, edge_index, batch, params):
    del x_e
    src = edge_index[0].astype(jnp.int32)
    dst = edge_index[1].astype(jnp.int32)
    npad = _EPAD - src.shape[0]
    src_w = jnp.pad(src, (0, npad)).reshape(_NW * _NCHUNK, _CHUNK)
    dst_w = jnp.pad(dst, (0, npad),
                    constant_values=_N).reshape(_NW * _NCHUNK, _CHUNK)
    z = jnp.zeros((_NA, _H), jnp.float32)
    batch4 = batch.astype(jnp.int32).reshape(4, _PR)

    p1, p2, p3 = params["conv1"], params["conv2"], params["conv3"]

    def r4(v):
        return jnp.tile(v.reshape(1, -1), (1, 4))

    t1 = _proj(x, p1["W1"])
    a1 = _segsum_sc(t1, src_w, dst_w, z)
    h1, t2 = _mlp_block(t1, a1, r4(p1["b1"]), r4(p1["gamma"]),
                        r4(p1["beta"]), _blockdiag4(p1["W2"]), r4(p1["b2"]),
                        _blockdiag4(p2["W1"]))
    a2 = _segsum_sc(t2, src_w, dst_w, z)
    h2, t3 = _mlp_block(t2, a2, r4(p2["b1"]), r4(p2["gamma"]),
                        r4(p2["beta"]), _blockdiag4(p2["W2"]), r4(p2["b2"]),
                        _blockdiag4(p3["W1"]))
    a3 = _segsum_sc(t3, src_w, dst_w, z)
    return _mlp3_head(t3, a3, r4(p3["b1"]), r4(p3["gamma"]), r4(p3["beta"]),
                      _blockdiag4(p3["W2"]), r4(p3["b2"]), h1, h2, batch4,
                      params["lin1"]["W"], params["lin1"]["b"].reshape(1, -1),
                      params["lin2"]["W"], params["lin2"]["b"].reshape(1, -1))

# --- scband reference (transcript-rebuilt; emitter-appended) ---
"""Pipeline reference for scband-gin-46445776339725 (READ-ONLY COPY).

The authoritative reference and input builder live on the scoring server;
editing this copy changes nothing except your own understanding.
"""

import jax, jax.numpy as jnp
import numpy as np

N = 10000
E = 320000
D = 128
H = 32
G = 64
C = 10


def _lin_init(key, fan_in, fan_out):
    k1, k2 = jax.random.split(key)
    bound = 1.0 / np.sqrt(fan_in)
    W = jax.random.uniform(k1, (fan_in, fan_out), jnp.float32, -bound, bound)
    b = jax.random.uniform(k2, (fan_out,), jnp.float32, -bound, bound)
    return W, b


def _gin_mlp_params(key, d_in, d_h):
    k1, k2 = jax.random.split(key)
    W1, b1 = _lin_init(k1, d_in, d_h)
    W2, b2 = _lin_init(k2, d_h, d_h)
    return {"W1": W1, "b1": b1, "gamma": jnp.ones((d_h,), jnp.float32), "beta": jnp.zeros((d_h,), jnp.float32), "W2": W2, "b2": b2}


def setup_inputs(seed: int = 0) -> dict:
    key = jax.random.key(seed)
    ks = jax.random.split(key, 10)
    x = jax.random.normal(ks[0], (N, D), jnp.float32)
    x_e = jax.random.normal(ks[1], (E, 4), jnp.float32)
    edge_index = jax.random.randint(ks[2], (2, E), 0, N, dtype=jnp.int32).astype(jnp.int64)
    batch = jnp.sort(jax.random.randint(ks[3], (N,), 0, G, dtype=jnp.int32)).astype(jnp.int64)
    params = {
        "conv1": _gin_mlp_params(ks[4], D, H),
        "conv2": _gin_mlp_params(ks[5], H, H),
        "conv3": _gin_mlp_params(ks[6], H, H),
        "lin1": dict(zip(("W", "b"), _lin_init(ks[7], 3 * H, 3 * H))),
        "lin2": dict(zip(("W", "b"), _lin_init(ks[8], 3 * H, C))),
    }
    return {"x": x, "x_e": x_e, "edge_index": edge_index, "batch": batch, "params": params}


def _leaky(v):
    return jnp.where(v >= 0, v, 0.01 * v)


def _gin_conv(x, p, src, dst):
    # GINConv: MLP((1 + eps) * x + sum_{j in N(i)} x_j), eps = 0
    agg = jax.ops.segment_sum(x[src], dst, num_segments=N)
    h = x + agg
    h = h @ p["W1"] + p["b1"]
    # BatchNorm1d (batch statistics, training-style, eps=1e-5)
    mean = jnp.mean(h, axis=0)
    var = jnp.var(h, axis=0)
    h = (h - mean) / jnp.sqrt(var + 1e-5) * p["gamma"] + p["beta"]
    h = _leaky(h)
    h = h @ p["W2"] + p["b2"]
    h = _leaky(h)
    return h


def reference(x, x_e, edge_index, batch, params):
    src = edge_index[0]
    dst = edge_index[1]
    h1 = _gin_conv(x, params["conv1"], src, dst)
    h2 = _gin_conv(h1, params["conv2"], src, dst)
    h3 = _gin_conv(h2, params["conv3"], src, dst)
    p1 = jax.ops.segment_sum(h1, batch, num_segments=G)
    p2 = jax.ops.segment_sum(h2, batch, num_segments=G)
    p3 = jax.ops.segment_sum(h3, batch, num_segments=G)
    h = jnp.concatenate((p1, p2, p3), axis=1)
    h = h @ params["lin1"]["W"] + params["lin1"]["b"]
    h = jax.nn.relu(h)
    # dropout p=0.5 is identity in eval/deterministic mode
    h = h @ params["lin2"]["W"] + params["lin2"]["b"]
    # activation is None -> leaky_relu output
    return _leaky(h)

if __name__ == "__main__":
    import jax
    _d = setup_inputs()
    print(jax.jit(kernel)(*tuple(_d.values())))

</pallas_src>

<mosaic_0001>
#map = affine_map<(d0, d1) -> (0, 0)>
#map1 = affine_map<(d0, d1) -> (0, 0, 0)>
module attributes {stable_mosaic.version = 14 : i64} {
  func.func @k(%arg0: i32, %arg1: i32, %arg2: memref<2500x128xf32, #tpu.memory_space<hbm>>, %arg3: memref<2560x128xi32, #tpu.memory_space<hbm>>, %arg4: memref<2560x128xi32, #tpu.memory_space<hbm>>, %arg5: memref<10008x32xf32, #tpu.memory_space<hbm>>, %arg6: memref<2x2504x128xf32, #tpu.memory_space<hbm>>, %arg7: memref<80x128xi32, #tpu.memory_space<vmem>>, %arg8: memref<80x128xi32, #tpu.memory_space<vmem>>, %arg9: memref<8x128x32xf32, #tpu.memory_space<vmem>>, %arg10: memref<10000x32xf32, #tpu.memory_space<vmem_shared>>, %arg11: memref<10008x32xf32, #tpu.memory_space<vmem_shared>>, %arg12: memref<!tpu.dma_semaphore, #tpu.memory_space<semaphore_mem>>, %arg13: memref<!tpu.dma_semaphore, #tpu.memory_space<semaphore_mem>>, %arg14: memref<!tpu.dma_semaphore, #tpu.memory_space<semaphore_mem>>, %arg15: memref<!tpu.dma_semaphore, #tpu.memory_space<semaphore_mem>>) attributes {dimension_semantics = [#tpu.dimension_semantics<core_parallel>, #tpu.dimension_semantics<subcore_parallel>], iteration_bounds = array<i64: 2, 16>, scalar_prefetch = 0 : i64, scratch_operands = 9 : i64, tpu.core_type = #tpu.core_type<sc_vector_subcore>, window_params = [{transform_indices = #map}, {transform_indices = #map}, {transform_indices = #map}, {transform_indices = #map}, {transform_indices = #map1}]} {
    %mul3A = arith.constant 2 : i32
    %mul3A_0 = arith.muli %arg1, %mul3A : i32
    %add3A = arith.addi %mul3A_0, %arg0 : i32
    %mul3A_1 = arith.constant 80 : i32
    %mul3A_2 = arith.muli %add3A, %mul3A_1 : i32
    %dma_start3A = arith.constant 0 : i32
    %dma_start3A_3 = tpu.memref_slice %arg3[%mul3A_2, %dma_start3A] : memref<2560x128xi32, #tpu.memory_space<hbm>> -> memref<80x128xi32, #tpu.memory_space<hbm>>
    %dma_start3A_4 = arith.constant 0 : i32
    %dma_start3A_5 = tpu.memref_slice %arg3[%mul3A_2, %dma_start3A_4] : memref<2560x128xi32, #tpu.memory_space<hbm>> -> memref<80x128xi32, #tpu.memory_space<hbm>>
    tpu.enqueue_dma source(%dma_start3A_5 : memref<80x128xi32, #tpu.memory_space<hbm>>) target(%arg7 : memref<80x128xi32, #tpu.memory_space<vmem>>) target_semaphore(%arg14 : memref<!tpu.dma_semaphore, #tpu.memory_space<semaphore_mem>>)
    %mul3A_6 = arith.constant 80 : i32
    %mul3A_7 = arith.muli %add3A, %mul3A_6 : i32
    %dma_start3A_8 = arith.constant 0 : i32
    %dma_start3A_9 = tpu.memref_slice %arg4[%mul3A_7, %dma_start3A_8] : memref<2560x128xi32, #tpu.memory_space<hbm>> -> memref<80x128xi32, #tpu.memory_space<hbm>>
    %dma_start3A_10 = arith.constant 0 : i32
    %dma_start3A_11 = tpu.memref_slice %arg4[%mul3A_7, %dma_start3A_10] : memref<2560x128xi32, #tpu.memory_space<hbm>> -> memref<80x128xi32, #tpu.memory_space<hbm>>
    tpu.enqueue_dma source(%dma_start3A_11 : memref<80x128xi32, #tpu.memory_space<hbm>>) target(%arg8 : memref<80x128xi32, #tpu.memory_space<vmem>>) target_semaphore(%arg15 : memref<!tpu.dma_semaphore, #tpu.memory_space<semaphore_mem>>)
    %lt3A = arith.constant 15 : i32
    %lt3A_12 = arith.cmpi slt, %arg1, %lt3A : i32
    %convert_element_type3A = arith.extui %lt3A_12 : i1 to i32
    %cond3A = arith.constant 0 : i32
    %cond3A_13 = arith.cmpi ne, %convert_element_type3A, %cond3A : i32
    scf.if %cond3A_13 {
      %mul3A_40 = arith.constant 632 : i32
      %mul3A_41 = arith.muli %arg1, %mul3A_40 : i32
      %mul3A_42 = arith.constant 632 : i32
      %mul3A_43 = arith.muli %arg1, %mul3A_42 : i32
      %dma_start3A_44 = arith.constant 0 : i32
      %dma_start3A_45 = tpu.memref_slice %arg11[%mul3A_43, %dma_start3A_44] : memref<10008x32xf32, #tpu.memory_space<vmem_shared>> -> memref<632x32xf32, #tpu.memory_space<vmem_shared>>
      %dma_start3A_46 = arith.constant 0 : i32
      %dma_start3A_47 = tpu.memref_slice %arg5[%mul3A_41, %dma_start3A_46] : memref<10008x32xf32, #tpu.memory_space<hbm>> -> memref<632x32xf32, #tpu.memory_space<hbm>>
      tpu.enqueue_dma source(%dma_start3A_47 : memref<632x32xf32, #tpu.memory_space<hbm>>) target(%dma_start3A_45 : memref<632x32xf32, #tpu.memory_space<vmem_shared>>) target_semaphore(%arg12 : memref<!tpu.dma_semaphore, #tpu.memory_space<semaphore_mem>>)
      %mul3A_48 = arith.constant 160 : i32
      %mul3A_49 = arith.muli %arg1, %mul3A_48 : i32
      %mul3A_50 = arith.constant 160 : i32
      %mul3A_51 = arith.muli %arg1, %mul3A_50 : i32
      %add3A_52 = arith.constant 0 : i32
      %add3A_53 = arith.addi %add3A_52, %mul3A_51 : i32
      %dma_start3A_54 = arith.constant 0 : i32
      %dma_start3A_55 = tpu.memref_slice %arg10[%add3A_53, %dma_start3A_54] : memref<10000x32xf32, #tpu.memory_space<vmem_shared>> -> memref<160x32xf32, #tpu.memory_space<vmem_shared>>
      %dma_start3A_56 = arith.constant 0 : i32
      %dma_start3A_57 = tpu.memref_slice %arg2[%mul3A_49, %dma_start3A_56] : memref<2500x128xf32, #tpu.memory_space<hbm>> -> memref<160x32xf32, #tpu.memory_space<hbm>>
      tpu.enqueue_dma source(%dma_start3A_57 : memref<160x32xf32, #tpu.memory_space<hbm>>) target(%dma_start3A_55 : memref<160x32xf32, #tpu.memory_space<vmem_shared>>) target_semaphore(%arg13 : memref<!tpu.dma_semaphore, #tpu.memory_space<semaphore_mem>>)
      %mul3A_58 = arith.constant 160 : i32
      %mul3A_59 = arith.muli %arg1, %mul3A_58 : i32
      %mul3A_60 = arith.constant 160 : i32
      %mul3A_61 = arith.muli %arg1, %mul3A_60 : i32
      %add3A_62 = arith.constant 2500 : i32
      %add3A_63 = arith.addi %add3A_62, %mul3A_61 : i32
      %dma_start3A_64 = arith.constant 0 : i32
      %dma_start3A_65 = tpu.memref_slice %arg10[%add3A_63, %dma_start3A_64] : memref<10000x32xf32, #tpu.memory_space<vmem_shared>> -> memref<160x32xf32, #tpu.memory_space<vmem_shared>>
      %dma_start3A_66 = arith.constant 32 : i32
      %dma_start3A_67 = tpu.memref_slice %arg2[%mul3A_59, %dma_start3A_66] : memref<2500x128xf32, #tpu.memory_space<hbm>> -> memref<160x32xf32, #tpu.memory_space<hbm>>
      tpu.enqueue_dma source(%dma_start3A_67 : memref<160x32xf32, #tpu.memory_space<hbm>>) target(%dma_start3A_65 : memref<160x32xf32, #tpu.memory_space<vmem_shared>>) target_semaphore(%arg13 : memref<!tpu.dma_semaphore, #tpu.memory_space<semaphore_mem>>)
      %mul3A_68 = arith.constant 160 : i32
      %mul3A_69 = arith.muli %arg1, %mul3A_68 : i32
      %mul3A_70 = arith.constant 160 : i32
      %mul3A_71 = arith.muli %arg1, %mul3A_70 : i32
      %add3A_72 = arith.constant 5000 : i32
      %add3A_73 = arith.addi %add3A_72, %mul3A_71 : i32
      %dma_start3A_74 = arith.constant 0 : i32
      %dma_start3A_75 = tpu.memref_slice %arg10[%add3A_73, %dma_start3A_74] : memref<10000x32xf32, #tpu.memory_space<vmem_shared>> -> memref<160x32xf32, #tpu.memory_space<vmem_shared>>
      %dma_start3A_76 = arith.constant 64 : i32
      %dma_start3A_77 = tpu.memref_slice %arg2[%mul3A_69, %dma_start3A_76] : memref<2500x128xf32, #tpu.memory_space<hbm>> -> memref<160x32xf32, #tpu.memory_space<hbm>>
      tpu.enqueue_dma source(%dma_start3A_77 : memref<160x32xf32, #tpu.memory_space<hbm>>) target(%dma_start3A_75 : memref<160x32xf32, #tpu.memory_space<vmem_shared>>) target_semaphore(%arg13 : memref<!tpu.dma_semaphore, #tpu.memory_space<semaphore_mem>>)
      %mul3A_78 = arith.constant 160 : i32
      %mul3A_79 = arith.muli %arg1, %mul3A_78 : i32
      %mul3A_80 = arith.constant 160 : i32
      %mul3A_81 = arith.muli %arg1, %mul3A_80 : i32
      %add3A_82 = arith.constant 7500 : i32
      %add3A_83 = arith.addi %add3A_82, %mul3A_81 : i32
      %dma_start3A_84 = arith.constant 0 : i32
      %dma_start3A_85 = tpu.memref_slice %arg10[%add3A_83, %dma_start3A_84] : memref<10000x32xf32, #tpu.memory_space<vmem_shared>> -> memref<160x32xf32, #tpu.memory_space<vmem_shared>>
      %dma_start3A_86 = arith.constant 96 : i32
      %dma_start3A_87 = tpu.memref_slice %arg2[%mul3A_79, %dma_start3A_86] : memref<2500x128xf32, #tpu.memory_space<hbm>> -> memref<160x32xf32, #tpu.memory_space<hbm>>
      tpu.enqueue_dma source(%dma_start3A_87 : memref<160x32xf32, #tpu.memory_space<hbm>>) target(%dma_start3A_85 : memref<160x32xf32, #tpu.memory_space<vmem_shared>>) target_semaphore(%arg13 : memref<!tpu.dma_semaphore, #tpu.memory_space<semaphore_mem>>)
      %dma_wait3A_88 = arith.constant 0 : i32
      %dma_wait3A_89 = tpu.memref_slice %arg11[%mul3A_43, %dma_wait3A_88] : memref<10008x32xf32, #tpu.memory_space<vmem_shared>> -> memref<632x32xf32, #tpu.memory_space<vmem_shared>>
      %dma_wait3A_90 = arith.constant 0 : i32
      %dma_wait3A_91 = tpu.memref_slice %arg5[%mul3A_41, %dma_wait3A_90] : memref<10008x32xf32, #tpu.memory_space<hbm>> -> memref<632x32xf32, #tpu.memory_space<hbm>>
      tpu.wait_dma2 semaphore(%arg12 : memref<!tpu.dma_semaphore, #tpu.memory_space<semaphore_mem>>) src(%dma_wait3A_91 : memref<632x32xf32, #tpu.memory_space<hbm>>) dst(%dma_wait3A_89 : memref<632x32xf32, #tpu.memory_space<vmem_shared>>)
      %dma_wait3A_92 = arith.constant 0 : i32
      %dma_wait3A_93 = tpu.memref_slice %arg10[%add3A_53, %dma_wait3A_92] : memref<10000x32xf32, #tpu.memory_space<vmem_shared>> -> memref<160x32xf32, #tpu.memory_space<vmem_shared>>
      %dma_wait3A_94 = arith.constant 0 : i32
      %dma_wait3A_95 = tpu.memref_slice %arg2[%mul3A_49, %dma_wait3A_94] : memref<2500x128xf32, #tpu.memory_space<hbm>> -> memref<160x32xf32, #tpu.memory_space<hbm>>
      tpu.wait_dma2 semaphore(%arg13 : memref<!tpu.dma_semaphore, #tpu.memory_space<semaphore_mem>>) src(%dma_wait3A_95 : memref<160x32xf32, #tpu.memory_space<hbm>>) dst(%dma_wait3A_93 : memref<160x32xf32, #tpu.memory_space<vmem_shared>>)
      %dma_wait3A_96 = arith.constant 0 : i32
      %dma_wait3A_97 = tpu.memref_slice %arg10[%add3A_63, %dma_wait3A_96] : memref<10000x32xf32, #tpu.memory_space<vmem_shared>> -> memref<160x32xf32, #tpu.memory_space<vmem_shared>>
      %dma_wait3A_98 = arith.constant 32 : i32
      %dma_wait3A_99 = tpu.memref_slice %arg2[%mul3A_59, %dma_wait3A_98] : memref<2500x128xf32, #tpu.memory_space<hbm>> -> memref<160x32xf32, #tpu.memory_space<hbm>>
      tpu.wait_dma2 semaphore(%arg13 : memref<!tpu.dma_semaphore, #tpu.memory_space<semaphore_mem>>) src(%dma_wait3A_99 : memref<160x32xf32, #tpu.memory_space<hbm>>) dst(%dma_wait3A_97 : memref<160x32xf32, #tpu.memory_space<vmem_shared>>)
      %dma_wait3A_100 = arith.constant 0 : i32
      %dma_wait3A_101 = tpu.memref_slice %arg10[%add3A_73, %dma_wait3A_100] : memref<10000x32xf32, #tpu.memory_space<vmem_shared>> -> memref<160x32xf32, #tpu.memory_space<vmem_shared>>
      %dma_wait3A_102 = arith.constant 64 : i32
      %dma_wait3A_103 = tpu.memref_slice %arg2[%mul3A_69, %dma_wait3A_102] : memref<2500x128xf32, #tpu.memory_space<hbm>> -> memref<160x32xf32, #tpu.memory_space<hbm>>
      tpu.wait_dma2 semaphore(%arg13 : memref<!tpu.dma_semaphore, #tpu.memory_space<semaphore_mem>>) src(%dma_wait3A_103 : memref<160x32xf32, #tpu.memory_space<hbm>>) dst(%dma_wait3A_101 : memref<160x32xf32, #tpu.memory_space<vmem_shared>>)
      %dma_wait3A_104 = arith.constant 0 : i32
      %dma_wait3A_105 = tpu.memref_slice %arg10[%add3A_83, %dma_wait3A_104] : memref<10000x32xf32, #tpu.memory_space<vmem_shared>> -> memref<160x32xf32, #tpu.memory_space<vmem_shared>>
      %dma_wait3A_106 = arith.constant 96 : i32
      %dma_wait3A_107 = tpu.memref_slice %arg2[%mul3A_79, %dma_wait3A_106] : memref<2500x128xf32, #tpu.memory_space<hbm>> -> memref<160x32xf32, #tpu.memory_space<hbm>>
      tpu.wait_dma2 semaphore(%arg13 : memref<!tpu.dma_semaphore, #tpu.memory_space<semaphore_mem>>) src(%dma_wait3A_107 : memref<160x32xf32, #tpu.memory_space<hbm>>) dst(%dma_wait3A_105 : memref<160x32xf32, #tpu.memory_space<vmem_shared>>)
    } else {
    }
    %eq3A = arith.constant 15 : i32
    %eq3A_14 = arith.cmpi eq, %arg1, %eq3A : i32
    %convert_element_type3A_15 = arith.extui %eq3A_14 : i1 to i32
    %cond3A_16 = arith.constant 0 : i32
    %cond3A_17 = arith.cmpi ne, %convert_element_type3A_15, %cond3A_16 : i32
    scf.if %cond3A_17 {
      %dma_start3A_40 = arith.constant 9480 : i32
      %dma_start3A_41 = arith.constant 0 : i32
      %dma_start3A_42 = tpu.memref_slice %arg11[%dma_start3A_40, %dma_start3A_41] : memref<10008x32xf32, #tpu.memory_space<vmem_shared>> -> memref<528x32xf32, #tpu.memory_space<vmem_shared>>
      %dma_start3A_43 = arith.constant 9480 : i32
      %dma_start3A_44 = arith.constant 0 : i32
      %dma_start3A_45 = tpu.memref_slice %arg5[%dma_start3A_43, %dma_start3A_44] : memref<10008x32xf32, #tpu.memory_space<hbm>> -> memref<528x32xf32, #tpu.memory_space<hbm>>
      tpu.enqueue_dma source(%dma_start3A_45 : memref<528x32xf32, #tpu.memory_space<hbm>>) target(%dma_start3A_42 : memref<528x32xf32, #tpu.memory_space<vmem_shared>>) target_semaphore(%arg12 : memref<!tpu.dma_semaphore, #tpu.memory_space<semaphore_mem>>)
      %dma_start3A_46 = arith.constant 2400 : i32
      %dma_start3A_47 = arith.constant 0 : i32
      %dma_start3A_48 = tpu.memref_slice %arg10[%dma_start3A_46, %dma_start3A_47] : memref<10000x32xf32, #tpu.memory_space<vmem_shared>> -> memref<100x32xf32, #tpu.memory_space<vmem_shared>>
      %dma_start3A_49 = arith.constant 2400 : i32
      %dma_start3A_50 = arith.constant 0 : i32
      %dma_start3A_51 = tpu.memref_slice %arg2[%dma_start3A_49, %dma_start3A_50] : memref<2500x128xf32, #tpu.memory_space<hbm>> -> memref<100x32xf32, #tpu.memory_space<hbm>>
      tpu.enqueue_dma source(%dma_start3A_51 : memref<100x32xf32, #tpu.memory_space<hbm>>) target(%dma_start3A_48 : memref<100x32xf32, #tpu.memory_space<vmem_shared>>) target_semaphore(%arg13 : memref<!tpu.dma_semaphore, #tpu.memory_space<semaphore_mem>>)
      %dma_start3A_52 = arith.constant 4900 : i32
      %dma_start3A_53 = arith.constant 0 : i32
      %dma_start3A_54 = tpu.memref_slice %arg10[%dma_start3A_52, %dma_start3A_53] : memref<10000x32xf32, #tpu.memory_space<vmem_shared>> -> memref<100x32xf32, #tpu.memory_space<vmem_shared>>
      %dma_start3A_55 = arith.constant 2400 : i32
      %dma_start3A_56 = arith.constant 32 : i32
      %dma_start3A_57 = tpu.memref_slice %arg2[%dma_start3A_55, %dma_start3A_56] : memref<2500x128xf32, #tpu.memory_space<hbm>> -> memref<100x32xf32, #tpu.memory_space<hbm>>
      tpu.enqueue_dma source(%dma_start3A_57 : memref<100x32xf32, #tpu.memory_space<hbm>>) target(%dma_start3A_54 : memref<100x32xf32, #tpu.memory_space<vmem_shared>>) target_semaphore(%arg13 : memref<!tpu.dma_semaphore, #tpu.memory_space<semaphore_mem>>)
      %dma_start3A_58 = arith.constant 7400 : i32
      %dma_start3A_59 = arith.constant 0 : i32
      %dma_start3A_60 = tpu.memref_slice %arg10[%dma_start3A_58, %dma_start3A_59] : memref<10000x32xf32, #tpu.memory_space<vmem_shared>> -> memref<100x32xf32, #tpu.memory_space<vmem_shared>>
      %dma_start3A_61 = arith.constant 2400 : i32
      %dma_start3A_62 = arith.constant 64 : i32
      %dma_start3A_63 = tpu.memref_slice %arg2[%dma_start3A_61, %dma_start3A_62] : memref<2500x128xf32, #tpu.memory_space<hbm>> -> memref<100x32xf32, #tpu.memory_space<hbm>>
      tpu.enqueue_dma source(%dma_start3A_63 : memref<100x32xf32, #tpu.memory_space<hbm>>) target(%dma_start3A_60 : memref<100x32xf32, #tpu.memory_space<vmem_shared>>) target_semaphore(%arg13 : memref<!tpu.dma_semaphore, #tpu.memory_space<semaphore_mem>>)
      %dma_start3A_64 = arith.constant 9900 : i32
      %dma_start3A_65 = arith.constant 0 : i32
      %dma_start3A_66 = tpu.memref_slice %arg10[%dma_start3A_64, %dma_start3A_65] : memref<10000x32xf32, #tpu.memory_space<vmem_shared>> -> memref<100x32xf32, #tpu.memory_space<vmem_shared>>
      %dma_start3A_67 = arith.constant 2400 : i32
      %dma_start3A_68 = arith.constant 96 : i32
      %dma_start3A_69 = tpu.memref_slice %arg2[%dma_start3A_67, %dma_start3A_68] : memref<2500x128xf32, #tpu.memory_space<hbm>> -> memref<100x32xf32, #tpu.memory_space<hbm>>
      tpu.enqueue_dma source(%dma_start3A_69 : memref<100x32xf32, #tpu.memory_space<hbm>>) target(%dma_start3A_66 : memref<100x32xf32, #tpu.memory_space<vmem_shared>>) target_semaphore(%arg13 : memref<!tpu.dma_semaphore, #tpu.memory_space<semaphore_mem>>)
      %dma_wait3A_70 = arith.constant 9480 : i32
      %dma_wait3A_71 = arith.constant 0 : i32
      %dma_wait3A_72 = tpu.memref_slice %arg11[%dma_wait3A_70, %dma_wait3A_71] : memref<10008x32xf32, #tpu.memory_space<vmem_shared>> -> memref<528x32xf32, #tpu.memory_space<vmem_shared>>
      %dma_wait3A_73 = arith.constant 9480 : i32
      %dma_wait3A_74 = arith.constant 0 : i32
      %dma_wait3A_75 = tpu.memref_slice %arg5[%dma_wait3A_73, %dma_wait3A_74] : memref<10008x32xf32, #tpu.memory_space<hbm>> -> memref<528x32xf32, #tpu.memory_space<hbm>>
      tpu.wait_dma2 semaphore(%arg12 : memref<!tpu.dma_semaphore, #tpu.memory_space<semaphore_mem>>) src(%dma_wait3A_75 : memref<528x32xf32, #tpu.memory_space<hbm>>) dst(%dma_wait3A_72 : memref<528x32xf32, #tpu.memory_space<vmem_shared>>)
      %dma_wait3A_76 = arith.constant 2400 : i32
      %dma_wait3A_77 = arith.constant 0 : i32
      %dma_wait3A_78 = tpu.memref_slice %arg10[%dma_wait3A_76, %dma_wait3A_77] : memref<10000x32xf32, #tpu.memory_space<vmem_shared>> -> memref<100x32xf32, #tpu.memory_space<vmem_shared>>
      %dma_wait3A_79 = arith.constant 2400 : i32
      %dma_wait3A_80 = arith.constant 0 : i32
      %dma_wait3A_81 = tpu.memref_slice %arg2[%dma_wait3A_79, %dma_wait3A_80] : memref<2500x128xf32, #tpu.memory_space<hbm>> -> memref<100x32xf32, #tpu.memory_space<hbm>>
      tpu.wait_dma2 semaphore(%arg13 : memref<!tpu.dma_semaphore, #tpu.memory_space<semaphore_mem>>) src(%dma_wait3A_81 : memref<100x32xf32, #tpu.memory_space<hbm>>) dst(%dma_wait3A_78 : memref<100x32xf32, #tpu.memory_space<vmem_shared>>)
      %dma_wait3A_82 = arith.constant 4900 : i32
      %dma_wait3A_83 = arith.constant 0 : i32
      %dma_wait3A_84 = tpu.memref_slice %arg10[%dma_wait3A_82, %dma_wait3A_83] : memref<10000x32xf32, #tpu.memory_space<vmem_shared>> -> memref<100x32xf32, #tpu.memory_space<vmem_shared>>
      %dma_wait3A_85 = arith.constant 2400 : i32
      %dma_wait3A_86 = arith.constant 32 : i32
      %dma_wait3A_87 = tpu.memref_slice %arg2[%dma_wait3A_85, %dma_wait3A_86] : memref<2500x128xf32, #tpu.memory_space<hbm>> -> memref<100x32xf32, #tpu.memory_space<hbm>>
      tpu.wait_dma2 semaphore(%arg13 : memref<!tpu.dma_semaphore, #tpu.memory_space<semaphore_mem>>) src(%dma_wait3A_87 : memref<100x32xf32, #tpu.memory_space<hbm>>) dst(%dma_wait3A_84 : memref<100x32xf32, #tpu.memory_space<vmem_shared>>)
      %dma_wait3A_88 = arith.constant 7400 : i32
      %dma_wait3A_89 = arith.constant 0 : i32
      %dma_wait3A_90 = tpu.memref_slice %arg10[%dma_wait3A_88, %dma_wait3A_89] : memref<10000x32xf32, #tpu.memory_space<vmem_shared>> -> memref<100x32xf32, #tpu.memory_space<vmem_shared>>
      %dma_wait3A_91 = arith.constant 2400 : i32
      %dma_wait3A_92 = arith.constant 64 : i32
      %dma_wait3A_93 = tpu.memref_slice %arg2[%dma_wait3A_91, %dma_wait3A_92] : memref<2500x128xf32, #tpu.memory_space<hbm>> -> memref<100x32xf32, #tpu.memory_space<hbm>>
      tpu.wait_dma2 semaphore(%arg13 : memref<!tpu.dma_semaphore, #tpu.memory_space<semaphore_mem>>) src(%dma_wait3A_93 : memref<100x32xf32, #tpu.memory_space<hbm>>) dst(%dma_wait3A_90 : memref<100x32xf32, #tpu.memory_space<vmem_shared>>)
      %dma_wait3A_94 = arith.constant 9900 : i32
      %dma_wait3A_95 = arith.constant 0 : i32
      %dma_wait3A_96 = tpu.memref_slice %arg10[%dma_wait3A_94, %dma_wait3A_95] : memref<10000x32xf32, #tpu.memory_space<vmem_shared>> -> memref<100x32xf32, #tpu.memory_space<vmem_shared>>
      %dma_wait3A_97 = arith.constant 2400 : i32
      %dma_wait3A_98 = arith.constant 96 : i32
      %dma_wait3A_99 = tpu.memref_slice %arg2[%dma_wait3A_97, %dma_wait3A_98] : memref<2500x128xf32, #tpu.memory_space<hbm>> -> memref<100x32xf32, #tpu.memory_space<hbm>>
      tpu.wait_dma2 semaphore(%arg13 : memref<!tpu.dma_semaphore, #tpu.memory_space<semaphore_mem>>) src(%dma_wait3A_99 : memref<100x32xf32, #tpu.memory_space<hbm>>) dst(%dma_wait3A_96 : memref<100x32xf32, #tpu.memory_space<vmem_shared>>)
    } else {
    }
    %dma_wait3A = arith.constant 0 : i32
    %dma_wait3A_18 = tpu.memref_slice %arg3[%mul3A_2, %dma_wait3A] : memref<2560x128xi32, #tpu.memory_space<hbm>> -> memref<80x128xi32, #tpu.memory_space<hbm>>
    %dma_wait3A_19 = arith.constant 0 : i32
    %dma_wait3A_20 = tpu.memref_slice %arg3[%mul3A_2, %dma_wait3A_19] : memref<2560x128xi32, #tpu.memory_space<hbm>> -> memref<80x128xi32, #tpu.memory_space<hbm>>
    tpu.wait_dma2 semaphore(%arg14 : memref<!tpu.dma_semaphore, #tpu.memory_space<semaphore_mem>>) src(%dma_wait3A_20 : memref<80x128xi32, #tpu.memory_space<hbm>>) dst(%arg7 : memref<80x128xi32, #tpu.memory_space<vmem>>)
    %dma_wait3A_21 = arith.constant 0 : i32
    %dma_wait3A_22 = tpu.memref_slice %arg4[%mul3A_7, %dma_wait3A_21] : memref<2560x128xi32, #tpu.memory_space<hbm>> -> memref<80x128xi32, #tpu.memory_space<hbm>>
    %dma_wait3A_23 = arith.constant 0 : i32
    %dma_wait3A_24 = tpu.memref_slice %arg4[%mul3A_7, %dma_wait3A_23] : memref<2560x128xi32, #tpu.memory_space<hbm>> -> memref<80x128xi32, #tpu.memory_space<hbm>>
    tpu.wait_dma2 semaphore(%arg15 : memref<!tpu.dma_semaphore, #tpu.memory_space<semaphore_mem>>) src(%dma_wait3A_24 : memref<80x128xi32, #tpu.memory_space<hbm>>) dst(%arg8 : memref<80x128xi32, #tpu.memory_space<vmem>>)
    %barrier3A = arith.constant 0 : index
    tpu.barrier barrier_id(%barrier3A)
    %scan3A = arith.constant 0 : i32
    %scan3A_25 = arith.constant 10 : i32
    %scan3A_26 = arith.addi %scan3A, %scan3A_25 : i32
    %scan3A_27 = arith.constant 1 : i32
    scf.for %scan3A_40 = %scan3A to %scan3A_26 step %scan3A_27  : i32 {
      %mul3A_41 = arith.constant 1 : i32
      %mul3A_42 = arith.muli %scan3A_40, %mul3A_41 : i32
      %add3A_43 = arith.constant 0 : i32
      %add3A_44 = arith.addi %add3A_43, %mul3A_42 : i32
      %mul3A_45 = arith.constant 8 : i32
      %mul3A_46 = arith.muli %add3A_44, %mul3A_45 : i32
      %add3A_47 = arith.constant 0 : i32
      %add3A_48 = arith.addi %mul3A_46, %add3A_47 : i32
      %dma_start3A_49 = arith.constant 0 : i32
      %dma_start3A_50 = arith.constant 0 : i32
      %dma_start3A_51 = arith.constant 0 : i32
      %dma_start3A_52 = tpu.memref_slice %arg9[%dma_start3A_49, %dma_start3A_50, %dma_start3A_51] : memref<8x128x32xf32, #tpu.memory_space<vmem>> -> memref<1x128x32xf32, #tpu.memory_space<vmem>>
      %dma_start3A_53 = tpu.memref_squeeze %dma_start3A_52 : memref<1x128x32xf32, #tpu.memory_space<vmem>> -> memref<128x32xf32, #tpu.memory_space<vmem>>
      %dma_start3A_54 = arith.constant 0 : i32
      %dma_start3A_55 = tpu.memref_slice %arg7[%add3A_48, %dma_start3A_54] : memref<80x128xi32, #tpu.memory_space<vmem>> -> memref<1x128xi32, #tpu.memory_space<vmem>>
      %dma_start3A_56 = tpu.memref_squeeze %dma_start3A_55 : memref<1x128xi32, #tpu.memory_space<vmem>> -> memref<128xi32, #tpu.memory_space<vmem>>
      %dma_start3A_57 = arith.constant 0 : i32
      %dma_start3A_58 = arith.constant 0 : i32
      %dma_start3A_59 = tpu.memref_slice %arg10[%dma_start3A_57, %dma_start3A_58] : memref<10000x32xf32, #tpu.memory_space<vmem_shared>> -> memref<10000x32xf32, #tpu.memory_space<vmem_shared>>
      tpu.enqueue_indirect_dma source(%dma_start3A_59 : memref<10000x32xf32, #tpu.memory_space<vmem_shared>>) target(%dma_start3A_53 : memref<128x32xf32, #tpu.memory_space<vmem>>) offsets(%dma_start3A_56 : memref<128xi32, #tpu.memory_space<vmem>>) semaphore(%arg12 : memref<!tpu.dma_semaphore, #tpu.memory_space<semaphore_mem>>)
      %add3A_60 = arith.constant 1 : i32
      %add3A_61 = arith.addi %mul3A_46, %add3A_60 : i32
      %dma_start3A_62 = arith.constant 1 : i32
      %dma_start3A_63 = arith.constant 0 : i32
      %dma_start3A_64 = arith.constant 0 : i32
      %dma_start3A_65 = tpu.memref_slice %arg9[%dma_start3A_62, %dma_start3A_63, %dma_start3A_64] : memref<8x128x32xf32, #tpu.memory_space<vmem>> -> memref<1x128x32xf32, #tpu.memory_space<vmem>>
      %dma_start3A_66 = tpu.memref_squeeze %dma_start3A_65 : memref<1x128x32xf32, #tpu.memory_space<vmem>> -> memref<128x32xf32, #tpu.memory_space<vmem>>
      %dma_start3A_67 = arith.constant 0 : i32
      %dma_start3A_68 = tpu.memref_slice %arg7[%add3A_61, %dma_start3A_67] : memref<80x128xi32, #tpu.memory_space<vmem>> -> memref<1x128xi32, #tpu.memory_space<vmem>>
      %dma_start3A_69 = tpu.memref_squeeze %dma_start3A_68 : memref<1x128xi32, #tpu.memory_space<vmem>> -> memref<128xi32, #tpu.memory_space<vmem>>
      %dma_start3A_70 = arith.constant 0 : i32
      %dma_start3A_71 = arith.constant 0 : i32
      %dma_start3A_72 = tpu.memref_slice %arg10[%dma_start3A_70, %dma_start3A_71] : memref<10000x32xf32, #tpu.memory_space<vmem_shared>> -> memref<10000x32xf32, #tpu.memory_space<vmem_shared>>
      tpu.enqueue_indirect_dma source(%dma_start3A_72 : memref<10000x32xf32, #tpu.memory_space<vmem_shared>>) target(%dma_start3A_66 : memref<128x32xf32, #tpu.memory_space<vmem>>) offsets(%dma_start3A_69 : memref<128xi32, #tpu.memory_space<vmem>>) semaphore(%arg12 : memref<!tpu.dma_semaphore, #tpu.memory_space<semaphore_mem>>)
      %add3A_73 = arith.constant 2 : i32
      %add3A_74 = arith.addi %mul3A_46, %add3A_73 : i32
      %dma_start3A_75 = arith.constant 2 : i32
      %dma_start3A_76 = arith.constant 0 : i32
      %dma_start3A_77 = arith.constant 0 : i32
      %dma_start3A_78 = tpu.memref_slice %arg9[%dma_start3A_75, %dma_start3A_76, %dma_start3A_77] : memref<8x128x32xf32, #tpu.memory_space<vmem>> -> memref<1x128x32xf32, #tpu.memory_space<vmem>>
      %dma_start3A_79 = tpu.memref_squeeze %dma_start3A_78 : memref<1x128x32xf32, #tpu.memory_space<vmem>> -> memref<128x32xf32, #tpu.memory_space<vmem>>
      %dma_start3A_80 = arith.constant 0 : i32
      %dma_start3A_81 = tpu.memref_slice %arg7[%add3A_74, %dma_start3A_80] : memref<80x128xi32, #tpu.memory_space<vmem>> -> memref<1x128xi32, #tpu.memory_space<vmem>>
      %dma_start3A_82 = tpu.memref_squeeze %dma_start3A_81 : memref<1x128xi32, #tpu.memory_space<vmem>> -> memref<128xi32, #tpu.memory_space<vmem>>
      %dma_start3A_83 = arith.constant 0 : i32
      %dma_start3A_84 = arith.constant 0 : i32
      %dma_start3A_85 = tpu.memref_slice %arg10[%dma_start3A_83, %dma_start3A_84] : memref<10000x32xf32, #tpu.memory_space<vmem_shared>> -> memref<10000x32xf32, #tpu.memory_space<vmem_shared>>
      tpu.enqueue_indirect_dma source(%dma_start3A_85 : memref<10000x32xf32, #tpu.memory_space<vmem_shared>>) target(%dma_start3A_79 : memref<128x32xf32, #tpu.memory_space<vmem>>) offsets(%dma_start3A_82 : memref<128xi32, #tpu.memory_space<vmem>>) semaphore(%arg12 : memref<!tpu.dma_semaphore, #tpu.memory_space<semaphore_mem>>)
      %add3A_86 = arith.constant 3 : i32
      %add3A_87 = arith.addi %mul3A_46, %add3A_86 : i32
      %dma_start3A_88 = arith.constant 3 : i32
      %dma_start3A_89 = arith.constant 0 : i32
      %dma_start3A_90 = arith.constant 0 : i32
      %dma_start3A_91 = tpu.memref_slice %arg9[%dma_start3A_88, %dma_start3A_89, %dma_start3A_90] : memref<8x128x32xf32, #tpu.memory_space<vmem>> -> memref<1x128x32xf32, #tpu.memory_space<vmem>>
      %dma_start3A_92 = tpu.memref_squeeze %dma_start3A_91 : memref<1x128x32xf32, #tpu.memory_space<vmem>> -> memref<128x32xf32, #tpu.memory_space<vmem>>
      %dma_start3A_93 = arith.constant 0 : i32
      %dma_start3A_94 = tpu.memref_slice %arg7[%add3A_87, %dma_start3A_93] : memref<80x128xi32, #tpu.memory_space<vmem>> -> memref<1x128xi32, #tpu.memory_space<vmem>>
      %dma_start3A_95 = tpu.memref_squeeze %dma_start3A_94 : memref<1x128xi32, #tpu.memory_space<vmem>> -> memref<128xi32, #tpu.memory_space<vmem>>
      %dma_start3A_96 = arith.constant 0 : i32
      %dma_start3A_97 = arith.constant 0 : i32
      %dma_start3A_98 = tpu.memref_slice %arg10[%dma_start3A_96, %dma_start3A_97] : memref<10000x32xf32, #tpu.memory_space<vmem_shared>> -> memref<10000x32xf32, #tpu.memory_space<vmem_shared>>
      tpu.enqueue_indirect_dma source(%dma_start3A_98 : memref<10000x32xf32, #tpu.memory_space<vmem_shared>>) target(%dma_start3A_92 : memref<128x32xf32, #tpu.memory_space<vmem>>) offsets(%dma_start3A_95 : memref<128xi32, #tpu.memory_space<vmem>>) semaphore(%arg12 : memref<!tpu.dma_semaphore, #tpu.memory_space<semaphore_mem>>)
      %add3A_99 = arith.constant 4 : i32
      %add3A_100 = arith.addi %mul3A_46, %add3A_99 : i32
      %add3A_101 = arith.constant 0 : i32
      %add3A_102 = arith.addi %add3A_100, %add3A_101 : i32
      %dma_start3A_103 = arith.constant 4 : i32
      %dma_start3A_104 = arith.constant 0 : i32
      %dma_start3A_105 = arith.constant 0 : i32
      %dma_start3A_106 = tpu.memref_slice %arg9[%dma_start3A_103, %dma_start3A_104, %dma_start3A_105] : memref<8x128x32xf32, #tpu.memory_space<vmem>> -> memref<1x128x32xf32, #tpu.memory_space<vmem>>
      %dma_start3A_107 = tpu.memref_squeeze %dma_start3A_106 : memref<1x128x32xf32, #tpu.memory_space<vmem>> -> memref<128x32xf32, #tpu.memory_space<vmem>>
      %dma_start3A_108 = arith.constant 0 : i32
      %dma_start3A_109 = tpu.memref_slice %arg7[%add3A_102, %dma_start3A_108] : memref<80x128xi32, #tpu.memory_space<vmem>> -> memref<1x128xi32, #tpu.memory_space<vmem>>
      %dma_start3A_110 = tpu.memref_squeeze %dma_start3A_109 : memref<1x128xi32, #tpu.memory_space<vmem>> -> memref<128xi32, #tpu.memory_space<vmem>>
      %dma_start3A_111 = arith.constant 0 : i32
      %dma_start3A_112 = arith.constant 0 : i32
      %dma_start3A_113 = tpu.memref_slice %arg10[%dma_start3A_111, %dma_start3A_112] : memref<10000x32xf32, #tpu.memory_space<vmem_shared>> -> memref<10000x32xf32, #tpu.memory_space<vmem_shared>>
      tpu.enqueue_indirect_dma source(%dma_start3A_113 : memref<10000x32xf32, #tpu.memory_space<vmem_shared>>) target(%dma_start3A_107 : memref<128x32xf32, #tpu.memory_space<vmem>>) offsets(%dma_start3A_110 : memref<128xi32, #tpu.memory_space<vmem>>) semaphore(%arg13 : memref<!tpu.dma_semaphore, #tpu.memory_space<semaphore_mem>>)
      %add3A_114 = arith.constant 4 : i32
      %add3A_115 = arith.addi %mul3A_46, %add3A_114 : i32
      %add3A_116 = arith.constant 1 : i32
      %add3A_117 = arith.addi %add3A_115, %add3A_116 : i32
      %dma_start3A_118 = arith.constant 5 : i32
      %dma_start3A_119 = arith.constant 0 : i32
      %dma_start3A_120 = arith.constant 0 : i32
      %dma_start3A_121 = tpu.memref_slice %arg9[%dma_start3A_118, %dma_start3A_119, %dma_start3A_120] : memref<8x128x32xf32, #tpu.memory_space<vmem>> -> memref<1x128x32xf32, #tpu.memory_space<vmem>>
      %dma_start3A_122 = tpu.memref_squeeze %dma_start3A_121 : memref<1x128x32xf32, #tpu.memory_space<vmem>> -> memref<128x32xf32, #tpu.memory_space<vmem>>
      %dma_start3A_123 = arith.constant 0 : i32
      %dma_start3A_124 = tpu.memref_slice %arg7[%add3A_117, %dma_start3A_123] : memref<80x128xi32, #tpu.memory_space<vmem>> -> memref<1x128xi32, #tpu.memory_space<vmem>>
      %dma_start3A_125 = tpu.memref_squeeze %dma_start3A_124 : memref<1x128xi32, #tpu.memory_space<vmem>> -> memref<128xi32, #tpu.memory_space<vmem>>
      %dma_start3A_126 = arith.constant 0 : i32
      %dma_start3A_127 = arith.constant 0 : i32
      %dma_start3A_128 = tpu.memref_slice %arg10[%dma_start3A_126, %dma_start3A_127] : memref<10000x32xf32, #tpu.memory_space<vmem_shared>> -> memref<10000x32xf32, #tpu.memory_space<vmem_shared>>
      tpu.enqueue_indirect_dma source(%dma_start3A_128 : memref<10000x32xf32, #tpu.memory_space<vmem_shared>>) target(%dma_start3A_122 : memref<128x32xf32, #tpu.memory_space<vmem>>) offsets(%dma_start3A_125 : memref<128xi32, #tpu.memory_space<vmem>>) semaphore(%arg13 : memref<!tpu.dma_semaphore, #tpu.memory_space<semaphore_mem>>)
      %add3A_129 = arith.constant 4 : i32
      %add3A_130 = arith.addi %mul3A_46, %add3A_129 : i32
      %add3A_131 = arith.constant 2 : i32
      %add3A_132 = arith.addi %add3A_130, %add3A_131 : i32
      %dma_start3A_133 = arith.constant 6 : i32
      %dma_start3A_134 = arith.constant 0 : i32
      %dma_start3A_135 = arith.constant 0 : i32
      %dma_start3A_136 = tpu.memref_slice %arg9[%dma_start3A_133, %dma_start3A_134, %dma_start3A_135] : memref<8x128x32xf32, #tpu.memory_space<vmem>> -> memref<1x128x32xf32, #tpu.memory_space<vmem>>
      %dma_start3A_137 = tpu.memref_squeeze %dma_start3A_136 : memref<1x128x32xf32, #tpu.memory_space<vmem>> -> memref<128x32xf32, #tpu.memory_space<vmem>>
      %dma_start3A_138 = arith.constant 0 : i32
      %dma_start3A_139 = tpu.memref_slice %arg7[%add3A_132, %dma_start3A_138] : memref<80x128xi32, #tpu.memory_space<vmem>> -> memref<1x128xi32, #tpu.memory_space<vmem>>
      %dma_start3A_140 = tpu.memref_squeeze %dma_start3A_139 : memref<1x128xi32, #tpu.memory_space<vmem>> -> memref<128xi32, #tpu.memory_space<vmem>>
      %dma_start3A_141 = arith.constant 0 : i32
      %dma_start3A_142 = arith.constant 0 : i32
      %dma_start3A_143 = tpu.memref_slice %arg10[%dma_start3A_141, %dma_start3A_142] : memref<10000x32xf32, #tpu.memory_space<vmem_shared>> -> memref<10000x32xf32, #tpu.memory_space<vmem_shared>>
      tpu.enqueue_indirect_dma source(%dma_start3A_143 : memref<10000x32xf32, #tpu.memory_space<vmem_shared>>) target(%dma_start3A_137 : memref<128x32xf32, #tpu.memory_space<vmem>>) offsets(%dma_start3A_140 : memref<128xi32, #tpu.memory_space<vmem>>) semaphore(%arg13 : memref<!tpu.dma_semaphore, #tpu.memory_space<semaphore_mem>>)
      %add3A_144 = arith.constant 4 : i32
      %add3A_145 = arith.addi %mul3A_46, %add3A_144 : i32
      %add3A_146 = arith.constant 3 : i32
      %add3A_147 = arith.addi %add3A_145, %add3A_146 : i32
      %dma_start3A_148 = arith.constant 7 : i32
      %dma_start3A_149 = arith.constant 0 : i32
      %dma_start3A_150 = arith.constant 0 : i32
      %dma_start3A_151 = tpu.memref_slice %arg9[%dma_start3A_148, %dma_start3A_149, %dma_start3A_150] : memref<8x128x32xf32, #tpu.memory_space<vmem>> -> memref<1x128x32xf32, #tpu.memory_space<vmem>>
      %dma_start3A_152 = tpu.memref_squeeze %dma_start3A_151 : memref<1x128x32xf32, #tpu.memory_space<vmem>> -> memref<128x32xf32, #tpu.memory_space<vmem>>
      %dma_start3A_153 = arith.constant 0 : i32
      %dma_start3A_154 = tpu.memref_slice %arg7[%add3A_147, %dma_start3A_153] : memref<80x128xi32, #tpu.memory_space<vmem>> -> memref<1x128xi32, #tpu.memory_space<vmem>>
      %dma_start3A_155 = tpu.memref_squeeze %dma_start3A_154 : memref<1x128xi32, #tpu.memory_space<vmem>> -> memref<128xi32, #tpu.memory_space<vmem>>
      %dma_start3A_156 = arith.constant 0 : i32
      %dma_start3A_157 = arith.constant 0 : i32
      %dma_start3A_158 = tpu.memref_slice %arg10[%dma_start3A_156, %dma_start3A_157] : memref<10000x32xf32, #tpu.memory_space<vmem_shared>> -> memref<10000x32xf32, #tpu.memory_space<vmem_shared>>
      tpu.enqueue_indirect_dma source(%dma_start3A_158 : memref<10000x32xf32, #tpu.memory_space<vmem_shared>>) target(%dma_start3A_152 : memref<128x32xf32, #tpu.memory_space<vmem>>) offsets(%dma_start3A_155 : memref<128xi32, #tpu.memory_space<vmem>>) semaphore(%arg13 : memref<!tpu.dma_semaphore, #tpu.memory_space<semaphore_mem>>)
      %dma_wait3A_159 = arith.constant 0 : i32
      %dma_wait3A_160 = arith.constant 0 : i32
      %dma_wait3A_161 = arith.constant 0 : i32
      %dma_wait3A_162 = tpu.memref_slice %arg9[%dma_wait3A_159, %dma_wait3A_160, %dma_wait3A_161] : memref<8x128x32xf32, #tpu.memory_space<vmem>> -> memref<1x128x32xf32, #tpu.memory_space<vmem>>
      %dma_wait3A_163 = tpu.memref_squeeze %dma_wait3A_162 : memref<1x128x32xf32, #tpu.memory_space<vmem>> -> memref<128x32xf32, #tpu.memory_space<vmem>>
      %dma_wait3A_164 = arith.constant 0 : i32
      %dma_wait3A_165 = tpu.memref_slice %arg7[%add3A_48, %dma_wait3A_164] : memref<80x128xi32, #tpu.memory_space<vmem>> -> memref<1x128xi32, #tpu.memory_space<vmem>>
      %dma_wait3A_166 = tpu.memref_squeeze %dma_wait3A_165 : memref<1x128xi32, #tpu.memory_space<vmem>> -> memref<128xi32, #tpu.memory_space<vmem>>
      %dma_wait3A_167 = arith.constant 0 : i32
      %dma_wait3A_168 = arith.constant 0 : i32
      %dma_wait3A_169 = tpu.memref_slice %arg10[%dma_wait3A_167, %dma_wait3A_168] : memref<10000x32xf32, #tpu.memory_space<vmem_shared>> -> memref<10000x32xf32, #tpu.memory_space<vmem_shared>>
      tpu.wait_indirect_dma semaphore(%arg12 : memref<!tpu.dma_semaphore, #tpu.memory_space<semaphore_mem>>) src(%dma_wait3A_169 : memref<10000x32xf32, #tpu.memory_space<vmem_shared>>) dst(%dma_wait3A_163 : memref<128x32xf32, #tpu.memory_space<vmem>>)
      %dma_wait3A_170 = arith.constant 1 : i32
      %dma_wait3A_171 = arith.constant 0 : i32
      %dma_wait3A_172 = arith.constant 0 : i32
      %dma_wait3A_173 = tpu.memref_slice %arg9[%dma_wait3A_170, %dma_wait3A_171, %dma_wait3A_172] : memref<8x128x32xf32, #tpu.memory_space<vmem>> -> memref<1x128x32xf32, #tpu.memory_space<vmem>>
      %dma_wait3A_174 = tpu.memref_squeeze %dma_wait3A_173 : memref<1x128x32xf32, #tpu.memory_space<vmem>> -> memref<128x32xf32, #tpu.memory_space<vmem>>
      %dma_wait3A_175 = arith.constant 0 : i32
      %dma_wait3A_176 = tpu.memref_slice %arg7[%add3A_61, %dma_wait3A_175] : memref<80x128xi32, #tpu.memory_space<vmem>> -> memref<1x128xi32, #tpu.memory_space<vmem>>
      %dma_wait3A_177 = tpu.memref_squeeze %dma_wait3A_176 : memref<1x128xi32, #tpu.memory_space<vmem>> -> memref<128xi32, #tpu.memory_space<vmem>>
      %dma_wait3A_178 = arith.constant 0 : i32
      %dma_wait3A_179 = arith.constant 0 : i32
      %dma_wait3A_180 = tpu.memref_slice %arg10[%dma_wait3A_178, %dma_wait3A_179] : memref<10000x32xf32, #tpu.memory_space<vmem_shared>> -> memref<10000x32xf32, #tpu.memory_space<vmem_shared>>
      tpu.wait_indirect_dma semaphore(%arg12 : memref<!tpu.dma_semaphore, #tpu.memory_space<semaphore_mem>>) src(%dma_wait3A_180 : memref<10000x32xf32, #tpu.memory_space<vmem_shared>>) dst(%dma_wait3A_174 : memref<128x32xf32, #tpu.memory_space<vmem>>)
      %dma_wait3A_181 = arith.constant 2 : i32
      %dma_wait3A_182 = arith.constant 0 : i32
      %dma_wait3A_183 = arith.constant 0 : i32
      %dma_wait3A_184 = tpu.memref_slice %arg9[%dma_wait3A_181, %dma_wait3A_182, %dma_wait3A_183] : memref<8x128x32xf32, #tpu.memory_space<vmem>> -> memref<1x128x32xf32, #tpu.memory_space<vmem>>
      %dma_wait3A_185 = tpu.memref_squeeze %dma_wait3A_184 : memref<1x128x32xf32, #tpu.memory_space<vmem>> -> memref<128x32xf32, #tpu.memory_space<vmem>>
      %dma_wait3A_186 = arith.constant 0 : i32
      %dma_wait3A_187 = tpu.memref_slice %arg7[%add3A_74, %dma_wait3A_186] : memref<80x128xi32, #tpu.memory_space<vmem>> -> memref<1x128xi32, #tpu.memory_space<vmem>>
      %dma_wait3A_188 = tpu.memref_squeeze %dma_wait3A_187 : memref<1x128xi32, #tpu.memory_space<vmem>> -> memref<128xi32, #tpu.memory_space<vmem>>
      %dma_wait3A_189 = arith.constant 0 : i32
      %dma_wait3A_190 = arith.constant 0 : i32
      %dma_wait3A_191 = tpu.memref_slice %arg10[%dma_wait3A_189, %dma_wait3A_190] : memref<10000x32xf32, #tpu.memory_space<vmem_shared>> -> memref<10000x32xf32, #tpu.memory_space<vmem_shared>>
      tpu.wait_indirect_dma semaphore(%arg12 : memref<!tpu.dma_semaphore, #tpu.memory_space<semaphore_mem>>) src(%dma_wait3A_191 : memref<10000x32xf32, #tpu.memory_space<vmem_shared>>) dst(%dma_wait3A_185 : memref<128x32xf32, #tpu.memory_space<vmem>>)
      %dma_wait3A_192 = arith.constant 3 : i32
      %dma_wait3A_193 = arith.constant 0 : i32
      %dma_wait3A_194 = arith.constant 0 : i32
      %dma_wait3A_195 = tpu.memref_slice %arg9[%dma_wait3A_192, %dma_wait3A_193, %dma_wait3A_194] : memref<8x128x32xf32, #tpu.memory_space<vmem>> -> memref<1x128x32xf32, #tpu.memory_space<vmem>>
      %dma_wait3A_196 = tpu.memref_squeeze %dma_wait3A_195 : memref<1x128x32xf32, #tpu.memory_space<vmem>> -> memref<128x32xf32, #tpu.memory_space<vmem>>
      %dma_wait3A_197 = arith.constant 0 : i32
      %dma_wait3A_198 = tpu.memref_slice %arg7[%add3A_87, %dma_wait3A_197] : memref<80x128xi32, #tpu.memory_space<vmem>> -> memref<1x128xi32, #tpu.memory_space<vmem>>
      %dma_wait3A_199 = tpu.memref_squeeze %dma_wait3A_198 : memref<1x128xi32, #tpu.memory_space<vmem>> -> memref<128xi32, #tpu.memory_space<vmem>>
      %dma_wait3A_200 = arith.constant 0 : i32
      %dma_wait3A_201 = arith.constant 0 : i32
      %dma_wait3A_202 = tpu.memref_slice %arg10[%dma_wait3A_200, %dma_wait3A_201] : memref<10000x32xf32, #tpu.memory_space<vmem_shared>> -> memref<10000x32xf32, #tpu.memory_space<vmem_shared>>
      tpu.wait_indirect_dma semaphore(%arg12 : memref<!tpu.dma_semaphore, #tpu.memory_space<semaphore_mem>>) src(%dma_wait3A_202 : memref<10000x32xf32, #tpu.memory_space<vmem_shared>>) dst(%dma_wait3A_196 : memref<128x32xf32, #tpu.memory_space<vmem>>)
      %add3A_203 = arith.constant 0 : i32
      %add3A_204 = arith.addi %mul3A_46, %add3A_203 : i32
      %dma_start3A_205 = arith.constant 0 : i32
      %dma_start3A_206 = arith.constant 0 : i32
      %dma_start3A_207 = arith.constant 0 : i32
      %dma_start3A_208 = tpu.memref_slice %arg9[%dma_start3A_205, %dma_start3A_206, %dma_start3A_207] : memref<8x128x32xf32, #tpu.memory_space<vmem>> -> memref<1x128x32xf32, #tpu.memory_space<vmem>>
      %dma_start3A_209 = tpu.memref_squeeze %dma_start3A_208 : memref<1x128x32xf32, #tpu.memory_space<vmem>> -> memref<128x32xf32, #tpu.memory_space<vmem>>
      %dma_start3A_210 = arith.constant 0 : i32
      %dma_start3A_211 = tpu.memref_slice %arg8[%add3A_204, %dma_start3A_210] : memref<80x128xi32, #tpu.memory_space<vmem>> -> memref<1x128xi32, #tpu.memory_space<vmem>>
      %dma_start3A_212 = tpu.memref_squeeze %dma_start3A_211 : memref<1x128xi32, #tpu.memory_space<vmem>> -> memref<128xi32, #tpu.memory_space<vmem>>
      %dma_start3A_213 = arith.constant 0 : i32
      %dma_start3A_214 = arith.constant 0 : i32
      %dma_start3A_215 = tpu.memref_slice %arg11[%dma_start3A_213, %dma_start3A_214] : memref<10008x32xf32, #tpu.memory_space<vmem_shared>> -> memref<10008x32xf32, #tpu.memory_space<vmem_shared>>
      tpu.enqueue_indirect_dma source(%dma_start3A_209 : memref<128x32xf32, #tpu.memory_space<vmem>>) target(%dma_start3A_215 : memref<10008x32xf32, #tpu.memory_space<vmem_shared>>) offsets(%dma_start3A_212 : memref<128xi32, #tpu.memory_space<vmem>>) semaphore(%arg14 : memref<!tpu.dma_semaphore, #tpu.memory_space<semaphore_mem>>) {add = true}
      %add3A_216 = arith.constant 1 : i32
      %add3A_217 = arith.addi %mul3A_46, %add3A_216 : i32
      %dma_start3A_218 = arith.constant 1 : i32
      %dma_start3A_219 = arith.constant 0 : i32
      %dma_start3A_220 = arith.constant 0 : i32
      %dma_start3A_221 = tpu.memref_slice %arg9[%dma_start3A_218, %dma_start3A_219, %dma_start3A_220] : memref<8x128x32xf32, #tpu.memory_space<vmem>> -> memref<1x128x32xf32, #tpu.memory_space<vmem>>
      %dma_start3A_222 = tpu.memref_squeeze %dma_start3A_221 : memref<1x128x32xf32, #tpu.memory_space<vmem>> -> memref<128x32xf32, #tpu.memory_space<vmem>>
      %dma_start3A_223 = arith.constant 0 : i32
      %dma_start3A_224 = tpu.memref_slice %arg8[%add3A_217, %dma_start3A_223] : memref<80x128xi32, #tpu.memory_space<vmem>> -> memref<1x128xi32, #tpu.memory_space<vmem>>
      %dma_start3A_225 = tpu.memref_squeeze %dma_start3A_224 : memref<1x128xi32, #tpu.memory_space<vmem>> -> memref<128xi32, #tpu.memory_space<vmem>>
      %dma_start3A_226 = arith.constant 0 : i32
      %dma_start3A_227 = arith.constant 0 : i32
      %dma_start3A_228 = tpu.memref_slice %arg11[%dma_start3A_226, %dma_start3A_227] : memref<10008x32xf32, #tpu.memory_space<vmem_shared>> -> memref<10008x32xf32, #tpu.memory_space<vmem_shared>>
      tpu.enqueue_indirect_dma source(%dma_start3A_222 : memref<128x32xf32, #tpu.memory_space<vmem>>) target(%dma_start3A_228 : memref<10008x32xf32, #tpu.memory_space<vmem_shared>>) offsets(%dma_start3A_225 : memref<128xi32, #tpu.memory_space<vmem>>) semaphore(%arg14 : memref<!tpu.dma_semaphore, #tpu.memory_space<semaphore_mem>>) {add = true}
      %add3A_229 = arith.constant 2 : i32
      %add3A_230 = arith.addi %mul3A_46, %add3A_229 : i32
      %dma_start3A_231 = arith.constant 2 : i32
      %dma_start3A_232 = arith.constant 0 : i32
      %dma_start3A_233 = arith.constant 0 : i32
      %dma_start3A_234 = tpu.memref_slice %arg9[%dma_start3A_231, %dma_start3A_232, %dma_start3A_233] : memref<8x128x32xf32, #tpu.memory_space<vmem>> -> memref<1x128x32xf32, #tpu.memory_space<vmem>>
      %dma_start3A_235 = tpu.memref_squeeze %dma_start3A_234 : memref<1x128x32xf32, #tpu.memory_space<vmem>> -> memref<128x32xf32, #tpu.memory_space<vmem>>
      %dma_start3A_236 = arith.constant 0 : i32
      %dma_start3A_237 = tpu.memref_slice %arg8[%add3A_230, %dma_start3A_236] : memref<80x128xi32, #tpu.memory_space<vmem>> -> memref<1x128xi32, #tpu.memory_space<vmem>>
      %dma_start3A_238 = tpu.memref_squeeze %dma_start3A_237 : memref<1x128xi32, #tpu.memory_space<vmem>> -> memref<128xi32, #tpu.memory_space<vmem>>
      %dma_start3A_239 = arith.constant 0 : i32
      %dma_start3A_240 = arith.constant 0 : i32
      %dma_start3A_241 = tpu.memref_slice %arg11[%dma_start3A_239, %dma_start3A_240] : memref<10008x32xf32, #tpu.memory_space<vmem_shared>> -> memref<10008x32xf32, #tpu.memory_space<vmem_shared>>
      tpu.enqueue_indirect_dma source(%dma_start3A_235 : memref<128x32xf32, #tpu.memory_space<vmem>>) target(%dma_start3A_241 : memref<10008x32xf32, #tpu.memory_space<vmem_shared>>) offsets(%dma_start3A_238 : memref<128xi32, #tpu.memory_space<vmem>>) semaphore(%arg14 : memref<!tpu.dma_semaphore, #tpu.memory_space<semaphore_mem>>) {add = true}
      %add3A_242 = arith.constant 3 : i32
      %add3A_243 = arith.addi %mul3A_46, %add3A_242 : i32
      %dma_start3A_244 = arith.constant 3 : i32
      %dma_start3A_245 = arith.constant 0 : i32
      %dma_start3A_246 = arith.constant 0 : i32
      %dma_start3A_247 = tpu.memref_slice %arg9[%dma_start3A_244, %dma_start3A_245, %dma_start3A_246] : memref<8x128x32xf32, #tpu.memory_space<vmem>> -> memref<1x128x32xf32, #tpu.memory_space<vmem>>
      %dma_start3A_248 = tpu.memref_squeeze %dma_start3A_247 : memref<1x128x32xf32, #tpu.memory_space<vmem>> -> memref<128x32xf32, #tpu.memory_space<vmem>>
      %dma_start3A_249 = arith.constant 0 : i32
      %dma_start3A_250 = tpu.memref_slice %arg8[%add3A_243, %dma_start3A_249] : memref<80x128xi32, #tpu.memory_space<vmem>> -> memref<1x128xi32, #tpu.memory_space<vmem>>
      %dma_start3A_251 = tpu.memref_squeeze %dma_start3A_250 : memref<1x128xi32, #tpu.memory_space<vmem>> -> memref<128xi32, #tpu.memory_space<vmem>>
      %dma_start3A_252 = arith.constant 0 : i32
      %dma_start3A_253 = arith.constant 0 : i32
      %dma_start3A_254 = tpu.memref_slice %arg11[%dma_start3A_252, %dma_start3A_253] : memref<10008x32xf32, #tpu.memory_space<vmem_shared>> -> memref<10008x32xf32, #tpu.memory_space<vmem_shared>>
      tpu.enqueue_indirect_dma source(%dma_start3A_248 : memref<128x32xf32, #tpu.memory_space<vmem>>) target(%dma_start3A_254 : memref<10008x32xf32, #tpu.memory_space<vmem_shared>>) offsets(%dma_start3A_251 : memref<128xi32, #tpu.memory_space<vmem>>) semaphore(%arg14 : memref<!tpu.dma_semaphore, #tpu.memory_space<semaphore_mem>>) {add = true}
      %dma_wait3A_255 = arith.constant 4 : i32
      %dma_wait3A_256 = arith.constant 0 : i32
      %dma_wait3A_257 = arith.constant 0 : i32
      %dma_wait3A_258 = tpu.memref_slice %arg9[%dma_wait3A_255, %dma_wait3A_256, %dma_wait3A_257] : memref<8x128x32xf32, #tpu.memory_space<vmem>> -> memref<1x128x32xf32, #tpu.memory_space<vmem>>
      %dma_wait3A_259 = tpu.memref_squeeze %dma_wait3A_258 : memref<1x128x32xf32, #tpu.memory_space<vmem>> -> memref<128x32xf32, #tpu.memory_space<vmem>>
      %dma_wait3A_260 = arith.constant 0 : i32
      %dma_wait3A_261 = tpu.memref_slice %arg7[%add3A_102, %dma_wait3A_260] : memref<80x128xi32, #tpu.memory_space<vmem>> -> memref<1x128xi32, #tpu.memory_space<vmem>>
      %dma_wait3A_262 = tpu.memref_squeeze %dma_wait3A_261 : memref<1x128xi32, #tpu.memory_space<vmem>> -> memref<128xi32, #tpu.memory_space<vmem>>
      %dma_wait3A_263 = arith.constant 0 : i32
      %dma_wait3A_264 = arith.constant 0 : i32
      %dma_wait3A_265 = tpu.memref_slice %arg10[%dma_wait3A_263, %dma_wait3A_264] : memref<10000x32xf32, #tpu.memory_space<vmem_shared>> -> memref<10000x32xf32, #tpu.memory_space<vmem_shared>>
      tpu.wait_indirect_dma semaphore(%arg13 : memref<!tpu.dma_semaphore, #tpu.memory_space<semaphore_mem>>) src(%dma_wait3A_265 : memref<10000x32xf32, #tpu.memory_space<vmem_shared>>) dst(%dma_wait3A_259 : memref<128x32xf32, #tpu.memory_space<vmem>>)
      %dma_wait3A_266 = arith.constant 5 : i32
      %dma_wait3A_267 = arith.constant 0 : i32
      %dma_wait3A_268 = arith.constant 0 : i32
      %dma_wait3A_269 = tpu.memref_slice %arg9[%dma_wait3A_266, %dma_wait3A_267, %dma_wait3A_268] : memref<8x128x32xf32, #tpu.memory_space<vmem>> -> memref<1x128x32xf32, #tpu.memory_space<vmem>>
      %dma_wait3A_270 = tpu.memref_squeeze %dma_wait3A_269 : memref<1x128x32xf32, #tpu.memory_space<vmem>> -> memref<128x32xf32, #tpu.memory_space<vmem>>
      %dma_wait3A_271 = arith.constant 0 : i32
      %dma_wait3A_272 = tpu.memref_slice %arg7[%add3A_117, %dma_wait3A_271] : memref<80x128xi32, #tpu.memory_space<vmem>> -> memref<1x128xi32, #tpu.memory_space<vmem>>
      %dma_wait3A_273 = tpu.memref_squeeze %dma_wait3A_272 : memref<1x128xi32, #tpu.memory_space<vmem>> -> memref<128xi32, #tpu.memory_space<vmem>>
      %dma_wait3A_274 = arith.constant 0 : i32
      %dma_wait3A_275 = arith.constant 0 : i32
      %dma_wait3A_276 = tpu.memref_slice %arg10[%dma_wait3A_274, %dma_wait3A_275] : memref<10000x32xf32, #tpu.memory_space<vmem_shared>> -> memref<10000x32xf32, #tpu.memory_space<vmem_shared>>
      tpu.wait_indirect_dma semaphore(%arg13 : memref<!tpu.dma_semaphore, #tpu.memory_space<semaphore_mem>>) src(%dma_wait3A_276 : memref<10000x32xf32, #tpu.memory_space<vmem_shared>>) dst(%dma_wait3A_270 : memref<128x32xf32, #tpu.memory_space<vmem>>)
      %dma_wait3A_277 = arith.constant 6 : i32
      %dma_wait3A_278 = arith.constant 0 : i32
      %dma_wait3A_279 = arith.constant 0 : i32
      %dma_wait3A_280 = tpu.memref_slice %arg9[%dma_wait3A_277, %dma_wait3A_278, %dma_wait3A_279] : memref<8x128x32xf32, #tpu.memory_space<vmem>> -> memref<1x128x32xf32, #tpu.memory_space<vmem>>
      %dma_wait3A_281 = tpu.memref_squeeze %dma_wait3A_280 : memref<1x128x32xf32, #tpu.memory_space<vmem>> -> memref<128x32xf32, #tpu.memory_space<vmem>>
      %dma_wait3A_282 = arith.constant 0 : i32
      %dma_wait3A_283 = tpu.memref_slice %arg7[%add3A_132, %dma_wait3A_282] : memref<80x128xi32, #tpu.memory_space<vmem>> -> memref<1x128xi32, #tpu.memory_space<vmem>>
      %dma_wait3A_284 = tpu.memref_squeeze %dma_wait3A_283 : memref<1x128xi32, #tpu.memory_space<vmem>> -> memref<128xi32, #tpu.memory_space<vmem>>
      %dma_wait3A_285 = arith.constant 0 : i32
      %dma_wait3A_286 = arith.constant 0 : i32
      %dma_wait3A_287 = tpu.memref_slice %arg10[%dma_wait3A_285, %dma_wait3A_286] : memref<10000x32xf32, #tpu.memory_space<vmem_shared>> -> memref<10000x32xf32, #tpu.memory_space<vmem_shared>>
      tpu.wait_indirect_dma semaphore(%arg13 : memref<!tpu.dma_semaphore, #tpu.memory_space<semaphore_mem>>) src(%dma_wait3A_287 : memref<10000x32xf32, #tpu.memory_space<vmem_shared>>) dst(%dma_wait3A_281 : memref<128x32xf32, #tpu.memory_space<vmem>>)
      %dma_wait3A_288 = arith.constant 7 : i32
      %dma_wait3A_289 = arith.constant 0 : i32
      %dma_wait3A_290 = arith.constant 0 : i32
      %dma_wait3A_291 = tpu.memref_slice %arg9[%dma_wait3A_288, %dma_wait3A_289, %dma_wait3A_290] : memref<8x128x32xf32, #tpu.memory_space<vmem>> -> memref<1x128x32xf32, #tpu.memory_space<vmem>>
      %dma_wait3A_292 = tpu.memref_squeeze %dma_wait3A_291 : memref<1x128x32xf32, #tpu.memory_space<vmem>> -> memref<128x32xf32, #tpu.memory_space<vmem>>
      %dma_wait3A_293 = arith.constant 0 : i32
      %dma_wait3A_294 = tpu.memref_slice %arg7[%add3A_147, %dma_wait3A_293] : memref<80x128xi32, #tpu.memory_space<vmem>> -> memref<1x128xi32, #tpu.memory_space<vmem>>
      %dma_wait3A_295 = tpu.memref_squeeze %dma_wait3A_294 : memref<1x128xi32, #tpu.memory_space<vmem>> -> memref<128xi32, #tpu.memory_space<vmem>>
      %dma_wait3A_296 = arith.constant 0 : i32
      %dma_wait3A_297 = arith.constant 0 : i32
      %dma_wait3A_298 = tpu.memref_slice %arg10[%dma_wait3A_296, %dma_wait3A_297] : memref<10000x32xf32, #tpu.memory_space<vmem_shared>> -> memref<10000x32xf32, #tpu.memory_space<vmem_shared>>
      tpu.wait_indirect_dma semaphore(%arg13 : memref<!tpu.dma_semaphore, #tpu.memory_space<semaphore_mem>>) src(%dma_wait3A_298 : memref<10000x32xf32, #tpu.memory_space<vmem_shared>>) dst(%dma_wait3A_292 : memref<128x32xf32, #tpu.memory_space<vmem>>)
      %add3A_299 = arith.constant 4 : i32
      %add3A_300 = arith.addi %mul3A_46, %add3A_299 : i32
      %add3A_301 = arith.constant 0 : i32
      %add3A_302 = arith.addi %add3A_300, %add3A_301 : i32
      %dma_start3A_303 = arith.constant 4 : i32
      %dma_start3A_304 = arith.constant 0 : i32
      %dma_start3A_305 = arith.constant 0 : i32
      %dma_start3A_306 = tpu.memref_slice %arg9[%dma_start3A_303, %dma_start3A_304, %dma_start3A_305] : memref<8x128x32xf32, #tpu.memory_space<vmem>> -> memref<1x128x32xf32, #tpu.memory_space<vmem>>
      %dma_start3A_307 = tpu.memref_squeeze %dma_start3A_306 : memref<1x128x32xf32, #tpu.memory_space<vmem>> -> memref<128x32xf32, #tpu.memory_space<vmem>>
      %dma_start3A_308 = arith.constant 0 : i32
      %dma_start3A_309 = tpu.memref_slice %arg8[%add3A_302, %dma_start3A_308] : memref<80x128xi32, #tpu.memory_space<vmem>> -> memref<1x128xi32, #tpu.memory_space<vmem>>
      %dma_start3A_310 = tpu.memref_squeeze %dma_start3A_309 : memref<1x128xi32, #tpu.memory_space<vmem>> -> memref<128xi32, #tpu.memory_space<vmem>>
      %dma_start3A_311 = arith.constant 0 : i32
      %dma_start3A_312 = arith.constant 0 : i32
      %dma_start3A_313 = tpu.memref_slice %arg11[%dma_start3A_311, %dma_start3A_312] : memref<10008x32xf32, #tpu.memory_space<vmem_shared>> -> memref<10008x32xf32, #tpu.memory_space<vmem_shared>>
      tpu.enqueue_indirect_dma source(%dma_start3A_307 : memref<128x32xf32, #tpu.memory_space<vmem>>) target(%dma_start3A_313 : memref<10008x32xf32, #tpu.memory_space<vmem_shared>>) offsets(%dma_start3A_310 : memref<128xi32, #tpu.memory_space<vmem>>) semaphore(%arg15 : memref<!tpu.dma_semaphore, #tpu.memory_space<semaphore_mem>>) {add = true}
      %add3A_314 = arith.constant 4 : i32
      %add3A_315 = arith.addi %mul3A_46, %add3A_314 : i32
      %add3A_316 = arith.constant 1 : i32
      %add3A_317 = arith.addi %add3A_315, %add3A_316 : i32
      %dma_start3A_318 = arith.constant 5 : i32
      %dma_start3A_319 = arith.constant 0 : i32
      %dma_start3A_320 = arith.constant 0 : i32
      %dma_start3A_321 = tpu.memref_slice %arg9[%dma_start3A_318, %dma_start3A_319, %dma_start3A_320] : memref<8x128x32xf32, #tpu.memory_space<vmem>> -> memref<1x128x32xf32, #tpu.memory_space<vmem>>
      %dma_start3A_322 = tpu.memref_squeeze %dma_start3A_321 : memref<1x128x32xf32, #tpu.memory_space<vmem>> -> memref<128x32xf32, #tpu.memory_space<vmem>>
      %dma_start3A_323 = arith.constant 0 : i32
      %dma_start3A_324 = tpu.memref_slice %arg8[%add3A_317, %dma_start3A_323] : memref<80x128xi32, #tpu.memory_space<vmem>> -> memref<1x128xi32, #tpu.memory_space<vmem>>
      %dma_start3A_325 = tpu.memref_squeeze %dma_start3A_324 : memref<1x128xi32, #tpu.memory_space<vmem>> -> memref<128xi32, #tpu.memory_space<vmem>>
      %dma_start3A_326 = arith.constant 0 : i32
      %dma_start3A_327 = arith.constant 0 : i32
      %dma_start3A_328 = tpu.memref_slice %arg11[%dma_start3A_326, %dma_start3A_327] : memref<10008x32xf32, #tpu.memory_space<vmem_shared>> -> memref<10008x32xf32, #tpu.memory_space<vmem_shared>>
      tpu.enqueue_indirect_dma source(%dma_start3A_322 : memref<128x32xf32, #tpu.memory_space<vmem>>) target(%dma_start3A_328 : memref<10008x32xf32, #tpu.memory_space<vmem_shared>>) offsets(%dma_start3A_325 : memref<128xi32, #tpu.memory_space<vmem>>) semaphore(%arg15 : memref<!tpu.dma_semaphore, #tpu.memory_space<semaphore_mem>>) {add = true}
      %add3A_329 = arith.constant 4 : i32
      %add3A_330 = arith.addi %mul3A_46, %add3A_329 : i32
      %add3A_331 = arith.constant 2 : i32
      %add3A_332 = arith.addi %add3A_330, %add3A_331 : i32
      %dma_start3A_333 = arith.constant 6 : i32
      %dma_start3A_334 = arith.constant 0 : i32
      %dma_start3A_335 = arith.constant 0 : i32
      %dma_start3A_336 = tpu.memref_slice %arg9[%dma_start3A_333, %dma_start3A_334, %dma_start3A_335] : memref<8x128x32xf32, #tpu.memory_space<vmem>> -> memref<1x128x32xf32, #tpu.memory_space<vmem>>
      %dma_start3A_337 = tpu.memref_squeeze %dma_start3A_336 : memref<1x128x32xf32, #tpu.memory_space<vmem>> -> memref<128x32xf32, #tpu.memory_space<vmem>>
      %dma_start3A_338 = arith.constant 0 : i32
      %dma_start3A_339 = tpu.memref_slice %arg8[%add3A_332, %dma_start3A_338] : memref<80x128xi32, #tpu.memory_space<vmem>> -> memref<1x128xi32, #tpu.memory_space<vmem>>
      %dma_start3A_340 = tpu.memref_squeeze %dma_start3A_339 : memref<1x128xi32, #tpu.memory_space<vmem>> -> memref<128xi32, #tpu.memory_space<vmem>>
      %dma_start3A_341 = arith.constant 0 : i32
      %dma_start3A_342 = arith.constant 0 : i32
      %dma_start3A_343 = tpu.memref_slice %arg11[%dma_start3A_341, %dma_start3A_342] : memref<10008x32xf32, #tpu.memory_space<vmem_shared>> -> memref<10008x32xf32, #tpu.memory_space<vmem_shared>>
      tpu.enqueue_indirect_dma source(%dma_start3A_337 : memref<128x32xf32, #tpu.memory_space<vmem>>) target(%dma_start3A_343 : memref<10008x32xf32, #tpu.memory_space<vmem_shared>>) offsets(%dma_start3A_340 : memref<128xi32, #tpu.memory_space<vmem>>) semaphore(%arg15 : memref<!tpu.dma_semaphore, #tpu.memory_space<semaphore_mem>>) {add = true}
      %add3A_344 = arith.constant 4 : i32
      %add3A_345 = arith.addi %mul3A_46, %add3A_344 : i32
      %add3A_346 = arith.constant 3 : i32
      %add3A_347 = arith.addi %add3A_345, %add3A_346 : i32
      %dma_start3A_348 = arith.constant 7 : i32
      %dma_start3A_349 = arith.constant 0 : i32
      %dma_start3A_350 = arith.constant 0 : i32
      %dma_start3A_351 = tpu.memref_slice %arg9[%dma_start3A_348, %dma_start3A_349, %dma_start3A_350] : memref<8x128x32xf32, #tpu.memory_space<vmem>> -> memref<1x128x32xf32, #tpu.memory_space<vmem>>
      %dma_start3A_352 = tpu.memref_squeeze %dma_start3A_351 : memref<1x128x32xf32, #tpu.memory_space<vmem>> -> memref<128x32xf32, #tpu.memory_space<vmem>>
      %dma_start3A_353 = arith.constant 0 : i32
      %dma_start3A_354 = tpu.memref_slice %arg8[%add3A_347, %dma_start3A_353] : memref<80x128xi32, #tpu.memory_space<vmem>> -> memref<1x128xi32, #tpu.memory_space<vmem>>
      %dma_start3A_355 = tpu.memref_squeeze %dma_start3A_354 : memref<1x128xi32, #tpu.memory_space<vmem>> -> memref<128xi32, #tpu.memory_space<vmem>>
      %dma_start3A_356 = arith.constant 0 : i32
      %dma_start3A_357 = arith.constant 0 : i32
      %dma_start3A_358 = tpu.memref_slice %arg11[%dma_start3A_356, %dma_start3A_357] : memref<10008x32xf32, #tpu.memory_space<vmem_shared>> -> memref<10008x32xf32, #tpu.memory_space<vmem_shared>>
      tpu.enqueue_indirect_dma source(%dma_start3A_352 : memref<128x32xf32, #tpu.memory_space<vmem>>) target(%dma_start3A_358 : memref<10008x32xf32, #tpu.memory_space<vmem_shared>>) offsets(%dma_start3A_355 : memref<128xi32, #tpu.memory_space<vmem>>) semaphore(%arg15 : memref<!tpu.dma_semaphore, #tpu.memory_space<semaphore_mem>>) {add = true}
      %dma_wait3A_359 = arith.constant 0 : i32
      %dma_wait3A_360 = arith.constant 0 : i32
      %dma_wait3A_361 = arith.constant 0 : i32
      %dma_wait3A_362 = tpu.memref_slice %arg9[%dma_wait3A_359, %dma_wait3A_360, %dma_wait3A_361] : memref<8x128x32xf32, #tpu.memory_space<vmem>> -> memref<1x128x32xf32, #tpu.memory_space<vmem>>
      %dma_wait3A_363 = tpu.memref_squeeze %dma_wait3A_362 : memref<1x128x32xf32, #tpu.memory_space<vmem>> -> memref<128x32xf32, #tpu.memory_space<vmem>>
      %dma_wait3A_364 = arith.constant 0 : i32
      %dma_wait3A_365 = tpu.memref_slice %arg8[%add3A_204, %dma_wait3A_364] : memref<80x128xi32, #tpu.memory_space<vmem>> -> memref<1x128xi32, #tpu.memory_space<vmem>>
      %dma_wait3A_366 = tpu.memref_squeeze %dma_wait3A_365 : memref<1x128xi32, #tpu.memory_space<vmem>> -> memref<128xi32, #tpu.memory_space<vmem>>
      %dma_wait3A_367 = arith.constant 0 : i32
      %dma_wait3A_368 = arith.constant 0 : i32
      %dma_wait3A_369 = tpu.memref_slice %arg11[%dma_wait3A_367, %dma_wait3A_368] : memref<10008x32xf32, #tpu.memory_space<vmem_shared>> -> memref<10008x32xf32, #tpu.memory_space<vmem_shared>>
      tpu.wait_indirect_dma semaphore(%arg14 : memref<!tpu.dma_semaphore, #tpu.memory_space<semaphore_mem>>) src(%dma_wait3A_363 : memref<128x32xf32, #tpu.memory_space<vmem>>) dst(%dma_wait3A_369 : memref<10008x32xf32, #tpu.memory_space<vmem_shared>>)
      %dma_wait3A_370 = arith.constant 1 : i32
      %dma_wait3A_371 = arith.constant 0 : i32
      %dma_wait3A_372 = arith.constant 0 : i32
      %dma_wait3A_373 = tpu.memref_slice %arg9[%dma_wait3A_370, %dma_wait3A_371, %dma_wait3A_372] : memref<8x128x32xf32, #tpu.memory_space<vmem>> -> memref<1x128x32xf32, #tpu.memory_space<vmem>>
      %dma_wait3A_374 = tpu.memref_squeeze %dma_wait3A_373 : memref<1x128x32xf32, #tpu.memory_space<vmem>> -> memref<128x32xf32, #tpu.memory_space<vmem>>
      %dma_wait3A_375 = arith.constant 0 : i32
      %dma_wait3A_376 = tpu.memref_slice %arg8[%add3A_217, %dma_wait3A_375] : memref<80x128xi32, #tpu.memory_space<vmem>> -> memref<1x128xi32, #tpu.memory_space<vmem>>
      %dma_wait3A_377 = tpu.memref_squeeze %dma_wait3A_376 : memref<1x128xi32, #tpu.memory_space<vmem>> -> memref<128xi32, #tpu.memory_space<vmem>>
      %dma_wait3A_378 = arith.constant 0 : i32
      %dma_wait3A_379 = arith.constant 0 : i32
      %dma_wait3A_380 = tpu.memref_slice %arg11[%dma_wait3A_378, %dma_wait3A_379] : memref<10008x32xf32, #tpu.memory_space<vmem_shared>> -> memref<10008x32xf32, #tpu.memory_space<vmem_shared>>
      tpu.wait_indirect_dma semaphore(%arg14 : memref<!tpu.dma_semaphore, #tpu.memory_space<semaphore_mem>>) src(%dma_wait3A_374 : memref<128x32xf32, #tpu.memory_space<vmem>>) dst(%dma_wait3A_380 : memref<10008x32xf32, #tpu.memory_space<vmem_shared>>)
      %dma_wait3A_381 = arith.constant 2 : i32
      %dma_wait3A_382 = arith.constant 0 : i32
      %dma_wait3A_383 = arith.constant 0 : i32
      %dma_wait3A_384 = tpu.memref_slice %arg9[%dma_wait3A_381, %dma_wait3A_382, %dma_wait3A_383] : memref<8x128x32xf32, #tpu.memory_space<vmem>> -> memref<1x128x32xf32, #tpu.memory_space<vmem>>
      %dma_wait3A_385 = tpu.memref_squeeze %dma_wait3A_384 : memref<1x128x32xf32, #tpu.memory_space<vmem>> -> memref<128x32xf32, #tpu.memory_space<vmem>>
      %dma_wait3A_386 = arith.constant 0 : i32
      %dma_wait3A_387 = tpu.memref_slice %arg8[%add3A_230, %dma_wait3A_386] : memref<80x128xi32, #tpu.memory_space<vmem>> -> memref<1x128xi32, #tpu.memory_space<vmem>>
      %dma_wait3A_388 = tpu.memref_squeeze %dma_wait3A_387 : memref<1x128xi32, #tpu.memory_space<vmem>> -> memref<128xi32, #tpu.memory_space<vmem>>
      %dma_wait3A_389 = arith.constant 0 : i32
      %dma_wait3A_390 = arith.constant 0 : i32
      %dma_wait3A_391 = tpu.memref_slice %arg11[%dma_wait3A_389, %dma_wait3A_390] : memref<10008x32xf32, #tpu.memory_space<vmem_shared>> -> memref<10008x32xf32, #tpu.memory_space<vmem_shared>>
      tpu.wait_indirect_dma semaphore(%arg14 : memref<!tpu.dma_semaphore, #tpu.memory_space<semaphore_mem>>) src(%dma_wait3A_385 : memref<128x32xf32, #tpu.memory_space<vmem>>) dst(%dma_wait3A_391 : memref<10008x32xf32, #tpu.memory_space<vmem_shared>>)
      %dma_wait3A_392 = arith.constant 3 : i32
      %dma_wait3A_393 = arith.constant 0 : i32
      %dma_wait3A_394 = arith.constant 0 : i32
      %dma_wait3A_395 = tpu.memref_slice %arg9[%dma_wait3A_392, %dma_wait3A_393, %dma_wait3A_394] : memref<8x128x32xf32, #tpu.memory_space<vmem>> -> memref<1x128x32xf32, #tpu.memory_space<vmem>>
      %dma_wait3A_396 = tpu.memref_squeeze %dma_wait3A_395 : memref<1x128x32xf32, #tpu.memory_space<vmem>> -> memref<128x32xf32, #tpu.memory_space<vmem>>
      %dma_wait3A_397 = arith.constant 0 : i32
      %dma_wait3A_398 = tpu.memref_slice %arg8[%add3A_243, %dma_wait3A_397] : memref<80x128xi32, #tpu.memory_space<vmem>> -> memref<1x128xi32, #tpu.memory_space<vmem>>
      %dma_wait3A_399 = tpu.memref_squeeze %dma_wait3A_398 : memref<1x128xi32, #tpu.memory_space<vmem>> -> memref<128xi32, #tpu.memory_space<vmem>>
      %dma_wait3A_400 = arith.constant 0 : i32
      %dma_wait3A_401 = arith.constant 0 : i32
      %dma_wait3A_402 = tpu.memref_slice %arg11[%dma_wait3A_400, %dma_wait3A_401] : memref<10008x32xf32, #tpu.memory_space<vmem_shared>> -> memref<10008x32xf32, #tpu.memory_space<vmem_shared>>
      tpu.wait_indirect_dma semaphore(%arg14 : memref<!tpu.dma_semaphore, #tpu.memory_space<semaphore_mem>>) src(%dma_wait3A_396 : memref<128x32xf32, #tpu.memory_space<vmem>>) dst(%dma_wait3A_402 : memref<10008x32xf32, #tpu.memory_space<vmem_shared>>)
      %dma_wait3A_403 = arith.constant 4 : i32
      %dma_wait3A_404 = arith.constant 0 : i32
      %dma_wait3A_405 = arith.constant 0 : i32
      %dma_wait3A_406 = tpu.memref_slice %arg9[%dma_wait3A_403, %dma_wait3A_404, %dma_wait3A_405] : memref<8x128x32xf32, #tpu.memory_space<vmem>> -> memref<1x128x32xf32, #tpu.memory_space<vmem>>
      %dma_wait3A_407 = tpu.memref_squeeze %dma_wait3A_406 : memref<1x128x32xf32, #tpu.memory_space<vmem>> -> memref<128x32xf32, #tpu.memory_space<vmem>>
      %dma_wait3A_408 = arith.constant 0 : i32
      %dma_wait3A_409 = tpu.memref_slice %arg8[%add3A_302, %dma_wait3A_408] : memref<80x128xi32, #tpu.memory_space<vmem>> -> memref<1x128xi32, #tpu.memory_space<vmem>>
      %dma_wait3A_410 = tpu.memref_squeeze %dma_wait3A_409 : memref<1x128xi32, #tpu.memory_space<vmem>> -> memref<128xi32, #tpu.memory_space<vmem>>
      %dma_wait3A_411 = arith.constant 0 : i32
      %dma_wait3A_412 = arith.constant 0 : i32
      %dma_wait3A_413 = tpu.memref_slice %arg11[%dma_wait3A_411, %dma_wait3A_412] : memref<10008x32xf32, #tpu.memory_space<vmem_shared>> -> memref<10008x32xf32, #tpu.memory_space<vmem_shared>>
      tpu.wait_indirect_dma semaphore(%arg15 : memref<!tpu.dma_semaphore, #tpu.memory_space<semaphore_mem>>) src(%dma_wait3A_407 : memref<128x32xf32, #tpu.memory_space<vmem>>) dst(%dma_wait3A_413 : memref<10008x32xf32, #tpu.memory_space<vmem_shared>>)
      %dma_wait3A_414 = arith.constant 5 : i32
      %dma_wait3A_415 = arith.constant 0 : i32
      %dma_wait3A_416 = arith.constant 0 : i32
      %dma_wait3A_417 = tpu.memref_slice %arg9[%dma_wait3A_414, %dma_wait3A_415, %dma_wait3A_416] : memref<8x128x32xf32, #tpu.memory_space<vmem>> -> memref<1x128x32xf32, #tpu.memory_space<vmem>>
      %dma_wait3A_418 = tpu.memref_squeeze %dma_wait3A_417 : memref<1x128x32xf32, #tpu.memory_space<vmem>> -> memref<128x32xf32, #tpu.memory_space<vmem>>
      %dma_wait3A_419 = arith.constant 0 : i32
      %dma_wait3A_420 = tpu.memref_slice %arg8[%add3A_317, %dma_wait3A_419] : memref<80x128xi32, #tpu.memory_space<vmem>> -> memref<1x128xi32, #tpu.memory_space<vmem>>
      %dma_wait3A_421 = tpu.memref_squeeze %dma_wait3A_420 : memref<1x128xi32, #tpu.memory_space<vmem>> -> memref<128xi32, #tpu.memory_space<vmem>>
      %dma_wait3A_422 = arith.constant 0 : i32
      %dma_wait3A_423 = arith.constant 0 : i32
      %dma_wait3A_424 = tpu.memref_slice %arg11[%dma_wait3A_422, %dma_wait3A_423] : memref<10008x32xf32, #tpu.memory_space<vmem_shared>> -> memref<10008x32xf32, #tpu.memory_space<vmem_shared>>
      tpu.wait_indirect_dma semaphore(%arg15 : memref<!tpu.dma_semaphore, #tpu.memory_space<semaphore_mem>>) src(%dma_wait3A_418 : memref<128x32xf32, #tpu.memory_space<vmem>>) dst(%dma_wait3A_424 : memref<10008x32xf32, #tpu.memory_space<vmem_shared>>)
      %dma_wait3A_425 = arith.constant 6 : i32
      %dma_wait3A_426 = arith.constant 0 : i32
      %dma_wait3A_427 = arith.constant 0 : i32
      %dma_wait3A_428 = tpu.memref_slice %arg9[%dma_wait3A_425, %dma_wait3A_426, %dma_wait3A_427] : memref<8x128x32xf32, #tpu.memory_space<vmem>> -> memref<1x128x32xf32, #tpu.memory_space<vmem>>
      %dma_wait3A_429 = tpu.memref_squeeze %dma_wait3A_428 : memref<1x128x32xf32, #tpu.memory_space<vmem>> -> memref<128x32xf32, #tpu.memory_space<vmem>>
      %dma_wait3A_430 = arith.constant 0 : i32
      %dma_wait3A_431 = tpu.memref_slice %arg8[%add3A_332, %dma_wait3A_430] : memref<80x128xi32, #tpu.memory_space<vmem>> -> memref<1x128xi32, #tpu.memory_space<vmem>>
      %dma_wait3A_432 = tpu.memref_squeeze %dma_wait3A_431 : memref<1x128xi32, #tpu.memory_space<vmem>> -> memref<128xi32, #tpu.memory_space<vmem>>
      %dma_wait3A_433 = arith.constant 0 : i32
      %dma_wait3A_434 = arith.constant 0 : i32
      %dma_wait3A_435 = tpu.memref_slice %arg11[%dma_wait3A_433, %dma_wait3A_434] : memref<10008x32xf32, #tpu.memory_space<vmem_shared>> -> memref<10008x32xf32, #tpu.memory_space<vmem_shared>>
      tpu.wait_indirect_dma semaphore(%arg15 : memref<!tpu.dma_semaphore, #tpu.memory_space<semaphore_mem>>) src(%dma_wait3A_429 : memref<128x32xf32, #tpu.memory_space<vmem>>) dst(%dma_wait3A_435 : memref<10008x32xf32, #tpu.memory_space<vmem_shared>>)
      %dma_wait3A_436 = arith.constant 7 : i32
      %dma_wait3A_437 = arith.constant 0 : i32
      %dma_wait3A_438 = arith.constant 0 : i32
      %dma_wait3A_439 = tpu.memref_slice %arg9[%dma_wait3A_436, %dma_wait3A_437, %dma_wait3A_438] : memref<8x128x32xf32, #tpu.memory_space<vmem>> -> memref<1x128x32xf32, #tpu.memory_space<vmem>>
      %dma_wait3A_440 = tpu.memref_squeeze %dma_wait3A_439 : memref<1x128x32xf32, #tpu.memory_space<vmem>> -> memref<128x32xf32, #tpu.memory_space<vmem>>
      %dma_wait3A_441 = arith.constant 0 : i32
      %dma_wait3A_442 = tpu.memref_slice %arg8[%add3A_347, %dma_wait3A_441] : memref<80x128xi32, #tpu.memory_space<vmem>> -> memref<1x128xi32, #tpu.memory_space<vmem>>
      %dma_wait3A_443 = tpu.memref_squeeze %dma_wait3A_442 : memref<1x128xi32, #tpu.memory_space<vmem>> -> memref<128xi32, #tpu.memory_space<vmem>>
      %dma_wait3A_444 = arith.constant 0 : i32
      %dma_wait3A_445 = arith.constant 0 : i32
      %dma_wait3A_446 = tpu.memref_slice %arg11[%dma_wait3A_444, %dma_wait3A_445] : memref<10008x32xf32, #tpu.memory_space<vmem_shared>> -> memref<10008x32xf32, #tpu.memory_space<vmem_shared>>
      tpu.wait_indirect_dma semaphore(%arg15 : memref<!tpu.dma_semaphore, #tpu.memory_space<semaphore_mem>>) src(%dma_wait3A_440 : memref<128x32xf32, #tpu.memory_space<vmem>>) dst(%dma_wait3A_446 : memref<10008x32xf32, #tpu.memory_space<vmem_shared>>)
    }
    %scan3A_28 = arith.constant 10 : i32
    %barrier3A_29 = arith.constant 0 : index
    tpu.barrier barrier_id(%barrier3A_29)
    %lt3A_30 = arith.constant 15 : i32
    %lt3A_31 = arith.cmpi slt, %arg1, %lt3A_30 : i32
    %convert_element_type3A_32 = arith.extui %lt3A_31 : i1 to i32
    %cond3A_33 = arith.constant 0 : i32
    %cond3A_34 = arith.cmpi ne, %convert_element_type3A_32, %cond3A_33 : i32
    scf.if %cond3A_34 {
      %mul3A_40 = arith.constant 160 : i32
      %mul3A_41 = arith.muli %arg1, %mul3A_40 : i32
      %add3A_42 = arith.constant 0 : i32
      %add3A_43 = arith.addi %add3A_42, %mul3A_41 : i32
      %mul3A_44 = arith.constant 160 : i32
      %mul3A_45 = arith.muli %arg1, %mul3A_44 : i32
      %dma_start3A_46 = arith.constant 0 : i32
      %dma_start3A_47 = tpu.memref_slice %arg6[%arg0, %mul3A_45, %dma_start3A_46] : memref<2x2504x128xf32, #tpu.memory_space<hbm>> -> memref<1x160x32xf32, #tpu.memory_space<hbm>>
      %dma_start3A_48 = tpu.memref_squeeze %dma_start3A_47 : memref<1x160x32xf32, #tpu.memory_space<hbm>> -> memref<160x32xf32, #tpu.memory_space<hbm>>
      %dma_start3A_49 = arith.constant 0 : i32
      %dma_start3A_50 = tpu.memref_slice %arg11[%add3A_43, %dma_start3A_49] : memref<10008x32xf32, #tpu.memory_space<vmem_shared>> -> memref<160x32xf32, #tpu.memory_space<vmem_shared>>
      tpu.enqueue_dma source(%dma_start3A_50 : memref<160x32xf32, #tpu.memory_space<vmem_shared>>) target(%dma_start3A_48 : memref<160x32xf32, #tpu.memory_space<hbm>>) target_semaphore(%arg12 : memref<!tpu.dma_semaphore, #tpu.memory_space<semaphore_mem>>)
      %mul3A_51 = arith.constant 160 : i32
      %mul3A_52 = arith.muli %arg1, %mul3A_51 : i32
      %add3A_53 = arith.constant 2500 : i32
      %add3A_54 = arith.addi %add3A_53, %mul3A_52 : i32
      %mul3A_55 = arith.constant 160 : i32
      %mul3A_56 = arith.muli %arg1, %mul3A_55 : i32
      %dma_start3A_57 = arith.constant 32 : i32
      %dma_start3A_58 = tpu.memref_slice %arg6[%arg0, %mul3A_56, %dma_start3A_57] : memref<2x2504x128xf32, #tpu.memory_space<hbm>> -> memref<1x160x32xf32, #tpu.memory_space<hbm>>
      %dma_start3A_59 = tpu.memref_squeeze %dma_start3A_58 : memref<1x160x32xf32, #tpu.memory_space<hbm>> -> memref<160x32xf32, #tpu.memory_space<hbm>>
      %dma_start3A_60 = arith.constant 0 : i32
      %dma_start3A_61 = tpu.memref_slice %arg11[%add3A_54, %dma_start3A_60] : memref<10008x32xf32, #tpu.memory_space<vmem_shared>> -> memref<160x32xf32, #tpu.memory_space<vmem_shared>>
      tpu.enqueue_dma source(%dma_start3A_61 : memref<160x32xf32, #tpu.memory_space<vmem_shared>>) target(%dma_start3A_59 : memref<160x32xf32, #tpu.memory_space<hbm>>) target_semaphore(%arg12 : memref<!tpu.dma_semaphore, #tpu.memory_space<semaphore_mem>>)
      %mul3A_62 = arith.constant 160 : i32
      %mul3A_63 = arith.muli %arg1, %mul3A_62 : i32
      %add3A_64 = arith.constant 5000 : i32
      %add3A_65 = arith.addi %add3A_64, %mul3A_63 : i32
      %mul3A_66 = arith.constant 160 : i32
      %mul3A_67 = arith.muli %arg1, %mul3A_66 : i32
      %dma_start3A_68 = arith.constant 64 : i32
      %dma_start3A_69 = tpu.memref_slice %arg6[%arg0, %mul3A_67, %dma_start3A_68] : memref<2x2504x128xf32, #tpu.memory_space<hbm>> -> memref<1x160x32xf32, #tpu.memory_space<hbm>>
      %dma_start3A_70 = tpu.memref_squeeze %dma_start3A_69 : memref<1x160x32xf32, #tpu.memory_space<hbm>> -> memref<160x32xf32, #tpu.memory_space<hbm>>
      %dma_start3A_71 = arith.constant 0 : i32
      %dma_start3A_72 = tpu.memref_slice %arg11[%add3A_65, %dma_start3A_71] : memref<10008x32xf32, #tpu.memory_space<vmem_shared>> -> memref<160x32xf32, #tpu.memory_space<vmem_shared>>
      tpu.enqueue_dma source(%dma_start3A_72 : memref<160x32xf32, #tpu.memory_space<vmem_shared>>) target(%dma_start3A_70 : memref<160x32xf32, #tpu.memory_space<hbm>>) target_semaphore(%arg12 : memref<!tpu.dma_semaphore, #tpu.memory_space<semaphore_mem>>)
      %mul3A_73 = arith.constant 160 : i32
      %mul3A_74 = arith.muli %arg1, %mul3A_73 : i32
      %add3A_75 = arith.constant 7500 : i32
      %add3A_76 = arith.addi %add3A_75, %mul3A_74 : i32
      %mul3A_77 = arith.constant 160 : i32
      %mul3A_78 = arith.muli %arg1, %mul3A_77 : i32
      %dma_start3A_79 = arith.constant 96 : i32
      %dma_start3A_80 = tpu.memref_slice %arg6[%arg0, %mul3A_78, %dma_start3A_79] : memref<2x2504x128xf32, #tpu.memory_space<hbm>> -> memref<1x160x32xf32, #tpu.memory_space<hbm>>
      %dma_start3A_81 = tpu.memref_squeeze %dma_start3A_80 : memref<1x160x32xf32, #tpu.memory_space<hbm>> -> memref<160x32xf32, #tpu.memory_space<hbm>>
      %dma_start3A_82 = arith.constant 0 : i32
      %dma_start3A_83 = tpu.memref_slice %arg11[%add3A_76, %dma_start3A_82] : memref<10008x32xf32, #tpu.memory_space<vmem_shared>> -> memref<160x32xf32, #tpu.memory_space<vmem_shared>>
      tpu.enqueue_dma source(%dma_start3A_83 : memref<160x32xf32, #tpu.memory_space<vmem_shared>>) target(%dma_start3A_81 : memref<160x32xf32, #tpu.memory_space<hbm>>) target_semaphore(%arg12 : memref<!tpu.dma_semaphore, #tpu.memory_space<semaphore_mem>>)
      %dma_wait3A_84 = arith.constant 0 : i32
      %dma_wait3A_85 = tpu.memref_slice %arg6[%arg0, %mul3A_45, %dma_wait3A_84] : memref<2x2504x128xf32, #tpu.memory_space<hbm>> -> memref<1x160x32xf32, #tpu.memory_space<hbm>>
      %dma_wait3A_86 = tpu.memref_squeeze %dma_wait3A_85 : memref<1x160x32xf32, #tpu.memory_space<hbm>> -> memref<160x32xf32, #tpu.memory_space<hbm>>
      %dma_wait3A_87 = arith.constant 0 : i32
      %dma_wait3A_88 = tpu.memref_slice %arg11[%add3A_43, %dma_wait3A_87] : memref<10008x32xf32, #tpu.memory_space<vmem_shared>> -> memref<160x32xf32, #tpu.memory_space<vmem_shared>>
      tpu.wait_dma2 semaphore(%arg12 : memref<!tpu.dma_semaphore, #tpu.memory_space<semaphore_mem>>) src(%dma_wait3A_88 : memref<160x32xf32, #tpu.memory_space<vmem_shared>>) dst(%dma_wait3A_86 : memref<160x32xf32, #tpu.memory_space<hbm>>)
      %dma_wait3A_89 = arith.constant 32 : i32
      %dma_wait3A_90 = tpu.memref_slice %arg6[%arg0, %mul3A_56, %dma_wait3A_89] : memref<2x2504x128xf32, #tpu.memory_space<hbm>> -> memref<1x160x32xf32, #tpu.memory_space<hbm>>
      %dma_wait3A_91 = tpu.memref_squeeze %dma_wait3A_90 : memref<1x160x32xf32, #tpu.memory_space<hbm>> -> memref<160x32xf32, #tpu.memory_space<hbm>>
      %dma_wait3A_92 = arith.constant 0 : i32
      %dma_wait3A_93 = tpu.memref_slice %arg11[%add3A_54, %dma_wait3A_92] : memref<10008x32xf32, #tpu.memory_space<vmem_shared>> -> memref<160x32xf32, #tpu.memory_space<vmem_shared>>
      tpu.wait_dma2 semaphore(%arg12 : memref<!tpu.dma_semaphore, #tpu.memory_space<semaphore_mem>>) src(%dma_wait3A_93 : memref<160x32xf32, #tpu.memory_space<vmem_shared>>) dst(%dma_wait3A_91 : memref<160x32xf32, #tpu.memory_space<hbm>>)
      %dma_wait3A_94 = arith.constant 64 : i32
      %dma_wait3A_95 = tpu.memref_slice %arg6[%arg0, %mul3A_67, %dma_wait3A_94] : memref<2x2504x128xf32, #tpu.memory_space<hbm>> -> memref<1x160x32xf32, #tpu.memory_space<hbm>>
      %dma_wait3A_96 = tpu.memref_squeeze %dma_wait3A_95 : memref<1x160x32xf32, #tpu.memory_space<hbm>> -> memref<160x32xf32, #tpu.memory_space<hbm>>
      %dma_wait3A_97 = arith.constant 0 : i32
      %dma_wait3A_98 = tpu.memref_slice %arg11[%add3A_65, %dma_wait3A_97] : memref<10008x32xf32, #tpu.memory_space<vmem_shared>> -> memref<160x32xf32, #tpu.memory_space<vmem_shared>>
      tpu.wait_dma2 semaphore(%arg12 : memref<!tpu.dma_semaphore, #tpu.memory_space<semaphore_mem>>) src(%dma_wait3A_98 : memref<160x32xf32, #tpu.memory_space<vmem_shared>>) dst(%dma_wait3A_96 : memref<160x32xf32, #tpu.memory_space<hbm>>)
      %dma_wait3A_99 = arith.constant 96 : i32
      %dma_wait3A_100 = tpu.memref_slice %arg6[%arg0, %mul3A_78, %dma_wait3A_99] : memref<2x2504x128xf32, #tpu.memory_space<hbm>> -> memref<1x160x32xf32, #tpu.memory_space<hbm>>
      %dma_wait3A_101 = tpu.memref_squeeze %dma_wait3A_100 : memref<1x160x32xf32, #tpu.memory_space<hbm>> -> memref<160x32xf32, #tpu.memory_space<hbm>>
      %dma_wait3A_102 = arith.constant 0 : i32
      %dma_wait3A_103 = tpu.memref_slice %arg11[%add3A_76, %dma_wait3A_102] : memref<10008x32xf32, #tpu.memory_space<vmem_shared>> -> memref<160x32xf32, #tpu.memory_space<vmem_shared>>
      tpu.wait_dma2 semaphore(%arg12 : memref<!tpu.dma_semaphore, #tpu.memory_space<semaphore_mem>>) src(%dma_wait3A_103 : memref<160x32xf32, #tpu.memory_space<vmem_shared>>) dst(%dma_wait3A_101 : memref<160x32xf32, #tpu.memory_space<hbm>>)
    } else {
    }
    %eq3A_35 = arith.constant 15 : i32
    %eq3A_36 = arith.cmpi eq, %arg1, %eq3A_35 : i32
    %convert_element_type3A_37 = arith.extui %eq3A_36 : i1 to i32
    %cond3A_38 = arith.constant 0 : i32
    %cond3A_39 = arith.cmpi ne, %convert_element_type3A_37, %cond3A_38 : i32
    scf.if %cond3A_39 {
      %dma_start3A_40 = arith.constant 2400 : i32
      %dma_start3A_41 = arith.constant 0 : i32
      %dma_start3A_42 = tpu.memref_slice %arg6[%arg0, %dma_start3A_40, %dma_start3A_41] : memref<2x2504x128xf32, #tpu.memory_space<hbm>> -> memref<1x100x32xf32, #tpu.memory_space<hbm>>
      %dma_start3A_43 = tpu.memref_squeeze %dma_start3A_42 : memref<1x100x32xf32, #tpu.memory_space<hbm>> -> memref<100x32xf32, #tpu.memory_space<hbm>>
      %dma_start3A_44 = arith.constant 2400 : i32
      %dma_start3A_45 = arith.constant 0 : i32
      %dma_start3A_46 = tpu.memref_slice %arg11[%dma_start3A_44, %dma_start3A_45] : memref<10008x32xf32, #tpu.memory_space<vmem_shared>> -> memref<100x32xf32, #tpu.memory_space<vmem_shared>>
      tpu.enqueue_dma source(%dma_start3A_46 : memref<100x32xf32, #tpu.memory_space<vmem_shared>>) target(%dma_start3A_43 : memref<100x32xf32, #tpu.memory_space<hbm>>) target_semaphore(%arg12 : memref<!tpu.dma_semaphore, #tpu.memory_space<semaphore_mem>>)
      %dma_start3A_47 = arith.constant 2400 : i32
      %dma_start3A_48 = arith.constant 32 : i32
      %dma_start3A_49 = tpu.memref_slice %arg6[%arg0, %dma_start3A_47, %dma_start3A_48] : memref<2x2504x128xf32, #tpu.memory_space<hbm>> -> memref<1x100x32xf32, #tpu.memory_space<hbm>>
      %dma_start3A_50 = tpu.memref_squeeze %dma_start3A_49 : memref<1x100x32xf32, #tpu.memory_space<hbm>> -> memref<100x32xf32, #tpu.memory_space<hbm>>
      %dma_start3A_51 = arith.constant 4900 : i32
      %dma_start3A_52 = arith.constant 0 : i32
      %dma_start3A_53 = tpu.memref_slice %arg11[%dma_start3A_51, %dma_start3A_52] : memref<10008x32xf32, #tpu.memory_space<vmem_shared>> -> memref<100x32xf32, #tpu.memory_space<vmem_shared>>
      tpu.enqueue_dma source(%dma_start3A_53 : memref<100x32xf32, #tpu.memory_space<vmem_shared>>) target(%dma_start3A_50 : memref<100x32xf32, #tpu.memory_space<hbm>>) target_semaphore(%arg12 : memref<!tpu.dma_semaphore, #tpu.memory_space<semaphore_mem>>)
      %dma_start3A_54 = arith.constant 2400 : i32
      %dma_start3A_55 = arith.constant 64 : i32
      %dma_start3A_56 = tpu.memref_slice %arg6[%arg0, %dma_start3A_54, %dma_start3A_55] : memref<2x2504x128xf32, #tpu.memory_space<hbm>> -> memref<1x100x32xf32, #tpu.memory_space<hbm>>
      %dma_start3A_57 = tpu.memref_squeeze %dma_start3A_56 : memref<1x100x32xf32, #tpu.memory_space<hbm>> -> memref<100x32xf32, #tpu.memory_space<hbm>>
      %dma_start3A_58 = arith.constant 7400 : i32
      %dma_start3A_59 = arith.constant 0 : i32
      %dma_start3A_60 = tpu.memref_slice %arg11[%dma_start3A_58, %dma_start3A_59] : memref<10008x32xf32, #tpu.memory_space<vmem_shared>> -> memref<100x32xf32, #tpu.memory_space<vmem_shared>>
      tpu.enqueue_dma source(%dma_start3A_60 : memref<100x32xf32, #tpu.memory_space<vmem_shared>>) target(%dma_start3A_57 : memref<100x32xf32, #tpu.memory_space<hbm>>) target_semaphore(%arg12 : memref<!tpu.dma_semaphore, #tpu.memory_space<semaphore_mem>>)
      %dma_start3A_61 = arith.constant 2400 : i32
      %dma_start3A_62 = arith.constant 96 : i32
      %dma_start3A_63 = tpu.memref_slice %arg6[%arg0, %dma_start3A_61, %dma_start3A_62] : memref<2x2504x128xf32, #tpu.memory_space<hbm>> -> memref<1x100x32xf32, #tpu.memory_space<hbm>>
      %dma_start3A_64 = tpu.memref_squeeze %dma_start3A_63 : memref<1x100x32xf32, #tpu.memory_space<hbm>> -> memref<100x32xf32, #tpu.memory_space<hbm>>
      %dma_start3A_65 = arith.constant 9900 : i32
      %dma_start3A_66 = arith.constant 0 : i32
      %dma_start3A_67 = tpu.memref_slice %arg11[%dma_start3A_65, %dma_start3A_66] : memref<10008x32xf32, #tpu.memory_space<vmem_shared>> -> memref<100x32xf32, #tpu.memory_space<vmem_shared>>
      tpu.enqueue_dma source(%dma_start3A_67 : memref<100x32xf32, #tpu.memory_space<vmem_shared>>) target(%dma_start3A_64 : memref<100x32xf32, #tpu.memory_space<hbm>>) target_semaphore(%arg12 : memref<!tpu.dma_semaphore, #tpu.memory_space<semaphore_mem>>)
      %dma_wait3A_68 = arith.constant 2400 : i32
      %dma_wait3A_69 = arith.constant 0 : i32
      %dma_wait3A_70 = tpu.memref_slice %arg6[%arg0, %dma_wait3A_68, %dma_wait3A_69] : memref<2x2504x128xf32, #tpu.memory_space<hbm>> -> memref<1x100x32xf32, #tpu.memory_space<hbm>>
      %dma_wait3A_71 = tpu.memref_squeeze %dma_wait3A_70 : memref<1x100x32xf32, #tpu.memory_space<hbm>> -> memref<100x32xf32, #tpu.memory_space<hbm>>
      %dma_wait3A_72 = arith.constant 2400 : i32
      %dma_wait3A_73 = arith.constant 0 : i32
      %dma_wait3A_74 = tpu.memref_slice %arg11[%dma_wait3A_72, %dma_wait3A_73] : memref<10008x32xf32, #tpu.memory_space<vmem_shared>> -> memref<100x32xf32, #tpu.memory_space<vmem_shared>>
      tpu.wait_dma2 semaphore(%arg12 : memref<!tpu.dma_semaphore, #tpu.memory_space<semaphore_mem>>) src(%dma_wait3A_74 : memref<100x32xf32, #tpu.memory_space<vmem_shared>>) dst(%dma_wait3A_71 : memref<100x32xf32, #tpu.memory_space<hbm>>)
      %dma_wait3A_75 = arith.constant 2400 : i32
      %dma_wait3A_76 = arith.constant 32 : i32
      %dma_wait3A_77 = tpu.memref_slice %arg6[%arg0, %dma_wait3A_75, %dma_wait3A_76] : memref<2x2504x128xf32, #tpu.memory_space<hbm>> -> memref<1x100x32xf32, #tpu.memory_space<hbm>>
      %dma_wait3A_78 = tpu.memref_squeeze %dma_wait3A_77 : memref<1x100x32xf32, #tpu.memory_space<hbm>> -> memref<100x32xf32, #tpu.memory_space<hbm>>
      %dma_wait3A_79 = arith.constant 4900 : i32
      %dma_wait3A_80 = arith.constant 0 : i32
      %dma_wait3A_81 = tpu.memref_slice %arg11[%dma_wait3A_79, %dma_wait3A_80] : memref<10008x32xf32, #tpu.memory_space<vmem_shared>> -> memref<100x32xf32, #tpu.memory_space<vmem_shared>>
      tpu.wait_dma2 semaphore(%arg12 : memref<!tpu.dma_semaphore, #tpu.memory_space<semaphore_mem>>) src(%dma_wait3A_81 : memref<100x32xf32, #tpu.memory_space<vmem_shared>>) dst(%dma_wait3A_78 : memref<100x32xf32, #tpu.memory_space<hbm>>)
      %dma_wait3A_82 = arith.constant 2400 : i32
      %dma_wait3A_83 = arith.constant 64 : i32
      %dma_wait3A_84 = tpu.memref_slice %arg6[%arg0, %dma_wait3A_82, %dma_wait3A_83] : memref<2x2504x128xf32, #tpu.memory_space<hbm>> -> memref<1x100x32xf32, #tpu.memory_space<hbm>>
      %dma_wait3A_85 = tpu.memref_squeeze %dma_wait3A_84 : memref<1x100x32xf32, #tpu.memory_space<hbm>> -> memref<100x32xf32, #tpu.memory_space<hbm>>
      %dma_wait3A_86 = arith.constant 7400 : i32
      %dma_wait3A_87 = arith.constant 0 : i32
      %dma_wait3A_88 = tpu.memref_slice %arg11[%dma_wait3A_86, %dma_wait3A_87] : memref<10008x32xf32, #tpu.memory_space<vmem_shared>> -> memref<100x32xf32, #tpu.memory_space<vmem_shared>>
      tpu.wait_dma2 semaphore(%arg12 : memref<!tpu.dma_semaphore, #tpu.memory_space<semaphore_mem>>) src(%dma_wait3A_88 : memref<100x32xf32, #tpu.memory_space<vmem_shared>>) dst(%dma_wait3A_85 : memref<100x32xf32, #tpu.memory_space<hbm>>)
      %dma_wait3A_89 = arith.constant 2400 : i32
      %dma_wait3A_90 = arith.constant 96 : i32
      %dma_wait3A_91 = tpu.memref_slice %arg6[%arg0, %dma_wait3A_89, %dma_wait3A_90] : memref<2x2504x128xf32, #tpu.memory_space<hbm>> -> memref<1x100x32xf32, #tpu.memory_space<hbm>>
      %dma_wait3A_92 = tpu.memref_squeeze %dma_wait3A_91 : memref<1x100x32xf32, #tpu.memory_space<hbm>> -> memref<100x32xf32, #tpu.memory_space<hbm>>
      %dma_wait3A_93 = arith.constant 9900 : i32
      %dma_wait3A_94 = arith.constant 0 : i32
      %dma_wait3A_95 = tpu.memref_slice %arg11[%dma_wait3A_93, %dma_wait3A_94] : memref<10008x32xf32, #tpu.memory_space<vmem_shared>> -> memref<100x32xf32, #tpu.memory_space<vmem_shared>>
      tpu.wait_dma2 semaphore(%arg12 : memref<!tpu.dma_semaphore, #tpu.memory_space<semaphore_mem>>) src(%dma_wait3A_95 : memref<100x32xf32, #tpu.memory_space<vmem_shared>>) dst(%dma_wait3A_92 : memref<100x32xf32, #tpu.memory_space<hbm>>)
    } else {
    }
    return
  }
}

#map = affine_map<(d0, d1) -> (0, 0)>
#map1 = affine_map<(d0, d1) -> (0, 0, 0)>
module attributes {stable_mosaic.version = 14 : i64} {
  func.func @k(%arg0: i32, %arg1: i32, %arg2: memref<2500x128xf32, #tpu.memory_space<hbm>>, %arg3: memref<2560x128xi32, #tpu.memory_space<hbm>>, %arg4: memref<2560x128xi32, #tpu.memory_space<hbm>>, %arg5: memref<10008x32xf32, #tpu.memory_space<hbm>>, %arg6: memref<2x2504x128xf32, #tpu.memory_space<hbm>>, %arg7: memref<80x128xi32, #tpu.memory_space<vmem>>, %arg8: memref<80x128xi32, #tpu.memory_space<vmem>>, %arg9: memref<8x128x32xf32, #tpu.memory_space<vmem>>, %arg10: memref<10000x32xf32, #tpu.memory_space<vmem_shared>>, %arg11: memref<10008x32xf32, #tpu.memory_space<vmem_shared>>, %arg12: memref<!tpu.dma_semaphore, #tpu.memory_space<semaphore_mem>>, %arg13: memref<!tpu.dma_semaphore, #tpu.memory_space<semaphore_mem>>, %arg14: memref<!tpu.dma_semaphore, #tpu.memory_space<semaphore_mem>>, %arg15: memref<!tpu.dma_semaphore, #tpu.memory_space<semaphore_mem>>) attributes {dimension_semantics = [#tpu.dimension_semantics<core_parallel>, #tpu.dimension_semantics<subcore_parallel>], iteration_bounds = array<i64: 2, 16>, scalar_prefetch = 0 : i64, scratch_operands = 9 : i64, tpu.core_type = #tpu.core_type<sc_vector_subcore>, window_params = [{transform_indices = #map}, {transform_indices = #map}, {transform_indices = #map}, {transform_indices = #map}, {transform_indices = #map1}]} {
    %mul3A = arith.constant 2 : i32
    %mul3A_0 = arith.muli %arg1, %mul3A : i32
    %add3A = arith.addi %mul3A_0, %arg0 : i32
    %mul3A_1 = arith.constant 80 : i32
    %mul3A_2 = arith.muli %add3A, %mul3A_1 : i32
    %dma_start3A = arith.constant 0 : i32
    %dma_start3A_3 = tpu.memref_slice %arg3[%mul3A_2, %dma_start3A] : memref<2560x128xi32, #tpu.memory_space<hbm>> -> memref<80x128xi32, #tpu.memory_space<hbm>>
    %dma_start3A_4 = arith.constant 0 : i32
    %dma_start3A_5 = tpu.memref_slice %arg3[%mul3A_2, %dma_start3A_4] : memref<2560x128xi32, #tpu.memory_space<hbm>> -> memref<80x128xi32, #tpu.memory_space<hbm>>
    tpu.enqueue_dma source(%dma_start3A_5 : memref<80x128xi32, #tpu.memory_space<hbm>>) target(%arg7 : memref<80x128xi32, #tpu.memory_space<vmem>>) target_semaphore(%arg14 : memref<!tpu.dma_semaphore, #tpu.memory_space<semaphore_mem>>)
    %mul3A_6 = arith.constant 80 : i32
    %mul3A_7 = arith.muli %add3A, %mul3A_6 : i32
    %dma_start3A_8 = arith.constant 0 : i32
    %dma_start3A_9 = tpu.memref_slice %arg4[%mul3A_7, %dma_start3A_8] : memref<2560x128xi32, #tpu.memory_space<hbm>> -> memref<80x128xi32, #tpu.memory_space<hbm>>
    %dma_start3A_10 = arith.constant 0 : i32
    %dma_start3A_11 = tpu.memref_slice %arg4[%mul3A_7, %dma_start3A_10] : memref<2560x128xi32, #tpu.memory_space<hbm>> -> memref<80x128xi32, #tpu.memory_space<hbm>>
    tpu.enqueue_dma source(%dma_start3A_11 : memref<80x128xi32, #tpu.memory_space<hbm>>) target(%arg8 : memref<80x128xi32, #tpu.memory_space<vmem>>) target_semaphore(%arg15 : memref<!tpu.dma_semaphore, #tpu.memory_space<semaphore_mem>>)
    %lt3A = arith.constant 15 : i32
    %lt3A_12 = arith.cmpi slt, %arg1, %lt3A : i32
    %convert_element_type3A = arith.extui %lt3A_12 : i1 to i32
    %cond3A = arith.constant 0 : i32
    %cond3A_13 = arith.cmpi ne, %convert_element_type3A, %cond3A : i32
    scf.if %cond3A_13 {
      %mul3A_40 = arith.constant 632 : i32
      %mul3A_41 = arith.muli %arg1, %mul3A_40 : i32
      %mul3A_42 = arith.constant 632 : i32
      %mul3A_43 = arith.muli %arg1, %mul3A_42 : i32
      %dma_start3A_44 = arith.constant 0 : i32
      %dma_start3A_45 = tpu.memref_slice %arg11[%mul3A_43, %dma_start3A_44] : memref<10008x32xf32, #tpu.memory_space<vmem_shared>> -> memref<632x32xf32, #tpu.memory_space<vmem_shared>>
      %dma_start3A_46 = arith.constant 0 : i32
      %dma_start3A_47 = tpu.memref_slice %arg5[%mul3A_41, %dma_start3A_46] : memref<10008x32xf32, #tpu.memory_space<hbm>> -> memref<632x32xf32, #tpu.memory_space<hbm>>
      tpu.enqueue_dma source(%dma_start3A_47 : memref<632x32xf32, #tpu.memory_space<hbm>>) target(%dma_start3A_45 : memref<632x32xf32, #tpu.memory_space<vmem_shared>>) target_semaphore(%arg12 : memref<!tpu.dma_semaphore, #tpu.memory_space<semaphore_mem>>)
      %mul3A_48 = arith.constant 160 : i32
      %mul3A_49 = arith.muli %arg1, %mul3A_48 : i32
      %mul3A_50 = arith.constant 160 : i32
      %mul3A_51 = arith.muli %arg1, %mul3A_50 : i32
      %add3A_52 = arith.constant 0 : i32
      %add3A_53 = arith.addi %add3A_52, %mul3A_51 : i32
      %dma_start3A_54 = arith.constant 0 : i32
      %dma_start3A_55 = tpu.memref_slice %arg10[%add3A_53, %dma_start3A_54] : memref<10000x32xf32, #tpu.memory_space<vmem_shared>> -> memref<160x32xf32, #tpu.memory_space<vmem_shared>>
      %dma_start3A_56 = arith.constant 0 : i32
      %dma_start3A_57 = tpu.memref_slice %arg2[%mul3A_49, %dma_start3A_56] : memref<2500x128xf32, #tpu.memory_space<hbm>> -> memref<160x32xf32, #tpu.memory_space<hbm>>
      tpu.enqueue_dma source(%dma_start3A_57 : memref<160x32xf32, #tpu.memory_space<hbm>>) target(%dma_start3A_55 : memref<160x32xf32, #tpu.memory_space<vmem_shared>>) target_semaphore(%arg13 : memref<!tpu.dma_semaphore, #tpu.memory_space<semaphore_mem>>)
      %mul3A_58 = arith.constant 160 : i32
      %mul3A_59 = arith.muli %arg1, %mul3A_58 : i32
      %mul3A_60 = arith.constant 160 : i32
      %mul3A_61 = arith.muli %arg1, %mul3A_60 : i32
      %add3A_62 = arith.constant 2500 : i32
      %add3A_63 = arith.addi %add3A_62, %mul3A_61 : i32
      %dma_start3A_64 = arith.constant 0 : i32
      %dma_start3A_65 = tpu.memref_slice %arg10[%add3A_63, %dma_start3A_64] : memref<10000x32xf32, #tpu.memory_space<vmem_shared>> -> memref<160x32xf32, #tpu.memory_space<vmem_shared>>
      %dma_start3A_66 = arith.constant 32 : i32
      %dma_start3A_67 = tpu.memref_slice %arg2[%mul3A_59, %dma_start3A_66] : memref<2500x128xf32, #tpu.memory_space<hbm>> -> memref<160x32xf32, #tpu.memory_space<hbm>>
      tpu.enqueue_dma source(%dma_start3A_67 : memref<160x32xf32, #tpu.memory_space<hbm>>) target(%dma_start3A_65 : memref<160x32xf32, #tpu.memory_space<vmem_shared>>) target_semaphore(%arg13 : memref<!tpu.dma_semaphore, #tpu.memory_space<semaphore_mem>>)
      %mul3A_68 = arith.constant 160 : i32
      %mul3A_69 = arith.muli %arg1, %mul3A_68 : i32
      %mul3A_70 = arith.constant 160 : i32
      %mul3A_71 = arith.muli %arg1, %mul3A_70 : i32
      %add3A_72 = arith.constant 5000 : i32
      %add3A_73 = arith.addi %add3A_72, %mul3A_71 : i32
      %dma_start3A_74 = arith.constant 0 : i32
      %dma_start3A_75 = tpu.memref_slice %arg10[%add3A_73, %dma_start3A_74] : memref<10000x32xf32, #tpu.memory_space<vmem_shared>> -> memref<160x32xf32, #tpu.memory_space<vmem_shared>>
      %dma_start3A_76 = arith.constant 64 : i32
      %dma_start3A_77 = tpu.memref_slice %arg2[%mul3A_69, %dma_start3A_76] : memref<2500x128xf32, #tpu.memory_space<hbm>> -> memref<160x32xf32, #tpu.memory_space<hbm>>
      tpu.enqueue_dma source(%dma_start3A_77 : memref<160x32xf32, #tpu.memory_space<hbm>>) target(%dma_start3A_75 : memref<160x32xf32, #tpu.memory_space<vmem_shared>>) target_semaphore(%arg13 : memref<!tpu.dma_semaphore, #tpu.memory_space<semaphore_mem>>)
      %mul3A_78 = arith.constant 160 : i32
      %mul3A_79 = arith.muli %arg1, %mul3A_78 : i32
      %mul3A_80 = arith.constant 160 : i32
      %mul3A_81 = arith.muli %arg1, %mul3A_80 : i32
      %add3A_82 = arith.constant 7500 : i32
      %add3A_83 = arith.addi %add3A_82, %mul3A_81 : i32
      %dma_start3A_84 = arith.constant 0 : i32
      %dma_start3A_85 = tpu.memref_slice %arg10[%add3A_83, %dma_start3A_84] : memref<10000x32xf32, #tpu.memory_space<vmem_shared>> -> memref<160x32xf32, #tpu.memory_space<vmem_shared>>
      %dma_start3A_86 = arith.constant 96 : i32
      %dma_start3A_87 = tpu.memref_slice %arg2[%mul3A_79, %dma_start3A_86] : memref<2500x128xf32, #tpu.memory_space<hbm>> -> memref<160x32xf32, #tpu.memory_space<hbm>>
      tpu.enqueue_dma source(%dma_start3A_87 : memref<160x32xf32, #tpu.memory_space<hbm>>) target(%dma_start3A_85 : memref<160x32xf32, #tpu.memory_space<vmem_shared>>) target_semaphore(%arg13 : memref<!tpu.dma_semaphore, #tpu.memory_space<semaphore_mem>>)
      %dma_wait3A_88 = arith.constant 0 : i32
      %dma_wait3A_89 = tpu.memref_slice %arg11[%mul3A_43, %dma_wait3A_88] : memref<10008x32xf32, #tpu.memory_space<vmem_shared>> -> memref<632x32xf32, #tpu.memory_space<vmem_shared>>
      %dma_wait3A_90 = arith.constant 0 : i32
      %dma_wait3A_91 = tpu.memref_slice %arg5[%mul3A_41, %dma_wait3A_90] : memref<10008x32xf32, #tpu.memory_space<hbm>> -> memref<632x32xf32, #tpu.memory_space<hbm>>
      tpu.wait_dma2 semaphore(%arg12 : memref<!tpu.dma_semaphore, #tpu.memory_space<semaphore_mem>>) src(%dma_wait3A_91 : memref<632x32xf32, #tpu.memory_space<hbm>>) dst(%dma_wait3A_89 : memref<632x32xf32, #tpu.memory_space<vmem_shared>>)
      %dma_wait3A_92 = arith.constant 0 : i32
      %dma_wait3A_93 = tpu.memref_slice %arg10[%add3A_53, %dma_wait3A_92] : memref<10000x32xf32, #tpu.memory_space<vmem_shared>> -> memref<160x32xf32, #tpu.memory_space<vmem_shared>>
      %dma_wait3A_94 = arith.constant 0 : i32
      %dma_wait3A_95 = tpu.memref_slice %arg2[%mul3A_49, %dma_wait3A_94] : memref<2500x128xf32, #tpu.memory_space<hbm>> -> memref<160x32xf32, #tpu.memory_space<hbm>>
      tpu.wait_dma2 semaphore(%arg13 : memref<!tpu.dma_semaphore, #tpu.memory_space<semaphore_mem>>) src(%dma_wait3A_95 : memref<160x32xf32, #tpu.memory_space<hbm>>) dst(%dma_wait3A_93 : memref<160x32xf32, #tpu.memory_space<vmem_shared>>)
      %dma_wait3A_96 = arith.constant 0 : i32
      %dma_wait3A_97 = tpu.memref_slice %arg10[%add3A_63, %dma_wait3A_96] : memref<10000x32xf32, #tpu.memory_space<vmem_shared>> -> memref<160x32xf32, #tpu.memory_space<vmem_shared>>
      %dma_wait3A_98 = arith.constant 32 : i32
      %dma_wait3A_99 = tpu.memref_slice %arg2[%mul3A_59, %dma_wait3A_98] : memref<2500x128xf32, #tpu.memory_space<hbm>> -> memref<160x32xf32, #tpu.memory_space<hbm>>
      tpu.wait_dma2 semaphore(%arg13 : memref<!tpu.dma_semaphore, #tpu.memory_space<semaphore_mem>>) src(%dma_wait3A_99 : memref<160x32xf32, #tpu.memory_space<hbm>>) dst(%dma_wait3A_97 : memref<160x32xf32, #tpu.memory_space<vmem_shared>>)
      %dma_wait3A_100 = arith.constant 0 : i32
      %dma_wait3A_101 = tpu.memref_slice %arg10[%add3A_73, %dma_wait3A_100] : memref<10000x32xf32, #tpu.memory_space<vmem_shared>> -> memref<160x32xf32, #tpu.memory_space<vmem_shared>>
      %dma_wait3A_102 = arith.constant 64 : i32
      %dma_wait3A_103 = tpu.memref_slice %arg2[%mul3A_69, %dma_wait3A_102] : memref<2500x128xf32, #tpu.memory_space<hbm>> -> memref<160x32xf32, #tpu.memory_space<hbm>>
      tpu.wait_dma2 semaphore(%arg13 : memref<!tpu.dma_semaphore, #tpu.memory_space<semaphore_mem>>) src(%dma_wait3A_103 : memref<160x32xf32, #tpu.memory_space<hbm>>) dst(%dma_wait3A_101 : memref<160x32xf32, #tpu.memory_space<vmem_shared>>)
      %dma_wait3A_104 = arith.constant 0 : i32
      %dma_wait3A_105 = tpu.memref_slice %arg10[%add3A_83, %dma_wait3A_104] : memref<10000x32xf32, #tpu.memory_space<vmem_shared>> -> memref<160x32xf32, #tpu.memory_space<vmem_shared>>
      %dma_wait3A_106 = arith.constant 96 : i32
      %dma_wait3A_107 = tpu.memref_slice %arg2[%mul3A_79, %dma_wait3A_106] : memref<2500x128xf32, #tpu.memory_space<hbm>> -> memref<160x32xf32, #tpu.memory_space<hbm>>
      tpu.wait_dma2 semaphore(%arg13 : memref<!tpu.dma_semaphore, #tpu.memory_space<semaphore_mem>>) src(%dma_wait3A_107 : memref<160x32xf32, #tpu.memory_space<hbm>>) dst(%dma_wait3A_105 : memref<160x32xf32, #tpu.memory_space<vmem_shared>>)
    } else {
    }
    %eq3A = arith.constant 15 : i32
    %eq3A_14 = arith.cmpi eq, %arg1, %eq3A : i32
    %convert_element_type3A_15 = arith.extui %eq3A_14 : i1 to i32
    %cond3A_16 = arith.constant 0 : i32
    %cond3A_17 = arith.cmpi ne, %convert_element_type3A_15, %cond3A_16 : i32
    scf.if %cond3A_17 {
      %dma_start3A_40 = arith.constant 9480 : i32
      %dma_start3A_41 = arith.constant 0 : i32
      %dma_start3A_42 = tpu.memref_slice %arg11[%dma_start3A_40, %dma_start3A_41] : memref<10008x32xf32, #tpu.memory_space<vmem_shared>> -> memref<528x32xf32, #tpu.memory_space<vmem_shared>>
      %dma_start3A_43 = arith.constant 9480 : i32
      %dma_start3A_44 = arith.constant 0 : i32
      %dma_start3A_45 = tpu.memref_slice %arg5[%dma_start3A_43, %dma_start3A_44] : memref<10008x32xf32, #tpu.memory_space<hbm>> -> memref<528x32xf32, #tpu.memory_space<hbm>>
      tpu.enqueue_dma source(%dma_start3A_45 : memref<528x32xf32, #tpu.memory_space<hbm>>) target(%dma_start3A_42 : memref<528x32xf32, #tpu.memory_space<vmem_shared>>) target_semaphore(%arg12 : memref<!tpu.dma_semaphore, #tpu.memory_space<semaphore_mem>>)
      %dma_start3A_46 = arith.constant 2400 : i32
      %dma_start3A_47 = arith.constant 0 : i32
      %dma_start3A_48 = tpu.memref_slice %arg10[%dma_start3A_46, %dma_start3A_47] : memref<10000x32xf32, #tpu.memory_space<vmem_shared>> -> memref<100x32xf32, #tpu.memory_space<vmem_shared>>
      %dma_start3A_49 = arith.constant 2400 : i32
      %dma_start3A_50 = arith.constant 0 : i32
      %dma_start3A_51 = tpu.memref_slice %arg2[%dma_start3A_49, %dma_start3A_50] : memref<2500x128xf32, #tpu.memory_space<hbm>> -> memref<100x32xf32, #tpu.memory_space<hbm>>
      tpu.enqueue_dma source(%dma_start3A_51 : memref<100x32xf32, #tpu.memory_space<hbm>>) target(%dma_start3A_48 : memref<100x32xf32, #tpu.memory_space<vmem_shared>>) target_semaphore(%arg13 : memref<!tpu.dma_semaphore, #tpu.memory_space<semaphore_mem>>)
      %dma_start3A_52 = arith.constant 4900 : i32
      %dma_start3A_53 = arith.constant 0 : i32
      %dma_start3A_54 = tpu.memref_slice %arg10[%dma_start3A_52, %dma_start3A_53] : memref<10000x32xf32, #tpu.memory_space<vmem_shared>> -> memref<100x32xf32, #tpu.memory_space<vmem_shared>>
      %dma_start3A_55 = arith.constant 2400 : i32
      %dma_start3A_56 = arith.constant 32 : i32
      %dma_start3A_57 = tpu.memref_slice %arg2[%dma_start3A_55, %dma_start3A_56] : memref<2500x128xf32, #tpu.memory_space<hbm>> -> memref<100x32xf32, #tpu.memory_space<hbm>>
      tpu.enqueue_dma source(%dma_start3A_57 : memref<100x32xf32, #tpu.memory_space<hbm>>) target(%dma_start3A_54 : memref<100x32xf32, #tpu.memory_space<vmem_shared>>) target_semaphore(%arg13 : memref<!tpu.dma_semaphore, #tpu.memory_space<semaphore_mem>>)
      %dma_start3A_58 = arith.constant 7400 : i32
      %dma_start3A_59 = arith.constant 0 : i32
      %dma_start3A_60 = tpu.memref_slice %arg10[%dma_start3A_58, %dma_start3A_59] : memref<10000x32xf32, #tpu.memory_space<vmem_shared>> -> memref<100x32xf32, #tpu.memory_space<vmem_shared>>
      %dma_start3A_61 = arith.constant 2400 : i32
      %dma_start3A_62 = arith.constant 64 : i32
      %dma_start3A_63 = tpu.memref_slice %arg2[%dma_start3A_61, %dma_start3A_62] : memref<2500x128xf32, #tpu.memory_space<hbm>> -> memref<100x32xf32, #tpu.memory_space<hbm>>
      tpu.enqueue_dma source(%dma_start3A_63 : memref<100x32xf32, #tpu.memory_space<hbm>>) target(%dma_start3A_60 : memref<100x32xf32, #tpu.memory_space<vmem_shared>>) target_semaphore(%arg13 : memref<!tpu.dma_semaphore, #tpu.memory_space<semaphore_mem>>)
      %dma_start3A_64 = arith.constant 9900 : i32
      %dma_start3A_65 = arith.constant 0 : i32
      %dma_start3A_66 = tpu.memref_slice %arg10[%dma_start3A_64, %dma_start3A_65] : memref<10000x32xf32, #tpu.memory_space<vmem_shared>> -> memref<100x32xf32, #tpu.memory_space<vmem_shared>>
      %dma_start3A_67 = arith.constant 2400 : i32
      %dma_start3A_68 = arith.constant 96 : i32
      %dma_start3A_69 = tpu.memref_slice %arg2[%dma_start3A_67, %dma_start3A_68] : memref<2500x128xf32, #tpu.memory_space<hbm>> -> memref<100x32xf32, #tpu.memory_space<hbm>>
      tpu.enqueue_dma source(%dma_start3A_69 : memref<100x32xf32, #tpu.memory_space<hbm>>) target(%dma_start3A_66 : memref<100x32xf32, #tpu.memory_space<vmem_shared>>) target_semaphore(%arg13 : memref<!tpu.dma_semaphore, #tpu.memory_space<semaphore_mem>>)
      %dma_wait3A_70 = arith.constant 9480 : i32
      %dma_wait3A_71 = arith.constant 0 : i32
      %dma_wait3A_72 = tpu.memref_slice %arg11[%dma_wait3A_70, %dma_wait3A_71] : memref<10008x32xf32, #tpu.memory_space<vmem_shared>> -> memref<528x32xf32, #tpu.memory_space<vmem_shared>>
      %dma_wait3A_73 = arith.constant 9480 : i32
      %dma_wait3A_74 = arith.constant 0 : i32
      %dma_wait3A_75 = tpu.memref_slice %arg5[%dma_wait3A_73, %dma_wait3A_74] : memref<10008x32xf32, #tpu.memory_space<hbm>> -> memref<528x32xf32, #tpu.memory_space<hbm>>
      tpu.wait_dma2 semaphore(%arg12 : memref<!tpu.dma_semaphore, #tpu.memory_space<semaphore_mem>>) src(%dma_wait3A_75 : memref<528x32xf32, #tpu.memory_space<hbm>>) dst(%dma_wait3A_72 : memref<528x32xf32, #tpu.memory_space<vmem_shared>>)
      %dma_wait3A_76 = arith.constant 2400 : i32
      %dma_wait3A_77 = arith.constant 0 : i32
      %dma_wait3A_78 = tpu.memref_slice %arg10[%dma_wait3A_76, %dma_wait3A_77] : memref<10000x32xf32, #tpu.memory_space<vmem_shared>> -> memref<100x32xf32, #tpu.memory_space<vmem_shared>>
      %dma_wait3A_79 = arith.constant 2400 : i32
      %dma_wait3A_80 = arith.constant 0 : i32
      %dma_wait3A_81 = tpu.memref_slice %arg2[%dma_wait3A_79, %dma_wait3A_80] : memref<2500x128xf32, #tpu.memory_space<hbm>> -> memref<100x32xf32, #tpu.memory_space<hbm>>
      tpu.wait_dma2 semaphore(%arg13 : memref<!tpu.dma_semaphore, #tpu.memory_space<semaphore_mem>>) src(%dma_wait3A_81 : memref<100x32xf32, #tpu.memory_space<hbm>>) dst(%dma_wait3A_78 : memref<100x32xf32, #tpu.memory_space<vmem_shared>>)
      %dma_wait3A_82 = arith.constant 4900 : i32
      %dma_wait3A_83 = arith.constant 0 : i32
      %dma_wait3A_84 = tpu.memref_slice %arg10[%dma_wait3A_82, %dma_wait3A_83] : memref<10000x32xf32, #tpu.memory_space<vmem_shared>> -> memref<100x32xf32, #tpu.memory_space<vmem_shared>>
      %dma_wait3A_85 = arith.constant 2400 : i32
      %dma_wait3A_86 = arith.constant 32 : i32
      %dma_wait3A_87 = tpu.memref_slice %arg2[%dma_wait3A_85, %dma_wait3A_86] : memref<2500x128xf32, #tpu.memory_space<hbm>> -> memref<100x32xf32, #tpu.memory_space<hbm>>
      tpu.wait_dma2 semaphore(%arg13 : memref<!tpu.dma_semaphore, #tpu.memory_space<semaphore_mem>>) src(%dma_wait3A_87 : memref<100x32xf32, #tpu.memory_space<hbm>>) dst(%dma_wait3A_84 : memref<100x32xf32, #tpu.memory_space<vmem_shared>>)
      %dma_wait3A_88 = arith.constant 7400 : i32
      %dma_wait3A_89 = arith.constant 0 : i32
      %dma_wait3A_90 = tpu.memref_slice %arg10[%dma_wait3A_88, %dma_wait3A_89] : memref<10000x32xf32, #tpu.memory_space<vmem_shared>> -> memref<100x32xf32, #tpu.memory_space<vmem_shared>>
      %dma_wait3A_91 = arith.constant 2400 : i32
      %dma_wait3A_92 = arith.constant 64 : i32
      %dma_wait3A_93 = tpu.memref_slice %arg2[%dma_wait3A_91, %dma_wait3A_92] : memref<2500x128xf32, #tpu.memory_space<hbm>> -> memref<100x32xf32, #tpu.memory_space<hbm>>
      tpu.wait_dma2 semaphore(%arg13 : memref<!tpu.dma_semaphore, #tpu.memory_space<semaphore_mem>>) src(%dma_wait3A_93 : memref<100x32xf32, #tpu.memory_space<hbm>>) dst(%dma_wait3A_90 : memref<100x32xf32, #tpu.memory_space<vmem_shared>>)
      %dma_wait3A_94 = arith.constant 9900 : i32
      %dma_wait3A_95 = arith.constant 0 : i32
      %dma_wait3A_96 = tpu.memref_slice %arg10[%dma_wait3A_94, %dma_wait3A_95] : memref<10000x32xf32, #tpu.memory_space<vmem_shared>> -> memref<100x32xf32, #tpu.memory_space<vmem_shared>>
      %dma_wait3A_97 = arith.constant 2400 : i32
      %dma_wait3A_98 = arith.constant 96 : i32
      %dma_wait3A_99 = tpu.memref_slice %arg2[%dma_wait3A_97, %dma_wait3A_98] : memref<2500x128xf32, #tpu.memory_space<hbm>> -> memref<100x32xf32, #tpu.memory_space<hbm>>
      tpu.wait_dma2 semaphore(%arg13 : memref<!tpu.dma_semaphore, #tpu.memory_space<semaphore_mem>>) src(%dma_wait3A_99 : memref<100x32xf32, #tpu.memory_space<hbm>>) dst(%dma_wait3A_96 : memref<100x32xf32, #tpu.memory_space<vmem_shared>>)
    } else {
    }
    %dma_wait3A = arith.constant 0 : i32
    %dma_wait3A_18 = tpu.memref_slice %arg3[%mul3A_2, %dma_wait3A] : memref<2560x128xi32, #tpu.memory_space<hbm>> -> memref<80x128xi32, #tpu.memory_space<hbm>>
    %dma_wait3A_19 = arith.constant 0 : i32
    %dma_wait3A_20 = tpu.memref_slice %arg3[%mul3A_2, %dma_wait3A_19] : memref<2560x128xi32, #tpu.memory_space<hbm>> -> memref<80x128xi32, #tpu.memory_space<hbm>>
    tpu.wait_dma2 semaphore(%arg14 : memref<!tpu.dma_semaphore, #tpu.memory_space<semaphore_mem>>) src(%dma_wait3A_20 : memref<80x128xi32, #tpu.memory_space<hbm>>) dst(%arg7 : memref<80x128xi32, #tpu.memory_space<vmem>>)
    %dma_wait3A_21 = arith.constant 0 : i32
    %dma_wait3A_22 = tpu.memref_slice %arg4[%mul3A_7, %dma_wait3A_21] : memref<2560x128xi32, #tpu.memory_space<hbm>> -> memref<80x128xi32, #tpu.memory_space<hbm>>
    %dma_wait3A_23 = arith.constant 0 : i32
    %dma_wait3A_24 = tpu.memref_slice %arg4[%mul3A_7, %dma_wait3A_23] : memref<2560x128xi32, #tpu.memory_space<hbm>> -> memref<80x128xi32, #tpu.memory_space<hbm>>
    tpu.wait_dma2 semaphore(%arg15 : memref<!tpu.dma_semaphore, #tpu.memory_space<semaphore_mem>>) src(%dma_wait3A_24 : memref<80x128xi32, #tpu.memory_space<hbm>>) dst(%arg8 : memref<80x128xi32, #tpu.memory_space<vmem>>)
    %barrier3A = arith.constant 0 : index
    tpu.barrier barrier_id(%barrier3A)
    %scan3A = arith.constant 0 : i32
    %scan3A_25 = arith.constant 10 : i32
    %scan3A_26 = arith.addi %scan3A, %scan3A_25 : i32
    %scan3A_27 = arith.constant 1 : i32
    scf.for %scan3A_40 = %scan3A to %scan3A_26 step %scan3A_27  : i32 {
      %mul3A_41 = arith.constant 1 : i32
      %mul3A_42 = arith.muli %scan3A_40, %mul3A_41 : i32
      %add3A_43 = arith.constant 0 : i32
      %add3A_44 = arith.addi %add3A_43, %mul3A_42 : i32
      %mul3A_45 = arith.constant 8 : i32
      %mul3A_46 = arith.muli %add3A_44, %mul3A_45 : i32
      %add3A_47 = arith.constant 0 : i32
      %add3A_48 = arith.addi %mul3A_46, %add3A_47 : i32
      %dma_start3A_49 = arith.constant 0 : i32
      %dma_start3A_50 = arith.constant 0 : i32
      %dma_start3A_51 = arith.constant 0 : i32
      %dma_start3A_52 = tpu.memref_slice %arg9[%dma_start3A_49, %dma_start3A_50, %dma_start3A_51] : memref<8x128x32xf32, #tpu.memory_space<vmem>> -> memref<1x128x32xf32, #tpu.memory_space<vmem>>
      %dma_start3A_53 = tpu.memref_squeeze %dma_start3A_52 : memref<1x128x32xf32, #tpu.memory_space<vmem>> -> memref<128x32xf32, #tpu.memory_space<vmem>>
      %dma_start3A_54 = arith.constant 0 : i32
      %dma_start3A_55 = tpu.memref_slice %arg7[%add3A_48, %dma_start3A_54] : memref<80x128xi32, #tpu.memory_space<vmem>> -> memref<1x128xi32, #tpu.memory_space<vmem>>
      %dma_start3A_56 = tpu.memref_squeeze %dma_start3A_55 : memref<1x128xi32, #tpu.memory_space<vmem>> -> memref<128xi32, #tpu.memory_space<vmem>>
      %dma_start3A_57 = arith.constant 0 : i32
      %dma_start3A_58 = arith.constant 0 : i32
      %dma_start3A_59 = tpu.memref_slice %arg10[%dma_start3A_57, %dma_start3A_58] : memref<10000x32xf32, #tpu.memory_space<vmem_shared>> -> memref<10000x32xf32, #tpu.memory_space<vmem_shared>>
      tpu.enqueue_indirect_dma source(%dma_start3A_59 : memref<10000x32xf32, #tpu.memory_space<vmem_shared>>) target(%dma_start3A_53 : memref<128x32xf32, #tpu.memory_space<vmem>>) offsets(%dma_start3A_56 : memref<128xi32, #tpu.memory_space<vmem>>) semaphore(%arg12 : memref<!tpu.dma_semaphore, #tpu.memory_space<semaphore_mem>>)
      %add3A_60 = arith.constant 1 : i32
      %add3A_61 = arith.addi %mul3A_46, %add3A_60 : i32
      %dma_start3A_62 = arith.constant 1 : i32
      %dma_start3A_63 = arith.constant 0 : i32
      %dma_start3A_64 = arith.constant 0 : i32
      %dma_start3A_65 = tpu.memref_slice %arg9[%dma_start3A_62, %dma_start3A_63, %dma_start3A_64] : memref<8x128x32xf32, #tpu.memory_space<vmem>> -> memref<1x128x32xf32, #tpu.memory_space<vmem>>
      %dma_start3A_66 = tpu.memref_squeeze %dma_start3A_65 : memref<1x128x32xf32, #tpu.memory_space<vmem>> -> memref<128x32xf32, #tpu.memory_space<vmem>>
      %dma_start3A_67 = arith.constant 0 : i32
      %dma_start3A_68 = tpu.memref_slice %arg7[%add3A_61, %dma_start3A_67] : memref<80x128xi32, #tpu.memory_space<vmem>> -> memref<1x128xi32, #tpu.memory_space<vmem>>
      %dma_start3A_69 = tpu.memref_squeeze %dma_start3A_68 : memref<1x128xi32, #tpu.memory_space<vmem>> -> memref<128xi32, #tpu.memory_space<vmem>>
      %dma_start3A_70 = arith.constant 0 : i32
      %dma_start3A_71 = arith.constant 0 : i32
      %dma_start3A_72 = tpu.memref_slice %arg10[%dma_start3A_70, %dma_start3A_71] : memref<10000x32xf32, #tpu.memory_space<vmem_shared>> -> memref<10000x32xf32, #tpu.memory_space<vmem_shared>>
      tpu.enqueue_indirect_dma source(%dma_start3A_72 : memref<10000x32xf32, #tpu.memory_space<vmem_shared>>) target(%dma_start3A_66 : memref<128x32xf32, #tpu.memory_space<vmem>>) offsets(%dma_start3A_69 : memref<128xi32, #tpu.memory_space<vmem>>) semaphore(%arg12 : memref<!tpu.dma_semaphore, #tpu.memory_space<semaphore_mem>>)
      %add3A_73 = arith.constant 2 : i32
      %add3A_74 = arith.addi %mul3A_46, %add3A_73 : i32
      %dma_start3A_75 = arith.constant 2 : i32
      %dma_start3A_76 = arith.constant 0 : i32
      %dma_start3A_77 = arith.constant 0 : i32
      %dma_start3A_78 = tpu.memref_slice %arg9[%dma_start3A_75, %dma_start3A_76, %dma_start3A_77] : memref<8x128x32xf32, #tpu.memory_space<vmem>> -> memref<1x128x32xf32, #tpu.memory_space<vmem>>
      %dma_start3A_79 = tpu.memref_squeeze %dma_start3A_78 : memref<1x128x32xf32, #tpu.memory_space<vmem>> -> memref<128x32xf32, #tpu.memory_space<vmem>>
      %dma_start3A_80 = arith.constant 0 : i32
      %dma_start3A_81 = tpu.memref_slice %arg7[%add3A_74, %dma_start3A_80] : memref<80x128xi32, #tpu.memory_space<vmem>> -> memref<1x128xi32, #tpu.memory_space<vmem>>
      %dma_start3A_82 = tpu.memref_squeeze %dma_start3A_81 : memref<1x128xi32, #tpu.memory_space<vmem>> -> memref<128xi32, #tpu.memory_space<vmem>>
      %dma_start3A_83 = arith.constant 0 : i32
      %dma_start3A_84 = arith.constant 0 : i32
      %dma_start3A_85 = tpu.memref_slice %arg10[%dma_start3A_83, %dma_start3A_84] : memref<10000x32xf32, #tpu.memory_space<vmem_shared>> -> memref<10000x32xf32, #tpu.memory_space<vmem_shared>>
      tpu.enqueue_indirect_dma source(%dma_start3A_85 : memref<10000x32xf32, #tpu.memory_space<vmem_shared>>) target(%dma_start3A_79 : memref<128x32xf32, #tpu.memory_space<vmem>>) offsets(%dma_start3A_82 : memref<128xi32, #tpu.memory_space<vmem>>) semaphore(%arg12 : memref<!tpu.dma_semaphore, #tpu.memory_space<semaphore_mem>>)
      %add3A_86 = arith.constant 3 : i32
      %add3A_87 = arith.addi %mul3A_46, %add3A_86 : i32
      %dma_start3A_88 = arith.constant 3 : i32
      %dma_start3A_89 = arith.constant 0 : i32
      %dma_start3A_90 = arith.constant 0 : i32
      %dma_start3A_91 = tpu.memref_slice %arg9[%dma_start3A_88, %dma_start3A_89, %dma_start3A_90] : memref<8x128x32xf32, #tpu.memory_space<vmem>> -> memref<1x128x32xf32, #tpu.memory_space<vmem>>
      %dma_start3A_92 = tpu.memref_squeeze %dma_start3A_91 : memref<1x128x32xf32, #tpu.memory_space<vmem>> -> memref<128x32xf32, #tpu.memory_space<vmem>>
      %dma_start3A_93 = arith.constant 0 : i32
      %dma_start3A_94 = tpu.memref_slice %arg7[%add3A_87, %dma_start3A_93] : memref<80x128xi32, #tpu.memory_space<vmem>> -> memref<1x128xi32, #tpu.memory_space<vmem>>
      %dma_start3A_95 = tpu.memref_squeeze %dma_start3A_94 : memref<1x128xi32, #tpu.memory_space<vmem>> -> memref<128xi32, #tpu.memory_space<vmem>>
      %dma_start3A_96 = arith.constant 0 : i32
      %dma_start3A_97 = arith.constant 0 : i32
      %dma_start3A_98 = tpu.memref_slice %arg10[%dma_start3A_96, %dma_start3A_97] : memref<10000x32xf32, #tpu.memory_space<vmem_shared>> -> memref<10000x32xf32, #tpu.memory_space<vmem_shared>>
      tpu.enqueue_indirect_dma source(%dma_start3A_98 : memref<10000x32xf32, #tpu.memory_space<vmem_shared>>) target(%dma_start3A_92 : memref<128x32xf32, #tpu.memory_space<vmem>>) offsets(%dma_start3A_95 : memref<128xi32, #tpu.memory_space<vmem>>) semaphore(%arg12 : memref<!tpu.dma_semaphore, #tpu.memory_space<semaphore_mem>>)
      %add3A_99 = arith.constant 4 : i32
      %add3A_100 = arith.addi %mul3A_46, %add3A_99 : i32
      %add3A_101 = arith.constant 0 : i32
      %add3A_102 = arith.addi %add3A_100, %add3A_101 : i32
      %dma_start3A_103 = arith.constant 4 : i32
      %dma_start3A_104 = arith.constant 0 : i32
      %dma_start3A_105 = arith.constant 0 : i32
      %dma_start3A_106 = tpu.memref_slice %arg9[%dma_start3A_103, %dma_start3A_104, %dma_start3A_105] : memref<8x128x32xf32, #tpu.memory_space<vmem>> -> memref<1x128x32xf32, #tpu.memory_space<vmem>>
      %dma_start3A_107 = tpu.memref_squeeze %dma_start3A_106 : memref<1x128x32xf32, #tpu.memory_space<vmem>> -> memref<128x32xf32, #tpu.memory_space<vmem>>
      %dma_start3A_108 = arith.constant 0 : i32
      %dma_start3A_109 = tpu.memref_slice %arg7[%add3A_102, %dma_start3A_108] : memref<80x128xi32, #tpu.memory_space<vmem>> -> memref<1x128xi32, #tpu.memory_space<vmem>>
      %dma_start3A_110 = tpu.memref_squeeze %dma_start3A_109 : memref<1x128xi32, #tpu.memory_space<vmem>> -> memref<128xi32, #tpu.memory_space<vmem>>
      %dma_start3A_111 = arith.constant 0 : i32
      %dma_start3A_112 = arith.constant 0 : i32
      %dma_start3A_113 = tpu.memref_slice %arg10[%dma_start3A_111, %dma_start3A_112] : memref<10000x32xf32, #tpu.memory_space<vmem_shared>> -> memref<10000x32xf32, #tpu.memory_space<vmem_shared>>
      tpu.enqueue_indirect_dma source(%dma_start3A_113 : memref<10000x32xf32, #tpu.memory_space<vmem_shared>>) target(%dma_start3A_107 : memref<128x32xf32, #tpu.memory_space<vmem>>) offsets(%dma_start3A_110 : memref<128xi32, #tpu.memory_space<vmem>>) semaphore(%arg13 : memref<!tpu.dma_semaphore, #tpu.memory_space<semaphore_mem>>)
      %add3A_114 = arith.constant 4 : i32
      %add3A_115 = arith.addi %mul3A_46, %add3A_114 : i32
      %add3A_116 = arith.constant 1 : i32
      %add3A_117 = arith.addi %add3A_115, %add3A_116 : i32
      %dma_start3A_118 = arith.constant 5 : i32
      %dma_start3A_119 = arith.constant 0 : i32
      %dma_start3A_120 = arith.constant 0 : i32
      %dma_start3A_121 = tpu.memref_slice %arg9[%dma_start3A_118, %dma_start3A_119, %dma_start3A_120] : memref<8x128x32xf32, #tpu.memory_space<vmem>> -> memref<1x128x32xf32, #tpu.memory_space<vmem>>
      %dma_start3A_122 = tpu.memref_squeeze %dma_start3A_121 : memref<1x128x32xf32, #tpu.memory_space<vmem>> -> memref<128x32xf32, #tpu.memory_space<vmem>>
      %dma_start3A_123 = arith.constant 0 : i32
      %dma_start3A_124 = tpu.memref_slice %arg7[%add3A_117, %dma_start3A_123] : memref<80x128xi32, #tpu.memory_space<vmem>> -> memref<1x128xi32, #tpu.memory_space<vmem>>
      %dma_start3A_125 = tpu.memref_squeeze %dma_start3A_124 : memref<1x128xi32, #tpu.memory_space<vmem>> -> memref<128xi32, #tpu.memory_space<vmem>>
      %dma_start3A_126 = arith.constant 0 : i32
      %dma_start3A_127 = arith.constant 0 : i32
      %dma_start3A_128 = tpu.memref_slice %arg10[%dma_start3A_126, %dma_start3A_127] : memref<10000x32xf32, #tpu.memory_space<vmem_shared>> -> memref<10000x32xf32, #tpu.memory_space<vmem_shared>>
      tpu.enqueue_indirect_dma source(%dma_start3A_128 : memref<10000x32xf32, #tpu.memory_space<vmem_shared>>) target(%dma_start3A_122 : memref<128x32xf32, #tpu.memory_space<vmem>>) offsets(%dma_start3A_125 : memref<128xi32, #tpu.memory_space<vmem>>) semaphore(%arg13 : memref<!tpu.dma_semaphore, #tpu.memory_space<semaphore_mem>>)
      %add3A_129 = arith.constant 4 : i32
      %add3A_130 = arith.addi %mul3A_46, %add3A_129 : i32
      %add3A_131 = arith.constant 2 : i32
      %add3A_132 = arith.addi %add3A_130, %add3A_131 : i32
      %dma_start3A_133 = arith.constant 6 : i32
      %dma_start3A_134 = arith.constant 0 : i32
      %dma_start3A_135 = arith.constant 0 : i32
      %dma_start3A_136 = tpu.memref_slice %arg9[%dma_start3A_133, %dma_start3A_134, %dma_start3A_135] : memref<8x128x32xf32, #tpu.memory_space<vmem>> -> memref<1x128x32xf32, #tpu.memory_space<vmem>>
      %dma_start3A_137 = tpu.memref_squeeze %dma_start3A_136 : memref<1x128x32xf32, #tpu.memory_space<vmem>> -> memref<128x32xf32, #tpu.memory_space<vmem>>
      %dma_start3A_138 = arith.constant 0 : i32
      %dma_start3A_139 = tpu.memref_slice %arg7[%add3A_132, %dma_start3A_138] : memref<80x128xi32, #tpu.memory_space<vmem>> -> memref<1x128xi32, #tpu.memory_space<vmem>>
      %dma_start3A_140 = tpu.memref_squeeze %dma_start3A_139 : memref<1x128xi32, #tpu.memory_space<vmem>> -> memref<128xi32, #tpu.memory_space<vmem>>
      %dma_start3A_141 = arith.constant 0 : i32
      %dma_start3A_142 = arith.constant 0 : i32
      %dma_start3A_143 = tpu.memref_slice %arg10[%dma_start3A_141, %dma_start3A_142] : memref<10000x32xf32, #tpu.memory_space<vmem_shared>> -> memref<10000x32xf32, #tpu.memory_space<vmem_shared>>
      tpu.enqueue_indirect_dma source(%dma_start3A_143 : memref<10000x32xf32, #tpu.memory_space<vmem_shared>>) target(%dma_start3A_137 : memref<128x32xf32, #tpu.memory_space<vmem>>) offsets(%dma_start3A_140 : memref<128xi32, #tpu.memory_space<vmem>>) semaphore(%arg13 : memref<!tpu.dma_semaphore, #tpu.memory_space<semaphore_mem>>)
      %add3A_144 = arith.constant 4 : i32
      %add3A_145 = arith.addi %mul3A_46, %add3A_144 : i32
      %add3A_146 = arith.constant 3 : i32
      %add3A_147 = arith.addi %add3A_145, %add3A_146 : i32
      %dma_start3A_148 = arith.constant 7 : i32
      %dma_start3A_149 = arith.constant 0 : i32
      %dma_start3A_150 = arith.constant 0 : i32
      %dma_start3A_151 = tpu.memref_slice %arg9[%dma_start3A_148, %dma_start3A_149, %dma_start3A_150] : memref<8x128x32xf32, #tpu.memory_space<vmem>> -> memref<1x128x32xf32, #tpu.memory_space<vmem>>
      %dma_start3A_152 = tpu.memref_squeeze %dma_start3A_151 : memref<1x128x32xf32, #tpu.memory_space<vmem>> -> memref<128x32xf32, #tpu.memory_space<vmem>>
      %dma_start3A_153 = arith.constant 0 : i32
      %dma_start3A_154 = tpu.memref_slice %arg7[%add3A_147, %dma_start3A_153] : memref<80x128xi32, #tpu.memory_space<vmem>> -> memref<1x128xi32, #tpu.memory_space<vmem>>
      %dma_start3A_155 = tpu.memref_squeeze %dma_start3A_154 : memref<1x128xi32, #tpu.memory_space<vmem>> -> memref<128xi32, #tpu.memory_space<vmem>>
      %dma_start3A_156 = arith.constant 0 : i32
      %dma_start3A_157 = arith.constant 0 : i32
      %dma_start3A_158 = tpu.memref_slice %arg10[%dma_start3A_156, %dma_start3A_157] : memref<10000x32xf32, #tpu.memory_space<vmem_shared>> -> memref<10000x32xf32, #tpu.memory_space<vmem_shared>>
      tpu.enqueue_indirect_dma source(%dma_start3A_158 : memref<10000x32xf32, #tpu.memory_space<vmem_shared>>) target(%dma_start3A_152 : memref<128x32xf32, #tpu.memory_space<vmem>>) offsets(%dma_start3A_155 : memref<128xi32, #tpu.memory_space<vmem>>) semaphore(%arg13 : memref<!tpu.dma_semaphore, #tpu.memory_space<semaphore_mem>>)
      %dma_wait3A_159 = arith.constant 0 : i32
      %dma_wait3A_160 = arith.constant 0 : i32
      %dma_wait3A_161 = arith.constant 0 : i32
      %dma_wait3A_162 = tpu.memref_slice %arg9[%dma_wait3A_159, %dma_wait3A_160, %dma_wait3A_161] : memref<8x128x32xf32, #tpu.memory_space<vmem>> -> memref<1x128x32xf32, #tpu.memory_space<vmem>>
      %dma_wait3A_163 = tpu.memref_squeeze %dma_wait3A_162 : memref<1x128x32xf32, #tpu.memory_space<vmem>> -> memref<128x32xf32, #tpu.memory_space<vmem>>
      %dma_wait3A_164 = arith.constant 0 : i32
      %dma_wait3A_165 = tpu.memref_slice %arg7[%add3A_48, %dma_wait3A_164] : memref<80x128xi32, #tpu.memory_space<vmem>> -> memref<1x128xi32, #tpu.memory_space<vmem>>
      %dma_wait3A_166 = tpu.memref_squeeze %dma_wait3A_165 : memref<1x128xi32, #tpu.memory_space<vmem>> -> memref<128xi32, #tpu.memory_space<vmem>>
      %dma_wait3A_167 = arith.constant 0 : i32
      %dma_wait3A_168 = arith.constant 0 : i32
      %dma_wait3A_169 = tpu.memref_slice %arg10[%dma_wait3A_167, %dma_wait3A_168] : memref<10000x32xf32, #tpu.memory_space<vmem_shared>> -> memref<10000x32xf32, #tpu.memory_space<vmem_shared>>
      tpu.wait_indirect_dma semaphore(%arg12 : memref<!tpu.dma_semaphore, #tpu.memory_space<semaphore_mem>>) src(%dma_wait3A_169 : memref<10000x32xf32, #tpu.memory_space<vmem_shared>>) dst(%dma_wait3A_163 : memref<128x32xf32, #tpu.memory_space<vmem>>)
      %dma_wait3A_170 = arith.constant 1 : i32
      %dma_wait3A_171 = arith.constant 0 : i32
      %dma_wait3A_172 = arith.constant 0 : i32
      %dma_wait3A_173 = tpu.memref_slice %arg9[%dma_wait3A_170, %dma_wait3A_171, %dma_wait3A_172] : memref<8x128x32xf32, #tpu.memory_space<vmem>> -> memref<1x128x32xf32, #tpu.memory_space<vmem>>
      %dma_wait3A_174 = tpu.memref_squeeze %dma_wait3A_173 : memref<1x128x32xf32, #tpu.memory_space<vmem>> -> memref<128x32xf32, #tpu.memory_space<vmem>>
      %dma_wait3A_175 = arith.constant 0 : i32
      %dma_wait3A_176 = tpu.memref_slice %arg7[%add3A_61, %dma_wait3A_175] : memref<80x128xi32, #tpu.memory_space<vmem>> -> memref<1x128xi32, #tpu.memory_space<vmem>>
      %dma_wait3A_177 = tpu.memref_squeeze %dma_wait3A_176 : memref<1x128xi32, #tpu.memory_space<vmem>> -> memref<128xi32, #tpu.memory_space<vmem>>
      %dma_wait3A_178 = arith.constant 0 : i32
      %dma_wait3A_179 = arith.constant 0 : i32
      %dma_wait3A_180 = tpu.memref_slice %arg10[%dma_wait3A_178, %dma_wait3A_179] : memref<10000x32xf32, #tpu.memory_space<vmem_shared>> -> memref<10000x32xf32, #tpu.memory_space<vmem_shared>>
      tpu.wait_indirect_dma semaphore(%arg12 : memref<!tpu.dma_semaphore, #tpu.memory_space<semaphore_mem>>) src(%dma_wait3A_180 : memref<10000x32xf32, #tpu.memory_space<vmem_shared>>) dst(%dma_wait3A_174 : memref<128x32xf32, #tpu.memory_space<vmem>>)
      %dma_wait3A_181 = arith.constant 2 : i32
      %dma_wait3A_182 = arith.constant 0 : i32
      %dma_wait3A_183 = arith.constant 0 : i32
      %dma_wait3A_184 = tpu.memref_slice %arg9[%dma_wait3A_181, %dma_wait3A_182, %dma_wait3A_183] : memref<8x128x32xf32, #tpu.memory_space<vmem>> -> memref<1x128x32xf32, #tpu.memory_space<vmem>>
      %dma_wait3A_185 = tpu.memref_squeeze %dma_wait3A_184 : memref<1x128x32xf32, #tpu.memory_space<vmem>> -> memref<128x32xf32, #tpu.memory_space<vmem>>
      %dma_wait3A_186 = arith.constant 0 : i32
      %dma_wait3A_187 = tpu.memref_slice %arg7[%add3A_74, %dma_wait3A_186] : memref<80x128xi32, #tpu.memory_space<vmem>> -> memref<1x128xi32, #tpu.memory_space<vmem>>
      %dma_wait3A_188 = tpu.memref_squeeze %dma_wait3A_187 : memref<1x128xi32, #tpu.memory_space<vmem>> -> memref<128xi32, #tpu.memory_space<vmem>>
      %dma_wait3A_189 = arith.constant 0 : i32
      %dma_wait3A_190 = arith.constant 0 : i32
      %dma_wait3A_191 = tpu.memref_slice %arg10[%dma_wait3A_189, %dma_wait3A_190] : memref<10000x32xf32, #tpu.memory_space<vmem_shared>> -> memref<10000x32xf32, #tpu.memory_space<vmem_shared>>
      tpu.wait_indirect_dma semaphore(%arg12 : memref<!tpu.dma_semaphore, #tpu.memory_space<semaphore_mem>>) src(%dma_wait3A_191 : memref<10000x32xf32, #tpu.memory_space<vmem_shared>>) dst(%dma_wait3A_185 : memref<128x32xf32, #tpu.memory_space<vmem>>)
      %dma_wait3A_192 = arith.constant 3 : i32
      %dma_wait3A_193 = arith.constant 0 : i32
      %dma_wait3A_194 = arith.constant 0 : i32
      %dma_wait3A_195 = tpu.memref_slice %arg9[%dma_wait3A_192, %dma_wait3A_193, %dma_wait3A_194] : memref<8x128x32xf32, #tpu.memory_space<vmem>> -> memref<1x128x32xf32, #tpu.memory_space<vmem>>
      %dma_wait3A_196 = tpu.memref_squeeze %dma_wait3A_195 : memref<1x128x32xf32, #tpu.memory_space<vmem>> -> memref<128x32xf32, #tpu.memory_space<vmem>>
      %dma_wait3A_197 = arith.constant 0 : i32
      %dma_wait3A_198 = tpu.memref_slice %arg7[%add3A_87, %dma_wait3A_197] : memref<80x128xi32, #tpu.memory_space<vmem>> -> memref<1x128xi32, #tpu.memory_space<vmem>>
      %dma_wait3A_199 = tpu.memref_squeeze %dma_wait3A_198 : memref<1x128xi32, #tpu.memory_space<vmem>> -> memref<128xi32, #tpu.memory_space<vmem>>
      %dma_wait3A_200 = arith.constant 0 : i32
      %dma_wait3A_201 = arith.constant 0 : i32
      %dma_wait3A_202 = tpu.memref_slice %arg10[%dma_wait3A_200, %dma_wait3A_201] : memref<10000x32xf32, #tpu.memory_space<vmem_shared>> -> memref<10000x32xf32, #tpu.memory_space<vmem_shared>>
      tpu.wait_indirect_dma semaphore(%arg12 : memref<!tpu.dma_semaphore, #tpu.memory_space<semaphore_mem>>) src(%dma_wait3A_202 : memref<10000x32xf32, #tpu.memory_space<vmem_shared>>) dst(%dma_wait3A_196 : memref<128x32xf32, #tpu.memory_space<vmem>>)
      %add3A_203 = arith.constant 0 : i32
      %add3A_204 = arith.addi %mul3A_46, %add3A_203 : i32
      %dma_start3A_205 = arith.constant 0 : i32
      %dma_start3A_206 = arith.constant 0 : i32
      %dma_start3A_207 = arith.constant 0 : i32
      %dma_start3A_208 = tpu.memref_slice %arg9[%dma_start3A_205, %dma_start3A_206, %dma_start3A_207] : memref<8x128x32xf32, #tpu.memory_space<vmem>> -> memref<1x128x32xf32, #tpu.memory_space<vmem>>
      %dma_start3A_209 = tpu.memref_squeeze %dma_start3A_208 : memref<1x128x32xf32, #tpu.memory_space<vmem>> -> memref<128x32xf32, #tpu.memory_space<vmem>>
      %dma_start3A_210 = arith.constant 0 : i32
      %dma_start3A_211 = tpu.memref_slice %arg8[%add3A_204, %dma_start3A_210] : memref<80x128xi32, #tpu.memory_space<vmem>> -> memref<1x128xi32, #tpu.memory_space<vmem>>
      %dma_start3A_212 = tpu.memref_squeeze %dma_start3A_211 : memref<1x128xi32, #tpu.memory_space<vmem>> -> memref<128xi32, #tpu.memory_space<vmem>>
      %dma_start3A_213 = arith.constant 0 : i32
      %dma_start3A_214 = arith.constant 0 : i32
      %dma_start3A_215 = tpu.memref_slice %arg11[%dma_start3A_213, %dma_start3A_214] : memref<10008x32xf32, #tpu.memory_space<vmem_shared>> -> memref<10008x32xf32, #tpu.memory_space<vmem_shared>>
      tpu.enqueue_indirect_dma source(%dma_start3A_209 : memref<128x32xf32, #tpu.memory_space<vmem>>) target(%dma_start3A_215 : memref<10008x32xf32, #tpu.memory_space<vmem_shared>>) offsets(%dma_start3A_212 : memref<128xi32, #tpu.memory_space<vmem>>) semaphore(%arg14 : memref<!tpu.dma_semaphore, #tpu.memory_space<semaphore_mem>>) {add = true}
      %add3A_216 = arith.constant 1 : i32
      %add3A_217 = arith.addi %mul3A_46, %add3A_216 : i32
      %dma_start3A_218 = arith.constant 1 : i32
      %dma_start3A_219 = arith.constant 0 : i32
      %dma_start3A_220 = arith.constant 0 : i32
      %dma_start3A_221 = tpu.memref_slice %arg9[%dma_start3A_218, %dma_start3A_219, %dma_start3A_220] : memref<8x128x32xf32, #tpu.memory_space<vmem>> -> memref<1x128x32xf32, #tpu.memory_space<vmem>>
      %dma_start3A_222 = tpu.memref_squeeze %dma_start3A_221 : memref<1x128x32xf32, #tpu.memory_space<vmem>> -> memref<128x32xf32, #tpu.memory_space<vmem>>
      %dma_start3A_223 = arith.constant 0 : i32
      %dma_start3A_224 = tpu.memref_slice %arg8[%add3A_217, %dma_start3A_223] : memref<80x128xi32, #tpu.memory_space<vmem>> -> memref<1x128xi32, #tpu.memory_space<vmem>>
      %dma_start3A_225 = tpu.memref_squeeze %dma_start3A_224 : memref<1x128xi32, #tpu.memory_space<vmem>> -> memref<128xi32, #tpu.memory_space<vmem>>
      %dma_start3A_226 = arith.constant 0 : i32
      %dma_start3A_227 = arith.constant 0 : i32
      %dma_start3A_228 = tpu.memref_slice %arg11[%dma_start3A_226, %dma_start3A_227] : memref<10008x32xf32, #tpu.memory_space<vmem_shared>> -> memref<10008x32xf32, #tpu.memory_space<vmem_shared>>
      tpu.enqueue_indirect_dma source(%dma_start3A_222 : memref<128x32xf32, #tpu.memory_space<vmem>>) target(%dma_start3A_228 : memref<10008x32xf32, #tpu.memory_space<vmem_shared>>) offsets(%dma_start3A_225 : memref<128xi32, #tpu.memory_space<vmem>>) semaphore(%arg14 : memref<!tpu.dma_semaphore, #tpu.memory_space<semaphore_mem>>) {add = true}
      %add3A_229 = arith.constant 2 : i32
      %add3A_230 = arith.addi %mul3A_46, %add3A_229 : i32
      %dma_start3A_231 = arith.constant 2 : i32
      %dma_start3A_232 = arith.constant 0 : i32
      %dma_start3A_233 = arith.constant 0 : i32
      %dma_start3A_234 = tpu.memref_slice %arg9[%dma_start3A_231, %dma_start3A_232, %dma_start3A_233] : memref<8x128x32xf32, #tpu.memory_space<vmem>> -> memref<1x128x32xf32, #tpu.memory_space<vmem>>
      %dma_start3A_235 = tpu.memref_squeeze %dma_start3A_234 : memref<1x128x32xf32, #tpu.memory_space<vmem>> -> memref<128x32xf32, #tpu.memory_space<vmem>>
      %dma_start3A_236 = arith.constant 0 : i32
      %dma_start3A_237 = tpu.memref_slice %arg8[%add3A_230, %dma_start3A_236] : memref<80x128xi32, #tpu.memory_space<vmem>> -> memref<1x128xi32, #tpu.memory_space<vmem>>
      %dma_start3A_238 = tpu.memref_squeeze %dma_start3A_237 : memref<1x128xi32, #tpu.memory_space<vmem>> -> memref<128xi32, #tpu.memory_space<vmem>>
      %dma_start3A_239 = arith.constant 0 : i32
      %dma_start3A_240 = arith.constant 0 : i32
      %dma_start3A_241 = tpu.memref_slice %arg11[%dma_start3A_239, %dma_start3A_240] : memref<10008x32xf32, #tpu.memory_space<vmem_shared>> -> memref<10008x32xf32, #tpu.memory_space<vmem_shared>>
      tpu.enqueue_indirect_dma source(%dma_start3A_235 : memref<128x32xf32, #tpu.memory_space<vmem>>) target(%dma_start3A_241 : memref<10008x32xf32, #tpu.memory_space<vmem_shared>>) offsets(%dma_start3A_238 : memref<128xi32, #tpu.memory_space<vmem>>) semaphore(%arg14 : memref<!tpu.dma_semaphore, #tpu.memory_space<semaphore_mem>>) {add = true}
      %add3A_242 = arith.constant 3 : i32
      %add3A_243 = arith.addi %mul3A_46, %add3A_242 : i32
      %dma_start3A_244 = arith.constant 3 : i32
      %dma_start3A_245 = arith.constant 0 : i32
      %dma_start3A_246 = arith.constant 0 : i32
      %dma_start3A_247 = tpu.memref_slice %arg9[%dma_start3A_244, %dma_start3A_245, %dma_start3A_246] : memref<8x128x32xf32, #tpu.memory_space<vmem>> -> memref<1x128x32xf32, #tpu.memory_space<vmem>>
      %dma_start3A_248 = tpu.memref_squeeze %dma_start3A_247 : memref<1x128x32xf32, #tpu.memory_space<vmem>> -> memref<128x32xf32, #tpu.memory_space<vmem>>
      %dma_start3A_249 = arith.constant 0 : i32
      %dma_start3A_250 = tpu.memref_slice %arg8[%add3A_243, %dma_start3A_249] : memref<80x128xi32, #tpu.memory_space<vmem>> -> memref<1x128xi32, #tpu.memory_space<vmem>>
      %dma_start3A_251 = tpu.memref_squeeze %dma_start3A_250 : memref<1x128xi32, #tpu.memory_space<vmem>> -> memref<128xi32, #tpu.memory_space<vmem>>
      %dma_start3A_252 = arith.constant 0 : i32
      %dma_start3A_253 = arith.constant 0 : i32
      %dma_start3A_254 = tpu.memref_slice %arg11[%dma_start3A_252, %dma_start3A_253] : memref<10008x32xf32, #tpu.memory_space<vmem_shared>> -> memref<10008x32xf32, #tpu.memory_space<vmem_shared>>
      tpu.enqueue_indirect_dma source(%dma_start3A_248 : memref<128x32xf32, #tpu.memory_space<vmem>>) target(%dma_start3A_254 : memref<10008x32xf32, #tpu.memory_space<vmem_shared>>) offsets(%dma_start3A_251 : memref<128xi32, #tpu.memory_space<vmem>>) semaphore(%arg14 : memref<!tpu.dma_semaphore, #tpu.memory_space<semaphore_mem>>) {add = true}
      %dma_wait3A_255 = arith.constant 4 : i32
      %dma_wait3A_256 = arith.constant 0 : i32
      %dma_wait3A_257 = arith.constant 0 : i32
      %dma_wait3A_258 = tpu.memref_slice %arg9[%dma_wait3A_255, %dma_wait3A_256, %dma_wait3A_257] : memref<8x128x32xf32, #tpu.memory_space<vmem>> -> memref<1x128x32xf32, #tpu.memory_space<vmem>>
      %dma_wait3A_259 = tpu.memref_squeeze %dma_wait3A_258 : memref<1x128x32xf32, #tpu.memory_space<vmem>> -> memref<128x32xf32, #tpu.memory_space<vmem>>
      %dma_wait3A_260 = arith.constant 0 : i32
      %dma_wait3A_261 = tpu.memref_slice %arg7[%add3A_102, %dma_wait3A_260] : memref<80x128xi32, #tpu.memory_space<vmem>> -> memref<1x128xi32, #tpu.memory_space<vmem>>
      %dma_wait3A_262 = tpu.memref_squeeze %dma_wait3A_261 : memref<1x128xi32, #tpu.memory_space<vmem>> -> memref<128xi32, #tpu.memory_space<vmem>>
      %dma_wait3A_263 = arith.constant 0 : i32
      %dma_wait3A_264 = arith.constant 0 : i32
      %dma_wait3A_265 = tpu.memref_slice %arg10[%dma_wait3A_263, %dma_wait3A_264] : memref<10000x32xf32, #tpu.memory_space<vmem_shared>> -> memref<10000x32xf32, #tpu.memory_space<vmem_shared>>
      tpu.wait_indirect_dma semaphore(%arg13 : memref<!tpu.dma_semaphore, #tpu.memory_space<semaphore_mem>>) src(%dma_wait3A_265 : memref<10000x32xf32, #tpu.memory_space<vmem_shared>>) dst(%dma_wait3A_259 : memref<128x32xf32, #tpu.memory_space<vmem>>)
      %dma_wait3A_266 = arith.constant 5 : i32
      %dma_wait3A_267 = arith.constant 0 : i32
      %dma_wait3A_268 = arith.constant 0 : i32
      %dma_wait3A_269 = tpu.memref_slice %arg9[%dma_wait3A_266, %dma_wait3A_267, %dma_wait3A_268] : memref<8x128x32xf32, #tpu.memory_space<vmem>> -> memref<1x128x32xf32, #tpu.memory_space<vmem>>
      %dma_wait3A_270 = tpu.memref_squeeze %dma_wait3A_269 : memref<1x128x32xf32, #tpu.memory_space<vmem>> -> memref<128x32xf32, #tpu.memory_space<vmem>>
      %dma_wait3A_271 = arith.constant 0 : i32
      %dma_wait3A_272 = tpu.memref_slice %arg7[%add3A_117, %dma_wait3A_271] : memref<80x128xi32, #tpu.memory_space<vmem>> -> memref<1x128xi32, #tpu.memory_space<vmem>>
      %dma_wait3A_273 = tpu.memref_squeeze %dma_wait3A_272 : memref<1x128xi32, #tpu.memory_space<vmem>> -> memref<128xi32, #tpu.memory_space<vmem>>
      %dma_wait3A_274 = arith.constant 0 : i32
      %dma_wait3A_275 = arith.constant 0 : i32
      %dma_wait3A_276 = tpu.memref_slice %arg10[%dma_wait3A_274, %dma_wait3A_275] : memref<10000x32xf32, #tpu.memory_space<vmem_shared>> -> memref<10000x32xf32, #tpu.memory_space<vmem_shared>>
      tpu.wait_indirect_dma semaphore(%arg13 : memref<!tpu.dma_semaphore, #tpu.memory_space<semaphore_mem>>) src(%dma_wait3A_276 : memref<10000x32xf32, #tpu.memory_space<vmem_shared>>) dst(%dma_wait3A_270 : memref<128x32xf32, #tpu.memory_space<vmem>>)
      %dma_wait3A_277 = arith.constant 6 : i32
      %dma_wait3A_278 = arith.constant 0 : i32
      %dma_wait3A_279 = arith.constant 0 : i32
      %dma_wait3A_280 = tpu.memref_slice %arg9[%dma_wait3A_277, %dma_wait3A_278, %dma_wait3A_279] : memref<8x128x32xf32, #tpu.memory_space<vmem>> -> memref<1x128x32xf32, #tpu.memory_space<vmem>>
      %dma_wait3A_281 = tpu.memref_squeeze %dma_wait3A_280 : memref<1x128x32xf32, #tpu.memory_space<vmem>> -> memref<128x32xf32, #tpu.memory_space<vmem>>
      %dma_wait3A_282 = arith.constant 0 : i32
      %dma_wait3A_283 = tpu.memref_slice %arg7[%add3A_132, %dma_wait3A_282] : memref<80x128xi32, #tpu.memory_space<vmem>> -> memref<1x128xi32, #tpu.memory_space<vmem>>
      %dma_wait3A_284 = tpu.memref_squeeze %dma_wait3A_283 : memref<1x128xi32, #tpu.memory_space<vmem>> -> memref<128xi32, #tpu.memory_space<vmem>>
      %dma_wait3A_285 = arith.constant 0 : i32
      %dma_wait3A_286 = arith.constant 0 : i32
      %dma_wait3A_287 = tpu.memref_slice %arg10[%dma_wait3A_285, %dma_wait3A_286] : memref<10000x32xf32, #tpu.memory_space<vmem_shared>> -> memref<10000x32xf32, #tpu.memory_space<vmem_shared>>
      tpu.wait_indirect_dma semaphore(%arg13 : memref<!tpu.dma_semaphore, #tpu.memory_space<semaphore_mem>>) src(%dma_wait3A_287 : memref<10000x32xf32, #tpu.memory_space<vmem_shared>>) dst(%dma_wait3A_281 : memref<128x32xf32, #tpu.memory_space<vmem>>)
      %dma_wait3A_288 = arith.constant 7 : i32
      %dma_wait3A_289 = arith.constant 0 : i32
      %dma_wait3A_290 = arith.constant 0 : i32
      %dma_wait3A_291 = tpu.memref_slice %arg9[%dma_wait3A_288, %dma_wait3A_289, %dma_wait3A_290] : memref<8x128x32xf32, #tpu.memory_space<vmem>> -> memref<1x128x32xf32, #tpu.memory_space<vmem>>
      %dma_wait3A_292 = tpu.memref_squeeze %dma_wait3A_291 : memref<1x128x32xf32, #tpu.memory_space<vmem>> -> memref<128x32xf32, #tpu.memory_space<vmem>>
      %dma_wait3A_293 = arith.constant 0 : i32
      %dma_wait3A_294 = tpu.memref_slice %arg7[%add3A_147, %dma_wait3A_293] : memref<80x128xi32, #tpu.memory_space<vmem>> -> memref<1x128xi32, #tpu.memory_space<vmem>>
      %dma_wait3A_295 = tpu.memref_squeeze %dma_wait3A_294 : memref<1x128xi32, #tpu.memory_space<vmem>> -> memref<128xi32, #tpu.memory_space<vmem>>
      %dma_wait3A_296 = arith.constant 0 : i32
      %dma_wait3A_297 = arith.constant 0 : i32
      %dma_wait3A_298 = tpu.memref_slice %arg10[%dma_wait3A_296, %dma_wait3A_297] : memref<10000x32xf32, #tpu.memory_space<vmem_shared>> -> memref<10000x32xf32, #tpu.memory_space<vmem_shared>>
      tpu.wait_indirect_dma semaphore(%arg13 : memref<!tpu.dma_semaphore, #tpu.memory_space<semaphore_mem>>) src(%dma_wait3A_298 : memref<10000x32xf32, #tpu.memory_space<vmem_shared>>) dst(%dma_wait3A_292 : memref<128x32xf32, #tpu.memory_space<vmem>>)
      %add3A_299 = arith.constant 4 : i32
      %add3A_300 = arith.addi %mul3A_46, %add3A_299 : i32
      %add3A_301 = arith.constant 0 : i32
      %add3A_302 = arith.addi %add3A_300, %add3A_301 : i32
      %dma_start3A_303 = arith.constant 4 : i32
      %dma_start3A_304 = arith.constant 0 : i32
      %dma_start3A_305 = arith.constant 0 : i32
      %dma_start3A_306 = tpu.memref_slice %arg9[%dma_start3A_303, %dma_start3A_304, %dma_start3A_305] : memref<8x128x32xf32, #tpu.memory_space<vmem>> -> memref<1x128x32xf32, #tpu.memory_space<vmem>>
      %dma_start3A_307 = tpu.memref_squeeze %dma_start3A_306 : memref<1x128x32xf32, #tpu.memory_space<vmem>> -> memref<128x32xf32, #tpu.memory_space<vmem>>
      %dma_start3A_308 = arith.constant 0 : i32
      %dma_start3A_309 = tpu.memref_slice %arg8[%add3A_302, %dma_start3A_308] : memref<80x128xi32, #tpu.memory_space<vmem>> -> memref<1x128xi32, #tpu.memory_space<vmem>>
      %dma_start3A_310 = tpu.memref_squeeze %dma_start3A_309 : memref<1x128xi32, #tpu.memory_space<vmem>> -> memref<128xi32, #tpu.memory_space<vmem>>
      %dma_start3A_311 = arith.constant 0 : i32
      %dma_start3A_312 = arith.constant 0 : i32
      %dma_start3A_313 = tpu.memref_slice %arg11[%dma_start3A_311, %dma_start3A_312] : memref<10008x32xf32, #tpu.memory_space<vmem_shared>> -> memref<10008x32xf32, #tpu.memory_space<vmem_shared>>
      tpu.enqueue_indirect_dma source(%dma_start3A_307 : memref<128x32xf32, #tpu.memory_space<vmem>>) target(%dma_start3A_313 : memref<10008x32xf32, #tpu.memory_space<vmem_shared>>) offsets(%dma_start3A_310 : memref<128xi32, #tpu.memory_space<vmem>>) semaphore(%arg15 : memref<!tpu.dma_semaphore, #tpu.memory_space<semaphore_mem>>) {add = true}
      %add3A_314 = arith.constant 4 : i32
      %add3A_315 = arith.addi %mul3A_46, %add3A_314 : i32
      %add3A_316 = arith.constant 1 : i32
      %add3A_317 = arith.addi %add3A_315, %add3A_316 : i32
      %dma_start3A_318 = arith.constant 5 : i32
      %dma_start3A_319 = arith.constant 0 : i32
      %dma_start3A_320 = arith.constant 0 : i32
      %dma_start3A_321 = tpu.memref_slice %arg9[%dma_start3A_318, %dma_start3A_319, %dma_start3A_320] : memref<8x128x32xf32, #tpu.memory_space<vmem>> -> memref<1x128x32xf32, #tpu.memory_space<vmem>>
      %dma_start3A_322 = tpu.memref_squeeze %dma_start3A_321 : memref<1x128x32xf32, #tpu.memory_space<vmem>> -> memref<128x32xf32, #tpu.memory_space<vmem>>
      %dma_start3A_323 = arith.constant 0 : i32
      %dma_start3A_324 = tpu.memref_slice %arg8[%add3A_317, %dma_start3A_323] : memref<80x128xi32, #tpu.memory_space<vmem>> -> memref<1x128xi32, #tpu.memory_space<vmem>>
      %dma_start3A_325 = tpu.memref_squeeze %dma_start3A_324 : memref<1x128xi32, #tpu.memory_space<vmem>> -> memref<128xi32, #tpu.memory_space<vmem>>
      %dma_start3A_326 = arith.constant 0 : i32
      %dma_start3A_327 = arith.constant 0 : i32
      %dma_start3A_328 = tpu.memref_slice %arg11[%dma_start3A_326, %dma_start3A_327] : memref<10008x32xf32, #tpu.memory_space<vmem_shared>> -> memref<10008x32xf32, #tpu.memory_space<vmem_shared>>
      tpu.enqueue_indirect_dma source(%dma_start3A_322 : memref<128x32xf32, #tpu.memory_space<vmem>>) target(%dma_start3A_328 : memref<10008x32xf32, #tpu.memory_space<vmem_shared>>) offsets(%dma_start3A_325 : memref<128xi32, #tpu.memory_space<vmem>>) semaphore(%arg15 : memref<!tpu.dma_semaphore, #tpu.memory_space<semaphore_mem>>) {add = true}
      %add3A_329 = arith.constant 4 : i32
      %add3A_330 = arith.addi %mul3A_46, %add3A_329 : i32
      %add3A_331 = arith.constant 2 : i32
      %add3A_332 = arith.addi %add3A_330, %add3A_331 : i32
      %dma_start3A_333 = arith.constant 6 : i32
      %dma_start3A_334 = arith.constant 0 : i32
      %dma_start3A_335 = arith.constant 0 : i32
      %dma_start3A_336 = tpu.memref_slice %arg9[%dma_start3A_333, %dma_start3A_334, %dma_start3A_335] : memref<8x128x32xf32, #tpu.memory_space<vmem>> -> memref<1x128x32xf32, #tpu.memory_space<vmem>>
      %dma_start3A_337 = tpu.memref_squeeze %dma_start3A_336 : memref<1x128x32xf32, #tpu.memory_space<vmem>> -> memref<128x32xf32, #tpu.memory_space<vmem>>
      %dma_start3A_338 = arith.constant 0 : i32
      %dma_start3A_339 = tpu.memref_slice %arg8[%add3A_332, %dma_start3A_338] : memref<80x128xi32, #tpu.memory_space<vmem>> -> memref<1x128xi32, #tpu.memory_space<vmem>>
      %dma_start3A_340 = tpu.memref_squeeze %dma_start3A_339 : memref<1x128xi32, #tpu.memory_space<vmem>> -> memref<128xi32, #tpu.memory_space<vmem>>
      %dma_start3A_341 = arith.constant 0 : i32
      %dma_start3A_342 = arith.constant 0 : i32
      %dma_start3A_343 = tpu.memref_slice %arg11[%dma_start3A_341, %dma_start3A_342] : memref<10008x32xf32, #tpu.memory_space<vmem_shared>> -> memref<10008x32xf32, #tpu.memory_space<vmem_shared>>
      tpu.enqueue_indirect_dma source(%dma_start3A_337 : memref<128x32xf32, #tpu.memory_space<vmem>>) target(%dma_start3A_343 : memref<10008x32xf32, #tpu.memory_space<vmem_shared>>) offsets(%dma_start3A_340 : memref<128xi32, #tpu.memory_space<vmem>>) semaphore(%arg15 : memref<!tpu.dma_semaphore, #tpu.memory_space<semaphore_mem>>) {add = true}
      %add3A_344 = arith.constant 4 : i32
      %add3A_345 = arith.addi %mul3A_46, %add3A_344 : i32
      %add3A_346 = arith.constant 3 : i32
      %add3A_347 = arith.addi %add3A_345, %add3A_346 : i32
      %dma_start3A_348 = arith.constant 7 : i32
      %dma_start3A_349 = arith.constant 0 : i32
      %dma_start3A_350 = arith.constant 0 : i32
      %dma_start3A_351 = tpu.memref_slice %arg9[%dma_start3A_348, %dma_start3A_349, %dma_start3A_350] : memref<8x128x32xf32, #tpu.memory_space<vmem>> -> memref<1x128x32xf32, #tpu.memory_space<vmem>>
      %dma_start3A_352 = tpu.memref_squeeze %dma_start3A_351 : memref<1x128x32xf32, #tpu.memory_space<vmem>> -> memref<128x32xf32, #tpu.memory_space<vmem>>
      %dma_start3A_353 = arith.constant 0 : i32
      %dma_start3A_354 = tpu.memref_slice %arg8[%add3A_347, %dma_start3A_353] : memref<80x128xi32, #tpu.memory_space<vmem>> -> memref<1x128xi32, #tpu.memory_space<vmem>>
      %dma_start3A_355 = tpu.memref_squeeze %dma_start3A_354 : memref<1x128xi32, #tpu.memory_space<vmem>> -> memref<128xi32, #tpu.memory_space<vmem>>
      %dma_start3A_356 = arith.constant 0 : i32
      %dma_start3A_357 = arith.constant 0 : i32
      %dma_start3A_358 = tpu.memref_slice %arg11[%dma_start3A_356, %dma_start3A_357] : memref<10008x32xf32, #tpu.memory_space<vmem_shared>> -> memref<10008x32xf32, #tpu.memory_space<vmem_shared>>
      tpu.enqueue_indirect_dma source(%dma_start3A_352 : memref<128x32xf32, #tpu.memory_space<vmem>>) target(%dma_start3A_358 : memref<10008x32xf32, #tpu.memory_space<vmem_shared>>) offsets(%dma_start3A_355 : memref<128xi32, #tpu.memory_space<vmem>>) semaphore(%arg15 : memref<!tpu.dma_semaphore, #tpu.memory_space<semaphore_mem>>) {add = true}
      %dma_wait3A_359 = arith.constant 0 : i32
      %dma_wait3A_360 = arith.constant 0 : i32
      %dma_wait3A_361 = arith.constant 0 : i32
      %dma_wait3A_362 = tpu.memref_slice %arg9[%dma_wait3A_359, %dma_wait3A_360, %dma_wait3A_361] : memref<8x128x32xf32, #tpu.memory_space<vmem>> -> memref<1x128x32xf32, #tpu.memory_space<vmem>>
      %dma_wait3A_363 = tpu.memref_squeeze %dma_wait3A_362 : memref<1x128x32xf32, #tpu.memory_space<vmem>> -> memref<128x32xf32, #tpu.memory_space<vmem>>
      %dma_wait3A_364 = arith.constant 0 : i32
      %dma_wait3A_365 = tpu.memref_slice %arg8[%add3A_204, %dma_wait3A_364] : memref<80x128xi32, #tpu.memory_space<vmem>> -> memref<1x128xi32, #tpu.memory_space<vmem>>
      %dma_wait3A_366 = tpu.memref_squeeze %dma_wait3A_365 : memref<1x128xi32, #tpu.memory_space<vmem>> -> memref<128xi32, #tpu.memory_space<vmem>>
      %dma_wait3A_367 = arith.constant 0 : i32
      %dma_wait3A_368 = arith.constant 0 : i32
      %dma_wait3A_369 = tpu.memref_slice %arg11[%dma_wait3A_367, %dma_wait3A_368] : memref<10008x32xf32, #tpu.memory_space<vmem_shared>> -> memref<10008x32xf32, #tpu.memory_space<vmem_shared>>
      tpu.wait_indirect_dma semaphore(%arg14 : memref<!tpu.dma_semaphore, #tpu.memory_space<semaphore_mem>>) src(%dma_wait3A_363 : memref<128x32xf32, #tpu.memory_space<vmem>>) dst(%dma_wait3A_369 : memref<10008x32xf32, #tpu.memory_space<vmem_shared>>)
      %dma_wait3A_370 = arith.constant 1 : i32
      %dma_wait3A_371 = arith.constant 0 : i32
      %dma_wait3A_372 = arith.constant 0 : i32
      %dma_wait3A_373 = tpu.memref_slice %arg9[%dma_wait3A_370, %dma_wait3A_371, %dma_wait3A_372] : memref<8x128x32xf32, #tpu.memory_space<vmem>> -> memref<1x128x32xf32, #tpu.memory_space<vmem>>
      %dma_wait3A_374 = tpu.memref_squeeze %dma_wait3A_373 : memref<1x128x32xf32, #tpu.memory_space<vmem>> -> memref<128x32xf32, #tpu.memory_space<vmem>>
      %dma_wait3A_375 = arith.constant 0 : i32
      %dma_wait3A_376 = tpu.memref_slice %arg8[%add3A_217, %dma_wait3A_375] : memref<80x128xi32, #tpu.memory_space<vmem>> -> memref<1x128xi32, #tpu.memory_space<vmem>>
      %dma_wait3A_377 = tpu.memref_squeeze %dma_wait3A_376 : memref<1x128xi32, #tpu.memory_space<vmem>> -> memref<128xi32, #tpu.memory_space<vmem>>
      %dma_wait3A_378 = arith.constant 0 : i32
      %dma_wait3A_379 = arith.constant 0 : i32
      %dma_wait3A_380 = tpu.memref_slice %arg11[%dma_wait3A_378, %dma_wait3A_379] : memref<10008x32xf32, #tpu.memory_space<vmem_shared>> -> memref<10008x32xf32, #tpu.memory_space<vmem_shared>>
      tpu.wait_indirect_dma semaphore(%arg14 : memref<!tpu.dma_semaphore, #tpu.memory_space<semaphore_mem>>) src(%dma_wait3A_374 : memref<128x32xf32, #tpu.memory_space<vmem>>) dst(%dma_wait3A_380 : memref<10008x32xf32, #tpu.memory_space<vmem_shared>>)
      %dma_wait3A_381 = arith.constant 2 : i32
      %dma_wait3A_382 = arith.constant 0 : i32
      %dma_wait3A_383 = arith.constant 0 : i32
      %dma_wait3A_384 = tpu.memref_slice %arg9[%dma_wait3A_381, %dma_wait3A_382, %dma_wait3A_383] : memref<8x128x32xf32, #tpu.memory_space<vmem>> -> memref<1x128x32xf32, #tpu.memory_space<vmem>>
      %dma_wait3A_385 = tpu.memref_squeeze %dma_wait3A_384 : memref<1x128x32xf32, #tpu.memory_space<vmem>> -> memref<128x32xf32, #tpu.memory_space<vmem>>
      %dma_wait3A_386 = arith.constant 0 : i32
      %dma_wait3A_387 = tpu.memref_slice %arg8[%add3A_230, %dma_wait3A_386] : memref<80x128xi32, #tpu.memory_space<vmem>> -> memref<1x128xi32, #tpu.memory_space<vmem>>
      %dma_wait3A_388 = tpu.memref_squeeze %dma_wait3A_387 : memref<1x128xi32, #tpu.memory_space<vmem>> -> memref<128xi32, #tpu.memory_space<vmem>>
      %dma_wait3A_389 = arith.constant 0 : i32
      %dma_wait3A_390 = arith.constant 0 : i32
      %dma_wait3A_391 = tpu.memref_slice %arg11[%dma_wait3A_389, %dma_wait3A_390] : memref<10008x32xf32, #tpu.memory_space<vmem_shared>> -> memref<10008x32xf32, #tpu.memory_space<vmem_shared>>
      tpu.wait_indirect_dma semaphore(%arg14 : memref<!tpu.dma_semaphore, #tpu.memory_space<semaphore_mem>>) src(%dma_wait3A_385 : memref<128x32xf32, #tpu.memory_space<vmem>>) dst(%dma_wait3A_391 : memref<10008x32xf32, #tpu.memory_space<vmem_shared>>)
      %dma_wait3A_392 = arith.constant 3 : i32
      %dma_wait3A_393 = arith.constant 0 : i32
      %dma_wait3A_394 = arith.constant 0 : i32
      %dma_wait3A_395 = tpu.memref_slice %arg9[%dma_wait3A_392, %dma_wait3A_393, %dma_wait3A_394] : memref<8x128x32xf32, #tpu.memory_space<vmem>> -> memref<1x128x32xf32, #tpu.memory_space<vmem>>
      %dma_wait3A_396 = tpu.memref_squeeze %dma_wait3A_395 : memref<1x128x32xf32, #tpu.memory_space<vmem>> -> memref<128x32xf32, #tpu.memory_space<vmem>>
      %dma_wait3A_397 = arith.constant 0 : i32
      %dma_wait3A_398 = tpu.memref_slice %arg8[%add3A_243, %dma_wait3A_397] : memref<80x128xi32, #tpu.memory_space<vmem>> -> memref<1x128xi32, #tpu.memory_space<vmem>>
      %dma_wait3A_399 = tpu.memref_squeeze %dma_wait3A_398 : memref<1x128xi32, #tpu.memory_space<vmem>> -> memref<128xi32, #tpu.memory_space<vmem>>
      %dma_wait3A_400 = arith.constant 0 : i32
      %dma_wait3A_401 = arith.constant 0 : i32
      %dma_wait3A_402 = tpu.memref_slice %arg11[%dma_wait3A_400, %dma_wait3A_401] : memref<10008x32xf32, #tpu.memory_space<vmem_shared>> -> memref<10008x32xf32, #tpu.memory_space<vmem_shared>>
      tpu.wait_indirect_dma semaphore(%arg14 : memref<!tpu.dma_semaphore, #tpu.memory_space<semaphore_mem>>) src(%dma_wait3A_396 : memref<128x32xf32, #tpu.memory_space<vmem>>) dst(%dma_wait3A_402 : memref<10008x32xf32, #tpu.memory_space<vmem_shared>>)
      %dma_wait3A_403 = arith.constant 4 : i32
      %dma_wait3A_404 = arith.constant 0 : i32
      %dma_wait3A_405 = arith.constant 0 : i32
      %dma_wait3A_406 = tpu.memref_slice %arg9[%dma_wait3A_403, %dma_wait3A_404, %dma_wait3A_405] : memref<8x128x32xf32, #tpu.memory_space<vmem>> -> memref<1x128x32xf32, #tpu.memory_space<vmem>>
      %dma_wait3A_407 = tpu.memref_squeeze %dma_wait3A_406 : memref<1x128x32xf32, #tpu.memory_space<vmem>> -> memref<128x32xf32, #tpu.memory_space<vmem>>
      %dma_wait3A_408 = arith.constant 0 : i32
      %dma_wait3A_409 = tpu.memref_slice %arg8[%add3A_302, %dma_wait3A_408] : memref<80x128xi32, #tpu.memory_space<vmem>> -> memref<1x128xi32, #tpu.memory_space<vmem>>
      %dma_wait3A_410 = tpu.memref_squeeze %dma_wait3A_409 : memref<1x128xi32, #tpu.memory_space<vmem>> -> memref<128xi32, #tpu.memory_space<vmem>>
      %dma_wait3A_411 = arith.constant 0 : i32
      %dma_wait3A_412 = arith.constant 0 : i32
      %dma_wait3A_413 = tpu.memref_slice %arg11[%dma_wait3A_411, %dma_wait3A_412] : memref<10008x32xf32, #tpu.memory_space<vmem_shared>> -> memref<10008x32xf32, #tpu.memory_space<vmem_shared>>
      tpu.wait_indirect_dma semaphore(%arg15 : memref<!tpu.dma_semaphore, #tpu.memory_space<semaphore_mem>>) src(%dma_wait3A_407 : memref<128x32xf32, #tpu.memory_space<vmem>>) dst(%dma_wait3A_413 : memref<10008x32xf32, #tpu.memory_space<vmem_shared>>)
      %dma_wait3A_414 = arith.constant 5 : i32
      %dma_wait3A_415 = arith.constant 0 : i32
      %dma_wait3A_416 = arith.constant 0 : i32
      %dma_wait3A_417 = tpu.memref_slice %arg9[%dma_wait3A_414, %dma_wait3A_415, %dma_wait3A_416] : memref<8x128x32xf32, #tpu.memory_space<vmem>> -> memref<1x128x32xf32, #tpu.memory_space<vmem>>
      %dma_wait3A_418 = tpu.memref_squeeze %dma_wait3A_417 : memref<1x128x32xf32, #tpu.memory_space<vmem>> -> memref<128x32xf32, #tpu.memory_space<vmem>>
      %dma_wait3A_419 = arith.constant 0 : i32
      %dma_wait3A_420 = tpu.memref_slice %arg8[%add3A_317, %dma_wait3A_419] : memref<80x128xi32, #tpu.memory_space<vmem>> -> memref<1x128xi32, #tpu.memory_space<vmem>>
      %dma_wait3A_421 = tpu.memref_squeeze %dma_wait3A_420 : memref<1x128xi32, #tpu.memory_space<vmem>> -> memref<128xi32, #tpu.memory_space<vmem>>
      %dma_wait3A_422 = arith.constant 0 : i32
      %dma_wait3A_423 = arith.constant 0 : i32
      %dma_wait3A_424 = tpu.memref_slice %arg11[%dma_wait3A_422, %dma_wait3A_423] : memref<10008x32xf32, #tpu.memory_space<vmem_shared>> -> memref<10008x32xf32, #tpu.memory_space<vmem_shared>>
      tpu.wait_indirect_dma semaphore(%arg15 : memref<!tpu.dma_semaphore, #tpu.memory_space<semaphore_mem>>) src(%dma_wait3A_418 : memref<128x32xf32, #tpu.memory_space<vmem>>) dst(%dma_wait3A_424 : memref<10008x32xf32, #tpu.memory_space<vmem_shared>>)
      %dma_wait3A_425 = arith.constant 6 : i32
      %dma_wait3A_426 = arith.constant 0 : i32
      %dma_wait3A_427 = arith.constant 0 : i32
      %dma_wait3A_428 = tpu.memref_slice %arg9[%dma_wait3A_425, %dma_wait3A_426, %dma_wait3A_427] : memref<8x128x32xf32, #tpu.memory_space<vmem>> -> memref<1x128x32xf32, #tpu.memory_space<vmem>>
      %dma_wait3A_429 = tpu.memref_squeeze %dma_wait3A_428 : memref<1x128x32xf32, #tpu.memory_space<vmem>> -> memref<128x32xf32, #tpu.memory_space<vmem>>
      %dma_wait3A_430 = arith.constant 0 : i32
      %dma_wait3A_431 = tpu.memref_slice %arg8[%add3A_332, %dma_wait3A_430] : memref<80x128xi32, #tpu.memory_space<vmem>> -> memref<1x128xi32, #tpu.memory_space<vmem>>
      %dma_wait3A_432 = tpu.memref_squeeze %dma_wait3A_431 : memref<1x128xi32, #tpu.memory_space<vmem>> -> memref<128xi32, #tpu.memory_space<vmem>>
      %dma_wait3A_433 = arith.constant 0 : i32
      %dma_wait3A_434 = arith.constant 0 : i32
      %dma_wait3A_435 = tpu.memref_slice %arg11[%dma_wait3A_433, %dma_wait3A_434] : memref<10008x32xf32, #tpu.memory_space<vmem_shared>> -> memref<10008x32xf32, #tpu.memory_space<vmem_shared>>
      tpu.wait_indirect_dma semaphore(%arg15 : memref<!tpu.dma_semaphore, #tpu.memory_space<semaphore_mem>>) src(%dma_wait3A_429 : memref<128x32xf32, #tpu.memory_space<vmem>>) dst(%dma_wait3A_435 : memref<10008x32xf32, #tpu.memory_space<vmem_shared>>)
      %dma_wait3A_436 = arith.constant 7 : i32
      %dma_wait3A_437 = arith.constant 0 : i32
      %dma_wait3A_438 = arith.constant 0 : i32
      %dma_wait3A_439 = tpu.memref_slice %arg9[%dma_wait3A_436, %dma_wait3A_437, %dma_wait3A_438] : memref<8x128x32xf32, #tpu.memory_space<vmem>> -> memref<1x128x32xf32, #tpu.memory_space<vmem>>
      %dma_wait3A_440 = tpu.memref_squeeze %dma_wait3A_439 : memref<1x128x32xf32, #tpu.memory_space<vmem>> -> memref<128x32xf32, #tpu.memory_space<vmem>>
      %dma_wait3A_441 = arith.constant 0 : i32
      %dma_wait3A_442 = tpu.memref_slice %arg8[%add3A_347, %dma_wait3A_441] : memref<80x128xi32, #tpu.memory_space<vmem>> -> memref<1x128xi32, #tpu.memory_space<vmem>>
      %dma_wait3A_443 = tpu.memref_squeeze %dma_wait3A_442 : memref<1x128xi32, #tpu.memory_space<vmem>> -> memref<128xi32, #tpu.memory_space<vmem>>
      %dma_wait3A_444 = arith.constant 0 : i32
      %dma_wait3A_445 = arith.constant 0 : i32
      %dma_wait3A_446 = tpu.memref_slice %arg11[%dma_wait3A_444, %dma_wait3A_445] : memref<10008x32xf32, #tpu.memory_space<vmem_shared>> -> memref<10008x32xf32, #tpu.memory_space<vmem_shared>>
      tpu.wait_indirect_dma semaphore(%arg15 : memref<!tpu.dma_semaphore, #tpu.memory_space<semaphore_mem>>) src(%dma_wait3A_440 : memref<128x32xf32, #tpu.memory_space<vmem>>) dst(%dma_wait3A_446 : memref<10008x32xf32, #tpu.memory_space<vmem_shared>>)
    }
    %scan3A_28 = arith.constant 10 : i32
    %barrier3A_29 = arith.constant 0 : index
    tpu.barrier barrier_id(%barrier3A_29)
    %lt3A_30 = arith.constant 15 : i32
    %lt3A_31 = arith.cmpi slt, %arg1, %lt3A_30 : i32
    %convert_element_type3A_32 = arith.extui %lt3A_31 : i1 to i32
    %cond3A_33 = arith.constant 0 : i32
    %cond3A_34 = arith.cmpi ne, %convert_element_type3A_32, %cond3A_33 : i32
    scf.if %cond3A_34 {
      %mul3A_40 = arith.constant 160 : i32
      %mul3A_41 = arith.muli %arg1, %mul3A_40 : i32
      %add3A_42 = arith.constant 0 : i32
      %add3A_43 = arith.addi %add3A_42, %mul3A_41 : i32
      %mul3A_44 = arith.constant 160 : i32
      %mul3A_45 = arith.muli %arg1, %mul3A_44 : i32
      %dma_start3A_46 = arith.constant 0 : i32
      %dma_start3A_47 = tpu.memref_slice %arg6[%arg0, %mul3A_45, %dma_start3A_46] : memref<2x2504x128xf32, #tpu.memory_space<hbm>> -> memref<1x160x32xf32, #tpu.memory_space<hbm>>
      %dma_start3A_48 = tpu.memref_squeeze %dma_start3A_47 : memref<1x160x32xf32, #tpu.memory_space<hbm>> -> memref<160x32xf32, #tpu.memory_space<hbm>>
      %dma_start3A_49 = arith.constant 0 : i32
      %dma_start3A_50 = tpu.memref_slice %arg11[%add3A_43, %dma_start3A_49] : memref<10008x32xf32, #tpu.memory_space<vmem_shared>> -> memref<160x32xf32, #tpu.memory_space<vmem_shared>>
      tpu.enqueue_dma source(%dma_start3A_50 : memref<160x32xf32, #tpu.memory_space<vmem_shared>>) target(%dma_start3A_48 : memref<160x32xf32, #tpu.memory_space<hbm>>) target_semaphore(%arg12 : memref<!tpu.dma_semaphore, #tpu.memory_space<semaphore_mem>>)
      %mul3A_51 = arith.constant 160 : i32
      %mul3A_52 = arith.muli %arg1, %mul3A_51 : i32
      %add3A_53 = arith.constant 2500 : i32
      %add3A_54 = arith.addi %add3A_53, %mul3A_52 : i32
      %mul3A_55 = arith.constant 160 : i32
      %mul3A_56 = arith.muli %arg1, %mul3A_55 : i32
      %dma_start3A_57 = arith.constant 32 : i32
      %dma_start3A_58 = tpu.memref_slice %arg6[%arg0, %mul3A_56, %dma_start3A_57] : memref<2x2504x128xf32, #tpu.memory_space<hbm>> -> memref<1x160x32xf32, #tpu.memory_space<hbm>>
      %dma_start3A_59 = tpu.memref_squeeze %dma_start3A_58 : memref<1x160x32xf32, #tpu.memory_space<hbm>> -> memref<160x32xf32, #tpu.memory_space<hbm>>
      %dma_start3A_60 = arith.constant 0 : i32
      %dma_start3A_61 = tpu.memref_slice %arg11[%add3A_54, %dma_start3A_60] : memref<10008x32xf32, #tpu.memory_space<vmem_shared>> -> memref<160x32xf32, #tpu.memory_space<vmem_shared>>
      tpu.enqueue_dma source(%dma_start3A_61 : memref<160x32xf32, #tpu.memory_space<vmem_shared>>) target(%dma_start3A_59 : memref<160x32xf32, #tpu.memory_space<hbm>>) target_semaphore(%arg12 : memref<!tpu.dma_semaphore, #tpu.memory_space<semaphore_mem>>)
      %mul3A_62 = arith.constant 160 : i32
      %mul3A_63 = arith.muli %arg1, %mul3A_62 : i32
      %add3A_64 = arith.constant 5000 : i32
      %add3A_65 = arith.addi %add3A_64, %mul3A_63 : i32
      %mul3A_66 = arith.constant 160 : i32
      %mul3A_67 = arith.muli %arg1, %mul3A_66 : i32
      %dma_start3A_68 = arith.constant 64 : i32
      %dma_start3A_69 = tpu.memref_slice %arg6[%arg0, %mul3A_67, %dma_start3A_68] : memref<2x2504x128xf32, #tpu.memory_space<hbm>> -> memref<1x160x32xf32, #tpu.memory_space<hbm>>
      %dma_start3A_70 = tpu.memref_squeeze %dma_start3A_69 : memref<1x160x32xf32, #tpu.memory_space<hbm>> -> memref<160x32xf32, #tpu.memory_space<hbm>>
      %dma_start3A_71 = arith.constant 0 : i32
      %dma_start3A_72 = tpu.memref_slice %arg11[%add3A_65, %dma_start3A_71] : memref<10008x32xf32, #tpu.memory_space<vmem_shared>> -> memref<160x32xf32, #tpu.memory_space<vmem_shared>>
      tpu.enqueue_dma source(%dma_start3A_72 : memref<160x32xf32, #tpu.memory_space<vmem_shared>>) target(%dma_start3A_70 : memref<160x32xf32, #tpu.memory_space<hbm>>) target_semaphore(%arg12 : memref<!tpu.dma_semaphore, #tpu.memory_space<semaphore_mem>>)
      %mul3A_73 = arith.constant 160 : i32
      %mul3A_74 = arith.muli %arg1, %mul3A_73 : i32
      %add3A_75 = arith.constant 7500 : i32
      %add3A_76 = arith.addi %add3A_75, %mul3A_74 : i32
      %mul3A_77 = arith.constant 160 : i32
      %mul3A_78 = arith.muli %arg1, %mul3A_77 : i32
      %dma_start3A_79 = arith.constant 96 : i32
      %dma_start3A_80 = tpu.memref_slice %arg6[%arg0, %mul3A_78, %dma_start3A_79] : memref<2x2504x128xf32, #tpu.memory_space<hbm>> -> memref<1x160x32xf32, #tpu.memory_space<hbm>>
      %dma_start3A_81 = tpu.memref_squeeze %dma_start3A_80 : memref<1x160x32xf32, #tpu.memory_space<hbm>> -> memref<160x32xf32, #tpu.memory_space<hbm>>
      %dma_start3A_82 = arith.constant 0 : i32
      %dma_start3A_83 = tpu.memref_slice %arg11[%add3A_76, %dma_start3A_82] : memref<10008x32xf32, #tpu.memory_space<vmem_shared>> -> memref<160x32xf32, #tpu.memory_space<vmem_shared>>
      tpu.enqueue_dma source(%dma_start3A_83 : memref<160x32xf32, #tpu.memory_space<vmem_shared>>) target(%dma_start3A_81 : memref<160x32xf32, #tpu.memory_space<hbm>>) target_semaphore(%arg12 : memref<!tpu.dma_semaphore, #tpu.memory_space<semaphore_mem>>)
      %dma_wait3A_84 = arith.constant 0 : i32
      %dma_wait3A_85 = tpu.memref_slice %arg6[%arg0, %mul3A_45, %dma_wait3A_84] : memref<2x2504x128xf32, #tpu.memory_space<hbm>> -> memref<1x160x32xf32, #tpu.memory_space<hbm>>
      %dma_wait3A_86 = tpu.memref_squeeze %dma_wait3A_85 : memref<1x160x32xf32, #tpu.memory_space<hbm>> -> memref<160x32xf32, #tpu.memory_space<hbm>>
      %dma_wait3A_87 = arith.constant 0 : i32
      %dma_wait3A_88 = tpu.memref_slice %arg11[%add3A_43, %dma_wait3A_87] : memref<10008x32xf32, #tpu.memory_space<vmem_shared>> -> memref<160x32xf32, #tpu.memory_space<vmem_shared>>
      tpu.wait_dma2 semaphore(%arg12 : memref<!tpu.dma_semaphore, #tpu.memory_space<semaphore_mem>>) src(%dma_wait3A_88 : memref<160x32xf32, #tpu.memory_space<vmem_shared>>) dst(%dma_wait3A_86 : memref<160x32xf32, #tpu.memory_space<hbm>>)
      %dma_wait3A_89 = arith.constant 32 : i32
      %dma_wait3A_90 = tpu.memref_slice %arg6[%arg0, %mul3A_56, %dma_wait3A_89] : memref<2x2504x128xf32, #tpu.memory_space<hbm>> -> memref<1x160x32xf32, #tpu.memory_space<hbm>>
      %dma_wait3A_91 = tpu.memref_squeeze %dma_wait3A_90 : memref<1x160x32xf32, #tpu.memory_space<hbm>> -> memref<160x32xf32, #tpu.memory_space<hbm>>
      %dma_wait3A_92 = arith.constant 0 : i32
      %dma_wait3A_93 = tpu.memref_slice %arg11[%add3A_54, %dma_wait3A_92] : memref<10008x32xf32, #tpu.memory_space<vmem_shared>> -> memref<160x32xf32, #tpu.memory_space<vmem_shared>>
      tpu.wait_dma2 semaphore(%arg12 : memref<!tpu.dma_semaphore, #tpu.memory_space<semaphore_mem>>) src(%dma_wait3A_93 : memref<160x32xf32, #tpu.memory_space<vmem_shared>>) dst(%dma_wait3A_91 : memref<160x32xf32, #tpu.memory_space<hbm>>)
      %dma_wait3A_94 = arith.constant 64 : i32
      %dma_wait3A_95 = tpu.memref_slice %arg6[%arg0, %mul3A_67, %dma_wait3A_94] : memref<2x2504x128xf32, #tpu.memory_space<hbm>> -> memref<1x160x32xf32, #tpu.memory_space<hbm>>
      %dma_wait3A_96 = tpu.memref_squeeze %dma_wait3A_95 : memref<1x160x32xf32, #tpu.memory_space<hbm>> -> memref<160x32xf32, #tpu.memory_space<hbm>>
      %dma_wait3A_97 = arith.constant 0 : i32
      %dma_wait3A_98 = tpu.memref_slice %arg11[%add3A_65, %dma_wait3A_97] : memref<10008x32xf32, #tpu.memory_space<vmem_shared>> -> memref<160x32xf32, #tpu.memory_space<vmem_shared>>
      tpu.wait_dma2 semaphore(%arg12 : memref<!tpu.dma_semaphore, #tpu.memory_space<semaphore_mem>>) src(%dma_wait3A_98 : memref<160x32xf32, #tpu.memory_space<vmem_shared>>) dst(%dma_wait3A_96 : memref<160x32xf32, #tpu.memory_space<hbm>>)
      %dma_wait3A_99 = arith.constant 96 : i32
      %dma_wait3A_100 = tpu.memref_slice %arg6[%arg0, %mul3A_78, %dma_wait3A_99] : memref<2x2504x128xf32, #tpu.memory_space<hbm>> -> memref<1x160x32xf32, #tpu.memory_space<hbm>>
      %dma_wait3A_101 = tpu.memref_squeeze %dma_wait3A_100 : memref<1x160x32xf32, #tpu.memory_space<hbm>> -> memref<160x32xf32, #tpu.memory_space<hbm>>
      %dma_wait3A_102 = arith.constant 0 : i32
      %dma_wait3A_103 = tpu.memref_slice %arg11[%add3A_76, %dma_wait3A_102] : memref<10008x32xf32, #tpu.memory_space<vmem_shared>> -> memref<160x32xf32, #tpu.memory_space<vmem_shared>>
      tpu.wait_dma2 semaphore(%arg12 : memref<!tpu.dma_semaphore, #tpu.memory_space<semaphore_mem>>) src(%dma_wait3A_103 : memref<160x32xf32, #tpu.memory_space<vmem_shared>>) dst(%dma_wait3A_101 : memref<160x32xf32, #tpu.memory_space<hbm>>)
    } else {
    }
    %eq3A_35 = arith.constant 15 : i32
    %eq3A_36 = arith.cmpi eq, %arg1, %eq3A_35 : i32
    %convert_element_type3A_37 = arith.extui %eq3A_36 : i1 to i32
    %cond3A_38 = arith.constant 0 : i32
    %cond3A_39 = arith.cmpi ne, %convert_element_type3A_37, %cond3A_38 : i32
    scf.if %cond3A_39 {
      %dma_start3A_40 = arith.constant 2400 : i32
      %dma_start3A_41 = arith.constant 0 : i32
      %dma_start3A_42 = tpu.memref_slice %arg6[%arg0, %dma_start3A_40, %dma_start3A_41] : memref<2x2504x128xf32, #tpu.memory_space<hbm>> -> memref<1x100x32xf32, #tpu.memory_space<hbm>>
      %dma_start3A_43 = tpu.memref_squeeze %dma_start3A_42 : memref<1x100x32xf32, #tpu.memory_space<hbm>> -> memref<100x32xf32, #tpu.memory_space<hbm>>
      %dma_start3A_44 = arith.constant 2400 : i32
      %dma_start3A_45 = arith.constant 0 : i32
      %dma_start3A_46 = tpu.memref_slice %arg11[%dma_start3A_44, %dma_start3A_45] : memref<10008x32xf32, #tpu.memory_space<vmem_shared>> -> memref<100x32xf32, #tpu.memory_space<vmem_shared>>
      tpu.enqueue_dma source(%dma_start3A_46 : memref<100x32xf32, #tpu.memory_space<vmem_shared>>) target(%dma_start3A_43 : memref<100x32xf32, #tpu.memory_space<hbm>>) target_semaphore(%arg12 : memref<!tpu.dma_semaphore, #tpu.memory_space<semaphore_mem>>)
      %dma_start3A_47 = arith.constant 2400 : i32
      %dma_start3A_48 = arith.constant 32 : i32
      %dma_start3A_49 = tpu.memref_slice %arg6[%arg0, %dma_start3A_47, %dma_start3A_48] : memref<2x2504x128xf32, #tpu.memory_space<hbm>> -> memref<1x100x32xf32, #tpu.memory_space<hbm>>
      %dma_start3A_50 = tpu.memref_squeeze %dma_start3A_49 : memref<1x100x32xf32, #tpu.memory_space<hbm>> -> memref<100x32xf32, #tpu.memory_space<hbm>>
      %dma_start3A_51 = arith.constant 4900 : i32
      %dma_start3A_52 = arith.constant 0 : i32
      %dma_start3A_53 = tpu.memref_slice %arg11[%dma_start3A_51, %dma_start3A_52] : memref<10008x32xf32, #tpu.memory_space<vmem_shared>> -> memref<100x32xf32, #tpu.memory_space<vmem_shared>>
      tpu.enqueue_dma source(%dma_start3A_53 : memref<100x32xf32, #tpu.memory_space<vmem_shared>>) target(%dma_start3A_50 : memref<100x32xf32, #tpu.memory_space<hbm>>) target_semaphore(%arg12 : memref<!tpu.dma_semaphore, #tpu.memory_space<semaphore_mem>>)
      %dma_start3A_54 = arith.constant 2400 : i32
      %dma_start3A_55 = arith.constant 64 : i32
      %dma_start3A_56 = tpu.memref_slice %arg6[%arg0, %dma_start3A_54, %dma_start3A_55] : memref<2x2504x128xf32, #tpu.memory_space<hbm>> -> memref<1x100x32xf32, #tpu.memory_space<hbm>>
      %dma_start3A_57 = tpu.memref_squeeze %dma_start3A_56 : memref<1x100x32xf32, #tpu.memory_space<hbm>> -> memref<100x32xf32, #tpu.memory_space<hbm>>
      %dma_start3A_58 = arith.constant 7400 : i32
      %dma_start3A_59 = arith.constant 0 : i32
      %dma_start3A_60 = tpu.memref_slice %arg11[%dma_start3A_58, %dma_start3A_59] : memref<10008x32xf32, #tpu.memory_space<vmem_shared>> -> memref<100x32xf32, #tpu.memory_space<vmem_shared>>
      tpu.enqueue_dma source(%dma_start3A_60 : memref<100x32xf32, #tpu.memory_space<vmem_shared>>) target(%dma_start3A_57 : memref<100x32xf32, #tpu.memory_space<hbm>>) target_semaphore(%arg12 : memref<!tpu.dma_semaphore, #tpu.memory_space<semaphore_mem>>)
      %dma_start3A_61 = arith.constant 2400 : i32
      %dma_start3A_62 = arith.constant 96 : i32
      %dma_start3A_63 = tpu.memref_slice %arg6[%arg0, %dma_start3A_61, %dma_start3A_62] : memref<2x2504x128xf32, #tpu.memory_space<hbm>> -> memref<1x100x32xf32, #tpu.memory_space<hbm>>
      %dma_start3A_64 = tpu.memref_squeeze %dma_start3A_63 : memref<1x100x32xf32, #tpu.memory_space<hbm>> -> memref<100x32xf32, #tpu.memory_space<hbm>>
      %dma_start3A_65 = arith.constant 9900 : i32
      %dma_start3A_66 = arith.constant 0 : i32
      %dma_start3A_67 = tpu.memref_slice %arg11[%dma_start3A_65, %dma_start3A_66] : memref<10008x32xf32, #tpu.memory_space<vmem_shared>> -> memref<100x32xf32, #tpu.memory_space<vmem_shared>>
      tpu.enqueue_dma source(%dma_start3A_67 : memref<100x32xf32, #tpu.memory_space<vmem_shared>>) target(%dma_start3A_64 : memref<100x32xf32, #tpu.memory_space<hbm>>) target_semaphore(%arg12 : memref<!tpu.dma_semaphore, #tpu.memory_space<semaphore_mem>>)
      %dma_wait3A_68 = arith.constant 2400 : i32
      %dma_wait3A_69 = arith.constant 0 : i32
      %dma_wait3A_70 = tpu.memref_slice %arg6[%arg0, %dma_wait3A_68, %dma_wait3A_69] : memref<2x2504x128xf32, #tpu.memory_space<hbm>> -> memref<1x100x32xf32, #tpu.memory_space<hbm>>
      %dma_wait3A_71 = tpu.memref_squeeze %dma_wait3A_70 : memref<1x100x32xf32, #tpu.memory_space<hbm>> -> memref<100x32xf32, #tpu.memory_space<hbm>>
      %dma_wait3A_72 = arith.constant 2400 : i32
      %dma_wait3A_73 = arith.constant 0 : i32
      %dma_wait3A_74 = tpu.memref_slice %arg11[%dma_wait3A_72, %dma_wait3A_73] : memref<10008x32xf32, #tpu.memory_space<vmem_shared>> -> memref<100x32xf32, #tpu.memory_space<vmem_shared>>
      tpu.wait_dma2 semaphore(%arg12 : memref<!tpu.dma_semaphore, #tpu.memory_space<semaphore_mem>>) src(%dma_wait3A_74 : memref<100x32xf32, #tpu.memory_space<vmem_shared>>) dst(%dma_wait3A_71 : memref<100x32xf32, #tpu.memory_space<hbm>>)
      %dma_wait3A_75 = arith.constant 2400 : i32
      %dma_wait3A_76 = arith.constant 32 : i32
      %dma_wait3A_77 = tpu.memref_slice %arg6[%arg0, %dma_wait3A_75, %dma_wait3A_76] : memref<2x2504x128xf32, #tpu.memory_space<hbm>> -> memref<1x100x32xf32, #tpu.memory_space<hbm>>
      %dma_wait3A_78 = tpu.memref_squeeze %dma_wait3A_77 : memref<1x100x32xf32, #tpu.memory_space<hbm>> -> memref<100x32xf32, #tpu.memory_space<hbm>>
      %dma_wait3A_79 = arith.constant 4900 : i32
      %dma_wait3A_80 = arith.constant 0 : i32
      %dma_wait3A_81 = tpu.memref_slice %arg11[%dma_wait3A_79, %dma_wait3A_80] : memref<10008x32xf32, #tpu.memory_space<vmem_shared>> -> memref<100x32xf32, #tpu.memory_space<vmem_shared>>
      tpu.wait_dma2 semaphore(%arg12 : memref<!tpu.dma_semaphore, #tpu.memory_space<semaphore_mem>>) src(%dma_wait3A_81 : memref<100x32xf32, #tpu.memory_space<vmem_shared>>) dst(%dma_wait3A_78 : memref<100x32xf32, #tpu.memory_space<hbm>>)
      %dma_wait3A_82 = arith.constant 2400 : i32
      %dma_wait3A_83 = arith.constant 64 : i32
      %dma_wait3A_84 = tpu.memref_slice %arg6[%arg0, %dma_wait3A_82, %dma_wait3A_83] : memref<2x2504x128xf32, #tpu.memory_space<hbm>> -> memref<1x100x32xf32, #tpu.memory_space<hbm>>
      %dma_wait3A_85 = tpu.memref_squeeze %dma_wait3A_84 : memref<1x100x32xf32, #tpu.memory_space<hbm>> -> memref<100x32xf32, #tpu.memory_space<hbm>>
      %dma_wait3A_86 = arith.constant 7400 : i32
      %dma_wait3A_87 = arith.constant 0 : i32
      %dma_wait3A_88 = tpu.memref_slice %arg11[%dma_wait3A_86, %dma_wait3A_87] : memref<10008x32xf32, #tpu.memory_space<vmem_shared>> -> memref<100x32xf32, #tpu.memory_space<vmem_shared>>
      tpu.wait_dma2 semaphore(%arg12 : memref<!tpu.dma_semaphore, #tpu.memory_space<semaphore_mem>>) src(%dma_wait3A_88 : memref<100x32xf32, #tpu.memory_space<vmem_shared>>) dst(%dma_wait3A_85 : memref<100x32xf32, #tpu.memory_space<hbm>>)
      %dma_wait3A_89 = arith.constant 2400 : i32
      %dma_wait3A_90 = arith.constant 96 : i32
      %dma_wait3A_91 = tpu.memref_slice %arg6[%arg0, %dma_wait3A_89, %dma_wait3A_90] : memref<2x2504x128xf32, #tpu.memory_space<hbm>> -> memref<1x100x32xf32, #tpu.memory_space<hbm>>
      %dma_wait3A_92 = tpu.memref_squeeze %dma_wait3A_91 : memref<1x100x32xf32, #tpu.memory_space<hbm>> -> memref<100x32xf32, #tpu.memory_space<hbm>>
      %dma_wait3A_93 = arith.constant 9900 : i32
      %dma_wait3A_94 = arith.constant 0 : i32
      %dma_wait3A_95 = tpu.memref_slice %arg11[%dma_wait3A_93, %dma_wait3A_94] : memref<10008x32xf32, #tpu.memory_space<vmem_shared>> -> memref<100x32xf32, #tpu.memory_space<vmem_shared>>
      tpu.wait_dma2 semaphore(%arg12 : memref<!tpu.dma_semaphore, #tpu.memory_space<semaphore_mem>>) src(%dma_wait3A_95 : memref<100x32xf32, #tpu.memory_space<vmem_shared>>) dst(%dma_wait3A_92 : memref<100x32xf32, #tpu.memory_space<hbm>>)
    } else {
    }
    return
  }
}

#map = affine_map<(d0, d1) -> (0, 0)>
#map1 = affine_map<(d0, d1) -> (0, 0, 0)>
module attributes {stable_mosaic.version = 14 : i64} {
  func.func @k(%arg0: i32, %arg1: i32, %arg2: memref<2500x128xf32, #tpu.memory_space<hbm>>, %arg3: memref<2560x128xi32, #tpu.memory_space<hbm>>, %arg4: memref<2560x128xi32, #tpu.memory_space<hbm>>, %arg5: memref<10008x32xf32, #tpu.memory_space<hbm>>, %arg6: memref<2x2504x128xf32, #tpu.memory_space<hbm>>, %arg7: memref<80x128xi32, #tpu.memory_space<vmem>>, %arg8: memref<80x128xi32, #tpu.memory_space<vmem>>, %arg9: memref<8x128x32xf32, #tpu.memory_space<vmem>>, %arg10: memref<10000x32xf32, #tpu.memory_space<vmem_shared>>, %arg11: memref<10008x32xf32, #tpu.memory_space<vmem_shared>>, %arg12: memref<!tpu.dma_semaphore, #tpu.memory_space<semaphore_mem>>, %arg13: memref<!tpu.dma_semaphore, #tpu.memory_space<semaphore_mem>>, %arg14: memref<!tpu.dma_semaphore, #tpu.memory_space<semaphore_mem>>, %arg15: memref<!tpu.dma_semaphore, #tpu.memory_space<semaphore_mem>>) attributes {dimension_semantics = [#tpu.dimension_semantics<core_parallel>, #tpu.dimension_semantics<subcore_parallel>], iteration_bounds = array<i64: 2, 16>, scalar_prefetch = 0 : i64, scratch_operands = 9 : i64, tpu.core_type = #tpu.core_type<sc_vector_subcore>, window_params = [{transform_indices = #map}, {transform_indices = #map}, {transform_indices = #map}, {transform_indices = #map}, {transform_indices = #map1}]} {
    %mul3A = arith.constant 2 : i32
    %mul3A_0 = arith.muli %arg1, %mul3A : i32
    %add3A = arith.addi %mul3A_0, %arg0 : i32
    %mul3A_1 = arith.constant 80 : i32
    %mul3A_2 = arith.muli %add3A, %mul3A_1 : i32
    %dma_start3A = arith.constant 0 : i32
    %dma_start3A_3 = tpu.memref_slice %arg3[%mul3A_2, %dma_start3A] : memref<2560x128xi32, #tpu.memory_space<hbm>> -> memref<80x128xi32, #tpu.memory_space<hbm>>
    %dma_start3A_4 = arith.constant 0 : i32
    %dma_start3A_5 = tpu.memref_slice %arg3[%mul3A_2, %dma_start3A_4] : memref<2560x128xi32, #tpu.memory_space<hbm>> -> memref<80x128xi32, #tpu.memory_space<hbm>>
    tpu.enqueue_dma source(%dma_start3A_5 : memref<80x128xi32, #tpu.memory_space<hbm>>) target(%arg7 : memref<80x128xi32, #tpu.memory_space<vmem>>) target_semaphore(%arg14 : memref<!tpu.dma_semaphore, #tpu.memory_space<semaphore_mem>>)
    %mul3A_6 = arith.constant 80 : i32
    %mul3A_7 = arith.muli %add3A, %mul3A_6 : i32
    %dma_start3A_8 = arith.constant 0 : i32
    %dma_start3A_9 = tpu.memref_slice %arg4[%mul3A_7, %dma_start3A_8] : memref<2560x128xi32, #tpu.memory_space<hbm>> -> memref<80x128xi32, #tpu.memory_space<hbm>>
    %dma_start3A_10 = arith.constant 0 : i32
    %dma_start3A_11 = tpu.memref_slice %arg4[%mul3A_7, %dma_start3A_10] : memref<2560x128xi32, #tpu.memory_space<hbm>> -> memref<80x128xi32, #tpu.memory_space<hbm>>
    tpu.enqueue_dma source(%dma_start3A_11 : memref<80x128xi32, #tpu.memory_space<hbm>>) target(%arg8 : memref<80x128xi32, #tpu.memory_space<vmem>>) target_semaphore(%arg15 : memref<!tpu.dma_semaphore, #tpu.memory_space<semaphore_mem>>)
    %lt3A = arith.constant 15 : i32
    %lt3A_12 = arith.cmpi slt, %arg1, %lt3A : i32
    %convert_element_type3A = arith.extui %lt3A_12 : i1 to i32
    %cond3A = arith.constant 0 : i32
    %cond3A_13 = arith.cmpi ne, %convert_element_type3A, %cond3A : i32
    scf.if %cond3A_13 {
      %mul3A_40 = arith.constant 632 : i32
      %mul3A_41 = arith.muli %arg1, %mul3A_40 : i32
      %mul3A_42 = arith.constant 632 : i32
      %mul3A_43 = arith.muli %arg1, %mul3A_42 : i32
      %dma_start3A_44 = arith.constant 0 : i32
      %dma_start3A_45 = tpu.memref_slice %arg11[%mul3A_43, %dma_start3A_44] : memref<10008x32xf32, #tpu.memory_space<vmem_shared>> -> memref<632x32xf32, #tpu.memory_space<vmem_shared>>
      %dma_start3A_46 = arith.constant 0 : i32
      %dma_start3A_47 = tpu.memref_slice %arg5[%mul3A_41, %dma_start3A_46] : memref<10008x32xf32, #tpu.memory_space<hbm>> -> memref<632x32xf32, #tpu.memory_space<hbm>>
      tpu.enqueue_dma source(%dma_start3A_47 : memref<632x32xf32, #tpu.memory_space<hbm>>) target(%dma_start3A_45 : memref<632x32xf32, #tpu.memory_space<vmem_shared>>) target_semaphore(%arg12 : memref<!tpu.dma_semaphore, #tpu.memory_space<semaphore_mem>>)
      %mul3A_48 = arith.constant 160 : i32
      %mul3A_49 = arith.muli %arg1, %mul3A_48 : i32
      %mul3A_50 = arith.constant 160 : i32
      %mul3A_51 = arith.muli %arg1, %mul3A_50 : i32
      %add3A_52 = arith.constant 0 : i32
      %add3A_53 = arith.addi %add3A_52, %mul3A_51 : i32
      %dma_start3A_54 = arith.constant 0 : i32
      %dma_start3A_55 = tpu.memref_slice %arg10[%add3A_53, %dma_start3A_54] : memref<10000x32xf32, #tpu.memory_space<vmem_shared>> -> memref<160x32xf32, #tpu.memory_space<vmem_shared>>
      %dma_start3A_56 = arith.constant 0 : i32
      %dma_start3A_57 = tpu.memref_slice %arg2[%mul3A_49, %dma_start3A_56] : memref<2500x128xf32, #tpu.memory_space<hbm>> -> memref<160x32xf32, #tpu.memory_space<hbm>>
      tpu.enqueue_dma source(%dma_start3A_57 : memref<160x32xf32, #tpu.memory_space<hbm>>) target(%dma_start3A_55 : memref<160x32xf32, #tpu.memory_space<vmem_shared>>) target_semaphore(%arg13 : memref<!tpu.dma_semaphore, #tpu.memory_space<semaphore_mem>>)
      %mul3A_58 = arith.constant 160 : i32
      %mul3A_59 = arith.muli %arg1, %mul3A_58 : i32
      %mul3A_60 = arith.constant 160 : i32
      %mul3A_61 = arith.muli %arg1, %mul3A_60 : i32
      %add3A_62 = arith.constant 2500 : i32
      %add3A_63 = arith.addi %add3A_62, %mul3A_61 : i32
      %dma_start3A_64 = arith.constant 0 : i32
      %dma_start3A_65 = tpu.memref_slice %arg10[%add3A_63, %dma_start3A_64] : memref<10000x32xf32, #tpu.memory_space<vmem_shared>> -> memref<160x32xf32, #tpu.memory_space<vmem_shared>>
      %dma_start3A_66 = arith.constant 32 : i32
      %dma_start3A_67 = tpu.memref_slice %arg2[%mul3A_59, %dma_start3A_66] : memref<2500x128xf32, #tpu.memory_space<hbm>> -> memref<160x32xf32, #tpu.memory_space<hbm>>
      tpu.enqueue_dma source(%dma_start3A_67 : memref<160x32xf32, #tpu.memory_space<hbm>>) target(%dma_start3A_65 : memref<160x32xf32, #tpu.memory_space<vmem_shared>>) target_semaphore(%arg13 : memref<!tpu.dma_semaphore, #tpu.memory_space<semaphore_mem>>)
      %mul3A_68 = arith.constant 160 : i32
      %mul3A_69 = arith.muli %arg1, %mul3A_68 : i32
      %mul3A_70 = arith.constant 160 : i32
      %mul3A_71 = arith.muli %arg1, %mul3A_70 : i32
      %add3A_72 = arith.constant 5000 : i32
      %add3A_73 = arith.addi %add3A_72, %mul3A_71 : i32
      %dma_start3A_74 = arith.constant 0 : i32
      %dma_start3A_75 = tpu.memref_slice %arg10[%add3A_73, %dma_start3A_74] : memref<10000x32xf32, #tpu.memory_space<vmem_shared>> -> memref<160x32xf32, #tpu.memory_space<vmem_shared>>
      %dma_start3A_76 = arith.constant 64 : i32
      %dma_start3A_77 = tpu.memref_slice %arg2[%mul3A_69, %dma_start3A_76] : memref<2500x128xf32, #tpu.memory_space<hbm>> -> memref<160x32xf32, #tpu.memory_space<hbm>>
      tpu.enqueue_dma source(%dma_start3A_77 : memref<160x32xf32, #tpu.memory_space<hbm>>) target(%dma_start3A_75 : memref<160x32xf32, #tpu.memory_space<vmem_shared>>) target_semaphore(%arg13 : memref<!tpu.dma_semaphore, #tpu.memory_space<semaphore_mem>>)
      %mul3A_78 = arith.constant 160 : i32
      %mul3A_79 = arith.muli %arg1, %mul3A_78 : i32
      %mul3A_80 = arith.constant 160 : i32
      %mul3A_81 = arith.muli %arg1, %mul3A_80 : i32
      %add3A_82 = arith.constant 7500 : i32
      %add3A_83 = arith.addi %add3A_82, %mul3A_81 : i32
      %dma_start3A_84 = arith.constant 0 : i32
      %dma_start3A_85 = tpu.memref_slice %arg10[%add3A_83, %dma_start3A_84] : memref<10000x32xf32, #tpu.memory_space<vmem_shared>> -> memref<160x32xf32, #tpu.memory_space<vmem_shared>>
      %dma_start3A_86 = arith.constant 96 : i32
      %dma_start3A_87 = tpu.memref_slice %arg2[%mul3A_79, %dma_start3A_86] : memref<2500x128xf32, #tpu.memory_space<hbm>> -> memref<160x32xf32, #tpu.memory_space<hbm>>
      tpu.enqueue_dma source(%dma_start3A_87 : memref<160x32xf32, #tpu.memory_space<hbm>>) target(%dma_start3A_85 : memref<160x32xf32, #tpu.memory_space<vmem_shared>>) target_semaphore(%arg13 : memref<!tpu.dma_semaphore, #tpu.memory_space<semaphore_mem>>)
      %dma_wait3A_88 = arith.constant 0 : i32
      %dma_wait3A_89 = tpu.memref_slice %arg11[%mul3A_43, %dma_wait3A_88] : memref<10008x32xf32, #tpu.memory_space<vmem_shared>> -> memref<632x32xf32, #tpu.memory_space<vmem_shared>>
      %dma_wait3A_90 = arith.constant 0 : i32
      %dma_wait3A_91 = tpu.memref_slice %arg5[%mul3A_41, %dma_wait3A_90] : memref<10008x32xf32, #tpu.memory_space<hbm>> -> memref<632x32xf32, #tpu.memory_space<hbm>>
      tpu.wait_dma2 semaphore(%arg12 : memref<!tpu.dma_semaphore, #tpu.memory_space<semaphore_mem>>) src(%dma_wait3A_91 : memref<632x32xf32, #tpu.memory_space<hbm>>) dst(%dma_wait3A_89 : memref<632x32xf32, #tpu.memory_space<vmem_shared>>)
      %dma_wait3A_92 = arith.constant 0 : i32
      %dma_wait3A_93 = tpu.memref_slice %arg10[%add3A_53, %dma_wait3A_92] : memref<10000x32xf32, #tpu.memory_space<vmem_shared>> -> memref<160x32xf32, #tpu.memory_space<vmem_shared>>
      %dma_wait3A_94 = arith.constant 0 : i32
      %dma_wait3A_95 = tpu.memref_slice %arg2[%mul3A_49, %dma_wait3A_94] : memref<2500x128xf32, #tpu.memory_space<hbm>> -> memref<160x32xf32, #tpu.memory_space<hbm>>
      tpu.wait_dma2 semaphore(%arg13 : memref<!tpu.dma_semaphore, #tpu.memory_space<semaphore_mem>>) src(%dma_wait3A_95 : memref<160x32xf32, #tpu.memory_space<hbm>>) dst(%dma_wait3A_93 : memref<160x32xf32, #tpu.memory_space<vmem_shared>>)
      %dma_wait3A_96 = arith.constant 0 : i32
      %dma_wait3A_97 = tpu.memref_slice %arg10[%add3A_63, %dma_wait3A_96] : memref<10000x32xf32, #tpu.memory_space<vmem_shared>> -> memref<160x32xf32, #tpu.memory_space<vmem_shared>>
      %dma_wait3A_98 = arith.constant 32 : i32
      %dma_wait3A_99 = tpu.memref_slice %arg2[%mul3A_59, %dma_wait3A_98] : memref<2500x128xf32, #tpu.memory_space<hbm>> -> memref<160x32xf32, #tpu.memory_space<hbm>>
      tpu.wait_dma2 semaphore(%arg13 : memref<!tpu.dma_semaphore, #tpu.memory_space<semaphore_mem>>) src(%dma_wait3A_99 : memref<160x32xf32, #tpu.memory_space<hbm>>) dst(%dma_wait3A_97 : memref<160x32xf32, #tpu.memory_space<vmem_shared>>)
      %dma_wait3A_100 = arith.constant 0 : i32
      %dma_wait3A_101 = tpu.memref_slice %arg10[%add3A_73, %dma_wait3A_100] : memref<10000x32xf32, #tpu.memory_space<vmem_shared>> -> memref<160x32xf32, #tpu.memory_space<vmem_shared>>
      %dma_wait3A_102 = arith.constant 64 : i32
      %dma_wait3A_103 = tpu.memref_slice %arg2[%mul3A_69, %dma_wait3A_102] : memref<2500x128xf32, #tpu.memory_space<hbm>> -> memref<160x32xf32, #tpu.memory_space<hbm>>
      tpu.wait_dma2 semaphore(%arg13 : memref<!tpu.dma_semaphore, #tpu.memory_space<semaphore_mem>>) src(%dma_wait3A_103 : memref<160x32xf32, #tpu.memory_space<hbm>>) dst(%dma_wait3A_101 : memref<160x32xf32, #tpu.memory_space<vmem_shared>>)
      %dma_wait3A_104 = arith.constant 0 : i32
      %dma_wait3A_105 = tpu.memref_slice %arg10[%add3A_83, %dma_wait3A_104] : memref<10000x32xf32, #tpu.memory_space<vmem_shared>> -> memref<160x32xf32, #tpu.memory_space<vmem_shared>>
      %dma_wait3A_106 = arith.constant 96 : i32
      %dma_wait3A_107 = tpu.memref_slice %arg2[%mul3A_79, %dma_wait3A_106] : memref<2500x128xf32, #tpu.memory_space<hbm>> -> memref<160x32xf32, #tpu.memory_space<hbm>>
      tpu.wait_dma2 semaphore(%arg13 : memref<!tpu.dma_semaphore, #tpu.memory_space<semaphore_mem>>) src(%dma_wait3A_107 : memref<160x32xf32, #tpu.memory_space<hbm>>) dst(%dma_wait3A_105 : memref<160x32xf32, #tpu.memory_space<vmem_shared>>)
    } else {
    }
    %eq3A = arith.constant 15 : i32
    %eq3A_14 = arith.cmpi eq, %arg1, %eq3A : i32
    %convert_element_type3A_15 = arith.extui %eq3A_14 : i1 to i32
    %cond3A_16 = arith.constant 0 : i32
    %cond3A_17 = arith.cmpi ne, %convert_element_type3A_15, %cond3A_16 : i32
    scf.if %cond3A_17 {
      %dma_start3A_40 = arith.constant 9480 : i32
      %dma_start3A_41 = arith.constant 0 : i32
      %dma_start3A_42 = tpu.memref_slice %arg11[%dma_start3A_40, %dma_start3A_41] : memref<10008x32xf32, #tpu.memory_space<vmem_shared>> -> memref<528x32xf32, #tpu.memory_space<vmem_shared>>
      %dma_start3A_43 = arith.constant 9480 : i32
      %dma_start3A_44 = arith.constant 0 : i32
      %dma_start3A_45 = tpu.memref_slice %arg5[%dma_start3A_43, %dma_start3A_44] : memref<10008x32xf32, #tpu.memory_space<hbm>> -> memref<528x32xf32, #tpu.memory_space<hbm>>
      tpu.enqueue_dma source(%dma_start3A_45 : memref<528x32xf32, #tpu.memory_space<hbm>>) target(%dma_start3A_42 : memref<528x32xf32, #tpu.memory_space<vmem_shared>>) target_semaphore(%arg12 : memref<!tpu.dma_semaphore, #tpu.memory_space<semaphore_mem>>)
      %dma_start3A_46 = arith.constant 2400 : i32
      %dma_start3A_47 = arith.constant 0 : i32
      %dma_start3A_48 = tpu.memref_slice %arg10[%dma_start3A_46, %dma_start3A_47] : memref<10000x32xf32, #tpu.memory_space<vmem_shared>> -> memref<100x32xf32, #tpu.memory_space<vmem_shared>>
      %dma_start3A_49 = arith.constant 2400 : i32
      %dma_start3A_50 = arith.constant 0 : i32
      %dma_start3A_51 = tpu.memref_slice %arg2[%dma_start3A_49, %dma_start3A_50] : memref<2500x128xf32, #tpu.memory_space<hbm>> -> memref<100x32xf32, #tpu.memory_space<hbm>>
      tpu.enqueue_dma source(%dma_start3A_51 : memref<100x32xf32, #tpu.memory_space<hbm>>) target(%dma_start3A_48 : memref<100x32xf32, #tpu.memory_space<vmem_shared>>) target_semaphore(%arg13 : memref<!tpu.dma_semaphore, #tpu.memory_space<semaphore_mem>>)
      %dma_start3A_52 = arith.constant 4900 : i32
      %dma_start3A_53 = arith.constant 0 : i32
      %dma_start3A_54 = tpu.memref_slice %arg10[%dma_start3A_52, %dma_start3A_53] : memref<10000x32xf32, #tpu.memory_space<vmem_shared>> -> memref<100x32xf32, #tpu.memory_space<vmem_shared>>
      %dma_start3A_55 = arith.constant 2400 : i32
      %dma_start3A_56 = arith.constant 32 : i32
      %dma_start3A_57 = tpu.memref_slice %arg2[%dma_start3A_55, %dma_start3A_56] : memref<2500x128xf32, #tpu.memory_space<hbm>> -> memref<100x32xf32, #tpu.memory_space<hbm>>
      tpu.enqueue_dma source(%dma_start3A_57 : memref<100x32xf32, #tpu.memory_space<hbm>>) target(%dma_start3A_54 : memref<100x32xf32, #tpu.memory_space<vmem_shared>>) target_semaphore(%arg13 : memref<!tpu.dma_semaphore, #tpu.memory_space<semaphore_mem>>)
      %dma_start3A_58 = arith.constant 7400 : i32
      %dma_start3A_59 = arith.constant 0 : i32
      %dma_start3A_60 = tpu.memref_slice %arg10[%dma_start3A_58, %dma_start3A_59] : memref<10000x32xf32, #tpu.memory_space<vmem_shared>> -> memref<100x32xf32, #tpu.memory_space<vmem_shared>>
      %dma_start3A_61 = arith.constant 2400 : i32
      %dma_start3A_62 = arith.constant 64 : i32
      %dma_start3A_63 = tpu.memref_slice %arg2[%dma_start3A_61, %dma_start3A_62] : memref<2500x128xf32, #tpu.memory_space<hbm>> -> memref<100x32xf32, #tpu.memory_space<hbm>>
      tpu.enqueue_dma source(%dma_start3A_63 : memref<100x32xf32, #tpu.memory_space<hbm>>) target(%dma_start3A_60 : memref<100x32xf32, #tpu.memory_space<vmem_shared>>) target_semaphore(%arg13 : memref<!tpu.dma_semaphore, #tpu.memory_space<semaphore_mem>>)
      %dma_start3A_64 = arith.constant 9900 : i32
      %dma_start3A_65 = arith.constant 0 : i32
      %dma_start3A_66 = tpu.memref_slice %arg10[%dma_start3A_64, %dma_start3A_65] : memref<10000x32xf32, #tpu.memory_space<vmem_shared>> -> memref<100x32xf32, #tpu.memory_space<vmem_shared>>
      %dma_start3A_67 = arith.constant 2400 : i32
      %dma_start3A_68 = arith.constant 96 : i32
      %dma_start3A_69 = tpu.memref_slice %arg2[%dma_start3A_67, %dma_start3A_68] : memref<2500x128xf32, #tpu.memory_space<hbm>> -> memref<100x32xf32, #tpu.memory_space<hbm>>
      tpu.enqueue_dma source(%dma_start3A_69 : memref<100x32xf32, #tpu.memory_space<hbm>>) target(%dma_start3A_66 : memref<100x32xf32, #tpu.memory_space<vmem_shared>>) target_semaphore(%arg13 : memref<!tpu.dma_semaphore, #tpu.memory_space<semaphore_mem>>)
      %dma_wait3A_70 = arith.constant 9480 : i32
      %dma_wait3A_71 = arith.constant 0 : i32
      %dma_wait3A_72 = tpu.memref_slice %arg11[%dma_wait3A_70, %dma_wait3A_71] : memref<10008x32xf32, #tpu.memory_space<vmem_shared>> -> memref<528x32xf32, #tpu.memory_space<vmem_shared>>
      %dma_wait3A_73 = arith.constant 9480 : i32
      %dma_wait3A_74 = arith.constant 0 : i32
      %dma_wait3A_75 = tpu.memref_slice %arg5[%dma_wait3A_73, %dma_wait3A_74] : memref<10008x32xf32, #tpu.memory_space<hbm>> -> memref<528x32xf32, #tpu.memory_space<hbm>>
      tpu.wait_dma2 semaphore(%arg12 : memref<!tpu.dma_semaphore, #tpu.memory_space<semaphore_mem>>) src(%dma_wait3A_75 : memref<528x32xf32, #tpu.memory_space<hbm>>) dst(%dma_wait3A_72 : memref<528x32xf32, #tpu.memory_space<vmem_shared>>)
      %dma_wait3A_76 = arith.constant 2400 : i32
      %dma_wait3A_77 = arith.constant 0 : i32
      %dma_wait3A_78 = tpu.memref_slice %arg10[%dma_wait3A_76, %dma_wait3A_77] : memref<10000x32xf32, #tpu.memory_space<vmem_shared>> -> memref<100x32xf32, #tpu.memory_space<vmem_shared>>
      %dma_wait3A_79 = arith.constant 2400 : i32
      %dma_wait3A_80 = arith.constant 0 : i32
      %dma_wait3A_81 = tpu.memref_slice %arg2[%dma_wait3A_79, %dma_wait3A_80] : memref<2500x128xf32, #tpu.memory_space<hbm>> -> memref<100x32xf32, #tpu.memory_space<hbm>>
      tpu.wait_dma2 semaphore(%arg13 : memref<!tpu.dma_semaphore, #tpu.memory_space<semaphore_mem>>) src(%dma_wait3A_81 : memref<100x32xf32, #tpu.memory_space<hbm>>) dst(%dma_wait3A_78 : memref<100x32xf32, #tpu.memory_space<vmem_shared>>)
      %dma_wait3A_82 = arith.constant 4900 : i32
      %dma_wait3A_83 = arith.constant 0 : i32
      %dma_wait3A_84 = tpu.memref_slice %arg10[%dma_wait3A_82, %dma_wait3A_83] : memref<10000x32xf32, #tpu.memory_space<vmem_shared>> -> memref<100x32xf32, #tpu.memory_space<vmem_shared>>
      %dma_wait3A_85 = arith.constant 2400 : i32
      %dma_wait3A_86 = arith.constant 32 : i32
      %dma_wait3A_87 = tpu.memref_slice %arg2[%dma_wait3A_85, %dma_wait3A_86] : memref<2500x128xf32, #tpu.memory_space<hbm>> -> memref<100x32xf32, #tpu.memory_space<hbm>>
      tpu.wait_dma2 semaphore(%arg13 : memref<!tpu.dma_semaphore, #tpu.memory_space<semaphore_mem>>) src(%dma_wait3A_87 : memref<100x32xf32, #tpu.memory_space<hbm>>) dst(%dma_wait3A_84 : memref<100x32xf32, #tpu.memory_space<vmem_shared>>)
      %dma_wait3A_88 = arith.constant 7400 : i32
      %dma_wait3A_89 = arith.constant 0 : i32
      %dma_wait3A_90 = tpu.memref_slice %arg10[%dma_wait3A_88, %dma_wait3A_89] : memref<10000x32xf32, #tpu.memory_space<vmem_shared>> -> memref<100x32xf32, #tpu.memory_space<vmem_shared>>
      %dma_wait3A_91 = arith.constant 2400 : i32
      %dma_wait3A_92 = arith.constant 64 : i32
      %dma_wait3A_93 = tpu.memref_slice %arg2[%dma_wait3A_91, %dma_wait3A_92] : memref<2500x128xf32, #tpu.memory_space<hbm>> -> memref<100x32xf32, #tpu.memory_space<hbm>>
      tpu.wait_dma2 semaphore(%arg13 : memref<!tpu.dma_semaphore, #tpu.memory_space<semaphore_mem>>) src(%dma_wait3A_93 : memref<100x32xf32, #tpu.memory_space<hbm>>) dst(%dma_wait3A_90 : memref<100x32xf32, #tpu.memory_space<vmem_shared>>)
      %dma_wait3A_94 = arith.constant 9900 : i32
      %dma_wait3A_95 = arith.constant 0 : i32
      %dma_wait3A_96 = tpu.memref_slice %arg10[%dma_wait3A_94, %dma_wait3A_95] : memref<10000x32xf32, #tpu.memory_space<vmem_shared>> -> memref<100x32xf32, #tpu.memory_space<vmem_shared>>
      %dma_wait3A_97 = arith.constant 2400 : i32
      %dma_wait3A_98 = arith.constant 96 : i32
      %dma_wait3A_99 = tpu.memref_slice %arg2[%dma_wait3A_97, %dma_wait3A_98] : memref<2500x128xf32, #tpu.memory_space<hbm>> -> memref<100x32xf32, #tpu.memory_space<hbm>>
      tpu.wait_dma2 semaphore(%arg13 : memref<!tpu.dma_semaphore, #tpu.memory_space<semaphore_mem>>) src(%dma_wait3A_99 : memref<100x32xf32, #tpu.memory_space<hbm>>) dst(%dma_wait3A_96 : memref<100x32xf32, #tpu.memory_space<vmem_shared>>)
    } else {
    }
    %dma_wait3A = arith.constant 0 : i32
    %dma_wait3A_18 = tpu.memref_slice %arg3[%mul3A_2, %dma_wait3A] : memref<2560x128xi32, #tpu.memory_space<hbm>> -> memref<80x128xi32, #tpu.memory_space<hbm>>
    %dma_wait3A_19 = arith.constant 0 : i32
    %dma_wait3A_20 = tpu.memref_slice %arg3[%mul3A_2, %dma_wait3A_19] : memref<2560x128xi32, #tpu.memory_space<hbm>> -> memref<80x128xi32, #tpu.memory_space<hbm>>
    tpu.wait_dma2 semaphore(%arg14 : memref<!tpu.dma_semaphore, #tpu.memory_space<semaphore_mem>>) src(%dma_wait3A_20 : memref<80x128xi32, #tpu.memory_space<hbm>>) dst(%arg7 : memref<80x128xi32, #tpu.memory_space<vmem>>)
    %dma_wait3A_21 = arith.constant 0 : i32
    %dma_wait3A_22 = tpu.memref_slice %arg4[%mul3A_7, %dma_wait3A_21] : memref<2560x128xi32, #tpu.memory_space<hbm>> -> memref<80x128xi32, #tpu.memory_space<hbm>>
    %dma_wait3A_23 = arith.constant 0 : i32
    %dma_wait3A_24 = tpu.memref_slice %arg4[%mul3A_7, %dma_wait3A_23] : memref<2560x128xi32, #tpu.memory_space<hbm>> -> memref<80x128xi32, #tpu.memory_space<hbm>>
    tpu.wait_dma2 semaphore(%arg15 : memref<!tpu.dma_semaphore, #tpu.memory_space<semaphore_mem>>) src(%dma_wait3A_24 : memref<80x128xi32, #tpu.memory_space<hbm>>) dst(%arg8 : memref<80x128xi32, #tpu.memory_space<vmem>>)
    %barrier3A = arith.constant 0 : index
    tpu.barrier barrier_id(%barrier3A)
    %scan3A = arith.constant 0 : i32
    %scan3A_25 = arith.constant 10 : i32
    %scan3A_26 = arith.addi %scan3A, %scan3A_25 : i32
    %scan3A_27 = arith.constant 1 : i32
    scf.for %scan3A_40 = %scan3A to %scan3A_26 step %scan3A_27  : i32 {
      %mul3A_41 = arith.constant 1 : i32
      %mul3A_42 = arith.muli %scan3A_40, %mul3A_41 : i32
      %add3A_43 = arith.constant 0 : i32
      %add3A_44 = arith.addi %add3A_43, %mul3A_42 : i32
      %mul3A_45 = arith.constant 8 : i32
      %mul3A_46 = arith.muli %add3A_44, %mul3A_45 : i32
      %add3A_47 = arith.constant 0 : i32
      %add3A_48 = arith.addi %mul3A_46, %add3A_47 : i32
      %dma_start3A_49 = arith.constant 0 : i32
      %dma_start3A_50 = arith.constant 0 : i32
      %dma_start3A_51 = arith.constant 0 : i32
      %dma_start3A_52 = tpu.memref_slice %arg9[%dma_start3A_49, %dma_start3A_50, %dma_start3A_51] : memref<8x128x32xf32, #tpu.memory_space<vmem>> -> memref<1x128x32xf32, #tpu.memory_space<vmem>>
      %dma_start3A_53 = tpu.memref_squeeze %dma_start3A_52 : memref<1x128x32xf32, #tpu.memory_space<vmem>> -> memref<128x32xf32, #tpu.memory_space<vmem>>
      %dma_start3A_54 = arith.constant 0 : i32
      %dma_start3A_55 = tpu.memref_slice %arg7[%add3A_48, %dma_start3A_54] : memref<80x128xi32, #tpu.memory_space<vmem>> -> memref<1x128xi32, #tpu.memory_space<vmem>>
      %dma_start3A_56 = tpu.memref_squeeze %dma_start3A_55 : memref<1x128xi32, #tpu.memory_space<vmem>> -> memref<128xi32, #tpu.memory_space<vmem>>
      %dma_start3A_57 = arith.constant 0 : i32
      %dma_start3A_58 = arith.constant 0 : i32
      %dma_start3A_59 = tpu.memref_slice %arg10[%dma_start3A_57, %dma_start3A_58] : memref<10000x32xf32, #tpu.memory_space<vmem_shared>> -> memref<10000x32xf32, #tpu.memory_space<vmem_shared>>
      tpu.enqueue_indirect_dma source(%dma_start3A_59 : memref<10000x32xf32, #tpu.memory_space<vmem_shared>>) target(%dma_start3A_53 : memref<128x32xf32, #tpu.memory_space<vmem>>) offsets(%dma_start3A_56 : memref<128xi32, #tpu.memory_space<vmem>>) semaphore(%arg12 : memref<!tpu.dma_semaphore, #tpu.memory_space<semaphore_mem>>)
      %add3A_60 = arith.constant 1 : i32
      %add3A_61 = arith.addi %mul3A_46, %add3A_60 : i32
      %dma_start3A_62 = arith.constant 1 : i32
      %dma_start3A_63 = arith.constant 0 : i32
      %dma_start3A_64 = arith.constant 0 : i32
      %dma_start3A_65 = tpu.memref_slice %arg9[%dma_start3A_62, %dma_start3A_63, %dma_start3A_64] : memref<8x128x32xf32, #tpu.memory_space<vmem>> -> memref<1x128x32xf32, #tpu.memory_space<vmem>>
      %dma_start3A_66 = tpu.memref_squeeze %dma_start3A_65 : memref<1x128x32xf32, #tpu.memory_space<vmem>> -> memref<128x32xf32, #tpu.memory_space<vmem>>
      %dma_start3A_67 = arith.constant 0 : i32
      %dma_start3A_68 = tpu.memref_slice %arg7[%add3A_61, %dma_start3A_67] : memref<80x128xi32, #tpu.memory_space<vmem>> -> memref<1x128xi32, #tpu.memory_space<vmem>>
      %dma_start3A_69 = tpu.memref_squeeze %dma_start3A_68 : memref<1x128xi32, #tpu.memory_space<vmem>> -> memref<128xi32, #tpu.memory_space<vmem>>
      %dma_start3A_70 = arith.constant 0 : i32
      %dma_start3A_71 = arith.constant 0 : i32
      %dma_start3A_72 = tpu.memref_slice %arg10[%dma_start3A_70, %dma_start3A_71] : memref<10000x32xf32, #tpu.memory_space<vmem_shared>> -> memref<10000x32xf32, #tpu.memory_space<vmem_shared>>
      tpu.enqueue_indirect_dma source(%dma_start3A_72 : memref<10000x32xf32, #tpu.memory_space<vmem_shared>>) target(%dma_start3A_66 : memref<128x32xf32, #tpu.memory_space<vmem>>) offsets(%dma_start3A_69 : memref<128xi32, #tpu.memory_space<vmem>>) semaphore(%arg12 : memref<!tpu.dma_semaphore, #tpu.memory_space<semaphore_mem>>)
      %add3A_73 = arith.constant 2 : i32
      %add3A_74 = arith.addi %mul3A_46, %add3A_73 : i32
      %dma_start3A_75 = arith.constant 2 : i32
      %dma_start3A_76 = arith.constant 0 : i32
      %dma_start3A_77 = arith.constant 0 : i32
      %dma_start3A_78 = tpu.memref_slice %arg9[%dma_start3A_75, %dma_start3A_76, %dma_start3A_77] : memref<8x128x32xf32, #tpu.memory_space<vmem>> -> memref<1x128x32xf32, #tpu.memory_space<vmem>>
      %dma_start3A_79 = tpu.memref_squeeze %dma_start3A_78 : memref<1x128x32xf32, #tpu.memory_space<vmem>> -> memref<128x32xf32, #tpu.memory_space<vmem>>
      %dma_start3A_80 = arith.constant 0 : i32
      %dma_start3A_81 = tpu.memref_slice %arg7[%add3A_74, %dma_start3A_80] : memref<80x128xi32, #tpu.memory_space<vmem>> -> memref<1x128xi32, #tpu.memory_space<vmem>>
      %dma_start3A_82 = tpu.memref_squeeze %dma_start3A_81 : memref<1x128xi32, #tpu.memory_space<vmem>> -> memref<128xi32, #tpu.memory_space<vmem>>
      %dma_start3A_83 = arith.constant 0 : i32
      %dma_start3A_84 = arith.constant 0 : i32
      %dma_start3A_85 = tpu.memref_slice %arg10[%dma_start3A_83, %dma_start3A_84] : memref<10000x32xf32, #tpu.memory_space<vmem_shared>> -> memref<10000x32xf32, #tpu.memory_space<vmem_shared>>
      tpu.enqueue_indirect_dma source(%dma_start3A_85 : memref<10000x32xf32, #tpu.memory_space<vmem_shared>>) target(%dma_start3A_79 : memref<128x32xf32, #tpu.memory_space<vmem>>) offsets(%dma_start3A_82 : memref<128xi32, #tpu.memory_space<vmem>>) semaphore(%arg12 : memref<!tpu.dma_semaphore, #tpu.memory_space<semaphore_mem>>)
      %add3A_86 = arith.constant 3 : i32
      %add3A_87 = arith.addi %mul3A_46, %add3A_86 : i32
      %dma_start3A_88 = arith.constant 3 : i32
      %dma_start3A_89 = arith.constant 0 : i32
      %dma_start3A_90 = arith.constant 0 : i32
      %dma_start3A_91 = tpu.memref_slice %arg9[%dma_start3A_88, %dma_start3A_89, %dma_start3A_90] : memref<8x128x32xf32, #tpu.memory_space<vmem>> -> memref<1x128x32xf32, #tpu.memory_space<vmem>>
      %dma_start3A_92 = tpu.memref_squeeze %dma_start3A_91 : memref<1x128x32xf32, #tpu.memory_space<vmem>> -> memref<128x32xf32, #tpu.memory_space<vmem>>
      %dma_start3A_93 = arith.constant 0 : i32
      %dma_start3A_94 = tpu.memref_slice %arg7[%add3A_87, %dma_start3A_93] : memref<80x128xi32, #tpu.memory_space<vmem>> -> memref<1x128xi32, #tpu.memory_space<vmem>>
      %dma_start3A_95 = tpu.memref_squeeze %dma_start3A_94 : memref<1x128xi32, #tpu.memory_space<vmem>> -> memref<128xi32, #tpu.memory_space<vmem>>
      %dma_start3A_96 = arith.constant 0 : i32
      %dma_start3A_97 = arith.constant 0 : i32
      %dma_start3A_98 = tpu.memref_slice %arg10[%dma_start3A_96, %dma_start3A_97] : memref<10000x32xf32, #tpu.memory_space<vmem_shared>> -> memref<10000x32xf32, #tpu.memory_space<vmem_shared>>
      tpu.enqueue_indirect_dma source(%dma_start3A_98 : memref<10000x32xf32, #tpu.memory_space<vmem_shared>>) target(%dma_start3A_92 : memref<128x32xf32, #tpu.memory_space<vmem>>) offsets(%dma_start3A_95 : memref<128xi32, #tpu.memory_space<vmem>>) semaphore(%arg12 : memref<!tpu.dma_semaphore, #tpu.memory_space<semaphore_mem>>)
      %add3A_99 = arith.constant 4 : i32
      %add3A_100 = arith.addi %mul3A_46, %add3A_99 : i32
      %add3A_101 = arith.constant 0 : i32
      %add3A_102 = arith.addi %add3A_100, %add3A_101 : i32
      %dma_start3A_103 = arith.constant 4 : i32
      %dma_start3A_104 = arith.constant 0 : i32
      %dma_start3A_105 = arith.constant 0 : i32
      %dma_start3A_106 = tpu.memref_slice %arg9[%dma_start3A_103, %dma_start3A_104, %dma_start3A_105] : memref<8x128x32xf32, #tpu.memory_space<vmem>> -> memref<1x128x32xf32, #tpu.memory_space<vmem>>
      %dma_start3A_107 = tpu.memref_squeeze %dma_start3A_106 : memref<1x128x32xf32, #tpu.memory_space<vmem>> -> memref<128x32xf32, #tpu.memory_space<vmem>>
      %dma_start3A_108 = arith.constant 0 : i32
      %dma_start3A_109 = tpu.memref_slice %arg7[%add3A_102, %dma_start3A_108] : memref<80x128xi32, #tpu.memory_space<vmem>> -> memref<1x128xi32, #tpu.memory_space<vmem>>
      %dma_start3A_110 = tpu.memref_squeeze %dma_start3A_109 : memref<1x128xi32, #tpu.memory_space<vmem>> -> memref<128xi32, #tpu.memory_space<vmem>>
      %dma_start3A_111 = arith.constant 0 : i32
      %dma_start3A_112 = arith.constant 0 : i32
      %dma_start3A_113 = tpu.memref_slice %arg10[%dma_start3A_111, %dma_start3A_112] : memref<10000x32xf32, #tpu.memory_space<vmem_shared>> -> memref<10000x32xf32, #tpu.memory_space<vmem_shared>>
      tpu.enqueue_indirect_dma source(%dma_start3A_113 : memref<10000x32xf32, #tpu.memory_space<vmem_shared>>) target(%dma_start3A_107 : memref<128x32xf32, #tpu.memory_space<vmem>>) offsets(%dma_start3A_110 : memref<128xi32, #tpu.memory_space<vmem>>) semaphore(%arg13 : memref<!tpu.dma_semaphore, #tpu.memory_space<semaphore_mem>>)
      %add3A_114 = arith.constant 4 : i32
      %add3A_115 = arith.addi %mul3A_46, %add3A_114 : i32
      %add3A_116 = arith.constant 1 : i32
      %add3A_117 = arith.addi %add3A_115, %add3A_116 : i32
      %dma_start3A_118 = arith.constant 5 : i32
      %dma_start3A_119 = arith.constant 0 : i32
      %dma_start3A_120 = arith.constant 0 : i32
      %dma_start3A_121 = tpu.memref_slice %arg9[%dma_start3A_118, %dma_start3A_119, %dma_start3A_120] : memref<8x128x32xf32, #tpu.memory_space<vmem>> -> memref<1x128x32xf32, #tpu.memory_space<vmem>>
      %dma_start3A_122 = tpu.memref_squeeze %dma_start3A_121 : memref<1x128x32xf32, #tpu.memory_space<vmem>> -> memref<128x32xf32, #tpu.memory_space<vmem>>
      %dma_start3A_123 = arith.constant 0 : i32
      %dma_start3A_124 = tpu.memref_slice %arg7[%add3A_117, %dma_start3A_123] : memref<80x128xi32, #tpu.memory_space<vmem>> -> memref<1x128xi32, #tpu.memory_space<vmem>>
      %dma_start3A_125 = tpu.memref_squeeze %dma_start3A_124 : memref<1x128xi32, #tpu.memory_space<vmem>> -> memref<128xi32, #tpu.memory_space<vmem>>
      %dma_start3A_126 = arith.constant 0 : i32
      %dma_start3A_127 = arith.constant 0 : i32
      %dma_start3A_128 = tpu.memref_slice %arg10[%dma_start3A_126, %dma_start3A_127] : memref<10000x32xf32, #tpu.memory_space<vmem_shared>> -> memref<10000x32xf32, #tpu.memory_space<vmem_shared>>
      tpu.enqueue_indirect_dma source(%dma_start3A_128 : memref<10000x32xf32, #tpu.memory_space<vmem_shared>>) target(%dma_start3A_122 : memref<128x32xf32, #tpu.memory_space<vmem>>) offsets(%dma_start3A_125 : memref<128xi32, #tpu.memory_space<vmem>>) semaphore(%arg13 : memref<!tpu.dma_semaphore, #tpu.memory_space<semaphore_mem>>)
      %add3A_129 = arith.constant 4 : i32
      %add3A_130 = arith.addi %mul3A_46, %add3A_129 : i32
      %add3A_131 = arith.constant 2 : i32
      %add3A_132 = arith.addi %add3A_130, %add3A_131 : i32
      %dma_start3A_133 = arith.constant 6 : i32
      %dma_start3A_134 = arith.constant 0 : i32
      %dma_start3A_135 = arith.constant 0 : i32
      %dma_start3A_136 = tpu.memref_slice %arg9[%dma_start3A_133, %dma_start3A_134, %dma_start3A_135] : memref<8x128x32xf32, #tpu.memory_space<vmem>> -> memref<1x128x32xf32, #tpu.memory_space<vmem>>
      %dma_start3A_137 = tpu.memref_squeeze %dma_start3A_136 : memref<1x128x32xf32, #tpu.memory_space<vmem>> -> memref<128x32xf32, #tpu.memory_space<vmem>>
      %dma_start3A_138 = arith.constant 0 : i32
      %dma_start3A_139 = tpu.memref_slice %arg7[%add3A_132, %dma_start3A_138] : memref<80x128xi32, #tpu.memory_space<vmem>> -> memref<1x128xi32, #tpu.memory_space<vmem>>
      %dma_start3A_140 = tpu.memref_squeeze %dma_start3A_139 : memref<1x128xi32, #tpu.memory_space<vmem>> -> memref<128xi32, #tpu.memory_space<vmem>>
      %dma_start3A_141 = arith.constant 0 : i32
      %dma_start3A_142 = arith.constant 0 : i32
      %dma_start3A_143 = tpu.memref_slice %arg10[%dma_start3A_141, %dma_start3A_142] : memref<10000x32xf32, #tpu.memory_space<vmem_shared>> -> memref<10000x32xf32, #tpu.memory_space<vmem_shared>>
      tpu.enqueue_indirect_dma source(%dma_start3A_143 : memref<10000x32xf32, #tpu.memory_space<vmem_shared>>) target(%dma_start3A_137 : memref<128x32xf32, #tpu.memory_space<vmem>>) offsets(%dma_start3A_140 : memref<128xi32, #tpu.memory_space<vmem>>) semaphore(%arg13 : memref<!tpu.dma_semaphore, #tpu.memory_space<semaphore_mem>>)
      %add3A_144 = arith.constant 4 : i32
      %add3A_145 = arith.addi %mul3A_46, %add3A_144 : i32
      %add3A_146 = arith.constant 3 : i32
      %add3A_147 = arith.addi %add3A_145, %add3A_146 : i32
      %dma_start3A_148 = arith.constant 7 : i32
      %dma_start3A_149 = arith.constant 0 : i32
      %dma_start3A_150 = arith.constant 0 : i32
      %dma_start3A_151 = tpu.memref_slice %arg9[%dma_start3A_148, %dma_start3A_149, %dma_start3A_150] : memref<8x128x32xf32, #tpu.memory_space<vmem>> -> memref<1x128x32xf32, #tpu.memory_space<vmem>>
      %dma_start3A_152 = tpu.memref_squeeze %dma_start3A_151 : memref<1x128x32xf32, #tpu.memory_space<vmem>> -> memref<128x32xf32, #tpu.memory_space<vmem>>
      %dma_start3A_153 = arith.constant 0 : i32
      %dma_start3A_154 = tpu.memref_slice %arg7[%add3A_147, %dma_start3A_153] : memref<80x128xi32, #tpu.memory_space<vmem>> -> memref<1x128xi32, #tpu.memory_space<vmem>>
      %dma_start3A_155 = tpu.memref_squeeze %dma_start3A_154 : memref<1x128xi32, #tpu.memory_space<vmem>> -> memref<128xi32, #tpu.memory_space<vmem>>
      %dma_start3A_156 = arith.constant 0 : i32
      %dma_start3A_157 = arith.constant 0 : i32
      %dma_start3A_158 = tpu.memref_slice %arg10[%dma_start3A_156, %dma_start3A_157] : memref<10000x32xf32, #tpu.memory_space<vmem_shared>> -> memref<10000x32xf32, #tpu.memory_space<vmem_shared>>
      tpu.enqueue_indirect_dma source(%dma_start3A_158 : memref<10000x32xf32, #tpu.memory_space<vmem_shared>>) target(%dma_start3A_152 : memref<128x32xf32, #tpu.memory_space<vmem>>) offsets(%dma_start3A_155 : memref<128xi32, #tpu.memory_space<vmem>>) semaphore(%arg13 : memref<!tpu.dma_semaphore, #tpu.memory_space<semaphore_mem>>)
      %dma_wait3A_159 = arith.constant 0 : i32
      %dma_wait3A_160 = arith.constant 0 : i32
      %dma_wait3A_161 = arith.constant 0 : i32
      %dma_wait3A_162 = tpu.memref_slice %arg9[%dma_wait3A_159, %dma_wait3A_160, %dma_wait3A_161] : memref<8x128x32xf32, #tpu.memory_space<vmem>> -> memref<1x128x32xf32, #tpu.memory_space<vmem>>
      %dma_wait3A_163 = tpu.memref_squeeze %dma_wait3A_162 : memref<1x128x32xf32, #tpu.memory_space<vmem>> -> memref<128x32xf32, #tpu.memory_space<vmem>>
      %dma_wait3A_164 = arith.constant 0 : i32
      %dma_wait3A_165 = tpu.memref_slice %arg7[%add3A_48, %dma_wait3A_164] : memref<80x128xi32, #tpu.memory_space<vmem>> -> memref<1x128xi32, #tpu.memory_space<vmem>>
      %dma_wait3A_166 = tpu.memref_squeeze %dma_wait3A_165 : memref<1x128xi32, #tpu.memory_space<vmem>> -> memref<128xi32, #tpu.memory_space<vmem>>
      %dma_wait3A_167 = arith.constant 0 : i32
      %dma_wait3A_168 = arith.constant 0 : i32
      %dma_wait3A_169 = tpu.memref_slice %arg10[%dma_wait3A_167, %dma_wait3A_168] : memref<10000x32xf32, #tpu.memory_space<vmem_shared>> -> memref<10000x32xf32, #tpu.memory_space<vmem_shared>>
      tpu.wait_indirect_dma semaphore(%arg12 : memref<!tpu.dma_semaphore, #tpu.memory_space<semaphore_mem>>) src(%dma_wait3A_169 : memref<10000x32xf32, #tpu.memory_space<vmem_shared>>) dst(%dma_wait3A_163 : memref<128x32xf32, #tpu.memory_space<vmem>>)
      %dma_wait3A_170 = arith.constant 1 : i32
      %dma_wait3A_171 = arith.constant 0 : i32
      %dma_wait3A_172 = arith.constant 0 : i32
      %dma_wait3A_173 = tpu.memref_slice %arg9[%dma_wait3A_170, %dma_wait3A_171, %dma_wait3A_172] : memref<8x128x32xf32, #tpu.memory_space<vmem>> -> memref<1x128x32xf32, #tpu.memory_space<vmem>>
      %dma_wait3A_174 = tpu.memref_squeeze %dma_wait3A_173 : memref<1x128x32xf32, #tpu.memory_space<vmem>> -> memref<128x32xf32, #tpu.memory_space<vmem>>
      %dma_wait3A_175 = arith.constant 0 : i32
      %dma_wait3A_176 = tpu.memref_slice %arg7[%add3A_61, %dma_wait3A_175] : memref<80x128xi32, #tpu.memory_space<vmem>> -> memref<1x128xi32, #tpu.memory_space<vmem>>
      %dma_wait3A_177 = tpu.memref_squeeze %dma_wait3A_176 : memref<1x128xi32, #tpu.memory_space<vmem>> -> memref<128xi32, #tpu.memory_space<vmem>>
      %dma_wait3A_178 = arith.constant 0 : i32
      %dma_wait3A_179 = arith.constant 0 : i32
      %dma_wait3A_180 = tpu.memref_slice %arg10[%dma_wait3A_178, %dma_wait3A_179] : memref<10000x32xf32, #tpu.memory_space<vmem_shared>> -> memref<10000x32xf32, #tpu.memory_space<vmem_shared>>
      tpu.wait_indirect_dma semaphore(%arg12 : memref<!tpu.dma_semaphore, #tpu.memory_space<semaphore_mem>>) src(%dma_wait3A_180 : memref<10000x32xf32, #tpu.memory_space<vmem_shared>>) dst(%dma_wait3A_174 : memref<128x32xf32, #tpu.memory_space<vmem>>)
      %dma_wait3A_181 = arith.constant 2 : i32
      %dma_wait3A_182 = arith.constant 0 : i32
      %dma_wait3A_183 = arith.constant 0 : i32
      %dma_wait3A_184 = tpu.memref_slice %arg9[%dma_wait3A_181, %dma_wait3A_182, %dma_wait3A_183] : memref<8x128x32xf32, #tpu.memory_space<vmem>> -> memref<1x128x32xf32, #tpu.memory_space<vmem>>
      %dma_wait3A_185 = tpu.memref_squeeze %dma_wait3A_184 : memref<1x128x32xf32, #tpu.memory_space<vmem>> -> memref<128x32xf32, #tpu.memory_space<vmem>>
      %dma_wait3A_186 = arith.constant 0 : i32
      %dma_wait3A_187 = tpu.memref_slice %arg7[%add3A_74, %dma_wait3A_186] : memref<80x128xi32, #tpu.memory_space<vmem>> -> memref<1x128xi32, #tpu.memory_space<vmem>>
      %dma_wait3A_188 = tpu.memref_squeeze %dma_wait3A_187 : memref<1x128xi32, #tpu.memory_space<vmem>> -> memref<128xi32, #tpu.memory_space<vmem>>
      %dma_wait3A_189 = arith.constant 0 : i32
      %dma_wait3A_190 = arith.constant 0 : i32
      %dma_wait3A_191 = tpu.memref_slice %arg10[%dma_wait3A_189, %dma_wait3A_190] : memref<10000x32xf32, #tpu.memory_space<vmem_shared>> -> memref<10000x32xf32, #tpu.memory_space<vmem_shared>>
      tpu.wait_indirect_dma semaphore(%arg12 : memref<!tpu.dma_semaphore, #tpu.memory_space<semaphore_mem>>) src(%dma_wait3A_191 : memref<10000x32xf32, #tpu.memory_space<vmem_shared>>) dst(%dma_wait3A_185 : memref<128x32xf32, #tpu.memory_space<vmem>>)
      %dma_wait3A_192 = arith.constant 3 : i32
      %dma_wait3A_193 = arith.constant 0 : i32
      %dma_wait3A_194 = arith.constant 0 : i32
      %dma_wait3A_195 = tpu.memref_slice %arg9[%dma_wait3A_192, %dma_wait3A_193, %dma_wait3A_194] : memref<8x128x32xf32, #tpu.memory_space<vmem>> -> memref<1x128x32xf32, #tpu.memory_space<vmem>>
      %dma_wait3A_196 = tpu.memref_squeeze %dma_wait3A_195 : memref<1x128x32xf32, #tpu.memory_space<vmem>> -> memref<128x32xf32, #tpu.memory_space<vmem>>
      %dma_wait3A_197 = arith.constant 0 : i32
      %dma_wait3A_198 = tpu.memref_slice %arg7[%add3A_87, %dma_wait3A_197] : memref<80x128xi32, #tpu.memory_space<vmem>> -> memref<1x128xi32, #tpu.memory_space<vmem>>
      %dma_wait3A_199 = tpu.memref_squeeze %dma_wait3A_198 : memref<1x128xi32, #tpu.memory_space<vmem>> -> memref<128xi32, #tpu.memory_space<vmem>>
      %dma_wait3A_200 = arith.constant 0 : i32
      %dma_wait3A_201 = arith.constant 0 : i32
      %dma_wait3A_202 = tpu.memref_slice %arg10[%dma_wait3A_200, %dma_wait3A_201] : memref<10000x32xf32, #tpu.memory_space<vmem_shared>> -> memref<10000x32xf32, #tpu.memory_space<vmem_shared>>
      tpu.wait_indirect_dma semaphore(%arg12 : memref<!tpu.dma_semaphore, #tpu.memory_space<semaphore_mem>>) src(%dma_wait3A_202 : memref<10000x32xf32, #tpu.memory_space<vmem_shared>>) dst(%dma_wait3A_196 : memref<128x32xf32, #tpu.memory_space<vmem>>)
      %add3A_203 = arith.constant 0 : i32
      %add3A_204 = arith.addi %mul3A_46, %add3A_203 : i32
      %dma_start3A_205 = arith.constant 0 : i32
      %dma_start3A_206 = arith.constant 0 : i32
      %dma_start3A_207 = arith.constant 0 : i32
      %dma_start3A_208 = tpu.memref_slice %arg9[%dma_start3A_205, %dma_start3A_206, %dma_start3A_207] : memref<8x128x32xf32, #tpu.memory_space<vmem>> -> memref<1x128x32xf32, #tpu.memory_space<vmem>>
      %dma_start3A_209 = tpu.memref_squeeze %dma_start3A_208 : memref<1x128x32xf32, #tpu.memory_space<vmem>> -> memref<128x32xf32, #tpu.memory_space<vmem>>
      %dma_start3A_210 = arith.constant 0 : i32
      %dma_start3A_211 = tpu.memref_slice %arg8[%add3A_204, %dma_start3A_210] : memref<80x128xi32, #tpu.memory_space<vmem>> -> memref<1x128xi32, #tpu.memory_space<vmem>>
      %dma_start3A_212 = tpu.memref_squeeze %dma_start3A_211 : memref<1x128xi32, #tpu.memory_space<vmem>> -> memref<128xi32, #tpu.memory_space<vmem>>
      %dma_start3A_213 = arith.constant 0 : i32
      %dma_start3A_214 = arith.constant 0 : i32
      %dma_start3A_215 = tpu.memref_slice %arg11[%dma_start3A_213, %dma_start3A_214] : memref<10008x32xf32, #tpu.memory_space<vmem_shared>> -> memref<10008x32xf32, #tpu.memory_space<vmem_shared>>
      tpu.enqueue_indirect_dma source(%dma_start3A_209 : memref<128x32xf32, #tpu.memory_space<vmem>>) target(%dma_start3A_215 : memref<10008x32xf32, #tpu.memory_space<vmem_shared>>) offsets(%dma_start3A_212 : memref<128xi32, #tpu.memory_space<vmem>>) semaphore(%arg14 : memref<!tpu.dma_semaphore, #tpu.memory_space<semaphore_mem>>) {add = true}
      %add3A_216 = arith.constant 1 : i32
      %add3A_217 = arith.addi %mul3A_46, %add3A_216 : i32
      %dma_start3A_218 = arith.constant 1 : i32
      %dma_start3A_219 = arith.constant 0 : i32
      %dma_start3A_220 = arith.constant 0 : i32
      %dma_start3A_221 = tpu.memref_slice %arg9[%dma_start3A_218, %dma_start3A_219, %dma_start3A_220] : memref<8x128x32xf32, #tpu.memory_space<vmem>> -> memref<1x128x32xf32, #tpu.memory_space<vmem>>
      %dma_start3A_222 = tpu.memref_squeeze %dma_start3A_221 : memref<1x128x32xf32, #tpu.memory_space<vmem>> -> memref<128x32xf32, #tpu.memory_space<vmem>>
      %dma_start3A_223 = arith.constant 0 : i32
      %dma_start3A_224 = tpu.memref_slice %arg8[%add3A_217, %dma_start3A_223] : memref<80x128xi32, #tpu.memory_space<vmem>> -> memref<1x128xi32, #tpu.memory_space<vmem>>
      %dma_start3A_225 = tpu.memref_squeeze %dma_start3A_224 : memref<1x128xi32, #tpu.memory_space<vmem>> -> memref<128xi32, #tpu.memory_space<vmem>>
      %dma_start3A_226 = arith.constant 0 : i32
      %dma_start3A_227 = arith.constant 0 : i32
      %dma_start3A_228 = tpu.memref_slice %arg11[%dma_start3A_226, %dma_start3A_227] : memref<10008x32xf32, #tpu.memory_space<vmem_shared>> -> memref<10008x32xf32, #tpu.memory_space<vmem_shared>>
      tpu.enqueue_indirect_dma source(%dma_start3A_222 : memref<128x32xf32, #tpu.memory_space<vmem>>) target(%dma_start3A_228 : memref<10008x32xf32, #tpu.memory_space<vmem_shared>>) offsets(%dma_start3A_225 : memref<128xi32, #tpu.memory_space<vmem>>) semaphore(%arg14 : memref<!tpu.dma_semaphore, #tpu.memory_space<semaphore_mem>>) {add = true}
      %add3A_229 = arith.constant 2 : i32
      %add3A_230 = arith.addi %mul3A_46, %add3A_229 : i32
      %dma_start3A_231 = arith.constant 2 : i32
      %dma_start3A_232 = arith.constant 0 : i32
      %dma_start3A_233 = arith.constant 0 : i32
      %dma_start3A_234 = tpu.memref_slice %arg9[%dma_start3A_231, %dma_start3A_232, %dma_start3A_233] : memref<8x128x32xf32, #tpu.memory_space<vmem>> -> memref<1x128x32xf32, #tpu.memory_space<vmem>>
      %dma_start3A_235 = tpu.memref_squeeze %dma_start3A_234 : memref<1x128x32xf32, #tpu.memory_space<vmem>> -> memref<128x32xf32, #tpu.memory_space<vmem>>
      %dma_start3A_236 = arith.constant 0 : i32
      %dma_start3A_237 = tpu.memref_slice %arg8[%add3A_230, %dma_start3A_236] : memref<80x128xi32, #tpu.memory_space<vmem>> -> memref<1x128xi32, #tpu.memory_space<vmem>>
      %dma_start3A_238 = tpu.memref_squeeze %dma_start3A_237 : memref<1x128xi32, #tpu.memory_space<vmem>> -> memref<128xi32, #tpu.memory_space<vmem>>
      %dma_start3A_239 = arith.constant 0 : i32
      %dma_start3A_240 = arith.constant 0 : i32
      %dma_start3A_241 = tpu.memref_slice %arg11[%dma_start3A_239, %dma_start3A_240] : memref<10008x32xf32, #tpu.memory_space<vmem_shared>> -> memref<10008x32xf32, #tpu.memory_space<vmem_shared>>
      tpu.enqueue_indirect_dma source(%dma_start3A_235 : memref<128x32xf32, #tpu.memory_space<vmem>>) target(%dma_start3A_241 : memref<10008x32xf32, #tpu.memory_space<vmem_shared>>) offsets(%dma_start3A_238 : memref<128xi32, #tpu.memory_space<vmem>>) semaphore(%arg14 : memref<!tpu.dma_semaphore, #tpu.memory_space<semaphore_mem>>) {add = true}
      %add3A_242 = arith.constant 3 : i32
      %add3A_243 = arith.addi %mul3A_46, %add3A_242 : i32
      %dma_start3A_244 = arith.constant 3 : i32
      %dma_start3A_245 = arith.constant 0 : i32
      %dma_start3A_246 = arith.constant 0 : i32
      %dma_start3A_247 = tpu.memref_slice %arg9[%dma_start3A_244, %dma_start3A_245, %dma_start3A_246] : memref<8x128x32xf32, #tpu.memory_space<vmem>> -> memref<1x128x32xf32, #tpu.memory_space<vmem>>
      %dma_start3A_248 = tpu.memref_squeeze %dma_start3A_247 : memref<1x128x32xf32, #tpu.memory_space<vmem>> -> memref<128x32xf32, #tpu.memory_space<vmem>>
      %dma_start3A_249 = arith.constant 0 : i32
      %dma_start3A_250 = tpu.memref_slice %arg8[%add3A_243, %dma_start3A_249] : memref<80x128xi32, #tpu.memory_space<vmem>> -> memref<1x128xi32, #tpu.memory_space<vmem>>
      %dma_start3A_251 = tpu.memref_squeeze %dma_start3A_250 : memref<1x128xi32, #tpu.memory_space<vmem>> -> memref<128xi32, #tpu.memory_space<vmem>>
      %dma_start3A_252 = arith.constant 0 : i32
      %dma_start3A_253 = arith.constant 0 : i32
      %dma_start3A_254 = tpu.memref_slice %arg11[%dma_start3A_252, %dma_start3A_253] : memref<10008x32xf32, #tpu.memory_space<vmem_shared>> -> memref<10008x32xf32, #tpu.memory_space<vmem_shared>>
      tpu.enqueue_indirect_dma source(%dma_start3A_248 : memref<128x32xf32, #tpu.memory_space<vmem>>) target(%dma_start3A_254 : memref<10008x32xf32, #tpu.memory_space<vmem_shared>>) offsets(%dma_start3A_251 : memref<128xi32, #tpu.memory_space<vmem>>) semaphore(%arg14 : memref<!tpu.dma_semaphore, #tpu.memory_space<semaphore_mem>>) {add = true}
      %dma_wait3A_255 = arith.constant 4 : i32
      %dma_wait3A_256 = arith.constant 0 : i32
      %dma_wait3A_257 = arith.constant 0 : i32
      %dma_wait3A_258 = tpu.memref_slice %arg9[%dma_wait3A_255, %dma_wait3A_256, %dma_wait3A_257] : memref<8x128x32xf32, #tpu.memory_space<vmem>> -> memref<1x128x32xf32, #tpu.memory_space<vmem>>
      %dma_wait3A_259 = tpu.memref_squeeze %dma_wait3A_258 : memref<1x128x32xf32, #tpu.memory_space<vmem>> -> memref<128x32xf32, #tpu.memory_space<vmem>>
      %dma_wait3A_260 = arith.constant 0 : i32
      %dma_wait3A_261 = tpu.memref_slice %arg7[%add3A_102, %dma_wait3A_260] : memref<80x128xi32, #tpu.memory_space<vmem>> -> memref<1x128xi32, #tpu.memory_space<vmem>>
      %dma_wait3A_262 = tpu.memref_squeeze %dma_wait3A_261 : memref<1x128xi32, #tpu.memory_space<vmem>> -> memref<128xi32, #tpu.memory_space<vmem>>
      %dma_wait3A_263 = arith.constant 0 : i32
      %dma_wait3A_264 = arith.constant 0 : i32
      %dma_wait3A_265 = tpu.memref_slice %arg10[%dma_wait3A_263, %dma_wait3A_264] : memref<10000x32xf32, #tpu.memory_space<vmem_shared>> -> memref<10000x32xf32, #tpu.memory_space<vmem_shared>>
      tpu.wait_indirect_dma semaphore(%arg13 : memref<!tpu.dma_semaphore, #tpu.memory_space<semaphore_mem>>) src(%dma_wait3A_265 : memref<10000x32xf32, #tpu.memory_space<vmem_shared>>) dst(%dma_wait3A_259 : memref<128x32xf32, #tpu.memory_space<vmem>>)
      %dma_wait3A_266 = arith.constant 5 : i32
      %dma_wait3A_267 = arith.constant 0 : i32
      %dma_wait3A_268 = arith.constant 0 : i32
      %dma_wait3A_269 = tpu.memref_slice %arg9[%dma_wait3A_266, %dma_wait3A_267, %dma_wait3A_268] : memref<8x128x32xf32, #tpu.memory_space<vmem>> -> memref<1x128x32xf32, #tpu.memory_space<vmem>>
      %dma_wait3A_270 = tpu.memref_squeeze %dma_wait3A_269 : memref<1x128x32xf32, #tpu.memory_space<vmem>> -> memref<128x32xf32, #tpu.memory_space<vmem>>
      %dma_wait3A_271 = arith.constant 0 : i32
      %dma_wait3A_272 = tpu.memref_slice %arg7[%add3A_117, %dma_wait3A_271] : memref<80x128xi32, #tpu.memory_space<vmem>> -> memref<1x128xi32, #tpu.memory_space<vmem>>
      %dma_wait3A_273 = tpu.memref_squeeze %dma_wait3A_272 : memref<1x128xi32, #tpu.memory_space<vmem>> -> memref<128xi32, #tpu.memory_space<vmem>>
      %dma_wait3A_274 = arith.constant 0 : i32
      %dma_wait3A_275 = arith.constant 0 : i32
      %dma_wait3A_276 = tpu.memref_slice %arg10[%dma_wait3A_274, %dma_wait3A_275] : memref<10000x32xf32, #tpu.memory_space<vmem_shared>> -> memref<10000x32xf32, #tpu.memory_space<vmem_shared>>
      tpu.wait_indirect_dma semaphore(%arg13 : memref<!tpu.dma_semaphore, #tpu.memory_space<semaphore_mem>>) src(%dma_wait3A_276 : memref<10000x32xf32, #tpu.memory_space<vmem_shared>>) dst(%dma_wait3A_270 : memref<128x32xf32, #tpu.memory_space<vmem>>)
      %dma_wait3A_277 = arith.constant 6 : i32
      %dma_wait3A_278 = arith.constant 0 : i32
      %dma_wait3A_279 = arith.constant 0 : i32
      %dma_wait3A_280 = tpu.memref_slice %arg9[%dma_wait3A_277, %dma_wait3A_278, %dma_wait3A_279] : memref<8x128x32xf32, #tpu.memory_space<vmem>> -> memref<1x128x32xf32, #tpu.memory_space<vmem>>
      %dma_wait3A_281 = tpu.memref_squeeze %dma_wait3A_280 : memref<1x128x32xf32, #tpu.memory_space<vmem>> -> memref<128x32xf32, #tpu.memory_space<vmem>>
      %dma_wait3A_282 = arith.constant 0 : i32
      %dma_wait3A_283 = tpu.memref_slice %arg7[%add3A_132, %dma_wait3A_282] : memref<80x128xi32, #tpu.memory_space<vmem>> -> memref<1x128xi32, #tpu.memory_space<vmem>>
      %dma_wait3A_284 = tpu.memref_squeeze %dma_wait3A_283 : memref<1x128xi32, #tpu.memory_space<vmem>> -> memref<128xi32, #tpu.memory_space<vmem>>
      %dma_wait3A_285 = arith.constant 0 : i32
      %dma_wait3A_286 = arith.constant 0 : i32
      %dma_wait3A_287 = tpu.memref_slice %arg10[%dma_wait3A_285, %dma_wait3A_286] : memref<10000x32xf32, #tpu.memory_space<vmem_shared>> -> memref<10000x32xf32, #tpu.memory_space<vmem_shared>>
      tpu.wait_indirect_dma semaphore(%arg13 : memref<!tpu.dma_semaphore, #tpu.memory_space<semaphore_mem>>) src(%dma_wait3A_287 : memref<10000x32xf32, #tpu.memory_space<vmem_shared>>) dst(%dma_wait3A_281 : memref<128x32xf32, #tpu.memory_space<vmem>>)
      %dma_wait3A_288 = arith.constant 7 : i32
      %dma_wait3A_289 = arith.constant 0 : i32
      %dma_wait3A_290 = arith.constant 0 : i32
      %dma_wait3A_291 = tpu.memref_slice %arg9[%dma_wait3A_288, %dma_wait3A_289, %dma_wait3A_290] : memref<8x128x32xf32, #tpu.memory_space<vmem>> -> memref<1x128x32xf32, #tpu.memory_space<vmem>>
      %dma_wait3A_292 = tpu.memref_squeeze %dma_wait3A_291 : memref<1x128x32xf32, #tpu.memory_space<vmem>> -> memref<128x32xf32, #tpu.memory_space<vmem>>
      %dma_wait3A_293 = arith.constant 0 : i32
      %dma_wait3A_294 = tpu.memref_slice %arg7[%add3A_147, %dma_wait3A_293] : memref<80x128xi32, #tpu.memory_space<vmem>> -> memref<1x128xi32, #tpu.memory_space<vmem>>
      %dma_wait3A_295 = tpu.memref_squeeze %dma_wait3A_294 : memref<1x128xi32, #tpu.memory_space<vmem>> -> memref<128xi32, #tpu.memory_space<vmem>>
      %dma_wait3A_296 = arith.constant 0 : i32
      %dma_wait3A_297 = arith.constant 0 : i32
      %dma_wait3A_298 = tpu.memref_slice %arg10[%dma_wait3A_296, %dma_wait3A_297] : memref<10000x32xf32, #tpu.memory_space<vmem_shared>> -> memref<10000x32xf32, #tpu.memory_space<vmem_shared>>
      tpu.wait_indirect_dma semaphore(%arg13 : memref<!tpu.dma_semaphore, #tpu.memory_space<semaphore_mem>>) src(%dma_wait3A_298 : memref<10000x32xf32, #tpu.memory_space<vmem_shared>>) dst(%dma_wait3A_292 : memref<128x32xf32, #tpu.memory_space<vmem>>)
      %add3A_299 = arith.constant 4 : i32
      %add3A_300 = arith.addi %mul3A_46, %add3A_299 : i32
      %add3A_301 = arith.constant 0 : i32
      %add3A_302 = arith.addi %add3A_300, %add3A_301 : i32
      %dma_start3A_303 = arith.constant 4 : i32
      %dma_start3A_304 = arith.constant 0 : i32
      %dma_start3A_305 = arith.constant 0 : i32
      %dma_start3A_306 = tpu.memref_slice %arg9[%dma_start3A_303, %dma_start3A_304, %dma_start3A_305] : memref<8x128x32xf32, #tpu.memory_space<vmem>> -> memref<1x128x32xf32, #tpu.memory_space<vmem>>
      %dma_start3A_307 = tpu.memref_squeeze %dma_start3A_306 : memref<1x128x32xf32, #tpu.memory_space<vmem>> -> memref<128x32xf32, #tpu.memory_space<vmem>>
      %dma_start3A_308 = arith.constant 0 : i32
      %dma_start3A_309 = tpu.memref_slice %arg8[%add3A_302, %dma_start3A_308] : memref<80x128xi32, #tpu.memory_space<vmem>> -> memref<1x128xi32, #tpu.memory_space<vmem>>
      %dma_start3A_310 = tpu.memref_squeeze %dma_start3A_309 : memref<1x128xi32, #tpu.memory_space<vmem>> -> memref<128xi32, #tpu.memory_space<vmem>>
      %dma_start3A_311 = arith.constant 0 : i32
      %dma_start3A_312 = arith.constant 0 : i32
      %dma_start3A_313 = tpu.memref_slice %arg11[%dma_start3A_311, %dma_start3A_312] : memref<10008x32xf32, #tpu.memory_space<vmem_shared>> -> memref<10008x32xf32, #tpu.memory_space<vmem_shared>>
      tpu.enqueue_indirect_dma source(%dma_start3A_307 : memref<128x32xf32, #tpu.memory_space<vmem>>) target(%dma_start3A_313 : memref<10008x32xf32, #tpu.memory_space<vmem_shared>>) offsets(%dma_start3A_310 : memref<128xi32, #tpu.memory_space<vmem>>) semaphore(%arg15 : memref<!tpu.dma_semaphore, #tpu.memory_space<semaphore_mem>>) {add = true}
      %add3A_314 = arith.constant 4 : i32
      %add3A_315 = arith.addi %mul3A_46, %add3A_314 : i32
      %add3A_316 = arith.constant 1 : i32
      %add3A_317 = arith.addi %add3A_315, %add3A_316 : i32
      %dma_start3A_318 = arith.constant 5 : i32
      %dma_start3A_319 = arith.constant 0 : i32
      %dma_start3A_320 = arith.constant 0 : i32
      %dma_start3A_321 = tpu.memref_slice %arg9[%dma_start3A_318, %dma_start3A_319, %dma_start3A_320] : memref<8x128x32xf32, #tpu.memory_space<vmem>> -> memref<1x128x32xf32, #tpu.memory_space<vmem>>
      %dma_start3A_322 = tpu.memref_squeeze %dma_start3A_321 : memref<1x128x32xf32, #tpu.memory_space<vmem>> -> memref<128x32xf32, #tpu.memory_space<vmem>>
      %dma_start3A_323 = arith.constant 0 : i32
      %dma_start3A_324 = tpu.memref_slice %arg8[%add3A_317, %dma_start3A_323] : memref<80x128xi32, #tpu.memory_space<vmem>> -> memref<1x128xi32, #tpu.memory_space<vmem>>
      %dma_start3A_325 = tpu.memref_squeeze %dma_start3A_324 : memref<1x128xi32, #tpu.memory_space<vmem>> -> memref<128xi32, #tpu.memory_space<vmem>>
      %dma_start3A_326 = arith.constant 0 : i32
      %dma_start3A_327 = arith.constant 0 : i32
      %dma_start3A_328 = tpu.memref_slice %arg11[%dma_start3A_326, %dma_start3A_327] : memref<10008x32xf32, #tpu.memory_space<vmem_shared>> -> memref<10008x32xf32, #tpu.memory_space<vmem_shared>>
      tpu.enqueue_indirect_dma source(%dma_start3A_322 : memref<128x32xf32, #tpu.memory_space<vmem>>) target(%dma_start3A_328 : memref<10008x32xf32, #tpu.memory_space<vmem_shared>>) offsets(%dma_start3A_325 : memref<128xi32, #tpu.memory_space<vmem>>) semaphore(%arg15 : memref<!tpu.dma_semaphore, #tpu.memory_space<semaphore_mem>>) {add = true}
      %add3A_329 = arith.constant 4 : i32
      %add3A_330 = arith.addi %mul3A_46, %add3A_329 : i32
      %add3A_331 = arith.constant 2 : i32
      %add3A_332 = arith.addi %add3A_330, %add3A_331 : i32
      %dma_start3A_333 = arith.constant 6 : i32
      %dma_start3A_334 = arith.constant 0 : i32
      %dma_start3A_335 = arith.constant 0 : i32
      %dma_start3A_336 = tpu.memref_slice %arg9[%dma_start3A_333, %dma_start3A_334, %dma_start3A_335] : memref<8x128x32xf32, #tpu.memory_space<vmem>> -> memref<1x128x32xf32, #tpu.memory_space<vmem>>
      %dma_start3A_337 = tpu.memref_squeeze %dma_start3A_336 : memref<1x128x32xf32, #tpu.memory_space<vmem>> -> memref<128x32xf32, #tpu.memory_space<vmem>>
      %dma_start3A_338 = arith.constant 0 : i32
      %dma_start3A_339 = tpu.memref_slice %arg8[%add3A_332, %dma_start3A_338] : memref<80x128xi32, #tpu.memory_space<vmem>> -> memref<1x128xi32, #tpu.memory_space<vmem>>
      %dma_start3A_340 = tpu.memref_squeeze %dma_start3A_339 : memref<1x128xi32, #tpu.memory_space<vmem>> -> memref<128xi32, #tpu.memory_space<vmem>>
      %dma_start3A_341 = arith.constant 0 : i32
      %dma_start3A_342 = arith.constant 0 : i32
      %dma_start3A_343 = tpu.memref_slice %arg11[%dma_start3A_341, %dma_start3A_342] : memref<10008x32xf32, #tpu.memory_space<vmem_shared>> -> memref<10008x32xf32, #tpu.memory_space<vmem_shared>>
      tpu.enqueue_indirect_dma source(%dma_start3A_337 : memref<128x32xf32, #tpu.memory_space<vmem>>) target(%dma_start3A_343 : memref<10008x32xf32, #tpu.memory_space<vmem_shared>>) offsets(%dma_start3A_340 : memref<128xi32, #tpu.memory_space<vmem>>) semaphore(%arg15 : memref<!tpu.dma_semaphore, #tpu.memory_space<semaphore_mem>>) {add = true}
      %add3A_344 = arith.constant 4 : i32
      %add3A_345 = arith.addi %mul3A_46, %add3A_344 : i32
      %add3A_346 = arith.constant 3 : i32
      %add3A_347 = arith.addi %add3A_345, %add3A_346 : i32
      %dma_start3A_348 = arith.constant 7 : i32
      %dma_start3A_349 = arith.constant 0 : i32
      %dma_start3A_350 = arith.constant 0 : i32
      %dma_start3A_351 = tpu.memref_slice %arg9[%dma_start3A_348, %dma_start3A_349, %dma_start3A_350] : memref<8x128x32xf32, #tpu.memory_space<vmem>> -> memref<1x128x32xf32, #tpu.memory_space<vmem>>
      %dma_start3A_352 = tpu.memref_squeeze %dma_start3A_351 : memref<1x128x32xf32, #tpu.memory_space<vmem>> -> memref<128x32xf32, #tpu.memory_space<vmem>>
      %dma_start3A_353 = arith.constant 0 : i32
      %dma_start3A_354 = tpu.memref_slice %arg8[%add3A_347, %dma_start3A_353] : memref<80x128xi32, #tpu.memory_space<vmem>> -> memref<1x128xi32, #tpu.memory_space<vmem>>
      %dma_start3A_355 = tpu.memref_squeeze %dma_start3A_354 : memref<1x128xi32, #tpu.memory_space<vmem>> -> memref<128xi32, #tpu.memory_space<vmem>>
      %dma_start3A_356 = arith.constant 0 : i32
      %dma_start3A_357 = arith.constant 0 : i32
      %dma_start3A_358 = tpu.memref_slice %arg11[%dma_start3A_356, %dma_start3A_357] : memref<10008x32xf32, #tpu.memory_space<vmem_shared>> -> memref<10008x32xf32, #tpu.memory_space<vmem_shared>>
      tpu.enqueue_indirect_dma source(%dma_start3A_352 : memref<128x32xf32, #tpu.memory_space<vmem>>) target(%dma_start3A_358 : memref<10008x32xf32, #tpu.memory_space<vmem_shared>>) offsets(%dma_start3A_355 : memref<128xi32, #tpu.memory_space<vmem>>) semaphore(%arg15 : memref<!tpu.dma_semaphore, #tpu.memory_space<semaphore_mem>>) {add = true}
      %dma_wait3A_359 = arith.constant 0 : i32
      %dma_wait3A_360 = arith.constant 0 : i32
      %dma_wait3A_361 = arith.constant 0 : i32
      %dma_wait3A_362 = tpu.memref_slice %arg9[%dma_wait3A_359, %dma_wait3A_360, %dma_wait3A_361] : memref<8x128x32xf32, #tpu.memory_space<vmem>> -> memref<1x128x32xf32, #tpu.memory_space<vmem>>
      %dma_wait3A_363 = tpu.memref_squeeze %dma_wait3A_362 : memref<1x128x32xf32, #tpu.memory_space<vmem>> -> memref<128x32xf32, #tpu.memory_space<vmem>>
      %dma_wait3A_364 = arith.constant 0 : i32
      %dma_wait3A_365 = tpu.memref_slice %arg8[%add3A_204, %dma_wait3A_364] : memref<80x128xi32, #tpu.memory_space<vmem>> -> memref<1x128xi32, #tpu.memory_space<vmem>>
      %dma_wait3A_366 = tpu.memref_squeeze %dma_wait3A_365 : memref<1x128xi32, #tpu.memory_space<vmem>> -> memref<128xi32, #tpu.memory_space<vmem>>
      %dma_wait3A_367 = arith.constant 0 : i32
      %dma_wait3A_368 = arith.constant 0 : i32
      %dma_wait3A_369 = tpu.memref_slice %arg11[%dma_wait3A_367, %dma_wait3A_368] : memref<10008x32xf32, #tpu.memory_space<vmem_shared>> -> memref<10008x32xf32, #tpu.memory_space<vmem_shared>>
      tpu.wait_indirect_dma semaphore(%arg14 : memref<!tpu.dma_semaphore, #tpu.memory_space<semaphore_mem>>) src(%dma_wait3A_363 : memref<128x32xf32, #tpu.memory_space<vmem>>) dst(%dma_wait3A_369 : memref<10008x32xf32, #tpu.memory_space<vmem_shared>>)
      %dma_wait3A_370 = arith.constant 1 : i32
      %dma_wait3A_371 = arith.constant 0 : i32
      %dma_wait3A_372 = arith.constant 0 : i32
      %dma_wait3A_373 = tpu.memref_slice %arg9[%dma_wait3A_370, %dma_wait3A_371, %dma_wait3A_372] : memref<8x128x32xf32, #tpu.memory_space<vmem>> -> memref<1x128x32xf32, #tpu.memory_space<vmem>>
      %dma_wait3A_374 = tpu.memref_squeeze %dma_wait3A_373 : memref<1x128x32xf32, #tpu.memory_space<vmem>> -> memref<128x32xf32, #tpu.memory_space<vmem>>
      %dma_wait3A_375 = arith.constant 0 : i32
      %dma_wait3A_376 = tpu.memref_slice %arg8[%add3A_217, %dma_wait3A_375] : memref<80x128xi32, #tpu.memory_space<vmem>> -> memref<1x128xi32, #tpu.memory_space<vmem>>
      %dma_wait3A_377 = tpu.memref_squeeze %dma_wait3A_376 : memref<1x128xi32, #tpu.memory_space<vmem>> -> memref<128xi32, #tpu.memory_space<vmem>>
      %dma_wait3A_378 = arith.constant 0 : i32
      %dma_wait3A_379 = arith.constant 0 : i32
      %dma_wait3A_380 = tpu.memref_slice %arg11[%dma_wait3A_378, %dma_wait3A_379] : memref<10008x32xf32, #tpu.memory_space<vmem_shared>> -> memref<10008x32xf32, #tpu.memory_space<vmem_shared>>
      tpu.wait_indirect_dma semaphore(%arg14 : memref<!tpu.dma_semaphore, #tpu.memory_space<semaphore_mem>>) src(%dma_wait3A_374 : memref<128x32xf32, #tpu.memory_space<vmem>>) dst(%dma_wait3A_380 : memref<10008x32xf32, #tpu.memory_space<vmem_shared>>)
      %dma_wait3A_381 = arith.constant 2 : i32
      %dma_wait3A_382 = arith.constant 0 : i32
      %dma_wait3A_383 = arith.constant 0 : i32
      %dma_wait3A_384 = tpu.memref_slice %arg9[%dma_wait3A_381, %dma_wait3A_382, %dma_wait3A_383] : memref<8x128x32xf32, #tpu.memory_space<vmem>> -> memref<1x128x32xf32, #tpu.memory_space<vmem>>
      %dma_wait3A_385 = tpu.memref_squeeze %dma_wait3A_384 : memref<1x128x32xf32, #tpu.memory_space<vmem>> -> memref<128x32xf32, #tpu.memory_space<vmem>>
      %dma_wait3A_386 = arith.constant 0 : i32
      %dma_wait3A_387 = tpu.memref_slice %arg8[%add3A_230, %dma_wait3A_386] : memref<80x128xi32, #tpu.memory_space<vmem>> -> memref<1x128xi32, #tpu.memory_space<vmem>>
      %dma_wait3A_388 = tpu.memref_squeeze %dma_wait3A_387 : memref<1x128xi32, #tpu.memory_space<vmem>> -> memref<128xi32, #tpu.memory_space<vmem>>
      %dma_wait3A_389 = arith.constant 0 : i32
      %dma_wait3A_390 = arith.constant 0 : i32
      %dma_wait3A_391 = tpu.memref_slice %arg11[%dma_wait3A_389, %dma_wait3A_390] : memref<10008x32xf32, #tpu.memory_space<vmem_shared>> -> memref<10008x32xf32, #tpu.memory_space<vmem_shared>>
      tpu.wait_indirect_dma semaphore(%arg14 : memref<!tpu.dma_semaphore, #tpu.memory_space<semaphore_mem>>) src(%dma_wait3A_385 : memref<128x32xf32, #tpu.memory_space<vmem>>) dst(%dma_wait3A_391 : memref<10008x32xf32, #tpu.memory_space<vmem_shared>>)
      %dma_wait3A_392 = arith.constant 3 : i32
      %dma_wait3A_393 = arith.constant 0 : i32
      %dma_wait3A_394 = arith.constant 0 : i32
      %dma_wait3A_395 = tpu.memref_slice %arg9[%dma_wait3A_392, %dma_wait3A_393, %dma_wait3A_394] : memref<8x128x32xf32, #tpu.memory_space<vmem>> -> memref<1x128x32xf32, #tpu.memory_space<vmem>>
      %dma_wait3A_396 = tpu.memref_squeeze %dma_wait3A_395 : memref<1x128x32xf32, #tpu.memory_space<vmem>> -> memref<128x32xf32, #tpu.memory_space<vmem>>
      %dma_wait3A_397 = arith.constant 0 : i32
      %dma_wait3A_398 = tpu.memref_slice %arg8[%add3A_243, %dma_wait3A_397] : memref<80x128xi32, #tpu.memory_space<vmem>> -> memref<1x128xi32, #tpu.memory_space<vmem>>
      %dma_wait3A_399 = tpu.memref_squeeze %dma_wait3A_398 : memref<1x128xi32, #tpu.memory_space<vmem>> -> memref<128xi32, #tpu.memory_space<vmem>>
      %dma_wait3A_400 = arith.constant 0 : i32
      %dma_wait3A_401 = arith.constant 0 : i32
      %dma_wait3A_402 = tpu.memref_slice %arg11[%dma_wait3A_400, %dma_wait3A_401] : memref<10008x32xf32, #tpu.memory_space<vmem_shared>> -> memref<10008x32xf32, #tpu.memory_space<vmem_shared>>
      tpu.wait_indirect_dma semaphore(%arg14 : memref<!tpu.dma_semaphore, #tpu.memory_space<semaphore_mem>>) src(%dma_wait3A_396 : memref<128x32xf32, #tpu.memory_space<vmem>>) dst(%dma_wait3A_402 : memref<10008x32xf32, #tpu.memory_space<vmem_shared>>)
      %dma_wait3A_403 = arith.constant 4 : i32
      %dma_wait3A_404 = arith.constant 0 : i32
      %dma_wait3A_405 = arith.constant 0 : i32
      %dma_wait3A_406 = tpu.memref_slice %arg9[%dma_wait3A_403, %dma_wait3A_404, %dma_wait3A_405] : memref<8x128x32xf32, #tpu.memory_space<vmem>> -> memref<1x128x32xf32, #tpu.memory_space<vmem>>
      %dma_wait3A_407 = tpu.memref_squeeze %dma_wait3A_406 : memref<1x128x32xf32, #tpu.memory_space<vmem>> -> memref<128x32xf32, #tpu.memory_space<vmem>>
      %dma_wait3A_408 = arith.constant 0 : i32
      %dma_wait3A_409 = tpu.memref_slice %arg8[%add3A_302, %dma_wait3A_408] : memref<80x128xi32, #tpu.memory_space<vmem>> -> memref<1x128xi32, #tpu.memory_space<vmem>>
      %dma_wait3A_410 = tpu.memref_squeeze %dma_wait3A_409 : memref<1x128xi32, #tpu.memory_space<vmem>> -> memref<128xi32, #tpu.memory_space<vmem>>
      %dma_wait3A_411 = arith.constant 0 : i32
      %dma_wait3A_412 = arith.constant 0 : i32
      %dma_wait3A_413 = tpu.memref_slice %arg11[%dma_wait3A_411, %dma_wait3A_412] : memref<10008x32xf32, #tpu.memory_space<vmem_shared>> -> memref<10008x32xf32, #tpu.memory_space<vmem_shared>>
      tpu.wait_indirect_dma semaphore(%arg15 : memref<!tpu.dma_semaphore, #tpu.memory_space<semaphore_mem>>) src(%dma_wait3A_407 : memref<128x32xf32, #tpu.memory_space<vmem>>) dst(%dma_wait3A_413 : memref<10008x32xf32, #tpu.memory_space<vmem_shared>>)
      %dma_wait3A_414 = arith.constant 5 : i32
      %dma_wait3A_415 = arith.constant 0 : i32
      %dma_wait3A_416 = arith.constant 0 : i32
      %dma_wait3A_417 = tpu.memref_slice %arg9[%dma_wait3A_414, %dma_wait3A_415, %dma_wait3A_416] : memref<8x128x32xf32, #tpu.memory_space<vmem>> -> memref<1x128x32xf32, #tpu.memory_space<vmem>>
      %dma_wait3A_418 = tpu.memref_squeeze %dma_wait3A_417 : memref<1x128x32xf32, #tpu.memory_space<vmem>> -> memref<128x32xf32, #tpu.memory_space<vmem>>
      %dma_wait3A_419 = arith.constant 0 : i32
      %dma_wait3A_420 = tpu.memref_slice %arg8[%add3A_317, %dma_wait3A_419] : memref<80x128xi32, #tpu.memory_space<vmem>> -> memref<1x128xi32, #tpu.memory_space<vmem>>
      %dma_wait3A_421 = tpu.memref_squeeze %dma_wait3A_420 : memref<1x128xi32, #tpu.memory_space<vmem>> -> memref<128xi32, #tpu.memory_space<vmem>>
      %dma_wait3A_422 = arith.constant 0 : i32
      %dma_wait3A_423 = arith.constant 0 : i32
      %dma_wait3A_424 = tpu.memref_slice %arg11[%dma_wait3A_422, %dma_wait3A_423] : memref<10008x32xf32, #tpu.memory_space<vmem_shared>> -> memref<10008x32xf32, #tpu.memory_space<vmem_shared>>
      tpu.wait_indirect_dma semaphore(%arg15 : memref<!tpu.dma_semaphore, #tpu.memory_space<semaphore_mem>>) src(%dma_wait3A_418 : memref<128x32xf32, #tpu.memory_space<vmem>>) dst(%dma_wait3A_424 : memref<10008x32xf32, #tpu.memory_space<vmem_shared>>)
      %dma_wait3A_425 = arith.constant 6 : i32
      %dma_wait3A_426 = arith.constant 0 : i32
      %dma_wait3A_427 = arith.constant 0 : i32
      %dma_wait3A_428 = tpu.memref_slice %arg9[%dma_wait3A_425, %dma_wait3A_426, %dma_wait3A_427] : memref<8x128x32xf32, #tpu.memory_space<vmem>> -> memref<1x128x32xf32, #tpu.memory_space<vmem>>
      %dma_wait3A_429 = tpu.memref_squeeze %dma_wait3A_428 : memref<1x128x32xf32, #tpu.memory_space<vmem>> -> memref<128x32xf32, #tpu.memory_space<vmem>>
      %dma_wait3A_430 = arith.constant 0 : i32
      %dma_wait3A_431 = tpu.memref_slice %arg8[%add3A_332, %dma_wait3A_430] : memref<80x128xi32, #tpu.memory_space<vmem>> -> memref<1x128xi32, #tpu.memory_space<vmem>>
      %dma_wait3A_432 = tpu.memref_squeeze %dma_wait3A_431 : memref<1x128xi32, #tpu.memory_space<vmem>> -> memref<128xi32, #tpu.memory_space<vmem>>
      %dma_wait3A_433 = arith.constant 0 : i32
      %dma_wait3A_434 = arith.constant 0 : i32
      %dma_wait3A_435 = tpu.memref_slice %arg11[%dma_wait3A_433, %dma_wait3A_434] : memref<10008x32xf32, #tpu.memory_space<vmem_shared>> -> memref<10008x32xf32, #tpu.memory_space<vmem_shared>>
      tpu.wait_indirect_dma semaphore(%arg15 : memref<!tpu.dma_semaphore, #tpu.memory_space<semaphore_mem>>) src(%dma_wait3A_429 : memref<128x32xf32, #tpu.memory_space<vmem>>) dst(%dma_wait3A_435 : memref<10008x32xf32, #tpu.memory_space<vmem_shared>>)
      %dma_wait3A_436 = arith.constant 7 : i32
      %dma_wait3A_437 = arith.constant 0 : i32
      %dma_wait3A_438 = arith.constant 0 : i32
      %dma_wait3A_439 = tpu.memref_slice %arg9[%dma_wait3A_436, %dma_wait3A_437, %dma_wait3A_438] : memref<8x128x32xf32, #tpu.memory_space<vmem>> -> memref<1x128x32xf32, #tpu.memory_space<vmem>>
      %dma_wait3A_440 = tpu.memref_squeeze %dma_wait3A_439 : memref<1x128x32xf32, #tpu.memory_space<vmem>> -> memref<128x32xf32, #tpu.memory_space<vmem>>
      %dma_wait3A_441 = arith.constant 0 : i32
      %dma_wait3A_442 = tpu.memref_slice %arg8[%add3A_347, %dma_wait3A_441] : memref<80x128xi32, #tpu.memory_space<vmem>> -> memref<1x128xi32, #tpu.memory_space<vmem>>
      %dma_wait3A_443 = tpu.memref_squeeze %dma_wait3A_442 : memref<1x128xi32, #tpu.memory_space<vmem>> -> memref<128xi32, #tpu.memory_space<vmem>>
      %dma_wait3A_444 = arith.constant 0 : i32
      %dma_wait3A_445 = arith.constant 0 : i32
      %dma_wait3A_446 = tpu.memref_slice %arg11[%dma_wait3A_444, %dma_wait3A_445] : memref<10008x32xf32, #tpu.memory_space<vmem_shared>> -> memref<10008x32xf32, #tpu.memory_space<vmem_shared>>
      tpu.wait_indirect_dma semaphore(%arg15 : memref<!tpu.dma_semaphore, #tpu.memory_space<semaphore_mem>>) src(%dma_wait3A_440 : memref<128x32xf32, #tpu.memory_space<vmem>>) dst(%dma_wait3A_446 : memref<10008x32xf32, #tpu.memory_space<vmem_shared>>)
    }
    %scan3A_28 = arith.constant 10 : i32
    %barrier3A_29 = arith.constant 0 : index
    tpu.barrier barrier_id(%barrier3A_29)
    %lt3A_30 = arith.constant 15 : i32
    %lt3A_31 = arith.cmpi slt, %arg1, %lt3A_30 : i32
    %convert_element_type3A_32 = arith.extui %lt3A_31 : i1 to i32
    %cond3A_33 = arith.constant 0 : i32
    %cond3A_34 = arith.cmpi ne, %convert_element_type3A_32, %cond3A_33 : i32
    scf.if %cond3A_34 {
      %mul3A_40 = arith.constant 160 : i32
      %mul3A_41 = arith.muli %arg1, %mul3A_40 : i32
      %add3A_42 = arith.constant 0 : i32
      %add3A_43 = arith.addi %add3A_42, %mul3A_41 : i32
      %mul3A_44 = arith.constant 160 : i32
      %mul3A_45 = arith.muli %arg1, %mul3A_44 : i32
      %dma_start3A_46 = arith.constant 0 : i32
      %dma_start3A_47 = tpu.memref_slice %arg6[%arg0, %mul3A_45, %dma_start3A_46] : memref<2x2504x128xf32, #tpu.memory_space<hbm>> -> memref<1x160x32xf32, #tpu.memory_space<hbm>>
      %dma_start3A_48 = tpu.memref_squeeze %dma_start3A_47 : memref<1x160x32xf32, #tpu.memory_space<hbm>> -> memref<160x32xf32, #tpu.memory_space<hbm>>
      %dma_start3A_49 = arith.constant 0 : i32
      %dma_start3A_50 = tpu.memref_slice %arg11[%add3A_43, %dma_start3A_49] : memref<10008x32xf32, #tpu.memory_space<vmem_shared>> -> memref<160x32xf32, #tpu.memory_space<vmem_shared>>
      tpu.enqueue_dma source(%dma_start3A_50 : memref<160x32xf32, #tpu.memory_space<vmem_shared>>) target(%dma_start3A_48 : memref<160x32xf32, #tpu.memory_space<hbm>>) target_semaphore(%arg12 : memref<!tpu.dma_semaphore, #tpu.memory_space<semaphore_mem>>)
      %mul3A_51 = arith.constant 160 : i32
      %mul3A_52 = arith.muli %arg1, %mul3A_51 : i32
      %add3A_53 = arith.constant 2500 : i32
      %add3A_54 = arith.addi %add3A_53, %mul3A_52 : i32
      %mul3A_55 = arith.constant 160 : i32
      %mul3A_56 = arith.muli %arg1, %mul3A_55 : i32
      %dma_start3A_57 = arith.constant 32 : i32
      %dma_start3A_58 = tpu.memref_slice %arg6[%arg0, %mul3A_56, %dma_start3A_57] : memref<2x2504x128xf32, #tpu.memory_space<hbm>> -> memref<1x160x32xf32, #tpu.memory_space<hbm>>
      %dma_start3A_59 = tpu.memref_squeeze %dma_start3A_58 : memref<1x160x32xf32, #tpu.memory_space<hbm>> -> memref<160x32xf32, #tpu.memory_space<hbm>>
      %dma_start3A_60 = arith.constant 0 : i32
      %dma_start3A_61 = tpu.memref_slice %arg11[%add3A_54, %dma_start3A_60] : memref<10008x32xf32, #tpu.memory_space<vmem_shared>> -> memref<160x32xf32, #tpu.memory_space<vmem_shared>>
      tpu.enqueue_dma source(%dma_start3A_61 : memref<160x32xf32, #tpu.memory_space<vmem_shared>>) target(%dma_start3A_59 : memref<160x32xf32, #tpu.memory_space<hbm>>) target_semaphore(%arg12 : memref<!tpu.dma_semaphore, #tpu.memory_space<semaphore_mem>>)
      %mul3A_62 = arith.constant 160 : i32
      %mul3A_63 = arith.muli %arg1, %mul3A_62 : i32
      %add3A_64 = arith.constant 5000 : i32
      %add3A_65 = arith.addi %add3A_64, %mul3A_63 : i32
      %mul3A_66 = arith.constant 160 : i32
      %mul3A_67 = arith.muli %arg1, %mul3A_66 : i32
      %dma_start3A_68 = arith.constant 64 : i32
      %dma_start3A_69 = tpu.memref_slice %arg6[%arg0, %mul3A_67, %dma_start3A_68] : memref<2x2504x128xf32, #tpu.memory_space<hbm>> -> memref<1x160x32xf32, #tpu.memory_space<hbm>>
      %dma_start3A_70 = tpu.memref_squeeze %dma_start3A_69 : memref<1x160x32xf32, #tpu.memory_space<hbm>> -> memref<160x32xf32, #tpu.memory_space<hbm>>
      %dma_start3A_71 = arith.constant 0 : i32
      %dma_start3A_72 = tpu.memref_slice %arg11[%add3A_65, %dma_start3A_71] : memref<10008x32xf32, #tpu.memory_space<vmem_shared>> -> memref<160x32xf32, #tpu.memory_space<vmem_shared>>
      tpu.enqueue_dma source(%dma_start3A_72 : memref<160x32xf32, #tpu.memory_space<vmem_shared>>) target(%dma_start3A_70 : memref<160x32xf32, #tpu.memory_space<hbm>>) target_semaphore(%arg12 : memref<!tpu.dma_semaphore, #tpu.memory_space<semaphore_mem>>)
      %mul3A_73 = arith.constant 160 : i32
      %mul3A_74 = arith.muli %arg1, %mul3A_73 : i32
      %add3A_75 = arith.constant 7500 : i32
      %add3A_76 = arith.addi %add3A_75, %mul3A_74 : i32
      %mul3A_77 = arith.constant 160 : i32
      %mul3A_78 = arith.muli %arg1, %mul3A_77 : i32
      %dma_start3A_79 = arith.constant 96 : i32
      %dma_start3A_80 = tpu.memref_slice %arg6[%arg0, %mul3A_78, %dma_start3A_79] : memref<2x2504x128xf32, #tpu.memory_space<hbm>> -> memref<1x160x32xf32, #tpu.memory_space<hbm>>
      %dma_start3A_81 = tpu.memref_squeeze %dma_start3A_80 : memref<1x160x32xf32, #tpu.memory_space<hbm>> -> memref<160x32xf32, #tpu.memory_space<hbm>>
      %dma_start3A_82 = arith.constant 0 : i32
      %dma_start3A_83 = tpu.memref_slice %arg11[%add3A_76, %dma_start3A_82] : memref<10008x32xf32, #tpu.memory_space<vmem_shared>> -> memref<160x32xf32, #tpu.memory_space<vmem_shared>>
      tpu.enqueue_dma source(%dma_start3A_83 : memref<160x32xf32, #tpu.memory_space<vmem_shared>>) target(%dma_start3A_81 : memref<160x32xf32, #tpu.memory_space<hbm>>) target_semaphore(%arg12 : memref<!tpu.dma_semaphore, #tpu.memory_space<semaphore_mem>>)
      %dma_wait3A_84 = arith.constant 0 : i32
      %dma_wait3A_85 = tpu.memref_slice %arg6[%arg0, %mul3A_45, %dma_wait3A_84] : memref<2x2504x128xf32, #tpu.memory_space<hbm>> -> memref<1x160x32xf32, #tpu.memory_space<hbm>>
      %dma_wait3A_86 = tpu.memref_squeeze %dma_wait3A_85 : memref<1x160x32xf32, #tpu.memory_space<hbm>> -> memref<160x32xf32, #tpu.memory_space<hbm>>
      %dma_wait3A_87 = arith.constant 0 : i32
      %dma_wait3A_88 = tpu.memref_slice %arg11[%add3A_43, %dma_wait3A_87] : memref<10008x32xf32, #tpu.memory_space<vmem_shared>> -> memref<160x32xf32, #tpu.memory_space<vmem_shared>>
      tpu.wait_dma2 semaphore(%arg12 : memref<!tpu.dma_semaphore, #tpu.memory_space<semaphore_mem>>) src(%dma_wait3A_88 : memref<160x32xf32, #tpu.memory_space<vmem_shared>>) dst(%dma_wait3A_86 : memref<160x32xf32, #tpu.memory_space<hbm>>)
      %dma_wait3A_89 = arith.constant 32 : i32
      %dma_wait3A_90 = tpu.memref_slice %arg6[%arg0, %mul3A_56, %dma_wait3A_89] : memref<2x2504x128xf32, #tpu.memory_space<hbm>> -> memref<1x160x32xf32, #tpu.memory_space<hbm>>
      %dma_wait3A_91 = tpu.memref_squeeze %dma_wait3A_90 : memref<1x160x32xf32, #tpu.memory_space<hbm>> -> memref<160x32xf32, #tpu.memory_space<hbm>>
      %dma_wait3A_92 = arith.constant 0 : i32
      %dma_wait3A_93 = tpu.memref_slice %arg11[%add3A_54, %dma_wait3A_92] : memref<10008x32xf32, #tpu.memory_space<vmem_shared>> -> memref<160x32xf32, #tpu.memory_space<vmem_shared>>
      tpu.wait_dma2 semaphore(%arg12 : memref<!tpu.dma_semaphore, #tpu.memory_space<semaphore_mem>>) src(%dma_wait3A_93 : memref<160x32xf32, #tpu.memory_space<vmem_shared>>) dst(%dma_wait3A_91 : memref<160x32xf32, #tpu.memory_space<hbm>>)
      %dma_wait3A_94 = arith.constant 64 : i32
      %dma_wait3A_95 = tpu.memref_slice %arg6[%arg0, %mul3A_67, %dma_wait3A_94] : memref<2x2504x128xf32, #tpu.memory_space<hbm>> -> memref<1x160x32xf32, #tpu.memory_space<hbm>>
      %dma_wait3A_96 = tpu.memref_squeeze %dma_wait3A_95 : memref<1x160x32xf32, #tpu.memory_space<hbm>> -> memref<160x32xf32, #tpu.memory_space<hbm>>
      %dma_wait3A_97 = arith.constant 0 : i32
      %dma_wait3A_98 = tpu.memref_slice %arg11[%add3A_65, %dma_wait3A_97] : memref<10008x32xf32, #tpu.memory_space<vmem_shared>> -> memref<160x32xf32, #tpu.memory_space<vmem_shared>>
      tpu.wait_dma2 semaphore(%arg12 : memref<!tpu.dma_semaphore, #tpu.memory_space<semaphore_mem>>) src(%dma_wait3A_98 : memref<160x32xf32, #tpu.memory_space<vmem_shared>>) dst(%dma_wait3A_96 : memref<160x32xf32, #tpu.memory_space<hbm>>)
      %dma_wait3A_99 = arith.constant 96 : i32
      %dma_wait3A_100 = tpu.memref_slice %arg6[%arg0, %mul3A_78, %dma_wait3A_99] : memref<2x2504x128xf32, #tpu.memory_space<hbm>> -> memref<1x160x32xf32, #tpu.memory_space<hbm>>
      %dma_wait3A_101 = tpu.memref_squeeze %dma_wait3A_100 : memref<1x160x32xf32, #tpu.memory_space<hbm>> -> memref<160x32xf32, #tpu.memory_space<hbm>>
      %dma_wait3A_102 = arith.constant 0 : i32
      %dma_wait3A_103 = tpu.memref_slice %arg11[%add3A_76, %dma_wait3A_102] : memref<10008x32xf32, #tpu.memory_space<vmem_shared>> -> memref<160x32xf32, #tpu.memory_space<vmem_shared>>
      tpu.wait_dma2 semaphore(%arg12 : memref<!tpu.dma_semaphore, #tpu.memory_space<semaphore_mem>>) src(%dma_wait3A_103 : memref<160x32xf32, #tpu.memory_space<vmem_shared>>) dst(%dma_wait3A_101 : memref<160x32xf32, #tpu.memory_space<hbm>>)
    } else {
    }
    %eq3A_35 = arith.constant 15 : i32
    %eq3A_36 = arith.cmpi eq, %arg1, %eq3A_35 : i32
    %convert_element_type3A_37 = arith.extui %eq3A_36 : i1 to i32
    %cond3A_38 = arith.constant 0 : i32
    %cond3A_39 = arith.cmpi ne, %convert_element_type3A_37, %cond3A_38 : i32
    scf.if %cond3A_39 {
      %dma_start3A_40 = arith.constant 2400 : i32
      %dma_start3A_41 = arith.constant 0 : i32
      %dma_start3A_42 = tpu.memref_slice %arg6[%arg0, %dma_start3A_40, %dma_start3A_41] : memref<2x2504x128xf32, #tpu.memory_space<hbm>> -> memref<1x100x32xf32, #tpu.memory_space<hbm>>
      %dma_start3A_43 = tpu.memref_squeeze %dma_start3A_42 : memref<1x100x32xf32, #tpu.memory_space<hbm>> -> memref<100x32xf32, #tpu.memory_space<hbm>>
      %dma_start3A_44 = arith.constant 2400 : i32
      %dma_start3A_45 = arith.constant 0 : i32
      %dma_start3A_46 = tpu.memref_slice %arg11[%dma_start3A_44, %dma_start3A_45] : memref<10008x32xf32, #tpu.memory_space<vmem_shared>> -> memref<100x32xf32, #tpu.memory_space<vmem_shared>>
      tpu.enqueue_dma source(%dma_start3A_46 : memref<100x32xf32, #tpu.memory_space<vmem_shared>>) target(%dma_start3A_43 : memref<100x32xf32, #tpu.memory_space<hbm>>) target_semaphore(%arg12 : memref<!tpu.dma_semaphore, #tpu.memory_space<semaphore_mem>>)
      %dma_start3A_47 = arith.constant 2400 : i32
      %dma_start3A_48 = arith.constant 32 : i32
      %dma_start3A_49 = tpu.memref_slice %arg6[%arg0, %dma_start3A_47, %dma_start3A_48] : memref<2x2504x128xf32, #tpu.memory_space<hbm>> -> memref<1x100x32xf32, #tpu.memory_space<hbm>>
      %dma_start3A_50 = tpu.memref_squeeze %dma_start3A_49 : memref<1x100x32xf32, #tpu.memory_space<hbm>> -> memref<100x32xf32, #tpu.memory_space<hbm>>
      %dma_start3A_51 = arith.constant 4900 : i32
      %dma_start3A_52 = arith.constant 0 : i32
      %dma_start3A_53 = tpu.memref_slice %arg11[%dma_start3A_51, %dma_start3A_52] : memref<10008x32xf32, #tpu.memory_space<vmem_shared>> -> memref<100x32xf32, #tpu.memory_space<vmem_shared>>
      tpu.enqueue_dma source(%dma_start3A_53 : memref<100x32xf32, #tpu.memory_space<vmem_shared>>) target(%dma_start3A_50 : memref<100x32xf32, #tpu.memory_space<hbm>>) target_semaphore(%arg12 : memref<!tpu.dma_semaphore, #tpu.memory_space<semaphore_mem>>)
      %dma_start3A_54 = arith.constant 2400 : i32
      %dma_start3A_55 = arith.constant 64 : i32
      %dma_start3A_56 = tpu.memref_slice %arg6[%arg0, %dma_start3A_54, %dma_start3A_55] : memref<2x2504x128xf32, #tpu.memory_space<hbm>> -> memref<1x100x32xf32, #tpu.memory_space<hbm>>
      %dma_start3A_57 = tpu.memref_squeeze %dma_start3A_56 : memref<1x100x32xf32, #tpu.memory_space<hbm>> -> memref<100x32xf32, #tpu.memory_space<hbm>>
      %dma_start3A_58 = arith.constant 7400 : i32
      %dma_start3A_59 = arith.constant 0 : i32
      %dma_start3A_60 = tpu.memref_slice %arg11[%dma_start3A_58, %dma_start3A_59] : memref<10008x32xf32, #tpu.memory_space<vmem_shared>> -> memref<100x32xf32, #tpu.memory_space<vmem_shared>>
      tpu.enqueue_dma source(%dma_start3A_60 : memref<100x32xf32, #tpu.memory_space<vmem_shared>>) target(%dma_start3A_57 : memref<100x32xf32, #tpu.memory_space<hbm>>) target_semaphore(%arg12 : memref<!tpu.dma_semaphore, #tpu.memory_space<semaphore_mem>>)
      %dma_start3A_61 = arith.constant 2400 : i32
      %dma_start3A_62 = arith.constant 96 : i32
      %dma_start3A_63 = tpu.memref_slice %arg6[%arg0, %dma_start3A_61, %dma_start3A_62] : memref<2x2504x128xf32, #tpu.memory_space<hbm>> -> memref<1x100x32xf32, #tpu.memory_space<hbm>>
      %dma_start3A_64 = tpu.memref_squeeze %dma_start3A_63 : memref<1x100x32xf32, #tpu.memory_space<hbm>> -> memref<100x32xf32, #tpu.memory_space<hbm>>
      %dma_start3A_65 = arith.constant 9900 : i32
      %dma_start3A_66 = arith.constant 0 : i32
      %dma_start3A_67 = tpu.memref_slice %arg11[%dma_start3A_65, %dma_start3A_66] : memref<10008x32xf32, #tpu.memory_space<vmem_shared>> -> memref<100x32xf32, #tpu.memory_space<vmem_shared>>
      tpu.enqueue_dma source(%dma_start3A_67 : memref<100x32xf32, #tpu.memory_space<vmem_shared>>) target(%dma_start3A_64 : memref<100x32xf32, #tpu.memory_space<hbm>>) target_semaphore(%arg12 : memref<!tpu.dma_semaphore, #tpu.memory_space<semaphore_mem>>)
      %dma_wait3A_68 = arith.constant 2400 : i32
      %dma_wait3A_69 = arith.constant 0 : i32
      %dma_wait3A_70 = tpu.memref_slice %arg6[%arg0, %dma_wait3A_68, %dma_wait3A_69] : memref<2x2504x128xf32, #tpu.memory_space<hbm>> -> memref<1x100x32xf32, #tpu.memory_space<hbm>>
      %dma_wait3A_71 = tpu.memref_squeeze %dma_wait3A_70 : memref<1x100x32xf32, #tpu.memory_space<hbm>> -> memref<100x32xf32, #tpu.memory_space<hbm>>
      %dma_wait3A_72 = arith.constant 2400 : i32
      %dma_wait3A_73 = arith.constant 0 : i32
      %dma_wait3A_74 = tpu.memref_slice %arg11[%dma_wait3A_72, %dma_wait3A_73] : memref<10008x32xf32, #tpu.memory_space<vmem_shared>> -> memref<100x32xf32, #tpu.memory_space<vmem_shared>>
      tpu.wait_dma2 semaphore(%arg12 : memref<!tpu.dma_semaphore, #tpu.memory_space<semaphore_mem>>) src(%dma_wait3A_74 : memref<100x32xf32, #tpu.memory_space<vmem_shared>>) dst(%dma_wait3A_71 : memref<100x32xf32, #tpu.memory_space<hbm>>)
      %dma_wait3A_75 = arith.constant 2400 : i32
      %dma_wait3A_76 = arith.constant 32 : i32
      %dma_wait3A_77 = tpu.memref_slice %arg6[%arg0, %dma_wait3A_75, %dma_wait3A_76] : memref<2x2504x128xf32, #tpu.memory_space<hbm>> -> memref<1x100x32xf32, #tpu.memory_space<hbm>>
      %dma_wait3A_78 = tpu.memref_squeeze %dma_wait3A_77 : memref<1x100x32xf32, #tpu.memory_space<hbm>> -> memref<100x32xf32, #tpu.memory_space<hbm>>
      %dma_wait3A_79 = arith.constant 4900 : i32
      %dma_wait3A_80 = arith.constant 0 : i32
      %dma_wait3A_81 = tpu.memref_slice %arg11[%dma_wait3A_79, %dma_wait3A_80] : memref<10008x32xf32, #tpu.memory_space<vmem_shared>> -> memref<100x32xf32, #tpu.memory_space<vmem_shared>>
      tpu.wait_dma2 semaphore(%arg12 : memref<!tpu.dma_semaphore, #tpu.memory_space<semaphore_mem>>) src(%dma_wait3A_81 : memref<100x32xf32, #tpu.memory_space<vmem_shared>>) dst(%dma_wait3A_78 : memref<100x32xf32, #tpu.memory_space<hbm>>)
      %dma_wait3A_82 = arith.constant 2400 : i32
      %dma_wait3A_83 = arith.constant 64 : i32
      %dma_wait3A_84 = tpu.memref_slice %arg6[%arg0, %dma_wait3A_82, %dma_wait3A_83] : memref<2x2504x128xf32, #tpu.memory_space<hbm>> -> memref<1x100x32xf32, #tpu.memory_space<hbm>>
      %dma_wait3A_85 = tpu.memref_squeeze %dma_wait3A_84 : memref<1x100x32xf32, #tpu.memory_space<hbm>> -> memref<100x32xf32, #tpu.memory_space<hbm>>
      %dma_wait3A_86 = arith.constant 7400 : i32
      %dma_wait3A_87 = arith.constant 0 : i32
      %dma_wait3A_88 = tpu.memref_slice %arg11[%dma_wait3A_86, %dma_wait3A_87] : memref<10008x32xf32, #tpu.memory_space<vmem_shared>> -> memref<100x32xf32, #tpu.memory_space<vmem_shared>>
      tpu.wait_dma2 semaphore(%arg12 : memref<!tpu.dma_semaphore, #tpu.memory_space<semaphore_mem>>) src(%dma_wait3A_88 : memref<100x32xf32, #tpu.memory_space<vmem_shared>>) dst(%dma_wait3A_85 : memref<100x32xf32, #tpu.memory_space<hbm>>)
      %dma_wait3A_89 = arith.constant 2400 : i32
      %dma_wait3A_90 = arith.constant 96 : i32
      %dma_wait3A_91 = tpu.memref_slice %arg6[%arg0, %dma_wait3A_89, %dma_wait3A_90] : memref<2x2504x128xf32, #tpu.memory_space<hbm>> -> memref<1x100x32xf32, #tpu.memory_space<hbm>>
      %dma_wait3A_92 = tpu.memref_squeeze %dma_wait3A_91 : memref<1x100x32xf32, #tpu.memory_space<hbm>> -> memref<100x32xf32, #tpu.memory_space<hbm>>
      %dma_wait3A_93 = arith.constant 9900 : i32
      %dma_wait3A_94 = arith.constant 0 : i32
      %dma_wait3A_95 = tpu.memref_slice %arg11[%dma_wait3A_93, %dma_wait3A_94] : memref<10008x32xf32, #tpu.memory_space<vmem_shared>> -> memref<100x32xf32, #tpu.memory_space<vmem_shared>>
      tpu.wait_dma2 semaphore(%arg12 : memref<!tpu.dma_semaphore, #tpu.memory_space<semaphore_mem>>) src(%dma_wait3A_95 : memref<100x32xf32, #tpu.memory_space<vmem_shared>>) dst(%dma_wait3A_92 : memref<100x32xf32, #tpu.memory_space<hbm>>)
    } else {
    }
    return
  }
}

module attributes {stable_mosaic.version = 14 : i64} {
  func.func @body(%arg0: memref<10000x128xf32, #tpu.memory_space<vmem>>, %arg1: memref<128x32xf32, #tpu.memory_space<vmem>>, %arg2: memref<2500x128xf32, #tpu.memory_space<vmem>>) attributes {dimension_semantics = [], scalar_prefetch = 0 : i64, scratch_operands = 0 : i64, tpu.core_type = #tpu.core_type<tc>} {
    %get3A = arith.constant 0 : index
    %get3A_0 = arith.constant 0 : index
    %get3A_1 = vector.load %arg1[%get3A, %get3A_0] : memref<128x32xf32, #tpu.memory_space<vmem>>, vector<128x32xf32>
    %get3A_2 = arith.constant 0 : index
    %get3A_3 = arith.constant 0 : index
    %get3A_4 = vector.load %arg0[%get3A_2, %get3A_3] : memref<10000x128xf32, #tpu.memory_space<vmem>>, vector<2500x128xf32>
    %dot_general3A = arith.constant dense<0.000000e+00> : vector<2500x32xf32>
    %dot_general3A_5 = tpu.matmul %get3A_4, %get3A_1, %dot_general3A {dimension_numbers = #tpu.dot_dimension_numbers<[1], [0], [0], [1], [0, 0, 1, 1], [], []>, transpose_lhs_hint = false} : vector<2500x128xf32>, vector<128x32xf32>, vector<2500x32xf32> -> vector<2500x32xf32>
    %swap3A = arith.constant 0 : index
    %swap3A_6 = arith.constant 0 : index
    %swap3A_7 = vector.load %arg2[%swap3A, %swap3A_6] : memref<2500x128xf32, #tpu.memory_space<vmem>>, vector<2500x32xf32>
    tpu.vector_store %arg2[%swap3A, %swap3A_6], %dot_general3A_5 {strides = array<i32>} : memref<2500x128xf32, #tpu.memory_space<vmem>>, vector<2500x32xf32>,
    %get3A_8 = arith.constant 2500 : index
    %get3A_9 = arith.constant 0 : index
    %get3A_10 = vector.load %arg0[%get3A_8, %get3A_9] : memref<10000x128xf32, #tpu.memory_space<vmem>>, vector<2500x128xf32>
    %dot_general3A_11 = arith.constant dense<0.000000e+00> : vector<2500x32xf32>
    %dot_general3A_12 = tpu.matmul %get3A_10, %get3A_1, %dot_general3A_11 {dimension_numbers = #tpu.dot_dimension_numbers<[1], [0], [0], [1], [0, 0, 1, 1], [], []>, transpose_lhs_hint = false} : vector<2500x128xf32>, vector<128x32xf32>, vector<2500x32xf32> -> vector<2500x32xf32>
    %swap3A_13 = arith.constant 0 : index
    %swap3A_14 = arith.constant 32 : index
    %swap3A_15 = vector.load %arg2[%swap3A_13, %swap3A_14] : memref<2500x128xf32, #tpu.memory_space<vmem>>, vector<2500x32xf32>
    tpu.vector_store %arg2[%swap3A_13, %swap3A_14], %dot_general3A_12 {strides = array<i32>} : memref<2500x128xf32, #tpu.memory_space<vmem>>, vector<2500x32xf32>,
    %get3A_16 = arith.constant 5000 : index
    %get3A_17 = arith.constant 0 : index
    %get3A_18 = vector.load %arg0[%get3A_16, %get3A_17] : memref<10000x128xf32, #tpu.memory_space<vmem>>, vector<2500x128xf32>
    %dot_general3A_19 = arith.constant dense<0.000000e+00> : vector<2500x32xf32>
    %dot_general3A_20 = tpu.matmul %get3A_18, %get3A_1, %dot_general3A_19 {dimension_numbers = #tpu.dot_dimension_numbers<[1], [0], [0], [1], [0, 0, 1, 1], [], []>, transpose_lhs_hint = false} : vector<2500x128xf32>, vector<128x32xf32>, vector<2500x32xf32> -> vector<2500x32xf32>
    %swap3A_21 = arith.constant 0 : index
    %swap3A_22 = arith.constant 64 : index
    %swap3A_23 = vector.load %arg2[%swap3A_21, %swap3A_22] : memref<2500x128xf32, #tpu.memory_space<vmem>>, vector<2500x32xf32>
    tpu.vector_store %arg2[%swap3A_21, %swap3A_22], %dot_general3A_20 {strides = array<i32>} : memref<2500x128xf32, #tpu.memory_space<vmem>>, vector<2500x32xf32>,
    %get3A_24 = arith.constant 7500 : index
    %get3A_25 = arith.constant 0 : index
    %get3A_26 = vector.load %arg0[%get3A_24, %get3A_25] : memref<10000x128xf32, #tpu.memory_space<vmem>>, vector<2500x128xf32>
    %dot_general3A_27 = arith.constant dense<0.000000e+00> : vector<2500x32xf32>
    %dot_general3A_28 = tpu.matmul %get3A_26, %get3A_1, %dot_general3A_27 {dimension_numbers = #tpu.dot_dimension_numbers<[1], [0], [0], [1], [0, 0, 1, 1], [], []>, transpose_lhs_hint = false} : vector<2500x128xf32>, vector<128x32xf32>, vector<2500x32xf32> -> vector<2500x32xf32>
    %swap3A_29 = arith.constant 0 : index
    %swap3A_30 = arith.constant 96 : index
    %swap3A_31 = vector.load %arg2[%swap3A_29, %swap3A_30] : memref<2500x128xf32, #tpu.memory_space<vmem>>, vector<2500x32xf32>
    tpu.vector_store %arg2[%swap3A_29, %swap3A_30], %dot_general3A_28 {strides = array<i32>} : memref<2500x128xf32, #tpu.memory_space<vmem>>, vector<2500x32xf32>,
    return
  }
}

module attributes {stable_mosaic.version = 14 : i64} {
  func.func @body(%arg0: memref<2500x128xf32, #tpu.memory_space<vmem>>, %arg1: memref<2x2504x128xf32, #tpu.memory_space<vmem>>, %arg2: memref<1x128xf32, #tpu.memory_space<vmem>>, %arg3: memref<1x128xf32, #tpu.memory_space<vmem>>, %arg4: memref<1x128xf32, #tpu.memory_space<vmem>>, %arg5: memref<128x128xf32, #tpu.memory_space<vmem>>, %arg6: memref<1x128xf32, #tpu.memory_space<vmem>>, %arg7: memref<128x128xf32, #tpu.memory_space<vmem>>, %arg8: memref<2500x128xf32, #tpu.memory_space<vmem>>, %arg9: memref<2500x128xf32, #tpu.memory_space<vmem>>) attributes {dimension_semantics = [], scalar_prefetch = 0 : i64, scratch_operands = 0 : i64, tpu.core_type = #tpu.core_type<tc>} {
    %get3A = arith.constant 0 : index
    %get3A_0 = arith.constant 0 : index
    %get3A_1 = vector.load %arg0[%get3A, %get3A_0] : memref<2500x128xf32, #tpu.memory_space<vmem>>, vector<2500x128xf32>
    %get3A_2 = arith.constant 0 : index
    %get3A_3 = arith.constant 0 : index
    %get3A_4 = arith.constant 0 : index
    %get3A_5 = vector.load %arg1[%get3A_2, %get3A_3, %get3A_4] : memref<2x2504x128xf32, #tpu.memory_space<vmem>>, vector<1x2500x128xf32>
    %get3A_6 = vector.shape_cast %get3A_5 : vector<1x2500x128xf32> to vector<2500x128xf32>
    %add3A = arith.addf %get3A_1, %get3A_6 : vector<2500x128xf32>
    %get3A_7 = arith.constant 1 : index
    %get3A_8 = arith.constant 0 : index
    %get3A_9 = arith.constant 0 : index
    %get3A_10 = vector.load %arg1[%get3A_7, %get3A_8, %get3A_9] : memref<2x2504x128xf32, #tpu.memory_space<vmem>>, vector<1x2500x128xf32>
    %get3A_11 = vector.shape_cast %get3A_10 : vector<1x2500x128xf32> to vector<2500x128xf32>
    %add3A_12 = arith.addf %add3A, %get3A_11 : vector<2500x128xf32>
    %get3A_13 = arith.constant 0 : index
    %get3A_14 = arith.constant 0 : index
    %get3A_15 = vector.load %arg2[%get3A_13, %get3A_14] : memref<1x128xf32, #tpu.memory_space<vmem>>, vector<1x128xf32>
    %add3A_16 = vector.broadcast %get3A_15 : vector<1x128xf32> to vector<2500x128xf32>
    %add3A_17 = arith.addf %add3A_12, %add3A_16 : vector<2500x128xf32>
    %reduce_sum3A = arith.constant dense<0.000000e+00> : vector<128xf32>
    %reduce_sum3A_18 = vector.multi_reduction <add>, %add3A_17, %reduce_sum3A [0] : vector<2500x128xf32> to vector<128xf32>
    %broadcast_in_dim3A = vector.shape_cast %reduce_sum3A_18 : vector<128xf32> to vector<1x128xf32>
    %div3A = arith.constant 2.500000e+03 : f32
    %div3A_19 = vector.broadcast %div3A : f32 to vector<1x128xf32>
    %div3A_20 = arith.divf %broadcast_in_dim3A, %div3A_19 : vector<1x128xf32>
    %slice3A = vector.extract_strided_slice %div3A_20 {offsets = [0, 0], sizes = [1, 32], strides = [1, 1]} : vector<1x128xf32> to vector<1x32xf32>
    %slice3A_21 = vector.extract_strided_slice %div3A_20 {offsets = [0, 32], sizes = [1, 32], strides = [1, 1]} : vector<1x128xf32> to vector<1x32xf32>
    %add3A_22 = arith.addf %slice3A, %slice3A_21 : vector<1x32xf32>
    %slice3A_23 = vector.extract_strided_slice %div3A_20 {offsets = [0, 64], sizes = [1, 32], strides = [1, 1]} : vector<1x128xf32> to vector<1x32xf32>
    %add3A_24 = arith.addf %add3A_22, %slice3A_23 : vector<1x32xf32>
    %slice3A_25 = vector.extract_strided_slice %div3A_20 {offsets = [0, 96], sizes = [1, 32], strides = [1, 1]} : vector<1x128xf32> to vector<1x32xf32>
    %add3A_26 = arith.addf %add3A_24, %slice3A_25 : vector<1x32xf32>
    %mul3A = arith.constant 2.500000e-01 : f32
    %mul3A_27 = vector.broadcast %mul3A : f32 to vector<1x32xf32>
    %mul3A_28 = arith.mulf %add3A_26, %mul3A_27 : vector<1x32xf32>
    %concatenate3A = tpu.concatenate %mul3A_28, %mul3A_28, %mul3A_28, %mul3A_28 in 1 : vector<1x32xf32>, vector<1x32xf32>, vector<1x32xf32>, vector<1x32xf32> -> vector<1x128xf32>
    %sub3A = vector.broadcast %concatenate3A : vector<1x128xf32> to vector<2500x128xf32>
    %sub3A_29 = arith.subf %add3A_17, %sub3A : vector<2500x128xf32>
    %mul3A_30 = arith.mulf %sub3A_29, %sub3A_29 : vector<2500x128xf32>
    %reduce_sum3A_31 = arith.constant dense<0.000000e+00> : vector<128xf32>
    %reduce_sum3A_32 = vector.multi_reduction <add>, %mul3A_30, %reduce_sum3A_31 [0] : vector<2500x128xf32> to vector<128xf32>
    %broadcast_in_dim3A_33 = vector.shape_cast %reduce_sum3A_32 : vector<128xf32> to vector<1x128xf32>
    %div3A_34 = arith.constant 2.500000e+03 : f32
    %div3A_35 = vector.broadcast %div3A_34 : f32 to vector<1x128xf32>
    %div3A_36 = arith.divf %broadcast_in_dim3A_33, %div3A_35 : vector<1x128xf32>
    %slice3A_37 = vector.extract_strided_slice %div3A_36 {offsets = [0, 0], sizes = [1, 32], strides = [1, 1]} : vector<1x128xf32> to vector<1x32xf32>
    %slice3A_38 = vector.extract_strided_slice %div3A_36 {offsets = [0, 32], sizes = [1, 32], strides = [1, 1]} : vector<1x128xf32> to vector<1x32xf32>
    %add3A_39 = arith.addf %slice3A_37, %slice3A_38 : vector<1x32xf32>
    %slice3A_40 = vector.extract_strided_slice %div3A_36 {offsets = [0, 64], sizes = [1, 32], strides = [1, 1]} : vector<1x128xf32> to vector<1x32xf32>
    %add3A_41 = arith.addf %add3A_39, %slice3A_40 : vector<1x32xf32>
    %slice3A_42 = vector.extract_strided_slice %div3A_36 {offsets = [0, 96], sizes = [1, 32], strides = [1, 1]} : vector<1x128xf32> to vector<1x32xf32>
    %add3A_43 = arith.addf %add3A_41, %slice3A_42 : vector<1x32xf32>
    %mul3A_44 = arith.constant 2.500000e-01 : f32
    %mul3A_45 = vector.broadcast %mul3A_44 : f32 to vector<1x32xf32>
    %mul3A_46 = arith.mulf %add3A_43, %mul3A_45 : vector<1x32xf32>
    %concatenate3A_47 = tpu.concatenate %mul3A_46, %mul3A_46, %mul3A_46, %mul3A_46 in 1 : vector<1x32xf32>, vector<1x32xf32>, vector<1x32xf32>, vector<1x32xf32> -> vector<1x128xf32>
    %get3A_48 = arith.constant 0 : index
    %get3A_49 = arith.constant 0 : index
    %get3A_50 = vector.load %arg3[%get3A_48, %get3A_49] : memref<1x128xf32, #tpu.memory_space<vmem>>, vector<1x128xf32>
    %add3A_51 = arith.constant 9.99999974E-6 : f32
    %add3A_52 = vector.broadcast %add3A_51 : f32 to vector<1x128xf32>
    %add3A_53 = arith.addf %concatenate3A_47, %add3A_52 : vector<1x128xf32>
    %rsqrt3A = math.rsqrt %add3A_53 : vector<1x128xf32>
    %mul3A_54 = arith.mulf %get3A_50, %rsqrt3A : vector<1x128xf32>
    %mul3A_55 = vector.broadcast %mul3A_54 : vector<1x128xf32> to vector<2500x128xf32>
    %mul3A_56 = arith.mulf %sub3A_29, %mul3A_55 : vector<2500x128xf32>
    %get3A_57 = arith.constant 0 : index
    %get3A_58 = arith.constant 0 : index
    %get3A_59 = vector.load %arg4[%get3A_57, %get3A_58] : memref<1x128xf32, #tpu.memory_space<vmem>>, vector<1x128xf32>
    %add3A_60 = vector.broadcast %get3A_59 : vector<1x128xf32> to vector<2500x128xf32>
    %add3A_61 = arith.addf %mul3A_56, %add3A_60 : vector<2500x128xf32>
    %ge3A = arith.constant 0.000000e+00 : f32
    %ge3A_62 = vector.broadcast %ge3A : f32 to vector<2500x128xf32>
    %ge3A_63 = arith.cmpf oge, %add3A_61, %ge3A_62 : vector<2500x128xf32>
    %mul3A_64 = arith.constant 0.00999999977 : f32
    %mul3A_65 = vector.broadcast %mul3A_64 : f32 to vector<2500x128xf32>
    %mul3A_66 = arith.mulf %mul3A_65, %add3A_61 : vector<2500x128xf32>
    %select_n3A = arith.select %ge3A_63, %add3A_61, %mul3A_66 : vector<2500x128xi1>, vector<2500x128xf32>
    %get3A_67 = arith.constant 0 : index
    %get3A_68 = arith.constant 0 : index
    %get3A_69 = vector.load %arg5[%get3A_67, %get3A_68] : memref<128x128xf32, #tpu.memory_space<vmem>>, vector<128x128xf32>
    %dot_general3A = arith.constant dense<0.000000e+00> : vector<2500x128xf32>
    %dot_general3A_70 = tpu.matmul %select_n3A, %get3A_69, %dot_general3A {dimension_numbers = #tpu.dot_dimension_numbers<[1], [0], [0], [1], [0, 0, 1, 1], [], []>, transpose_lhs_hint = false} : vector<2500x128xf32>, vector<128x128xf32>, vector<2500x128xf32> -> vector<2500x128xf32>
    %get3A_71 = arith.constant 0 : index
    %get3A_72 = arith.constant 0 : index
    %get3A_73 = vector.load %arg6[%get3A_71, %get3A_72] : memref<1x128xf32, #tpu.memory_space<vmem>>, vector<1x128xf32>
    %add3A_74 = vector.broadcast %get3A_73 : vector<1x128xf32> to vector<2500x128xf32>
    %add3A_75 = arith.addf %dot_general3A_70, %add3A_74 : vector<2500x128xf32>
    %ge3A_76 = arith.constant 0.000000e+00 : f32
    %ge3A_77 = vector.broadcast %ge3A_76 : f32 to vector<2500x128xf32>
    %ge3A_78 = arith.cmpf oge, %add3A_75, %ge3A_77 : vector<2500x128xf32>
    %mul3A_79 = arith.constant 0.00999999977 : f32
    %mul3A_80 = vector.broadcast %mul3A_79 : f32 to vector<2500x128xf32>
    %mul3A_81 = arith.mulf %mul3A_80, %add3A_75 : vector<2500x128xf32>
    %select_n3A_82 = arith.select %ge3A_78, %add3A_75, %mul3A_81 : vector<2500x128xi1>, vector<2500x128xf32>
    %swap3A = arith.constant 0 : index
    %swap3A_83 = arith.constant 0 : index
    %swap3A_84 = vector.load %arg8[%swap3A, %swap3A_83] : memref<2500x128xf32, #tpu.memory_space<vmem>>, vector<2500x128xf32>
    tpu.vector_store %arg8[%swap3A, %swap3A_83], %select_n3A_82 {strides = array<i32>} : memref<2500x128xf32, #tpu.memory_space<vmem>>, vector<2500x128xf32>,
    %get3A_85 = arith.constant 0 : index
    %get3A_86 = arith.constant 0 : index
    %get3A_87 = vector.load %arg7[%get3A_85, %get3A_86] : memref<128x128xf32, #tpu.memory_space<vmem>>, vector<128x128xf32>
    %dot_general3A_88 = arith.constant dense<0.000000e+00> : vector<2500x128xf32>
    %dot_general3A_89 = tpu.matmul %select_n3A_82, %get3A_87, %dot_general3A_88 {dimension_numbers = #tpu.dot_dimension_numbers<[1], [0], [0], [1], [0, 0, 1, 1], [], []>, transpose_lhs_hint = false} : vector<2500x128xf32>, vector<128x128xf32>, vector<2500x128xf32> -> vector<2500x128xf32>
    %swap3A_90 = arith.constant 0 : index
    %swap3A_91 = arith.constant 0 : index
    %swap3A_92 = vector.load %arg9[%swap3A_90, %swap3A_91] : memref<2500x128xf32, #tpu.memory_space<vmem>>, vector<2500x128xf32>
    tpu.vector_store %arg9[%swap3A_90, %swap3A_91], %dot_general3A_89 {strides = array<i32>} : memref<2500x128xf32, #tpu.memory_space<vmem>>, vector<2500x128xf32>,
    return
  }
}

module attributes {stable_mosaic.version = 14 : i64} {
  func.func @body(%arg0: memref<2500x128xf32, #tpu.memory_space<vmem>>, %arg1: memref<2x2504x128xf32, #tpu.memory_space<vmem>>, %arg2: memref<1x128xf32, #tpu.memory_space<vmem>>, %arg3: memref<1x128xf32, #tpu.memory_space<vmem>>, %arg4: memref<1x128xf32, #tpu.memory_space<vmem>>, %arg5: memref<128x128xf32, #tpu.memory_space<vmem>>, %arg6: memref<1x128xf32, #tpu.memory_space<vmem>>, %arg7: memref<2500x128xf32, #tpu.memory_space<vmem>>, %arg8: memref<2500x128xf32, #tpu.memory_space<vmem>>, %arg9: memref<4x2500xi32, #tpu.memory_space<vmem>>, %arg10: memref<96x96xf32, #tpu.memory_space<vmem>>, %arg11: memref<1x96xf32, #tpu.memory_space<vmem>>, %arg12: memref<96x10xf32, #tpu.memory_space<vmem>>, %arg13: memref<1x10xf32, #tpu.memory_space<vmem>>, %arg14: memref<64x10xf32, #tpu.memory_space<vmem>>) attributes {dimension_semantics = [], scalar_prefetch = 0 : i64, scratch_operands = 0 : i64, tpu.core_type = #tpu.core_type<tc>} {
    %get3A = arith.constant 0 : index
    %get3A_0 = arith.constant 0 : index
    %get3A_1 = vector.load %arg0[%get3A, %get3A_0] : memref<2500x128xf32, #tpu.memory_space<vmem>>, vector<2500x128xf32>
    %get3A_2 = arith.constant 0 : index
    %get3A_3 = arith.constant 0 : index
    %get3A_4 = arith.constant 0 : index
    %get3A_5 = vector.load %arg1[%get3A_2, %get3A_3, %get3A_4] : memref<2x2504x128xf32, #tpu.memory_space<vmem>>, vector<1x2500x128xf32>
    %get3A_6 = vector.shape_cast %get3A_5 : vector<1x2500x128xf32> to vector<2500x128xf32>
    %add3A = arith.addf %get3A_1, %get3A_6 : vector<2500x128xf32>
    %get3A_7 = arith.constant 1 : index
    %get3A_8 = arith.constant 0 : index
    %get3A_9 = arith.constant 0 : index
    %get3A_10 = vector.load %arg1[%get3A_7, %get3A_8, %get3A_9] : memref<2x2504x128xf32, #tpu.memory_space<vmem>>, vector<1x2500x128xf32>
    %get3A_11 = vector.shape_cast %get3A_10 : vector<1x2500x128xf32> to vector<2500x128xf32>
    %add3A_12 = arith.addf %add3A, %get3A_11 : vector<2500x128xf32>
    %get3A_13 = arith.constant 0 : index
    %get3A_14 = arith.constant 0 : index
    %get3A_15 = vector.load %arg2[%get3A_13, %get3A_14] : memref<1x128xf32, #tpu.memory_space<vmem>>, vector<1x128xf32>
    %add3A_16 = vector.broadcast %get3A_15 : vector<1x128xf32> to vector<2500x128xf32>
    %add3A_17 = arith.addf %add3A_12, %add3A_16 : vector<2500x128xf32>
    %reduce_sum3A = arith.constant dense<0.000000e+00> : vector<128xf32>
    %reduce_sum3A_18 = vector.multi_reduction <add>, %add3A_17, %reduce_sum3A [0] : vector<2500x128xf32> to vector<128xf32>
    %broadcast_in_dim3A = vector.shape_cast %reduce_sum3A_18 : vector<128xf32> to vector<1x128xf32>
    %div3A = arith.constant 2.500000e+03 : f32
    %div3A_19 = vector.broadcast %div3A : f32 to vector<1x128xf32>
    %div3A_20 = arith.divf %broadcast_in_dim3A, %div3A_19 : vector<1x128xf32>
    %slice3A = vector.extract_strided_slice %div3A_20 {offsets = [0, 0], sizes = [1, 32], strides = [1, 1]} : vector<1x128xf32> to vector<1x32xf32>
    %slice3A_21 = vector.extract_strided_slice %div3A_20 {offsets = [0, 32], sizes = [1, 32], strides = [1, 1]} : vector<1x128xf32> to vector<1x32xf32>
    %add3A_22 = arith.addf %slice3A, %slice3A_21 : vector<1x32xf32>
    %slice3A_23 = vector.extract_strided_slice %div3A_20 {offsets = [0, 64], sizes = [1, 32], strides = [1, 1]} : vector<1x128xf32> to vector<1x32xf32>
    %add3A_24 = arith.addf %add3A_22, %slice3A_23 : vector<1x32xf32>
    %slice3A_25 = vector.extract_strided_slice %div3A_20 {offsets = [0, 96], sizes = [1, 32], strides = [1, 1]} : vector<1x128xf32> to vector<1x32xf32>
    %add3A_26 = arith.addf %add3A_24, %slice3A_25 : vector<1x32xf32>
    %mul3A = arith.constant 2.500000e-01 : f32
    %mul3A_27 = vector.broadcast %mul3A : f32 to vector<1x32xf32>
    %mul3A_28 = arith.mulf %add3A_26, %mul3A_27 : vector<1x32xf32>
    %concatenate3A = tpu.concatenate %mul3A_28, %mul3A_28, %mul3A_28, %mul3A_28 in 1 : vector<1x32xf32>, vector<1x32xf32>, vector<1x32xf32>, vector<1x32xf32> -> vector<1x128xf32>
    %sub3A = vector.broadcast %concatenate3A : vector<1x128xf32> to vector<2500x128xf32>
    %sub3A_29 = arith.subf %add3A_17, %sub3A : vector<2500x128xf32>
    %mul3A_30 = arith.mulf %sub3A_29, %sub3A_29 : vector<2500x128xf32>
    %reduce_sum3A_31 = arith.constant dense<0.000000e+00> : vector<128xf32>
    %reduce_sum3A_32 = vector.multi_reduction <add>, %mul3A_30, %reduce_sum3A_31 [0] : vector<2500x128xf32> to vector<128xf32>
    %broadcast_in_dim3A_33 = vector.shape_cast %reduce_sum3A_32 : vector<128xf32> to vector<1x128xf32>
    %div3A_34 = arith.constant 2.500000e+03 : f32
    %div3A_35 = vector.broadcast %div3A_34 : f32 to vector<1x128xf32>
    %div3A_36 = arith.divf %broadcast_in_dim3A_33, %div3A_35 : vector<1x128xf32>
    %slice3A_37 = vector.extract_strided_slice %div3A_36 {offsets = [0, 0], sizes = [1, 32], strides = [1, 1]} : vector<1x128xf32> to vector<1x32xf32>
    %slice3A_38 = vector.extract_strided_slice %div3A_36 {offsets = [0, 32], sizes = [1, 32], strides = [1, 1]} : vector<1x128xf32> to vector<1x32xf32>
    %add3A_39 = arith.addf %slice3A_37, %slice3A_38 : vector<1x32xf32>
    %slice3A_40 = vector.extract_strided_slice %div3A_36 {offsets = [0, 64], sizes = [1, 32], strides = [1, 1]} : vector<1x128xf32> to vector<1x32xf32>
    %add3A_41 = arith.addf %add3A_39, %slice3A_40 : vector<1x32xf32>
    %slice3A_42 = vector.extract_strided_slice %div3A_36 {offsets = [0, 96], sizes = [1, 32], strides = [1, 1]} : vector<1x128xf32> to vector<1x32xf32>
    %add3A_43 = arith.addf %add3A_41, %slice3A_42 : vector<1x32xf32>
    %mul3A_44 = arith.constant 2.500000e-01 : f32
    %mul3A_45 = vector.broadcast %mul3A_44 : f32 to vector<1x32xf32>
    %mul3A_46 = arith.mulf %add3A_43, %mul3A_45 : vector<1x32xf32>
    %concatenate3A_47 = tpu.concatenate %mul3A_46, %mul3A_46, %mul3A_46, %mul3A_46 in 1 : vector<1x32xf32>, vector<1x32xf32>, vector<1x32xf32>, vector<1x32xf32> -> vector<1x128xf32>
    %get3A_48 = arith.constant 0 : index
    %get3A_49 = arith.constant 0 : index
    %get3A_50 = vector.load %arg3[%get3A_48, %get3A_49] : memref<1x128xf32, #tpu.memory_space<vmem>>, vector<1x128xf32>
    %add3A_51 = arith.constant 9.99999974E-6 : f32
    %add3A_52 = vector.broadcast %add3A_51 : f32 to vector<1x128xf32>
    %add3A_53 = arith.addf %concatenate3A_47, %add3A_52 : vector<1x128xf32>
    %rsqrt3A = math.rsqrt %add3A_53 : vector<1x128xf32>
    %mul3A_54 = arith.mulf %get3A_50, %rsqrt3A : vector<1x128xf32>
    %mul3A_55 = vector.broadcast %mul3A_54 : vector<1x128xf32> to vector<2500x128xf32>
    %mul3A_56 = arith.mulf %sub3A_29, %mul3A_55 : vector<2500x128xf32>
    %get3A_57 = arith.constant 0 : index
    %get3A_58 = arith.constant 0 : index
    %get3A_59 = vector.load %arg4[%get3A_57, %get3A_58] : memref<1x128xf32, #tpu.memory_space<vmem>>, vector<1x128xf32>
    %add3A_60 = vector.broadcast %get3A_59 : vector<1x128xf32> to vector<2500x128xf32>
    %add3A_61 = arith.addf %mul3A_56, %add3A_60 : vector<2500x128xf32>
    %ge3A = arith.constant 0.000000e+00 : f32
    %ge3A_62 = vector.broadcast %ge3A : f32 to vector<2500x128xf32>
    %ge3A_63 = arith.cmpf oge, %add3A_61, %ge3A_62 : vector<2500x128xf32>
    %mul3A_64 = arith.constant 0.00999999977 : f32
    %mul3A_65 = vector.broadcast %mul3A_64 : f32 to vector<2500x128xf32>
    %mul3A_66 = arith.mulf %mul3A_65, %add3A_61 : vector<2500x128xf32>
    %select_n3A = arith.select %ge3A_63, %add3A_61, %mul3A_66 : vector<2500x128xi1>, vector<2500x128xf32>
    %get3A_67 = arith.constant 0 : index
    %get3A_68 = arith.constant 0 : index
    %get3A_69 = vector.load %arg5[%get3A_67, %get3A_68] : memref<128x128xf32, #tpu.memory_space<vmem>>, vector<128x128xf32>
    %dot_general3A = arith.constant dense<0.000000e+00> : vector<2500x128xf32>
    %dot_general3A_70 = tpu.matmul %select_n3A, %get3A_69, %dot_general3A {dimension_numbers = #tpu.dot_dimension_numbers<[1], [0], [0], [1], [0, 0, 1, 1], [], []>, transpose_lhs_hint = false} : vector<2500x128xf32>, vector<128x128xf32>, vector<2500x128xf32> -> vector<2500x128xf32>
    %get3A_71 = arith.constant 0 : index
    %get3A_72 = arith.constant 0 : index
    %get3A_73 = vector.load %arg6[%get3A_71, %get3A_72] : memref<1x128xf32, #tpu.memory_space<vmem>>, vector<1x128xf32>
    %add3A_74 = vector.broadcast %get3A_73 : vector<1x128xf32> to vector<2500x128xf32>
    %add3A_75 = arith.addf %dot_general3A_70, %add3A_74 : vector<2500x128xf32>
    %ge3A_76 = arith.constant 0.000000e+00 : f32
    %ge3A_77 = vector.broadcast %ge3A_76 : f32 to vector<2500x128xf32>
    %ge3A_78 = arith.cmpf oge, %add3A_75, %ge3A_77 : vector<2500x128xf32>
    %mul3A_79 = arith.constant 0.00999999977 : f32
    %mul3A_80 = vector.broadcast %mul3A_79 : f32 to vector<2500x128xf32>
    %mul3A_81 = arith.mulf %mul3A_80, %add3A_75 : vector<2500x128xf32>
    %select_n3A_82 = arith.select %ge3A_78, %add3A_75, %mul3A_81 : vector<2500x128xi1>, vector<2500x128xf32>
    %iota3A = tpu.iota {dimensions = array<i32: 0>} : vector<64x2500xi32>
    %get3A_83 = arith.constant 0 : index
    %get3A_84 = arith.constant 0 : index
    %get3A_85 = vector.load %arg7[%get3A_83, %get3A_84] : memref<2500x128xf32, #tpu.memory_space<vmem>>, vector<2500x128xf32>
    %get3A_86 = arith.constant 0 : index
    %get3A_87 = arith.constant 0 : index
    %get3A_88 = vector.load %arg8[%get3A_86, %get3A_87] : memref<2500x128xf32, #tpu.memory_space<vmem>>, vector<2500x128xf32>
    %broadcast_in_dim3A_89 = arith.constant 0.000000e+00 : f32
    %broadcast_in_dim3A_90 = vector.broadcast %broadcast_in_dim3A_89 : f32 to vector<64x32xf32>
    %get3A_91 = arith.constant 0 : index
    %get3A_92 = arith.constant 0 : index
    %get3A_93 = vector.load %arg9[%get3A_91, %get3A_92] : memref<4x2500xi32, #tpu.memory_space<vmem>>, vector<1x2500xi32>
    %get3A_94 = vector.shape_cast %get3A_93 : vector<1x2500xi32> to vector<2500xi32>
    %broadcast_in_dim3A_95 = vector.shape_cast %get3A_94 : vector<2500xi32> to vector<1x2500xi32>
    %eq3A = vector.broadcast %broadcast_in_dim3A_95 : vector<1x2500xi32> to vector<64x2500xi32>
    %eq3A_96 = arith.cmpi eq, %iota3A, %eq3A : vector<64x2500xi32>
    %convert_element_type3A = arith.extui %eq3A_96 : vector<64x2500xi1> to vector<64x2500xi32>
    %convert_element_type3A_97 = arith.sitofp %convert_element_type3A : vector<64x2500xi32> to vector<64x2500xf32>
    %slice3A_98 = vector.extract_strided_slice %get3A_85 {offsets = [0, 0], sizes = [2500, 32], strides = [1, 1]} : vector<2500x128xf32> to vector<2500x32xf32>
    %dot_general3A_99 = arith.constant dense<0.000000e+00> : vector<64x32xf32>
    %dot_general3A_100 = tpu.matmul %convert_element_type3A_97, %slice3A_98, %dot_general3A_99 {dimension_numbers = #tpu.dot_dimension_numbers<[1], [0], [0], [1], [0, 0, 1, 1], [], []>, transpose_lhs_hint = false} : vector<64x2500xf32>, vector<2500x32xf32>, vector<64x32xf32> -> vector<64x32xf32>
    %add3A_101 = arith.addf %broadcast_in_dim3A_90, %dot_general3A_100 : vector<64x32xf32>
    %get3A_102 = arith.constant 1 : index
    %get3A_103 = arith.constant 0 : index
    %get3A_104 = vector.load %arg9[%get3A_102, %get3A_103] : memref<4x2500xi32, #tpu.memory_space<vmem>>, vector<1x2500xi32>
    %get3A_105 = vector.shape_cast %get3A_104 : vector<1x2500xi32> to vector<2500xi32>
    %broadcast_in_dim3A_106 = vector.shape_cast %get3A_105 : vector<2500xi32> to vector<1x2500xi32>
    %eq3A_107 = vector.broadcast %broadcast_in_dim3A_106 : vector<1x2500xi32> to vector<64x2500xi32>
    %eq3A_108 = arith.cmpi eq, %iota3A, %eq3A_107 : vector<64x2500xi32>
    %convert_element_type3A_109 = arith.extui %eq3A_108 : vector<64x2500xi1> to vector<64x2500xi32>
    %convert_element_type3A_110 = arith.sitofp %convert_element_type3A_109 : vector<64x2500xi32> to vector<64x2500xf32>
    %slice3A_111 = vector.extract_strided_slice %get3A_85 {offsets = [0, 32], sizes = [2500, 32], strides = [1, 1]} : vector<2500x128xf32> to vector<2500x32xf32>
    %dot_general3A_112 = arith.constant dense<0.000000e+00> : vector<64x32xf32>
    %dot_general3A_113 = tpu.matmul %convert_element_type3A_110, %slice3A_111, %dot_general3A_112 {dimension_numbers = #tpu.dot_dimension_numbers<[1], [0], [0], [1], [0, 0, 1, 1], [], []>, transpose_lhs_hint = false} : vector<64x2500xf32>, vector<2500x32xf32>, vector<64x32xf32> -> vector<64x32xf32>
    %add3A_114 = arith.addf %add3A_101, %dot_general3A_113 : vector<64x32xf32>
    %get3A_115 = arith.constant 2 : index
    %get3A_116 = arith.constant 0 : index
    %get3A_117 = vector.load %arg9[%get3A_115, %get3A_116] : memref<4x2500xi32, #tpu.memory_space<vmem>>, vector<1x2500xi32>
    %get3A_118 = vector.shape_cast %get3A_117 : vector<1x2500xi32> to vector<2500xi32>
    %broadcast_in_dim3A_119 = vector.shape_cast %get3A_118 : vector<2500xi32> to vector<1x2500xi32>
    %eq3A_120 = vector.broadcast %broadcast_in_dim3A_119 : vector<1x2500xi32> to vector<64x2500xi32>
    %eq3A_121 = arith.cmpi eq, %iota3A, %eq3A_120 : vector<64x2500xi32>
    %convert_element_type3A_122 = arith.extui %eq3A_121 : vector<64x2500xi1> to vector<64x2500xi32>
    %convert_element_type3A_123 = arith.sitofp %convert_element_type3A_122 : vector<64x2500xi32> to vector<64x2500xf32>
    %slice3A_124 = vector.extract_strided_slice %get3A_85 {offsets = [0, 64], sizes = [2500, 32], strides = [1, 1]} : vector<2500x128xf32> to vector<2500x32xf32>
    %dot_general3A_125 = arith.constant dense<0.000000e+00> : vector<64x32xf32>
    %dot_general3A_126 = tpu.matmul %convert_element_type3A_123, %slice3A_124, %dot_general3A_125 {dimension_numbers = #tpu.dot_dimension_numbers<[1], [0], [0], [1], [0, 0, 1, 1], [], []>, transpose_lhs_hint = false} : vector<64x2500xf32>, vector<2500x32xf32>, vector<64x32xf32> -> vector<64x32xf32>
    %add3A_127 = arith.addf %add3A_114, %dot_general3A_126 : vector<64x32xf32>
    %get3A_128 = arith.constant 3 : index
    %get3A_129 = arith.constant 0 : index
    %get3A_130 = vector.load %arg9[%get3A_128, %get3A_129] : memref<4x2500xi32, #tpu.memory_space<vmem>>, vector<1x2500xi32>
    %get3A_131 = vector.shape_cast %get3A_130 : vector<1x2500xi32> to vector<2500xi32>
    %broadcast_in_dim3A_132 = vector.shape_cast %get3A_131 : vector<2500xi32> to vector<1x2500xi32>
    %eq3A_133 = vector.broadcast %broadcast_in_dim3A_132 : vector<1x2500xi32> to vector<64x2500xi32>
    %eq3A_134 = arith.cmpi eq, %iota3A, %eq3A_133 : vector<64x2500xi32>
    %convert_element_type3A_135 = arith.extui %eq3A_134 : vector<64x2500xi1> to vector<64x2500xi32>
    %convert_element_type3A_136 = arith.sitofp %convert_element_type3A_135 : vector<64x2500xi32> to vector<64x2500xf32>
    %slice3A_137 = vector.extract_strided_slice %get3A_85 {offsets = [0, 96], sizes = [2500, 32], strides = [1, 1]} : vector<2500x128xf32> to vector<2500x32xf32>
    %dot_general3A_138 = arith.constant dense<0.000000e+00> : vector<64x32xf32>
    %dot_general3A_139 = tpu.matmul %convert_element_type3A_136, %slice3A_137, %dot_general3A_138 {dimension_numbers = #tpu.dot_dimension_numbers<[1], [0], [0], [1], [0, 0, 1, 1], [], []>, transpose_lhs_hint = false} : vector<64x2500xf32>, vector<2500x32xf32>, vector<64x32xf32> -> vector<64x32xf32>
    %add3A_140 = arith.addf %add3A_127, %dot_general3A_139 : vector<64x32xf32>
    %broadcast_in_dim3A_141 = arith.constant 0.000000e+00 : f32
    %broadcast_in_dim3A_142 = vector.broadcast %broadcast_in_dim3A_141 : f32 to vector<64x32xf32>
    %get3A_143 = arith.constant 0 : index
    %get3A_144 = arith.constant 0 : index
    %get3A_145 = vector.load %arg9[%get3A_143, %get3A_144] : memref<4x2500xi32, #tpu.memory_space<vmem>>, vector<1x2500xi32>
    %get3A_146 = vector.shape_cast %get3A_145 : vector<1x2500xi32> to vector<2500xi32>
    %broadcast_in_dim3A_147 = vector.shape_cast %get3A_146 : vector<2500xi32> to vector<1x2500xi32>
    %eq3A_148 = vector.broadcast %broadcast_in_dim3A_147 : vector<1x2500xi32> to vector<64x2500xi32>
    %eq3A_149 = arith.cmpi eq, %iota3A, %eq3A_148 : vector<64x2500xi32>
    %convert_element_type3A_150 = arith.extui %eq3A_149 : vector<64x2500xi1> to vector<64x2500xi32>
    %convert_element_type3A_151 = arith.sitofp %convert_element_type3A_150 : vector<64x2500xi32> to vector<64x2500xf32>
    %slice3A_152 = vector.extract_strided_slice %get3A_88 {offsets = [0, 0], sizes = [2500, 32], strides = [1, 1]} : vector<2500x128xf32> to vector<2500x32xf32>
    %dot_general3A_153 = arith.constant dense<0.000000e+00> : vector<64x32xf32>
    %dot_general3A_154 = tpu.matmul %convert_element_type3A_151, %slice3A_152, %dot_general3A_153 {dimension_numbers = #tpu.dot_dimension_numbers<[1], [0], [0], [1], [0, 0, 1, 1], [], []>, transpose_lhs_hint = false} : vector<64x2500xf32>, vector<2500x32xf32>, vector<64x32xf32> -> vector<64x32xf32>
    %add3A_155 = arith.addf %broadcast_in_dim3A_142, %dot_general3A_154 : vector<64x32xf32>
    %get3A_156 = arith.constant 1 : index
    %get3A_157 = arith.constant 0 : index
    %get3A_158 = vector.load %arg9[%get3A_156, %get3A_157] : memref<4x2500xi32, #tpu.memory_space<vmem>>, vector<1x2500xi32>
    %get3A_159 = vector.shape_cast %get3A_158 : vector<1x2500xi32> to vector<2500xi32>
    %broadcast_in_dim3A_160 = vector.shape_cast %get3A_159 : vector<2500xi32> to vector<1x2500xi32>
    %eq3A_161 = vector.broadcast %broadcast_in_dim3A_160 : vector<1x2500xi32> to vector<64x2500xi32>
    %eq3A_162 = arith.cmpi eq, %iota3A, %eq3A_161 : vector<64x2500xi32>
    %convert_element_type3A_163 = arith.extui %eq3A_162 : vector<64x2500xi1> to vector<64x2500xi32>
    %convert_element_type3A_164 = arith.sitofp %convert_element_type3A_163 : vector<64x2500xi32> to vector<64x2500xf32>
    %slice3A_165 = vector.extract_strided_slice %get3A_88 {offsets = [0, 32], sizes = [2500, 32], strides = [1, 1]} : vector<2500x128xf32> to vector<2500x32xf32>
    %dot_general3A_166 = arith.constant dense<0.000000e+00> : vector<64x32xf32>
    %dot_general3A_167 = tpu.matmul %convert_element_type3A_164, %slice3A_165, %dot_general3A_166 {dimension_numbers = #tpu.dot_dimension_numbers<[1], [0], [0], [1], [0, 0, 1, 1], [], []>, transpose_lhs_hint = false} : vector<64x2500xf32>, vector<2500x32xf32>, vector<64x32xf32> -> vector<64x32xf32>
    %add3A_168 = arith.addf %add3A_155, %dot_general3A_167 : vector<64x32xf32>
    %get3A_169 = arith.constant 2 : index
    %get3A_170 = arith.constant 0 : index
    %get3A_171 = vector.load %arg9[%get3A_169, %get3A_170] : memref<4x2500xi32, #tpu.memory_space<vmem>>, vector<1x2500xi32>
    %get3A_172 = vector.shape_cast %get3A_171 : vector<1x2500xi32> to vector<2500xi32>
    %broadcast_in_dim3A_173 = vector.shape_cast %get3A_172 : vector<2500xi32> to vector<1x2500xi32>
    %eq3A_174 = vector.broadcast %broadcast_in_dim3A_173 : vector<1x2500xi32> to vector<64x2500xi32>
    %eq3A_175 = arith.cmpi eq, %iota3A, %eq3A_174 : vector<64x2500xi32>
    %convert_element_type3A_176 = arith.extui %eq3A_175 : vector<64x2500xi1> to vector<64x2500xi32>
    %convert_element_type3A_177 = arith.sitofp %convert_element_type3A_176 : vector<64x2500xi32> to vector<64x2500xf32>
    %slice3A_178 = vector.extract_strided_slice %get3A_88 {offsets = [0, 64], sizes = [2500, 32], strides = [1, 1]} : vector<2500x128xf32> to vector<2500x32xf32>
    %dot_general3A_179 = arith.constant dense<0.000000e+00> : vector<64x32xf32>
    %dot_general3A_180 = tpu.matmul %convert_element_type3A_177, %slice3A_178, %dot_general3A_179 {dimension_numbers = #tpu.dot_dimension_numbers<[1], [0], [0], [1], [0, 0, 1, 1], [], []>, transpose_lhs_hint = false} : vector<64x2500xf32>, vector<2500x32xf32>, vector<64x32xf32> -> vector<64x32xf32>
    %add3A_181 = arith.addf %add3A_168, %dot_general3A_180 : vector<64x32xf32>
    %get3A_182 = arith.constant 3 : index
    %get3A_183 = arith.constant 0 : index
    %get3A_184 = vector.load %arg9[%get3A_182, %get3A_183] : memref<4x2500xi32, #tpu.memory_space<vmem>>, vector<1x2500xi32>
    %get3A_185 = vector.shape_cast %get3A_184 : vector<1x2500xi32> to vector<2500xi32>
    %broadcast_in_dim3A_186 = vector.shape_cast %get3A_185 : vector<2500xi32> to vector<1x2500xi32>
    %eq3A_187 = vector.broadcast %broadcast_in_dim3A_186 : vector<1x2500xi32> to vector<64x2500xi32>
    %eq3A_188 = arith.cmpi eq, %iota3A, %eq3A_187 : vector<64x2500xi32>
    %convert_element_type3A_189 = arith.extui %eq3A_188 : vector<64x2500xi1> to vector<64x2500xi32>
    %convert_element_type3A_190 = arith.sitofp %convert_element_type3A_189 : vector<64x2500xi32> to vector<64x2500xf32>
    %slice3A_191 = vector.extract_strided_slice %get3A_88 {offsets = [0, 96], sizes = [2500, 32], strides = [1, 1]} : vector<2500x128xf32> to vector<2500x32xf32>
    %dot_general3A_192 = arith.constant dense<0.000000e+00> : vector<64x32xf32>
    %dot_general3A_193 = tpu.matmul %convert_element_type3A_190, %slice3A_191, %dot_general3A_192 {dimension_numbers = #tpu.dot_dimension_numbers<[1], [0], [0], [1], [0, 0, 1, 1], [], []>, transpose_lhs_hint = false} : vector<64x2500xf32>, vector<2500x32xf32>, vector<64x32xf32> -> vector<64x32xf32>
    %add3A_194 = arith.addf %add3A_181, %dot_general3A_193 : vector<64x32xf32>
    %broadcast_in_dim3A_195 = arith.constant 0.000000e+00 : f32
    %broadcast_in_dim3A_196 = vector.broadcast %broadcast_in_dim3A_195 : f32 to vector<64x32xf32>
    %get3A_197 = arith.constant 0 : index
    %get3A_198 = arith.constant 0 : index
    %get3A_199 = vector.load %arg9[%get3A_197, %get3A_198] : memref<4x2500xi32, #tpu.memory_space<vmem>>, vector<1x2500xi32>
    %get3A_200 = vector.shape_cast %get3A_199 : vector<1x2500xi32> to vector<2500xi32>
    %broadcast_in_dim3A_201 = vector.shape_cast %get3A_200 : vector<2500xi32> to vector<1x2500xi32>
    %eq3A_202 = vector.broadcast %broadcast_in_dim3A_201 : vector<1x2500xi32> to vector<64x2500xi32>
    %eq3A_203 = arith.cmpi eq, %iota3A, %eq3A_202 : vector<64x2500xi32>
    %convert_element_type3A_204 = arith.extui %eq3A_203 : vector<64x2500xi1> to vector<64x2500xi32>
    %convert_element_type3A_205 = arith.sitofp %convert_element_type3A_204 : vector<64x2500xi32> to vector<64x2500xf32>
    %slice3A_206 = vector.extract_strided_slice %select_n3A_82 {offsets = [0, 0], sizes = [2500, 32], strides = [1, 1]} : vector<2500x128xf32> to vector<2500x32xf32>
    %dot_general3A_207 = arith.constant dense<0.000000e+00> : vector<64x32xf32>
    %dot_general3A_208 = tpu.matmul %convert_element_type3A_205, %slice3A_206, %dot_general3A_207 {dimension_numbers = #tpu.dot_dimension_numbers<[1], [0], [0], [1], [0, 0, 1, 1], [], []>, transpose_lhs_hint = false} : vector<64x2500xf32>, vector<2500x32xf32>, vector<64x32xf32> -> vector<64x32xf32>
    %add3A_209 = arith.addf %broadcast_in_dim3A_196, %dot_general3A_208 : vector<64x32xf32>
    %get3A_210 = arith.constant 1 : index
    %get3A_211 = arith.constant 0 : index
    %get3A_212 = vector.load %arg9[%get3A_210, %get3A_211] : memref<4x2500xi32, #tpu.memory_space<vmem>>, vector<1x2500xi32>
    %get3A_213 = vector.shape_cast %get3A_212 : vector<1x2500xi32> to vector<2500xi32>
    %broadcast_in_dim3A_214 = vector.shape_cast %get3A_213 : vector<2500xi32> to vector<1x2500xi32>
    %eq3A_215 = vector.broadcast %broadcast_in_dim3A_214 : vector<1x2500xi32> to vector<64x2500xi32>
    %eq3A_216 = arith.cmpi eq, %iota3A, %eq3A_215 : vector<64x2500xi32>
    %convert_element_type3A_217 = arith.extui %eq3A_216 : vector<64x2500xi1> to vector<64x2500xi32>
    %convert_element_type3A_218 = arith.sitofp %convert_element_type3A_217 : vector<64x2500xi32> to vector<64x2500xf32>
    %slice3A_219 = vector.extract_strided_slice %select_n3A_82 {offsets = [0, 32], sizes = [2500, 32], strides = [1, 1]} : vector<2500x128xf32> to vector<2500x32xf32>
    %dot_general3A_220 = arith.constant dense<0.000000e+00> : vector<64x32xf32>
    %dot_general3A_221 = tpu.matmul %convert_element_type3A_218, %slice3A_219, %dot_general3A_220 {dimension_numbers = #tpu.dot_dimension_numbers<[1], [0], [0], [1], [0, 0, 1, 1], [], []>, transpose_lhs_hint = false} : vector<64x2500xf32>, vector<2500x32xf32>, vector<64x32xf32> -> vector<64x32xf32>
    %add3A_222 = arith.addf %add3A_209, %dot_general3A_221 : vector<64x32xf32>
    %get3A_223 = arith.constant 2 : index
    %get3A_224 = arith.constant 0 : index
    %get3A_225 = vector.load %arg9[%get3A_223, %get3A_224] : memref<4x2500xi32, #tpu.memory_space<vmem>>, vector<1x2500xi32>
    %get3A_226 = vector.shape_cast %get3A_225 : vector<1x2500xi32> to vector<2500xi32>
    %broadcast_in_dim3A_227 = vector.shape_cast %get3A_226 : vector<2500xi32> to vector<1x2500xi32>
    %eq3A_228 = vector.broadcast %broadcast_in_dim3A_227 : vector<1x2500xi32> to vector<64x2500xi32>
    %eq3A_229 = arith.cmpi eq, %iota3A, %eq3A_228 : vector<64x2500xi32>
    %convert_element_type3A_230 = arith.extui %eq3A_229 : vector<64x2500xi1> to vector<64x2500xi32>
    %convert_element_type3A_231 = arith.sitofp %convert_element_type3A_230 : vector<64x2500xi32> to vector<64x2500xf32>
    %slice3A_232 = vector.extract_strided_slice %select_n3A_82 {offsets = [0, 64], sizes = [2500, 32], strides = [1, 1]} : vector<2500x128xf32> to vector<2500x32xf32>
    %dot_general3A_233 = arith.constant dense<0.000000e+00> : vector<64x32xf32>
    %dot_general3A_234 = tpu.matmul %convert_element_type3A_231, %slice3A_232, %dot_general3A_233 {dimension_numbers = #tpu.dot_dimension_numbers<[1], [0], [0], [1], [0, 0, 1, 1], [], []>, transpose_lhs_hint = false} : vector<64x2500xf32>, vector<2500x32xf32>, vector<64x32xf32> -> vector<64x32xf32>
    %add3A_235 = arith.addf %add3A_222, %dot_general3A_234 : vector<64x32xf32>
    %get3A_236 = arith.constant 3 : index
    %get3A_237 = arith.constant 0 : index
    %get3A_238 = vector.load %arg9[%get3A_236, %get3A_237] : memref<4x2500xi32, #tpu.memory_space<vmem>>, vector<1x2500xi32>
    %get3A_239 = vector.shape_cast %get3A_238 : vector<1x2500xi32> to vector<2500xi32>
    %broadcast_in_dim3A_240 = vector.shape_cast %get3A_239 : vector<2500xi32> to vector<1x2500xi32>
    %eq3A_241 = vector.broadcast %broadcast_in_dim3A_240 : vector<1x2500xi32> to vector<64x2500xi32>
    %eq3A_242 = arith.cmpi eq, %iota3A, %eq3A_241 : vector<64x2500xi32>
    %convert_element_type3A_243 = arith.extui %eq3A_242 : vector<64x2500xi1> to vector<64x2500xi32>
    %convert_element_type3A_244 = arith.sitofp %convert_element_type3A_243 : vector<64x2500xi32> to vector<64x2500xf32>
    %slice3A_245 = vector.extract_strided_slice %select_n3A_82 {offsets = [0, 96], sizes = [2500, 32], strides = [1, 1]} : vector<2500x128xf32> to vector<2500x32xf32>
    %dot_general3A_246 = arith.constant dense<0.000000e+00> : vector<64x32xf32>
    %dot_general3A_247 = tpu.matmul %convert_element_type3A_244, %slice3A_245, %dot_general3A_246 {dimension_numbers = #tpu.dot_dimension_numbers<[1], [0], [0], [1], [0, 0, 1, 1], [], []>, transpose_lhs_hint = false} : vector<64x2500xf32>, vector<2500x32xf32>, vector<64x32xf32> -> vector<64x32xf32>
    %add3A_248 = arith.addf %add3A_235, %dot_general3A_247 : vector<64x32xf32>
    %concatenate3A_249 = tpu.concatenate %add3A_140, %add3A_194, %add3A_248 in 1 : vector<64x32xf32>, vector<64x32xf32>, vector<64x32xf32> -> vector<64x96xf32>
    %get3A_250 = arith.constant 0 : index
    %get3A_251 = arith.constant 0 : index
    %get3A_252 = vector.load %arg10[%get3A_250, %get3A_251] : memref<96x96xf32, #tpu.memory_space<vmem>>, vector<96x96xf32>
    %dot_general3A_253 = arith.constant dense<0.000000e+00> : vector<64x96xf32>
    %dot_general3A_254 = tpu.matmul %concatenate3A_249, %get3A_252, %dot_general3A_253 {dimension_numbers = #tpu.dot_dimension_numbers<[1], [0], [0], [1], [0, 0, 1, 1], [], []>, transpose_lhs_hint = false} : vector<64x96xf32>, vector<96x96xf32>, vector<64x96xf32> -> vector<64x96xf32>
    %get3A_255 = arith.constant 0 : index
    %get3A_256 = arith.constant 0 : index
    %get3A_257 = vector.load %arg11[%get3A_255, %get3A_256] : memref<1x96xf32, #tpu.memory_space<vmem>>, vector<1x96xf32>
    %add3A_258 = vector.broadcast %get3A_257 : vector<1x96xf32> to vector<64x96xf32>
    %add3A_259 = arith.addf %dot_general3A_254, %add3A_258 : vector<64x96xf32>
    %max3A = arith.constant 0.000000e+00 : f32
    %max3A_260 = vector.broadcast %max3A : f32 to vector<64x96xf32>
    %max3A_261 = arith.maximumf %add3A_259, %max3A_260 : vector<64x96xf32>
    %get3A_262 = arith.constant 0 : index
    %get3A_263 = arith.constant 0 : index
    %get3A_264 = vector.load %arg12[%get3A_262, %get3A_263] : memref<96x10xf32, #tpu.memory_space<vmem>>, vector<96x10xf32>
    %dot_general3A_265 = arith.constant dense<0.000000e+00> : vector<64x10xf32>
    %dot_general3A_266 = tpu.matmul %max3A_261, %get3A_264, %dot_general3A_265 {dimension_numbers = #tpu.dot_dimension_numbers<[1], [0], [0], [1], [0, 0, 1, 1], [], []>, transpose_lhs_hint = false} : vector<64x96xf32>, vector<96x10xf32>, vector<64x10xf32> -> vector<64x10xf32>
    %get3A_267 = arith.constant 0 : index
    %get3A_268 = arith.constant 0 : index
    %get3A_269 = vector.load %arg13[%get3A_267, %get3A_268] : memref<1x10xf32, #tpu.memory_space<vmem>>, vector<1x10xf32>
    %add3A_270 = vector.broadcast %get3A_269 : vector<1x10xf32> to vector<64x10xf32>
    %add3A_271 = arith.addf %dot_general3A_266, %add3A_270 : vector<64x10xf32>
    %ge3A_272 = arith.constant 0.000000e+00 : f32
    %ge3A_273 = vector.broadcast %ge3A_272 : f32 to vector<64x10xf32>
    %ge3A_274 = arith.cmpf oge, %add3A_271, %ge3A_273 : vector<64x10xf32>
    %mul3A_275 = arith.constant 0.00999999977 : f32
    %mul3A_276 = vector.broadcast %mul3A_275 : f32 to vector<64x10xf32>
    %mul3A_277 = arith.mulf %mul3A_276, %add3A_271 : vector<64x10xf32>
    %select_n3A_278 = arith.select %ge3A_274, %add3A_271, %mul3A_277 : vector<64x10xi1>, vector<64x10xf32>
    %swap3A = arith.constant 0 : index
    %swap3A_279 = arith.constant 0 : index
    %swap3A_280 = vector.load %arg14[%swap3A, %swap3A_279] : memref<64x10xf32, #tpu.memory_space<vmem>>, vector<64x10xf32>
    tpu.vector_store %arg14[%swap3A, %swap3A_279], %select_n3A_278 {strides = array<i32>} : memref<64x10xf32, #tpu.memory_space<vmem>>, vector<64x10xf32>,
    return
  }
}

</mosaic_0001>

<sc_bundles>
// kernel: kernel.12.cloned.1.call-start
scs
__scs_entry_jumppad:
0x0: {  	(pc) =	sbr.rel $0x88, $3  }
0x1: {  	(tag) =	ssettag $0x0;
	lr =	simm.s32 $0x1  }
0x2: {  	[smem:$0x3F88] =	sst lr;
	_ =	strace $0xD0000000  }
0x3: {  	_ = 	snop  }
0x4: {  	_ = 	snop  }
0x5: {  	_ = 	snop  }
0x6: {  	_ = 	snop  }
0x7: {  	_ = 	snop  }
__scs_overlays_trampoline_lowered:
0x8: {  	[smem:$0x3F97] =	sst s0  }
0x9: {  	[smem:$0x3F98] =	sst s1  }
0xa: {  	[smem:$0x3F99] =	sst s2  }
0xb: {  	[smem:$0x3F9A] =	sst s3  }
0xc: {  	[smem:$0x3F9B] =	sst s4  }
0xd: {  	[smem:$0x3F9C] =	sst s5  }
0xe: {  	[smem:$0x3F9D] =	sst s6  }
0xf: {  	[smem:$0x3F9E] =	sst s7  }
0x10: {  	[smem:$0x3F9F] =	sst s8  }
0x11: {  	[smem:$0x3FA0] =	sst s9;
	s0 =	simm.s32 @!p0 $0x0  }
0x12: {  	s1 =	sld [smem:$0x3F86];
	s0 =	simm.s32 @p0 $0x1  }
0x13: {  	[smem:$0x3FA1] =	sst s0;
	s0 =	simm.s32 @!p1 $0x0  }
0x14: {  	s2 =	sld [smem:$0x3F85];
	s0 =	simm.s32 @p1 $0x1  }
0x15: {  	[smem:$0x3FA2] =	sst s0;
	s0 =	simm.s32 @!p2 $0x0  }
0x16: {  	s3 =	sld [smem:$0x3FDB];
	s0 =	simm.s32 @p2 $0x1  }
0x17: {  	s4 =	simm.s32 $0x1BF5;
	[smem:$0x3FA4] =	sst s0  }
0x18: {  	s0 =	sld [smem:$0x3F87];
	_ =	swait.ge [sflag:s4], $0x0  }
0x19: {  	s7 =	sld [smem:$0x3F88]  }
0x1a: {  	s8 =	sadd.s32 $0xFFFFE003, lr  }
0x1b: {  	s9 =	sadd.s32 $0xFFFFFEF7, lr;
	s5 =	simm.s32 $0xFFFFFFFF;
	p2 =	slt.u32 s8, $0xFFFFF086  }
0x1c: {  	p1 =	slt.u32 s9, $0xF7A;
	s5 =	simm.s32 @!p2 $0x0  }
0x1d: {  	s5 =	simm.s32 @p1 $0x1;
	p0 =	seq.s32 s7, s2  }
0x1e: {  	s7 =	smul.u32 @!p0 $0xF7A, s2;
	p2 =	seq.s32 @!p0 s5, $0x0  }
0x1f: {  	s9 =	smul.u32 $0xF7A, s1;
	s8 =	simm.s32 @!p0 $0x1BF5;
	p2 =	por !p2, p0  }
0x20: {  	[sflag:s8] =	ssyncset.s32 @!p0 $0xFFFFF086;
	s6 =	sadd.s32 @!p0 s3, s7;
	s7 =	simm.s32 @!p0 $0x108  }
0x21: {  	s3 =	sadd.s32 s3, s9;
	s6 =	sadd.s32 @!p0 $0x88, s6;
	s7 =	simm.s32 @p2 $0x1082  }
0x22: {  	[simem:s7], [sflag:s8] =	dma.local @!p0 [hbm:s6], $0xF7A  }
0x23: {  	s9 =	sor.u32 $0xD0000000, s2;
	s6 =	simm.s32 $0x108;
	_ =	swait.ge @!p0 [sflag:s8], $0x0  }
0x24: {  	s3 =	sadd.s32 $0x88, s3;
	s6 =	simm.s32 @!p1 $0x1082;
	[sflag:s4] =	ssyncset.s32 $0xFFFFF086  }
0x25: {  	[simem:s6], [sflag:s4] =	dma.local [hbm:s3], $0xF7A  }
0x26: {  	[smem:$0x3F88] =	sst s1;
	(tag) =	ssettag s2;
	_ =	strace s9  }
0x27: {  	s1 =	sld [smem:$0x3F98]  }
0x28: {  	s2 =	sld [smem:$0x3F99]  }
0x29: {  	s4 =	sld [smem:$0x3F9B]  }
0x2a: {  	p0 =	seq.s32 s5, $0x0;
	s5 =	sld [smem:$0x3F9C]  }
0x2b: {  	s6 =	sld [smem:$0x3F9D]  }
0x2c: {  	s7 =	sld [smem:$0x3F9E]  }
0x2d: {  	s3 =	simm.s32 $0x108;
	s8 =	sld [smem:$0x3F9F]  }
0x2e: {  	s3 =	simm.s32 @!p0 $0x1082;
	s9 =	sld [smem:$0x3FA0]  }
0x2f: {  	lr =	sadd.s32 s0, s3;
	s0 =	sld [smem:$0x3F97]  }
0x30: {  	s3 =	sld [smem:$0x3F9A]  }
0x31: {  	[smem:$0x3FA3] =	sst s10  }
0x32: {  	s10 =	sld [smem:$0x3FA1];
	_ =	sdelay $0x3  }
0x33: {  	p0 =	seq.s32 s10, $0x1;
	s10 =	sld [smem:$0x3FA3];
	_ =	sdelay $0x3  }
0x34: {  	[smem:$0x3FA3] =	sst s10  }
0x35: {  	s10 =	sld [smem:$0x3FA2];
	_ =	sdelay $0x3  }
0x36: {  	p1 =	seq.s32 s10, $0x1;
	s10 =	sld [smem:$0x3FA3];
	_ =	sdelay $0x3  }
0x37: {  	[smem:$0x3FA3] =	sst s10  }
0x38: {  	s10 =	sld [smem:$0x3FA4]  }
0x39: {  	_ = 	snop;
	(pc) =	sbr.ind lr, $3  }
0x3a: {  	_ = 	snop  }
0x3b: {  	_ = 	snop  }
0x3c: {  	p2 =	seq.s32 s10, $0x1;
	s10 =	sld [smem:$0x3FA3]  }
0x3d: {  	_ =	shalt  }
0x3e: {  	_ =	shalt  }
0x3f: {  	_ =	shalt  }
0x40: {  	_ =	shalt  }
0x41: {  	_ =	shalt  }
0x42: {  	_ =	shalt  }
0x43: {  	_ =	shalt  }
0x44: {  	_ =	shalt  }
0x45: {  	_ =	shalt  }
0x46: {  	_ =	shalt  }
0x47: {  	_ =	shalt  }
0x48: {  	_ =	shalt  }
0x49: {  	_ =	shalt  }
0x4a: {  	_ =	shalt  }
0x4b: {  	_ =	shalt  }
0x4c: {  	_ =	shalt  }
0x4d: {  	_ =	shalt  }
0x4e: {  	_ =	shalt  }
0x4f: {  	_ =	shalt  }
0x50: {  	_ =	shalt  }
0x51: {  	_ =	shalt  }
0x52: {  	_ =	shalt  }
0x53: {  	_ =	shalt  }
0x54: {  	_ =	shalt  }
0x55: {  	_ =	shalt  }
0x56: {  	_ =	shalt  }
0x57: {  	_ =	shalt  }
0x58: {  	_ =	shalt  }
0x59: {  	_ =	shalt  }
0x5a: {  	_ =	shalt  }
0x5b: {  	_ =	shalt  }
0x5c: {  	_ =	shalt  }
0x5d: {  	_ =	shalt  }
0x5e: {  	_ =	shalt  }
0x5f: {  	_ =	shalt  }
0x60: {  	_ =	shalt  }
0x61: {  	_ =	shalt  }
0x62: {  	_ =	shalt  }
0x63: {  	_ =	shalt  }
0x64: {  	_ =	shalt  }
0x65: {  	_ =	shalt  }
0x66: {  	_ =	shalt  }
0x67: {  	_ =	shalt  }
0x68: {  	_ =	shalt  }
0x69: {  	_ =	shalt  }
0x6a: {  	_ =	shalt  }
0x6b: {  	_ =	shalt  }
0x6c: {  	_ =	shalt  }
0x6d: {  	_ =	shalt  }
0x6e: {  	_ =	shalt  }
0x6f: {  	_ =	shalt  }
0x70: {  	_ =	shalt  }
0x71: {  	_ =	shalt  }
0x72: {  	_ =	shalt  }
0x73: {  	_ =	shalt  }
0x74: {  	_ =	shalt  }
0x75: {  	_ =	shalt  }
0x76: {  	_ =	shalt  }
0x77: {  	_ =	shalt  }
0x78: {  	_ =	shalt  }
0x79: {  	_ =	shalt  }
0x7a: {  	_ =	shalt  }
0x7b: {  	_ =	shalt  }
0x7c: {  	_ =	shalt  }
0x7d: {  	_ =	shalt  }
0x7e: {  	_ =	shalt  }
0x7f: {  	_ =	shalt  }
0x80: {  	_ =	shalt  }
0x81: {  	_ =	shalt  }
0x82: {  	_ =	shalt  }
0x83: {  	_ =	shalt  }
0x84: {  	_ =	shalt  }
0x85: {  	_ =	shalt  }
0x86: {  	_ =	shalt  }
0x87: {  	_ =	shalt  }
.Lfunc_end0:
.L_simem_size_0:
called_computation.1_lowered:
.L_overlay_start_0:
0x88: {  	s2 =	sld [smem:$0x3FD9]  }
0x89: {  	s3 =	sld [smem:$0x3FFE];
	_ =	sdelay $0x1  }
0x8a: {  	s1 =	srdreg.scid  }
0x8b: {  	s0 =	sand.u32 $0x1, s1  }
0x8c: {  	s16 =	sshll.u32 s0, $0xA;
	s2 =	sadd.s32 s3, s2  }
0x8d: {  	s2 =	sadd.s32 s2, s16  }
0x8e: {  	[smem:$0x3FAF] =	sst s2  }
0x8f: {  	_ = 	snop  }
0x90: {  	(tm) =	ssettm $0x1  }
0x91: {  	s17 =	sld [smem:$0x3FFB];
	_ =	sdelay $0x3  }
0x92: {  	_ =	strace s17  }
0x93: {  	s2 =	sld [smem:$0x3FFC];
	_ =	sdelay $0x3  }
0x94: {  	_ =	strace s2  }
0x95: {  	s2 =	sld [smem:$0x3FFD];
	_ =	sdelay $0x3  }
0x96: {  	_ =	strace s2  }
0x97: {  	_ =	strace $0x8FFFFFFF  }
0x98: {  	s18 =	sld [smem:$0x3FDB];
	_ =	sdelay $0x1  }
0x99: {  	s19 =	simm.s32 $_scs_section_size  }
0x9a: {  	s4 =	simm.s32 $_size__tile_overlayer_lowered;
	s5 =	simm.s32 $_tile_overlayer_lowered  }
0x9b: {  	s22 =	simm.s32 $0x1BFF;
	s21 =	sshll.u32 s5, $0x1;
	s2 =	sadd.s32 s19, s18  }
0x9c: {  	s6 =	simm.s32 $0x0;
	s20 =	sshll.u32 s4, $0x1;
	s4 =	sadd.s32 s21, s2  }
0x9d: {  	[timem:s6], [sflag:s22] =	dma.local [hbm:s4], s20  }
0x9e: {  	_ =	swait.ge [sflag:s22], s20  }
0x9f: {  	s3 =	ssub.s32 $0x0, s20;
	[sflag:s22] =	ssyncset.done $0x0  }
0xa0: {  	[sflag:s22] =	ssyncadd.s32 s3;
	_ =	sdelay $0x1  }
0xa1: {  	s23 =	simm.s32 $0x1B8B  }
0xa2: {  	_ =	swait.ge [sflag:s23], $0x1  }
0xa3: {  	[sflag:s23] =	ssyncset.done $0x0  }
0xa4: {  	s25 =	simm.s32 $0x1B8E;
	s24 =	sld [smem:$0x3FFE];
	[sflag:s23] =	ssyncadd.s32 $0xFFFFFFFF  }
0xa5: {  	s26 =	simm.s32 $execute0_lowered;
	[smem:$0x3FD2] =	sst s25  }
0xa6: {  	s4 =	sshll.u32 s26, $0x1;
	_ =	strace $0x80000049;
	[dreg:$0x1] =	wrdreg $0xFFFFFFFF  }
0xa7: {  	s28 =	simm.s32 $_size_execute0_lowered;
	s2 =	sadd.s32 s2, s4;
	[dreg:$0x0] =	wrdreg $0x0  }
0xa8: {  	s4 =	sshll.u32 s28, $0x1;
	[dreg:$0x2] =	wrdreg s2  }
0xa9: {  	[dreg:$0x3] =	wrdreg s4  }
0xaa: {  	[dreg:$0x4] =	wrdreg $0xC0  }
0xab: {  	_ =	task [dreg:s6], $0x5FFFF  }
0xac: {  	[dreg:$0x1] =	wrdreg $0xFFFFFFFF  }
0xad: {  	[dreg:$0x0] =	wrdreg $0x60  }
0xae: {  	[dreg:$0x2] =	wrdreg s24  }
0xaf: {  	[dreg:$0x3] =	wrdreg $0x11E200  }
0xb0: {  	[dreg:$0x4] =	wrdreg $0xD0000  }
0xb1: {  	[dreg:$0x5] =	wrdreg $0x9  }
0xb2: {  	_ =	task.clear_ibuf [dreg:s6], $0x6FFFF;
	_ =	strace $0x90000049  }
0xb3: {  	s29 =	simm.s32 $0x9;
	_ =	strace $0x8000004B  }
0xb4: {  	_ =	swait.ge [sflag:s29], $0x1  }
0xb5: {  	[sflag:s29] =	ssyncadd.s32 $0xFFFFFFFF  }
0xb6: {  	_ =	strace $0x9000004B  }
0xb7: {  	_ =	sfence  }
0xb8: {  	s30 =	sld [smem:$0x0];
	_ =	sdelay $0x2  }
0xb9: {  	s31 =	sshll.u32 s1, $0xD;
	s1 =	sshrl.u32 s1, $0x2  }
0xba: {  	s3 =	sand.u32 $0x4000, s31;
	s1 =	sadd.s32 s1, s30  }
0xbb: {  	s0 =	sor.u32 s3, s0;
	s1 =	sshll.u32 s1, $0x11  }
0xbc: {  	s0 =	sor.u32 s1, s0  }
0xbd: {  	s0 =	sadd.s32 $0x8F2B, s0  }
0xbe: {  	[sflag:s0] =	ssyncadd.remote.s32 $0x1  }
0xbf: {  	_ =	sfence.sel $0xFFFF  }
0xc0: {  	[dreg:$0x0] =	wrdreg $0xFFFFFFFF;
	(pc) =	sbr.abs _section_cstart, $3  }
0xc1: {  	[dreg:$0x1] =	wrdreg $0xFFFFFFFF  }
0xc2: {  	_ =	task.clear_ibuf [dreg:s6], $0x2FFFF;
	_ =	strace $0x9FFFFFFF  }
0xc3: {  	(tm) =	ssettm $0x7FFFFFFF  }
tec
execute0_lowered:
.L_overlay_start_1:
0x0: {  	(tag) =	ssettag $0x1  }
0x1: {  	s0 =	rddreg [dreg:$0x0];
	s12 =	stileid.u32  }
0x2: {  	s1 =	srdreg.scid;
	s2 =	rddreg [dreg:$0x1]  }
0x3: {  	s3 =	rddreg [dreg:$0x2];
	s6 =	simm.s32 $0x0;
	s28 =	simm.s32 $0xB000  }
0x4: {  	s29 =	simm.s32 $0xC000;
	s30 =	simm.s32 $0x1;
	s31 =	simm.s32 $0x2  }
0x5: {  	s1 =	sand.u32 $0x1, s1;
	s4 =	sshll.u32 s12, $0x1;
	s5 =	smul.u32 $0x5000, s12  }
0x6: {  	[smem:$0x7FF] =	sst s6;
	s7 =	smul.u32 $0x4F00, s12;
	s10 =	sadd.s32 $0x2C600, s0  }
0x7: {  	s17 =	sadd.s32 $0x2BC20, s0;
	s18 =	sadd.s32 $0x22000, s0;
	s19 =	sadd.s32 $0x22004, s0  }
0x8: {  	s20 =	sadd.s32 $0x22008, s0;
	_ =	strace $0x8000004A;
	[dreg:$0xc] =	wrdreg s17  }
0x9: {  	p0 =	seq.s32 s12, $0xF;
	s4 =	sor.u32 s1, s4;
	[dreg:$0xd] =	wrdreg s18  }
0xa: {  	s9 =	ssub.s32 $0x2, s1;
	s1 =	smul.u32 $0x4E400, s1;
	[dreg:$0xe] =	wrdreg s19  }
0xb: {  	[dreg:$0xf] =	wrdreg s20;
	s17 =	simm.s32 $0x4;
	s20 =	simm.s32 $0x80  }
0xc: {  	s4 =	smul.u32 $0x500, s4;
	s24 =	sshrl.u32 s5, $0x3;
	s8 =	sshrl.u32 s7, $0x3  }
0xd: {  	s11 =	sshrl.u32 s9, $0x1;
	s6 =	sadd.s32 s24, s0;
	s8 =	sadd.s32 s8, s0  }
0xe: {  	s9 =	ssub.s32 s9, s11;
	s4 =	sadd.s32 s4, s0;
	s26 =	sadd.s32 $0x22800, s8  }
0xf: {  	s8 =	sshrl.u32 s5, $0x2;
	s14 =	sadd.s32 $0x18A00, s6;
	[dreg:$0x6] =	wrdreg s26  }
0x10: {  	s15 =	sadd.s32 $0x18A04, s6;
	s16 =	sadd.s32 $0x18A08, s6;
	[dreg:$0x8] =	wrdreg s14  }
0x11: {  	s6 =	sadd.s32 $0x18A0C, s6;
	s5 =	sadd.s32 s5, s1;
	[dreg:$0x9] =	wrdreg s15  }
0x12: {  	s1 =	sshrl.u32 s1, $0x3;
	s0 =	sadd.s32 $0x2200C, s0;
	[dreg:$0xa] =	wrdreg s16  }
0x13: {  	s25 =	sadd.s32 $0xEA00, s4;
	s4 =	sadd.s32 $0x4A00, s4;
	[dreg:$0xb] =	wrdreg s6  }
0x14: {  	s13 =	sadd.s32 s8, s3;
	[dreg:$0x10] =	wrdreg s0;
	s21 =	sshrl.u32 s5, $0x3  }
0x15: {  	s1 =	sadd.s32 s10, s1;
	s19 =	sadd.s32 s8, s2;
	[dreg:$0x4] =	wrdreg s25  }
0x16: {  	s26 =	smax.u32 s9, $0x1;
	s0 =	sadd.s32 $0x4A100, s2;
	[dreg:$0x5] =	wrdreg s4  }
0x17: {  	s16 =	simm.s32 $0x3;
	s4 =	sadd.s32 s7, s2;
	[dreg:$0x15] =	wrdreg s26  }
0x18: {  	s18 =	sadd.s32 s10, s21;
	s22 =	sadd.s32 $0x9600, s1;
	[dreg:$0x7] =	wrdreg s13  }
0x19: {  	s23 =	sadd.s32 $0x9604, s1;
	s24 =	sadd.s32 $0x9608, s1;
	[dreg:$0x11] =	wrdreg s22  }
0x1a: {  	s25 =	sadd.s32 $0x960C, s1;
	s0 =	sshrl.u32 @p0 s0, $0x3;
	[dreg:$0x12] =	wrdreg s23  }
0x1b: {  	s1 =	sadd.s32 $0x26480, s3;
	s21 =	simm.s32 $0x5000;
	[dreg:$0x13] =	wrdreg s24  }
0x1c: {  	s26 =	simm.s32 $0xA000;
	[dreg:$0x16] =	wrdreg s0;
	s0 =	sadd.s32 $0x12C00, s3  }
0x1d: {  	[dreg:$0x14] =	wrdreg s25;
	s14 =	sadd.s32 $0x8, s18;
	s0 =	sshrl.u32 @p0 s0, $0x3  }
0x1e: {  	s15 =	sadd.s32 $0xC, s18;
	[dreg:$0x17] =	wrdreg s0;
	s0 =	sshrl.u32 @p0 s1, $0x3  }
0x1f: {  	s22 =	simm.s32 $0x6000;
	[dreg:$0x18] =	wrdreg s0;
	s0 =	sadd.s32 $0x39D00, s3  }
0x20: {  	s23 =	simm.s32 $0x7000;
	s1 =	sadd.s32 $0x4D580, s3;
	s0 =	sshrl.u32 @p0 s0, $0x3  }
0x21: {  	s1 =	sshrl.u32 @p0 s1, $0x3;
	[dreg:$0x19] =	wrdreg s0;
	s0 =	sadd.s32 $0x13880, s13  }
0x22: {  	s24 =	simm.s32 $0x8000;
	[dreg:$0x1a] =	wrdreg s1;
	s0 =	sshrl.u32 @!p0 s0, $0x3  }
0x23: {  	s1 =	sshrl.u32 @!p0 s4, $0x3;
	[dreg:$0x1c] =	wrdreg s0;
	s0 =	sadd.s32 $0x27100, s13  }
0x24: {  	[dreg:$0x1b] =	wrdreg s1;
	s1 =	sadd.s32 $0x3A980, s13;
	s0 =	sshrl.u32 @!p0 s0, $0x3  }
0x25: {  	s4 =	sadd.s32 $0x12C00, s2;
	[dreg:$0x1d] =	wrdreg s0;
	s0 =	sshrl.u32 @!p0 s1, $0x3  }
0x26: {  	s25 =	simm.s32 $0x9000;
	[dreg:$0x1e] =	wrdreg s0;
	s0 =	sshrl.u32 @p0 s4, $0x3  }
0x27: {  	s13 =	sadd.s32 $0x4, s18;
	[dreg:$0x1f] =	wrdreg s0;
	s0 =	sadd.s32 $0x26480, s2  }
0x28: {  	s1 =	sadd.s32 $0x39D00, s2;
	s4 =	sadd.s32 $0x4D580, s2;
	s0 =	sshrl.u32 @p0 s0, $0x3  }
0x29: {  	[smem:$0x7FB] =	sst s0;
	s0 =	sshrl.u32 @p0 s1, $0x3;
	s1 =	sadd.s32 $0x27100, s19  }
0x2a: {  	[smem:$0x7FC] =	sst s0;
	s0 =	sshrl.u32 @p0 s4, $0x3;
	s4 =	sadd.s32 $0x3A980, s19  }
0x2b: {  	s11 =	sshrl.u32 @!p0 s1, $0x3;
	[smem:$0x7FD] =	sst s0;
	s0 =	sadd.s32 $0x13880, s19  }
0x2c: {  	s1 =	simm.s32 $0x0;
	s12 =	sshrl.u32 @!p0 s4, $0x3;
	s10 =	sshrl.u32 @!p0 s0, $0x3  }
.LBB2_1:
0x2d: {  	s4 =	rddreg [dreg:$0x4]  }
0x2e: {  	s0 =	simm.s32 $0x0;
	s8 =	rddreg [dreg:$0x5]  }
0x2f: {  	[tilespmem:s0], [sflag:$0x3] =	stream.linear.gather [hbm4b:s4+s0], $0x2800, $0x38;
	[tilespmem:$0x16C50] =	vst v63  }
0x30: {  	s5 =	simm.s32 $0x2800;
	s4 =	rddreg [dreg:$0xc]  }
0x31: {  	[tilespmem:s5], [sflag:$0x4] =	stream.linear.gather [hbm4b:s8+s0], $0x2800, $0x38;
	[tilespmem:$0x16C50] =	vst v63  }
0x32: {  	s0 =	simm.s32 @p0 $0x1FC1;
	s5 =	rddreg [dreg:$0x16]  }
0x33: {  	[spmem:s5], [sflag:s0] =	dma.local @p0 [hbm:s4], $0x840  }
0x34: {  	s6 =	simm.s32 @p0 $0x1FC2;
	s0 =	simm.s32 @p0 $0x1;
	s7 =	rddreg [dreg:$0xd]  }
0x35: {  	s4 =	simm.s32 @p0 $0x4;
	s5 =	simm.s32 @p0 $0x10;
	s8 =	rddreg [dreg:$0x17]  }
0x36: {  	[spmem:s8@s4], [sflag:s6] =	dma.strided @p0 [hbm:s7@s5], $0x190, s0, $0x4   }
0x37: {  	s7 =	rddreg [dreg:$0xe]  }
0x38: {  	s8 =	rddreg [dreg:$0x18]  }
0x39: {  	[spmem:s8@s4], [sflag:s6] =	dma.strided @p0 [hbm:s7@s5], $0x190, s0, $0x4   }
0x3a: {  	s7 =	rddreg [dreg:$0xf]  }
0x3b: {  	s8 =	rddreg [dreg:$0x19]  }
0x3c: {  	[spmem:s8@s4], [sflag:s6] =	dma.strided @p0 [hbm:s7@s5], $0x190, s0, $0x4   }
0x3d: {  	s7 =	rddreg [dreg:$0x10]  }
0x3e: {  	s8 =	rddreg [dreg:$0x1a]  }
0x3f: {  	[spmem:s8@s4], [sflag:s6] =	dma.strided @p0 [hbm:s7@s5], $0x190, s0, $0x4   }
0x40: {  	_ =	swait.ge @p0 [sflag:s0], $0x840  }
0x41: {  	[sflag:s0] =	ssyncset.done @p0 $0x0  }
0x42: {  	[sflag:s0] =	ssyncadd.s32 @p0 $0xFFFFF7C0;
	s0 =	simm.s32 @p0 $0x2  }
0x43: {  	_ =	swait.ge @p0 [sflag:s0], $0x190  }
0x44: {  	[sflag:s0] =	ssyncset.done @p0 $0x0  }
0x45: {  	[sflag:s0] =	ssyncadd.s32 @p0 $0xFFFFFE70  }
0x46: {  	_ =	swait.ge @p0 [sflag:s0], $0x190  }
0x47: {  	[sflag:s0] =	ssyncset.done @p0 $0x0  }
0x48: {  	[sflag:s0] =	ssyncadd.s32 @p0 $0xFFFFFE70  }
0x49: {  	_ =	swait.ge @p0 [sflag:s0], $0x190  }
0x4a: {  	[sflag:s0] =	ssyncset.done @p0 $0x0  }
0x4b: {  	[sflag:s0] =	ssyncadd.s32 @p0 $0xFFFFFE70  }
0x4c: {  	s4 =	stileid.u32;
	s8 =	simm.s32 @!p0 $0x4;
	_ =	swait.ge @p0 [sflag:s0], $0x190  }
0x4d: {  	s4 =	sshll.u32 @!p0 s4, $0x6;
	[sflag:s0] =	ssyncset.done @p0 $0x0;
	s5 =	rddreg [dreg:$0x6]  }
0x4e: {  	s6 =	rddreg [dreg:$0x1b];
	[sflag:s0] =	ssyncadd.s32 @p0 $0xFFFFFE70;
	s0 =	sor.u32 @!p0 $0x1C01, s4  }
0x4f: {  	[spmem:s6], [sflag:s0] =	dma.local @!p0 [hbm:s5], $0x9E0  }
0x50: {  	s7 =	simm.s32 @!p0 $0x10;
	s4 =	sor.u32 @!p0 $0x1C02, s4;
	s5 =	rddreg [dreg:$0x7]  }
0x51: {  	s6 =	simm.s32 @!p0 $0x1;
	s9 =	rddreg [dreg:$0x8];
	s5 =	sshrl.u32 @!p0 s5, $0x3  }
0x52: {  	[spmem:s5@s8], [sflag:s4] =	dma.strided @!p0 [hbm:s9@s7], $0x280, s6, $0x4   }
0x53: {  	s5 =	rddreg [dreg:$0x9]  }
0x54: {  	s9 =	rddreg [dreg:$0x1c]  }
0x55: {  	[spmem:s9@s8], [sflag:s4] =	dma.strided @!p0 [hbm:s5@s7], $0x280, s6, $0x4   }
0x56: {  	s5 =	rddreg [dreg:$0xa]  }
0x57: {  	s9 =	rddreg [dreg:$0x1d]  }
0x58: {  	[spmem:s9@s8], [sflag:s4] =	dma.strided @!p0 [hbm:s5@s7], $0x280, s6, $0x4   }
0x59: {  	s5 =	rddreg [dreg:$0xb]  }
0x5a: {  	s9 =	rddreg [dreg:$0x1e]  }
0x5b: {  	[spmem:s9@s8], [sflag:s4] =	dma.strided @!p0 [hbm:s5@s7], $0x280, s6, $0x4   }
0x5c: {  	_ =	swait.ge @!p0 [sflag:s6], $0x9E0  }
0x5d: {  	[sflag:s6] =	ssyncset.done @!p0 $0x0  }
0x5e: {  	s4 =	simm.s32 @!p0 $0x2;
	[sflag:s6] =	ssyncadd.s32 @!p0 $0xFFFFF620  }
0x5f: {  	_ =	swait.ge @!p0 [sflag:s4], $0x280  }
0x60: {  	[sflag:s4] =	ssyncset.done @!p0 $0x0  }
0x61: {  	[sflag:s4] =	ssyncadd.s32 @!p0 $0xFFFFFD80  }
0x62: {  	_ =	swait.ge @!p0 [sflag:s4], $0x280  }
0x63: {  	[sflag:s4] =	ssyncset.done @!p0 $0x0  }
0x64: {  	[sflag:s4] =	ssyncadd.s32 @!p0 $0xFFFFFD80  }
0x65: {  	_ =	swait.ge @!p0 [sflag:s4], $0x280  }
0x66: {  	[sflag:s4] =	ssyncset.done @!p0 $0x0  }
0x67: {  	[sflag:s4] =	ssyncadd.s32 @!p0 $0xFFFFFD80  }
0x68: {  	_ =	swait.ge @!p0 [sflag:s4], $0x280  }
0x69: {  	[sflag:s4] =	ssyncset.done @!p0 $0x0  }
0x6a: {  	[sflag:s4] =	ssyncadd.s32 @!p0 $0xFFFFFD80  }
0x6b: {  	_ =	swait.ge [sflag:s16], $0x2800  }
0x6c: {  	[sflag:s16] =	ssyncset.done $0x0  }
0x6d: {  	[sflag:s16] =	ssyncadd.s32 $0xFFFFD800  }
0x6e: {  	_ =	swait.ge [sflag:s17], $0x2800  }
0x6f: {  	[sflag:s17] =	ssyncset.done $0x0  }
0x70: {  	[sflag:s17] =	ssyncadd.s32 $0xFFFFD800  }
0x71: {  	s9 =	simm.s32 $0x0;
	[bflag:$0x0] =	sbarrier.arrive $0xFFFF  }
0x72: {  	[tilespmem:s21], [sflag:$0x1] =	stream.indirect.gather [spmem:s3], $0x20, s9, s20, $0xb8;
	[tilespmem:$0x16C50] =	vst v63  }
0x73: {  	s5 =	simm.s32 $0x80  }
0x74: {  	[tilespmem:s22], [sflag:$0x1] =	stream.indirect.gather [spmem:s3], $0x20, s5, s20, $0xb8;
	[tilespmem:$0x16C50] =	vst v63  }
0x75: {  	s6 =	simm.s32 $0x100  }
0x76: {  	[tilespmem:s23], [sflag:$0x1] =	stream.indirect.gather [spmem:s3], $0x20, s6, s20, $0xb8;
	[tilespmem:$0x16C50] =	vst v63  }
0x77: {  	s7 =	simm.s32 $0x180  }
0x78: {  	[tilespmem:s24], [sflag:$0x1] =	stream.indirect.gather [spmem:s3], $0x20, s7, s20, $0xb8;
	[tilespmem:$0x16C50] =	vst v63  }
0x79: {  	s8 =	simm.s32 $0x200  }
0x7a: {  	[tilespmem:s25], [sflag:$0x2] =	stream.indirect.gather [spmem:s3], $0x20, s8, s20, $0xb8;
	[tilespmem:$0x16C50] =	vst v63  }
0x7b: {  	s9 =	simm.s32 $0x280  }
0x7c: {  	[tilespmem:s26], [sflag:$0x2] =	stream.indirect.gather [spmem:s3], $0x20, s9, s20, $0xb8;
	[tilespmem:$0x16C50] =	vst v63  }
0x7d: {  	s5 =	simm.s32 $0x300  }
0x7e: {  	[tilespmem:s28], [sflag:$0x2] =	stream.indirect.gather [spmem:s3], $0x20, s5, s20, $0xb8;
	[tilespmem:$0x16C50] =	vst v63  }
0x7f: {  	s6 =	simm.s32 $0x380  }
0x80: {  	[tilespmem:s29], [sflag:$0x2] =	stream.indirect.gather [spmem:s3], $0x20, s6, s20, $0xb8;
	[tilespmem:$0x16C50] =	vst v63  }
0x81: {  	_ =	swait.ge [sflag:s30], $0x1000  }
0x82: {  	[sflag:s30] =	ssyncset.done $0x0  }
0x83: {  	[sflag:s30] =	ssyncadd.s32 $0xFFFFF000  }
0x84: {  	_ =	swait.ge [sflag:s30], $0x1000  }
0x85: {  	[sflag:s30] =	ssyncset.done $0x0  }
0x86: {  	[sflag:s30] =	ssyncadd.s32 $0xFFFFF000  }
0x87: {  	_ =	swait.ge [sflag:s30], $0x1000  }
0x88: {  	[sflag:s30] =	ssyncset.done $0x0  }
0x89: {  	[sflag:s30] =	ssyncadd.s32 $0xFFFFF000  }
0x8a: {  	_ =	swait.ge [sflag:s30], $0x1000  }
0x8b: {  	[sflag:s30] =	ssyncset.done $0x0  }
0x8c: {  	s7 =	simm.s32 $0x2800;
	[sflag:s30] =	ssyncadd.s32 $0xFFFFF000  }
0x8d: {  	[spmem:s2] =	stream.indirect.scatter.add.f32 [tilespmem:s21], [sflag:$0x3], $0x20, s7, s20, $0xb8;
	[tilespmem:$0x16C50] =	vst v63  }
0x8e: {  	s8 =	simm.s32 $0x2880  }
0x8f: {  	[spmem:s2] =	stream.indirect.scatter.add.f32 [tilespmem:s22], [sflag:$0x3], $0x20, s8, s20, $0xb8;
	[tilespmem:$0x16C50] =	vst v63  }
0x90: {  	s9 =	simm.s32 $0x2900  }
0x91: {  	[spmem:s2] =	stream.indirect.scatter.add.f32 [tilespmem:s23], [sflag:$0x3], $0x20, s9, s20, $0xb8;
	[tilespmem:$0x16C50] =	vst v63  }
0x92: {  	s5 =	simm.s32 $0x2980  }
0x93: {  	[spmem:s2] =	stream.indirect.scatter.add.f32 [tilespmem:s24], [sflag:$0x3], $0x20, s5, s20, $0xb8;
	[tilespmem:$0x16C50] =	vst v63  }
0x94: {  	_ =	swait.ge [sflag:s31], $0x1000  }
0x95: {  	[sflag:s31] =	ssyncset.done $0x0  }
0x96: {  	[sflag:s31] =	ssyncadd.s32 $0xFFFFF000  }
0x97: {  	_ =	swait.ge [sflag:s31], $0x1000  }
0x98: {  	[sflag:s31] =	ssyncset.done $0x0  }
0x99: {  	[sflag:s31] =	ssyncadd.s32 $0xFFFFF000  }
0x9a: {  	_ =	swait.ge [sflag:s31], $0x1000  }
0x9b: {  	[sflag:s31] =	ssyncset.done $0x0  }
0x9c: {  	[sflag:s31] =	ssyncadd.s32 $0xFFFFF000  }
0x9d: {  	_ =	swait.ge [sflag:s31], $0x1000  }
0x9e: {  	[sflag:s31] =	ssyncset.done $0x0  }
0x9f: {  	s6 =	simm.s32 $0x2A00;
	[sflag:s31] =	ssyncadd.s32 $0xFFFFF000  }
0xa0: {  	[spmem:s2] =	stream.indirect.scatter.add.f32 [tilespmem:s25], [sflag:$0x4], $0x20, s6, s20, $0xb8;
	[tilespmem:$0x16C50] =	vst v63  }
0xa1: {  	s7 =	simm.s32 $0x2A80  }
0xa2: {  	[spmem:s2] =	stream.indirect.scatter.add.f32 [tilespmem:s26], [sflag:$0x4], $0x20, s7, s20, $0xb8;
	[tilespmem:$0x16C50] =	vst v63  }
0xa3: {  	s8 =	simm.s32 $0x2B00  }
0xa4: {  	[spmem:s2] =	stream.indirect.scatter.add.f32 [tilespmem:s28], [sflag:$0x4], $0x20, s8, s20, $0xb8;
	[tilespmem:$0x16C50] =	vst v63  }
0xa5: {  	s9 =	simm.s32 $0x2B80  }
0xa6: {  	[spmem:s2] =	stream.indirect.scatter.add.f32 [tilespmem:s29], [sflag:$0x4], $0x20, s9, s20, $0xb8;
	[tilespmem:$0x16C50] =	vst v63  }
0xa7: {  	_ =	swait.ge [sflag:s16], $0x1000  }
0xa8: {  	[sflag:s16] =	ssyncset.done $0x0  }
0xa9: {  	[sflag:s16] =	ssyncadd.s32 $0xFFFFF000  }
0xaa: {  	_ =	swait.ge [sflag:s16], $0x1000  }
0xab: {  	[sflag:s16] =	ssyncset.done $0x0  }
0xac: {  	[sflag:s16] =	ssyncadd.s32 $0xFFFFF000  }
0xad: {  	_ =	swait.ge [sflag:s16], $0x1000  }
0xae: {  	[sflag:s16] =	ssyncset.done $0x0  }
0xaf: {  	[sflag:s16] =	ssyncadd.s32 $0xFFFFF000  }
0xb0: {  	_ =	swait.ge [sflag:s16], $0x1000  }
0xb1: {  	[sflag:s16] =	ssyncset.done $0x0  }
0xb2: {  	[sflag:s16] =	ssyncadd.s32 $0xFFFFF000  }
0xb3: {  	_ =	swait.ge [sflag:s17], $0x1000  }
0xb4: {  	[sflag:s17] =	ssyncset.done $0x0  }
0xb5: {  	[sflag:s17] =	ssyncadd.s32 $0xFFFFF000  }
0xb6: {  	_ =	swait.ge [sflag:s17], $0x1000  }
0xb7: {  	[sflag:s17] =	ssyncset.done $0x0  }
0xb8: {  	[sflag:s17] =	ssyncadd.s32 $0xFFFFF000  }
0xb9: {  	_ =	swait.ge [sflag:s17], $0x1000  }
0xba: {  	[sflag:s17] =	ssyncset.done $0x0  }
0xbb: {  	[sflag:s17] =	ssyncadd.s32 $0xFFFFF000  }
0xbc: {  	_ =	swait.ge [sflag:s17], $0x1000  }
0xbd: {  	s4 =	simm.s32 $0x1000;
	s5 =	simm.s32 $0x2000;
	[sflag:s17] =	ssyncset.done $0x0  }
.LBB2_2:
0xbe: {  	s8 =	sshra.s32 s4, $0x2  }
0xbf: {  	[sflag:s17] =	ssyncadd.s32 $0xFFFFF000;
	s4 =	smov.u32 s5;
	s6 =	sadd.s32 $0x1000, s5  }
0xc0: {  	[tilespmem:s21], [sflag:$0x1] =	stream.indirect.gather [spmem:s3], $0x20, s8, s20, $0xb8;
	[tilespmem:$0x16C50] =	vst v63  }
0xc1: {  	p1 =	sne.s32 s5, $0x9000;
	s5 =	sadd.s32 $0x80, s8  }
0xc2: {  	[tilespmem:s22], [sflag:$0x1] =	stream.indirect.gather [spmem:s3], $0x20, s5, s20, $0xb8;
	[tilespmem:$0x16C50] =	vst v63  }
0xc3: {  	s5 =	sadd.s32 $0x100, s8  }
0xc4: {  	[tilespmem:s23], [sflag:$0x1] =	stream.indirect.gather [spmem:s3], $0x20, s5, s20, $0xb8;
	[tilespmem:$0x16C50] =	vst v63  }
0xc5: {  	s5 =	sadd.s32 $0x180, s8  }
0xc6: {  	[tilespmem:s24], [sflag:$0x1] =	stream.indirect.gather [spmem:s3], $0x20, s5, s20, $0xb8;
	[tilespmem:$0x16C50] =	vst v63  }
0xc7: {  	s5 =	sadd.s32 $0x200, s8  }
0xc8: {  	[tilespmem:s25], [sflag:$0x2] =	stream.indirect.gather [spmem:s3], $0x20, s5, s20, $0xb8;
	[tilespmem:$0x16C50] =	vst v63  }
0xc9: {  	s5 =	sadd.s32 $0x280, s8  }
0xca: {  	[tilespmem:s26], [sflag:$0x2] =	stream.indirect.gather [spmem:s3], $0x20, s5, s20, $0xb8;
	[tilespmem:$0x16C50] =	vst v63  }
0xcb: {  	s5 =	sadd.s32 $0x300, s8  }
0xcc: {  	[tilespmem:s28], [sflag:$0x2] =	stream.indirect.gather [spmem:s3], $0x20, s5, s20, $0xb8;
	[tilespmem:$0x16C50] =	vst v63  }
0xcd: {  	s5 =	sadd.s32 $0x380, s8  }
0xce: {  	[tilespmem:s29], [sflag:$0x2] =	stream.indirect.gather [spmem:s3], $0x20, s5, s20, $0xb8;
	[tilespmem:$0x16C50] =	vst v63  }
0xcf: {  	_ =	swait.ge [sflag:s30], $0x1000  }
0xd0: {  	[sflag:s30] =	ssyncset.done $0x0  }
0xd1: {  	[sflag:s30] =	ssyncadd.s32 $0xFFFFF000  }
0xd2: {  	_ =	swait.ge [sflag:s30], $0x1000  }
0xd3: {  	[sflag:s30] =	ssyncset.done $0x0  }
0xd4: {  	[sflag:s30] =	ssyncadd.s32 $0xFFFFF000  }
0xd5: {  	_ =	swait.ge [sflag:s30], $0x1000  }
0xd6: {  	[sflag:s30] =	ssyncset.done $0x0  }
0xd7: {  	[sflag:s30] =	ssyncadd.s32 $0xFFFFF000  }
0xd8: {  	_ =	swait.ge [sflag:s30], $0x1000  }
0xd9: {  	[sflag:s30] =	ssyncset.done $0x0  }
0xda: {  	s5 =	sadd.s32 $0x2800, s8;
	[sflag:s30] =	ssyncadd.s32 $0xFFFFF000  }
0xdb: {  	[spmem:s2] =	stream.indirect.scatter.add.f32 [tilespmem:s21], [sflag:$0x3], $0x20, s5, s20, $0xb8;
	[tilespmem:$0x16C50] =	vst v63  }
0xdc: {  	s5 =	sadd.s32 $0x2880, s8  }
0xdd: {  	[spmem:s2] =	stream.indirect.scatter.add.f32 [tilespmem:s22], [sflag:$0x3], $0x20, s5, s20, $0xb8;
	[tilespmem:$0x16C50] =	vst v63  }
0xde: {  	s5 =	sadd.s32 $0x2900, s8  }
0xdf: {  	[spmem:s2] =	stream.indirect.scatter.add.f32 [tilespmem:s23], [sflag:$0x3], $0x20, s5, s20, $0xb8;
	[tilespmem:$0x16C50] =	vst v63  }
0xe0: {  	s5 =	sadd.s32 $0x2980, s8  }
0xe1: {  	[spmem:s2] =	stream.indirect.scatter.add.f32 [tilespmem:s24], [sflag:$0x3], $0x20, s5, s20, $0xb8;
	[tilespmem:$0x16C50] =	vst v63  }
0xe2: {  	_ =	swait.ge [sflag:s31], $0x1000  }
0xe3: {  	[sflag:s31] =	ssyncset.done $0x0  }
0xe4: {  	[sflag:s31] =	ssyncadd.s32 $0xFFFFF000  }
0xe5: {  	_ =	swait.ge [sflag:s31], $0x1000  }
0xe6: {  	[sflag:s31] =	ssyncset.done $0x0  }
0xe7: {  	[sflag:s31] =	ssyncadd.s32 $0xFFFFF000  }
0xe8: {  	_ =	swait.ge [sflag:s31], $0x1000  }
0xe9: {  	[sflag:s31] =	ssyncset.done $0x0  }
0xea: {  	[sflag:s31] =	ssyncadd.s32 $0xFFFFF000  }
0xeb: {  	_ =	swait.ge [sflag:s31], $0x1000  }
0xec: {  	[sflag:s31] =	ssyncset.done $0x0  }
0xed: {  	s5 =	sadd.s32 $0x2A00, s8;
	[sflag:s31] =	ssyncadd.s32 $0xFFFFF000  }
0xee: {  	[spmem:s2] =	stream.indirect.scatter.add.f32 [tilespmem:s25], [sflag:$0x4], $0x20, s5, s20, $0xb8;
	[tilespmem:$0x16C50] =	vst v63  }
0xef: {  	s5 =	sadd.s32 $0x2A80, s8  }
0xf0: {  	[spmem:s2] =	stream.indirect.scatter.add.f32 [tilespmem:s26], [sflag:$0x4], $0x20, s5, s20, $0xb8;
	[tilespmem:$0x16C50] =	vst v63  }
0xf1: {  	s5 =	sadd.s32 $0x2B00, s8  }
0xf2: {  	[spmem:s2] =	stream.indirect.scatter.add.f32 [tilespmem:s28], [sflag:$0x4], $0x20, s5, s20, $0xb8;
	[tilespmem:$0x16C50] =	vst v63  }
0xf3: {  	s5 =	sadd.s32 $0x2B80, s8  }
0xf4: {  	[spmem:s2] =	stream.indirect.scatter.add.f32 [tilespmem:s29], [sflag:$0x4], $0x20, s5, s20, $0xb8;
	[tilespmem:$0x16C50] =	vst v63  }
0xf5: {  	_ =	swait.ge [sflag:s16], $0x1000  }
0xf6: {  	[sflag:s16] =	ssyncset.done $0x0  }
0xf7: {  	[sflag:s16] =	ssyncadd.s32 $0xFFFFF000  }
0xf8: {  	_ =	swait.ge [sflag:s16], $0x1000  }
0xf9: {  	[sflag:s16] =	ssyncset.done $0x0  }
0xfa: {  	[sflag:s16] =	ssyncadd.s32 $0xFFFFF000  }
0xfb: {  	_ =	swait.ge [sflag:s16], $0x1000  }
0xfc: {  	[sflag:s16] =	ssyncset.done $0x0  }
0xfd: {  	[sflag:s16] =	ssyncadd.s32 $0xFFFFF000  }
0xfe: {  	_ =	swait.ge [sflag:s16], $0x1000  }
0xff: {  	[sflag:s16] =	ssyncset.done $0x0  }
0x100: {  	[sflag:s16] =	ssyncadd.s32 $0xFFFFF000  }
0x101: {  	_ =	swait.ge [sflag:s17], $0x1000  }
0x102: {  	[sflag:s17] =	ssyncset.done $0x0  }
0x103: {  	[sflag:s17] =	ssyncadd.s32 $0xFFFFF000  }
0x104: {  	_ =	swait.ge [sflag:s17], $0x1000  }
0x105: {  	[sflag:s17] =	ssyncset.done $0x0  }
0x106: {  	[sflag:s17] =	ssyncadd.s32 $0xFFFFF000  }
.Ltmp0:
0x107: {  	_ =	swait.ge [sflag:s17], $0x1000;
	(pc) =	sbr.rel @p1 .LBB2_2-.Ltmp0, $4  }
0x108: {  	[sflag:s17] =	ssyncset.done $0x0  }
0x109: {  	[sflag:s17] =	ssyncadd.s32 $0xFFFFF000  }
0x10a: {  	_ =	swait.ge [sflag:s17], $0x1000  }
0x10b: {  	s5 =	smov.u32 s6;
	[sflag:s17] =	ssyncset.done $0x0  }
0x10c: {  	s4 =	sshra.s32 s4, $0x2;
	[sflag:s17] =	ssyncadd.s32 $0xFFFFF000  }
0x10d: {  	[tilespmem:s21], [sflag:$0x1] =	stream.indirect.gather [spmem:s3], $0x20, s4, s20, $0xb8;
	[tilespmem:$0x16C50] =	vst v63  }
0x10e: {  	s5 =	sadd.s32 $0x80, s4  }
0x10f: {  	[tilespmem:s22], [sflag:$0x1] =	stream.indirect.gather [spmem:s3], $0x20, s5, s20, $0xb8;
	[tilespmem:$0x16C50] =	vst v63  }
0x110: {  	s8 =	sadd.s32 $0x100, s4  }
0x111: {  	[tilespmem:s23], [sflag:$0x1] =	stream.indirect.gather [spmem:s3], $0x20, s8, s20, $0xb8;
	[tilespmem:$0x16C50] =	vst v63  }
0x112: {  	s9 =	sadd.s32 $0x180, s4  }
0x113: {  	[tilespmem:s24], [sflag:$0x1] =	stream.indirect.gather [spmem:s3], $0x20, s9, s20, $0xb8;
	[tilespmem:$0x16C50] =	vst v63  }
0x114: {  	s6 =	sadd.s32 $0x200, s4  }
0x115: {  	[tilespmem:s25], [sflag:$0x2] =	stream.indirect.gather [spmem:s3], $0x20, s6, s20, $0xb8;
	[tilespmem:$0x16C50] =	vst v63  }
0x116: {  	s7 =	sadd.s32 $0x280, s4  }
0x117: {  	[tilespmem:s26], [sflag:$0x2] =	stream.indirect.gather [spmem:s3], $0x20, s7, s20, $0xb8;
	[tilespmem:$0x16C50] =	vst v63  }
0x118: {  	s8 =	sadd.s32 $0x300, s4  }
0x119: {  	[tilespmem:s28], [sflag:$0x2] =	stream.indirect.gather [spmem:s3], $0x20, s8, s20, $0xb8;
	[tilespmem:$0x16C50] =	vst v63  }
0x11a: {  	s9 =	sadd.s32 $0x380, s4  }
0x11b: {  	[tilespmem:s29], [sflag:$0x2] =	stream.indirect.gather [spmem:s3], $0x20, s9, s20, $0xb8;
	[tilespmem:$0x16C50] =	vst v63  }
0x11c: {  	_ =	swait.ge [sflag:s30], $0x1000  }
0x11d: {  	[sflag:s30] =	ssyncset.done $0x0  }
0x11e: {  	[sflag:s30] =	ssyncadd.s32 $0xFFFFF000  }
0x11f: {  	_ =	swait.ge [sflag:s30], $0x1000  }
0x120: {  	[sflag:s30] =	ssyncset.done $0x0  }
0x121: {  	[sflag:s30] =	ssyncadd.s32 $0xFFFFF000  }
0x122: {  	_ =	swait.ge [sflag:s30], $0x1000  }
0x123: {  	[sflag:s30] =	ssyncset.done $0x0  }
0x124: {  	[sflag:s30] =	ssyncadd.s32 $0xFFFFF000  }
0x125: {  	_ =	swait.ge [sflag:s30], $0x1000  }
0x126: {  	[sflag:s30] =	ssyncset.done $0x0  }
0x127: {  	s6 =	sadd.s32 $0x2800, s4;
	[sflag:s30] =	ssyncadd.s32 $0xFFFFF000  }
0x128: {  	[spmem:s2] =	stream.indirect.scatter.add.f32 [tilespmem:s21], [sflag:$0x3], $0x20, s6, s20, $0xb8;
	[tilespmem:$0x16C50] =	vst v63  }
0x129: {  	s7 =	sadd.s32 $0x2880, s4  }
0x12a: {  	[spmem:s2] =	stream.indirect.scatter.add.f32 [tilespmem:s22], [sflag:$0x3], $0x20, s7, s20, $0xb8;
	[tilespmem:$0x16C50] =	vst v63  }
0x12b: {  	s8 =	sadd.s32 $0x2900, s4  }
0x12c: {  	[spmem:s2] =	stream.indirect.scatter.add.f32 [tilespmem:s23], [sflag:$0x3], $0x20, s8, s20, $0xb8;
	[tilespmem:$0x16C50] =	vst v63  }
0x12d: {  	s9 =	sadd.s32 $0x2980, s4  }
0x12e: {  	[spmem:s2] =	stream.indirect.scatter.add.f32 [tilespmem:s24], [sflag:$0x3], $0x20, s9, s20, $0xb8;
	[tilespmem:$0x16C50] =	vst v63  }
0x12f: {  	_ =	swait.ge [sflag:s31], $0x1000  }
0x130: {  	[sflag:s31] =	ssyncset.done $0x0  }
0x131: {  	[sflag:s31] =	ssyncadd.s32 $0xFFFFF000  }
0x132: {  	_ =	swait.ge [sflag:s31], $0x1000  }
0x133: {  	[sflag:s31] =	ssyncset.done $0x0  }
0x134: {  	[sflag:s31] =	ssyncadd.s32 $0xFFFFF000  }
0x135: {  	_ =	swait.ge [sflag:s31], $0x1000  }
0x136: {  	[sflag:s31] =	ssyncset.done $0x0  }
0x137: {  	[sflag:s31] =	ssyncadd.s32 $0xFFFFF000  }
0x138: {  	_ =	swait.ge [sflag:s31], $0x1000  }
0x139: {  	[sflag:s31] =	ssyncset.done $0x0  }
0x13a: {  	s6 =	sadd.s32 $0x2A00, s4;
	[sflag:s31] =	ssyncadd.s32 $0xFFFFF000  }
0x13b: {  	[spmem:s2] =	stream.indirect.scatter.add.f32 [tilespmem:s25], [sflag:$0x4], $0x20, s6, s20, $0xb8;
	[tilespmem:$0x16C50] =	vst v63  }
0x13c: {  	s7 =	sadd.s32 $0x2A80, s4  }
0x13d: {  	[spmem:s2] =	stream.indirect.scatter.add.f32 [tilespmem:s26], [sflag:$0x4], $0x20, s7, s20, $0xb8;
	[tilespmem:$0x16C50] =	vst v63  }
0x13e: {  	s8 =	sadd.s32 $0x2B00, s4  }
0x13f: {  	[spmem:s2] =	stream.indirect.scatter.add.f32 [tilespmem:s28], [sflag:$0x4], $0x20, s8, s20, $0xb8;
	[tilespmem:$0x16C50] =	vst v63  }
0x140: {  	s4 =	sadd.s32 $0x2B80, s4  }
0x141: {  	[spmem:s2] =	stream.indirect.scatter.add.f32 [tilespmem:s29], [sflag:$0x4], $0x20, s4, s20, $0xb8;
	[tilespmem:$0x16C50] =	vst v63  }
0x142: {  	_ =	swait.ge [sflag:s16], $0x1000  }
0x143: {  	[sflag:s16] =	ssyncset.done $0x0  }
0x144: {  	[sflag:s16] =	ssyncadd.s32 $0xFFFFF000  }
0x145: {  	_ =	swait.ge [sflag:s16], $0x1000  }
0x146: {  	[sflag:s16] =	ssyncset.done $0x0  }
0x147: {  	[sflag:s16] =	ssyncadd.s32 $0xFFFFF000  }
0x148: {  	_ =	swait.ge [sflag:s16], $0x1000  }
0x149: {  	[sflag:s16] =	ssyncset.done $0x0  }
0x14a: {  	[sflag:s16] =	ssyncadd.s32 $0xFFFFF000  }
0x14b: {  	_ =	swait.ge [sflag:s16], $0x1000  }
0x14c: {  	[sflag:s16] =	ssyncset.done $0x0  }
0x14d: {  	[sflag:s16] =	ssyncadd.s32 $0xFFFFF000  }
0x14e: {  	_ =	swait.ge [sflag:s17], $0x1000  }
0x14f: {  	[sflag:s17] =	ssyncset.done $0x0  }
0x150: {  	[sflag:s17] =	ssyncadd.s32 $0xFFFFF000  }
0x151: {  	_ =	swait.ge [sflag:s17], $0x1000  }
0x152: {  	[sflag:s17] =	ssyncset.done $0x0  }
0x153: {  	[sflag:s17] =	ssyncadd.s32 $0xFFFFF000  }
0x154: {  	_ =	swait.ge [sflag:s17], $0x1000  }
0x155: {  	[sflag:s17] =	ssyncset.done $0x0  }
0x156: {  	[sflag:s17] =	ssyncadd.s32 $0xFFFFF000  }
0x157: {  	_ =	swait.ge [sflag:s17], $0x1000  }
0x158: {  	[sflag:s17] =	ssyncset.done $0x0  }
0x159: {  	[sflag:s17] =	ssyncadd.s32 $0xFFFFF000  }
0x15a: {  	[bflag:$0x0] =	sbarrier.arrive $0xFFFF  }
0x15b: {  	s5 =	simm.s32 @p0 $0x10;
	s6 =	simm.s32 @p0 $0x4;
	s8 =	rddreg [dreg:$0x11]  }
0x15c: {  	s7 =	simm.s32 @p0 $0x1FC1;
	s4 =	simm.s32 @p0 $0x1;
	s9 =	rddreg [dreg:$0x1f]  }
0x15d: {  	[hbm:s8@s5], [sflag:s7] =	dma.strided @p0 [spmem:s9@s6], $0x190, s4, $0x4   }
0x15e: {  	s9 =	sld [smem:$0x7FB];
	_ =	sdelay $0x1  }
0x15f: {  	s8 =	rddreg [dreg:$0x12]  }
0x160: {  	[hbm:s8@s5], [sflag:s7] =	dma.strided @p0 [spmem:s9@s6], $0x190, s4, $0x4   }
0x161: {  	s9 =	sld [smem:$0x7FC];
	_ =	sdelay $0x1  }
0x162: {  	s8 =	rddreg [dreg:$0x13]  }
0x163: {  	[hbm:s8@s5], [sflag:s7] =	dma.strided @p0 [spmem:s9@s6], $0x190, s4, $0x4   }
0x164: {  	s9 =	sld [smem:$0x7FD];
	_ =	sdelay $0x1  }
0x165: {  	s8 =	rddreg [dreg:$0x14]  }
0x166: {  	[hbm:s8@s5], [sflag:s7] =	dma.strided @p0 [spmem:s9@s6], $0x190, s4, $0x4   }
0x167: {  	_ =	swait.ge @p0 [sflag:s4], $0x190  }
0x168: {  	[sflag:s4] =	ssyncset.done @p0 $0x0  }
0x169: {  	[sflag:s4] =	ssyncadd.s32 @p0 $0xFFFFFE70  }
0x16a: {  	_ =	swait.ge @p0 [sflag:s4], $0x190  }
0x16b: {  	[sflag:s4] =	ssyncset.done @p0 $0x0  }
0x16c: {  	[sflag:s4] =	ssyncadd.s32 @p0 $0xFFFFFE70  }
0x16d: {  	_ =	swait.ge @p0 [sflag:s4], $0x190  }
0x16e: {  	[sflag:s4] =	ssyncset.done @p0 $0x0  }
0x16f: {  	[sflag:s4] =	ssyncadd.s32 @p0 $0xFFFFFE70  }
0x170: {  	_ =	swait.ge @p0 [sflag:s4], $0x190  }
0x171: {  	s5 =	simm.s32 @!p0 $0x1;
	s6 =	simm.s32 @!p0 $0x10;
	[sflag:s4] =	ssyncset.done @p0 $0x0  }
0x172: {  	s7 =	simm.s32 @!p0 $0x4;
	[sflag:s4] =	ssyncadd.s32 @p0 $0xFFFFFE70;
	s4 =	sshrl.u32 @!p0 s19, $0x3  }
0x173: {  	[hbm:s18@s6], [sflag:s0] =	dma.strided @!p0 [spmem:s4@s7], $0x280, s5, $0x4   }
0x174: {  	[hbm:s13@s6], [sflag:s0] =	dma.strided @!p0 [spmem:s10@s7], $0x280, s5, $0x4   }
0x175: {  	[hbm:s14@s6], [sflag:s0] =	dma.strided @!p0 [spmem:s11@s7], $0x280, s5, $0x4   }
0x176: {  	[hbm:s15@s6], [sflag:s0] =	dma.strided @!p0 [spmem:s12@s7], $0x280, s5, $0x4   }
0x177: {  	_ =	swait.ge @!p0 [sflag:s5], $0x280  }
0x178: {  	[sflag:s5] =	ssyncset.done @!p0 $0x0  }
0x179: {  	[sflag:s5] =	ssyncadd.s32 @!p0 $0xFFFFFD80  }
0x17a: {  	_ =	swait.ge @!p0 [sflag:s5], $0x280  }
0x17b: {  	[sflag:s5] =	ssyncset.done @!p0 $0x0  }
0x17c: {  	[sflag:s5] =	ssyncadd.s32 @!p0 $0xFFFFFD80  }
0x17d: {  	_ =	swait.ge @!p0 [sflag:s5], $0x280  }
0x17e: {  	[sflag:s5] =	ssyncset.done @!p0 $0x0  }
0x17f: {  	[sflag:s5] =	ssyncadd.s32 @!p0 $0xFFFFFD80  }
0x180: {  	_ =	swait.ge @!p0 [sflag:s5], $0x280  }
0x181: {  	s1 =	sadd.s32 $0x1, s1;
	s9 =	rddreg [dreg:$0x15]  }
0x182: {  	p1 =	sne.s32 s1, s9  }
.Ltmp1:
0x183: {  	_ = 	snop;
	(pc) =	sbr.rel @p1 .LBB2_1-.Ltmp1, $3  }
0x184: {  	_ =	sdelay $0x1  }
0x185: {  	[sflag:s5] =	ssyncset.done @!p0 $0x0  }
0x186: {  	[sflag:s5] =	ssyncadd.s32 @!p0 $0xFFFFFD80  }
0x187: {  	_ =	sfence.sel $0x180000  }
0x188: {  	[bflag:$0x0] =	sbarrier.arrive $0xFFFF  }
0x189: {  	_ =	strace $0x9000004A  }
0x18a: {  	s0 =	stileid.u32;
	[bflag:$0x2] =	sbarrier.arrive $0xFFFF  }
0x18b: {  	p0 =	sne.s32 s0, $0x0;
	s0 =	rddreg [dreg:$0x3]  }
0x18c: {  	s0 =	sadd.s32 @!p0 $0x100000, s0  }
0x18d: {  	[sflag:s0] =	ssyncadd.tile.s32 @!p0 $0x1;
	_ =	shalt  }
.Lfunc_end2:
_tile_overlayer_lowered:
.L_overlay_start_2:
0x18e: {  	(tag) =	ssettag $0x2  }
0x18f: {  	s0 =	rddreg [dreg:$0x0];
	s2 =	stileid.u32  }
0x190: {  	s1 =	rddreg [dreg:$0x1];
	p0 =	sne.s32 s2, $0x0  }
0x191: {  	s3 =	rddreg [dreg:$0x2];
	[bflag:$0x3] =	sbarrier.arrive $0xFFFF;
	s2 =	simm.s32 @!p0 $0x1C05  }
0x192: {  	[timem:s3], [sflag:s2] =	dma.local @!p0 [hbm:s0], s1  }
0x193: {  	s0 =	simm.s32 @!p0 $0x5  }
0x194: {  	_ =	swait.ge @!p0 [sflag:s0], s1  }
0x195: {  	s1 =	ssub.s32 @!p0 $0x0, s1;
	[sflag:s0] =	ssyncset.done @!p0 $0x0  }
0x196: {  	[sflag:s0] =	ssyncadd.s32 @!p0 s1  }
0x197: {  	[bflag:$0x3] =	sbarrier.arrive $0xFFFF  }
0x198: {  	_ =	shalt  }

// kernel: kernel.15.cloned.1.call-start
scs
__scs_entry_jumppad:
0x0: {  	(pc) =	sbr.rel $0x88, $3  }
0x1: {  	(tag) =	ssettag $0x0;
	lr =	simm.s32 $0x1  }
0x2: {  	[smem:$0x3F88] =	sst lr;
	_ =	strace $0xD0000000  }
0x3: {  	_ = 	snop  }
0x4: {  	_ = 	snop  }
0x5: {  	_ = 	snop  }
0x6: {  	_ = 	snop  }
0x7: {  	_ = 	snop  }
__scs_overlays_trampoline_lowered:
0x8: {  	[smem:$0x3F97] =	sst s0  }
0x9: {  	[smem:$0x3F98] =	sst s1  }
0xa: {  	[smem:$0x3F99] =	sst s2  }
0xb: {  	[smem:$0x3F9A] =	sst s3  }
0xc: {  	[smem:$0x3F9B] =	sst s4  }
0xd: {  	[smem:$0x3F9C] =	sst s5  }
0xe: {  	[smem:$0x3F9D] =	sst s6  }
0xf: {  	[smem:$0x3F9E] =	sst s7  }
0x10: {  	[smem:$0x3F9F] =	sst s8  }
0x11: {  	[smem:$0x3FA0] =	sst s9;
	s0 =	simm.s32 @!p0 $0x0  }
0x12: {  	s1 =	sld [smem:$0x3F86];
	s0 =	simm.s32 @p0 $0x1  }
0x13: {  	[smem:$0x3FA1] =	sst s0;
	s0 =	simm.s32 @!p1 $0x0  }
0x14: {  	s2 =	sld [smem:$0x3F85];
	s0 =	simm.s32 @p1 $0x1  }
0x15: {  	[smem:$0x3FA2] =	sst s0;
	s0 =	simm.s32 @!p2 $0x0  }
0x16: {  	s3 =	sld [smem:$0x3FDB];
	s0 =	simm.s32 @p2 $0x1  }
0x17: {  	s4 =	simm.s32 $0x1BF5;
	[smem:$0x3FA4] =	sst s0  }
0x18: {  	s0 =	sld [smem:$0x3F87];
	_ =	swait.ge [sflag:s4], $0x0  }
0x19: {  	s7 =	sld [smem:$0x3F88]  }
0x1a: {  	s8 =	sadd.s32 $0xFFFFE003, lr  }
0x1b: {  	s9 =	sadd.s32 $0xFFFFFEF7, lr;
	s5 =	simm.s32 $0xFFFFFFFF;
	p2 =	slt.u32 s8, $0xFFFFF086  }
0x1c: {  	p1 =	slt.u32 s9, $0xF7A;
	s5 =	simm.s32 @!p2 $0x0  }
0x1d: {  	s5 =	simm.s32 @p1 $0x1;
	p0 =	seq.s32 s7, s2  }
0x1e: {  	s7 =	smul.u32 @!p0 $0xF7A, s2;
	p2 =	seq.s32 @!p0 s5, $0x0  }
0x1f: {  	s9 =	smul.u32 $0xF7A, s1;
	s8 =	simm.s32 @!p0 $0x1BF5;
	p2 =	por !p2, p0  }
0x20: {  	[sflag:s8] =	ssyncset.s32 @!p0 $0xFFFFF086;
	s6 =	sadd.s32 @!p0 s3, s7;
	s7 =	simm.s32 @!p0 $0x108  }
0x21: {  	s3 =	sadd.s32 s3, s9;
	s6 =	sadd.s32 @!p0 $0x88, s6;
	s7 =	simm.s32 @p2 $0x1082  }
0x22: {  	[simem:s7], [sflag:s8] =	dma.local @!p0 [hbm:s6], $0xF7A  }
0x23: {  	s9 =	sor.u32 $0xD0000000, s2;
	s6 =	simm.s32 $0x108;
	_ =	swait.ge @!p0 [sflag:s8], $0x0  }
0x24: {  	s3 =	sadd.s32 $0x88, s3;
	s6 =	simm.s32 @!p1 $0x1082;
	[sflag:s4] =	ssyncset.s32 $0xFFFFF086  }
0x25: {  	[simem:s6], [sflag:s4] =	dma.local [hbm:s3], $0xF7A  }
0x26: {  	[smem:$0x3F88] =	sst s1;
	(tag) =	ssettag s2;
	_ =	strace s9  }
0x27: {  	s1 =	sld [smem:$0x3F98]  }
0x28: {  	s2 =	sld [smem:$0x3F99]  }
0x29: {  	s4 =	sld [smem:$0x3F9B]  }
0x2a: {  	p0 =	seq.s32 s5, $0x0;
	s5 =	sld [smem:$0x3F9C]  }
0x2b: {  	s6 =	sld [smem:$0x3F9D]  }
0x2c: {  	s7 =	sld [smem:$0x3F9E]  }
0x2d: {  	s3 =	simm.s32 $0x108;
	s8 =	sld [smem:$0x3F9F]  }
0x2e: {  	s3 =	simm.s32 @!p0 $0x1082;
	s9 =	sld [smem:$0x3FA0]  }
0x2f: {  	lr =	sadd.s32 s0, s3;
	s0 =	sld [smem:$0x3F97]  }
0x30: {  	s3 =	sld [smem:$0x3F9A]  }
0x31: {  	[smem:$0x3FA3] =	sst s10  }
0x32: {  	s10 =	sld [smem:$0x3FA1];
	_ =	sdelay $0x3  }
0x33: {  	p0 =	seq.s32 s10, $0x1;
	s10 =	sld [smem:$0x3FA3];
	_ =	sdelay $0x3  }
0x34: {  	[smem:$0x3FA3] =	sst s10  }
0x35: {  	s10 =	sld [smem:$0x3FA2];
	_ =	sdelay $0x3  }
0x36: {  	p1 =	seq.s32 s10, $0x1;
	s10 =	sld [smem:$0x3FA3];
	_ =	sdelay $0x3  }
0x37: {  	[smem:$0x3FA3] =	sst s10  }
0x38: {  	s10 =	sld [smem:$0x3FA4]  }
0x39: {  	_ = 	snop;
	(pc) =	sbr.ind lr, $3  }
0x3a: {  	_ = 	snop  }
0x3b: {  	_ = 	snop  }
0x3c: {  	p2 =	seq.s32 s10, $0x1;
	s10 =	sld [smem:$0x3FA3]  }
0x3d: {  	_ =	shalt  }
0x3e: {  	_ =	shalt  }
0x3f: {  	_ =	shalt  }
0x40: {  	_ =	shalt  }
0x41: {  	_ =	shalt  }
0x42: {  	_ =	shalt  }
0x43: {  	_ =	shalt  }
0x44: {  	_ =	shalt  }
0x45: {  	_ =	shalt  }
0x46: {  	_ =	shalt  }
0x47: {  	_ =	shalt  }
0x48: {  	_ =	shalt  }
0x49: {  	_ =	shalt  }
0x4a: {  	_ =	shalt  }
0x4b: {  	_ =	shalt  }
0x4c: {  	_ =	shalt  }
0x4d: {  	_ =	shalt  }
0x4e: {  	_ =	shalt  }
0x4f: {  	_ =	shalt  }
0x50: {  	_ =	shalt  }
0x51: {  	_ =	shalt  }
0x52: {  	_ =	shalt  }
0x53: {  	_ =	shalt  }
0x54: {  	_ =	shalt  }
0x55: {  	_ =	shalt  }
0x56: {  	_ =	shalt  }
0x57: {  	_ =	shalt  }
0x58: {  	_ =	shalt  }
0x59: {  	_ =	shalt  }
0x5a: {  	_ =	shalt  }
0x5b: {  	_ =	shalt  }
0x5c: {  	_ =	shalt  }
0x5d: {  	_ =	shalt  }
0x5e: {  	_ =	shalt  }
0x5f: {  	_ =	shalt  }
0x60: {  	_ =	shalt  }
0x61: {  	_ =	shalt  }
0x62: {  	_ =	shalt  }
0x63: {  	_ =	shalt  }
0x64: {  	_ =	shalt  }
0x65: {  	_ =	shalt  }
0x66: {  	_ =	shalt  }
0x67: {  	_ =	shalt  }
0x68: {  	_ =	shalt  }
0x69: {  	_ =	shalt  }
0x6a: {  	_ =	shalt  }
0x6b: {  	_ =	shalt  }
0x6c: {  	_ =	shalt  }
0x6d: {  	_ =	shalt  }
0x6e: {  	_ =	shalt  }
0x6f: {  	_ =	shalt  }
0x70: {  	_ =	shalt  }
0x71: {  	_ =	shalt  }
0x72: {  	_ =	shalt  }
0x73: {  	_ =	shalt  }
0x74: {  	_ =	shalt  }
0x75: {  	_ =	shalt  }
0x76: {  	_ =	shalt  }
0x77: {  	_ =	shalt  }
0x78: {  	_ =	shalt  }
0x79: {  	_ =	shalt  }
0x7a: {  	_ =	shalt  }
0x7b: {  	_ =	shalt  }
0x7c: {  	_ =	shalt  }
0x7d: {  	_ =	shalt  }
0x7e: {  	_ =	shalt  }
0x7f: {  	_ =	shalt  }
0x80: {  	_ =	shalt  }
0x81: {  	_ =	shalt  }
0x82: {  	_ =	shalt  }
0x83: {  	_ =	shalt  }
0x84: {  	_ =	shalt  }
0x85: {  	_ =	shalt  }
0x86: {  	_ =	shalt  }
0x87: {  	_ =	shalt  }
.Lfunc_end0:
.L_simem_size_0:
called_computation.2_lowered:
.L_overlay_start_0:
0x88: {  	s2 =	sld [smem:$0x3FD9]  }
0x89: {  	s3 =	sld [smem:$0x3FFE];
	_ =	sdelay $0x1  }
0x8a: {  	s1 =	srdreg.scid  }
0x8b: {  	s0 =	sand.u32 $0x1, s1  }
0x8c: {  	s16 =	sshll.u32 s0, $0xA;
	s2 =	sadd.s32 s3, s2  }
0x8d: {  	s2 =	sadd.s32 s2, s16  }
0x8e: {  	[smem:$0x3FAF] =	sst s2  }
0x8f: {  	_ = 	snop  }
0x90: {  	(tm) =	ssettm $0x1  }
0x91: {  	s17 =	sld [smem:$0x3FFB];
	_ =	sdelay $0x3  }
0x92: {  	_ =	strace s17  }
0x93: {  	s2 =	sld [smem:$0x3FFC];
	_ =	sdelay $0x3  }
0x94: {  	_ =	strace s2  }
0x95: {  	s2 =	sld [smem:$0x3FFD];
	_ =	sdelay $0x3  }
0x96: {  	_ =	strace s2  }
0x97: {  	_ =	strace $0x8FFFFFFF  }
0x98: {  	s18 =	sld [smem:$0x3FDB];
	_ =	sdelay $0x1  }
0x99: {  	s19 =	simm.s32 $_scs_section_size  }
0x9a: {  	s4 =	simm.s32 $_size__tile_overlayer_lowered;
	s5 =	simm.s32 $_tile_overlayer_lowered  }
0x9b: {  	s22 =	simm.s32 $0x1BFF;
	s21 =	sshll.u32 s5, $0x1;
	s2 =	sadd.s32 s19, s18  }
0x9c: {  	s6 =	simm.s32 $0x0;
	s20 =	sshll.u32 s4, $0x1;
	s4 =	sadd.s32 s21, s2  }
0x9d: {  	[timem:s6], [sflag:s22] =	dma.local [hbm:s4], s20  }
0x9e: {  	_ =	swait.ge [sflag:s22], s20  }
0x9f: {  	s3 =	ssub.s32 $0x0, s20;
	[sflag:s22] =	ssyncset.done $0x0  }
0xa0: {  	[sflag:s22] =	ssyncadd.s32 s3;
	_ =	sdelay $0x1  }
0xa1: {  	s23 =	simm.s32 $0x1B8B  }
0xa2: {  	_ =	swait.ge [sflag:s23], $0x1  }
0xa3: {  	[sflag:s23] =	ssyncset.done $0x0  }
0xa4: {  	s25 =	simm.s32 $0x1B8E;
	s24 =	sld [smem:$0x3FFE];
	[sflag:s23] =	ssyncadd.s32 $0xFFFFFFFF  }
0xa5: {  	s26 =	simm.s32 $execute0_lowered;
	[smem:$0x3FD2] =	sst s25  }
0xa6: {  	s4 =	sshll.u32 s26, $0x1;
	_ =	strace $0x8000004C;
	[dreg:$0x1] =	wrdreg $0xFFFFFFFF  }
0xa7: {  	s28 =	simm.s32 $_size_execute0_lowered;
	s2 =	sadd.s32 s2, s4;
	[dreg:$0x0] =	wrdreg $0x0  }
0xa8: {  	s4 =	sshll.u32 s28, $0x1;
	[dreg:$0x2] =	wrdreg s2  }
0xa9: {  	[dreg:$0x3] =	wrdreg s4  }
0xaa: {  	[dreg:$0x4] =	wrdreg $0xC0  }
0xab: {  	_ =	task [dreg:s6], $0x5FFFF  }
0xac: {  	[dreg:$0x1] =	wrdreg $0xFFFFFFFF  }
0xad: {  	[dreg:$0x0] =	wrdreg $0x60  }
0xae: {  	[dreg:$0x2] =	wrdreg s24  }
0xaf: {  	[dreg:$0x3] =	wrdreg $0x11E200  }
0xb0: {  	[dreg:$0x4] =	wrdreg $0xD0000  }
0xb1: {  	[dreg:$0x5] =	wrdreg $0x9  }
0xb2: {  	_ =	task.clear_ibuf [dreg:s6], $0x6FFFF;
	_ =	strace $0x9000004C  }
0xb3: {  	s29 =	simm.s32 $0x9;
	_ =	strace $0x8000004E  }
0xb4: {  	_ =	swait.ge [sflag:s29], $0x1  }
0xb5: {  	[sflag:s29] =	ssyncadd.s32 $0xFFFFFFFF  }
0xb6: {  	_ =	strace $0x9000004E  }
0xb7: {  	_ =	sfence  }
0xb8: {  	s30 =	sld [smem:$0x0];
	_ =	sdelay $0x2  }
0xb9: {  	s31 =	sshll.u32 s1, $0xD;
	s1 =	sshrl.u32 s1, $0x2  }
0xba: {  	s3 =	sand.u32 $0x4000, s31;
	s1 =	sadd.s32 s1, s30  }
0xbb: {  	s0 =	sor.u32 s3, s0;
	s1 =	sshll.u32 s1, $0x11  }
0xbc: {  	s0 =	sor.u32 s1, s0  }
0xbd: {  	s0 =	sadd.s32 $0x8F2B, s0  }
0xbe: {  	[sflag:s0] =	ssyncadd.remote.s32 $0x1  }
0xbf: {  	_ =	sfence.sel $0xFFFF  }
0xc0: {  	[dreg:$0x0] =	wrdreg $0xFFFFFFFF;
	(pc) =	sbr.abs _section_cstart, $3  }
0xc1: {  	[dreg:$0x1] =	wrdreg $0xFFFFFFFF  }
0xc2: {  	_ =	task.clear_ibuf [dreg:s6], $0x2FFFF;
	_ =	strace $0x9FFFFFFF  }
0xc3: {  	(tm) =	ssettm $0x7FFFFFFF  }
tec
execute0_lowered:
.L_overlay_start_1:
0x0: {  	(tag) =	ssettag $0x1  }
0x1: {  	s0 =	rddreg [dreg:$0x0];
	s12 =	stileid.u32  }
0x2: {  	s1 =	srdreg.scid;
	s2 =	rddreg [dreg:$0x1]  }
0x3: {  	s3 =	rddreg [dreg:$0x2];
	s6 =	simm.s32 $0x0;
	s28 =	simm.s32 $0xB000  }
0x4: {  	s29 =	simm.s32 $0xC000;
	s30 =	simm.s32 $0x1;
	s31 =	simm.s32 $0x2  }
0x5: {  	s1 =	sand.u32 $0x1, s1;
	s4 =	sshll.u32 s12, $0x1;
	s5 =	smul.u32 $0x5000, s12  }
0x6: {  	[smem:$0x7FF] =	sst s6;
	s7 =	smul.u32 $0x4F00, s12;
	s10 =	sadd.s32 $0x2C600, s0  }
0x7: {  	s17 =	sadd.s32 $0x2BC20, s0;
	s18 =	sadd.s32 $0x22000, s0;
	s19 =	sadd.s32 $0x22004, s0  }
0x8: {  	s20 =	sadd.s32 $0x22008, s0;
	_ =	strace $0x8000004D;
	[dreg:$0xc] =	wrdreg s17  }
0x9: {  	p0 =	seq.s32 s12, $0xF;
	s4 =	sor.u32 s1, s4;
	[dreg:$0xd] =	wrdreg s18  }
0xa: {  	s9 =	ssub.s32 $0x2, s1;
	s1 =	smul.u32 $0x4E400, s1;
	[dreg:$0xe] =	wrdreg s19  }
0xb: {  	[dreg:$0xf] =	wrdreg s20;
	s17 =	simm.s32 $0x4;
	s20 =	simm.s32 $0x80  }
0xc: {  	s4 =	smul.u32 $0x500, s4;
	s24 =	sshrl.u32 s5, $0x3;
	s8 =	sshrl.u32 s7, $0x3  }
0xd: {  	s11 =	sshrl.u32 s9, $0x1;
	s6 =	sadd.s32 s24, s0;
	s8 =	sadd.s32 s8, s0  }
0xe: {  	s9 =	ssub.s32 s9, s11;
	s4 =	sadd.s32 s4, s0;
	s26 =	sadd.s32 $0x22800, s8  }
0xf: {  	s8 =	sshrl.u32 s5, $0x2;
	s14 =	sadd.s32 $0x18A00, s6;
	[dreg:$0x6] =	wrdreg s26  }
0x10: {  	s15 =	sadd.s32 $0x18A04, s6;
	s16 =	sadd.s32 $0x18A08, s6;
	[dreg:$0x8] =	wrdreg s14  }
0x11: {  	s6 =	sadd.s32 $0x18A0C, s6;
	s5 =	sadd.s32 s5, s1;
	[dreg:$0x9] =	wrdreg s15  }
0x12: {  	s1 =	sshrl.u32 s1, $0x3;
	s0 =	sadd.s32 $0x2200C, s0;
	[dreg:$0xa] =	wrdreg s16  }
0x13: {  	s25 =	sadd.s32 $0xEA00, s4;
	s4 =	sadd.s32 $0x4A00, s4;
	[dreg:$0xb] =	wrdreg s6  }
0x14: {  	s13 =	sadd.s32 s8, s3;
	[dreg:$0x10] =	wrdreg s0;
	s21 =	sshrl.u32 s5, $0x3  }
0x15: {  	s1 =	sadd.s32 s10, s1;
	s19 =	sadd.s32 s8, s2;
	[dreg:$0x4] =	wrdreg s25  }
0x16: {  	s26 =	smax.u32 s9, $0x1;
	s0 =	sadd.s32 $0x4A100, s2;
	[dreg:$0x5] =	wrdreg s4  }
0x17: {  	s16 =	simm.s32 $0x3;
	s4 =	sadd.s32 s7, s2;
	[dreg:$0x15] =	wrdreg s26  }
0x18: {  	s18 =	sadd.s32 s10, s21;
	s22 =	sadd.s32 $0x9600, s1;
	[dreg:$0x7] =	wrdreg s13  }
0x19: {  	s23 =	sadd.s32 $0x9604, s1;
	s24 =	sadd.s32 $0x9608, s1;
	[dreg:$0x11] =	wrdreg s22  }
0x1a: {  	s25 =	sadd.s32 $0x960C, s1;
	s0 =	sshrl.u32 @p0 s0, $0x3;
	[dreg:$0x12] =	wrdreg s23  }
0x1b: {  	s1 =	sadd.s32 $0x26480, s3;
	s21 =	simm.s32 $0x5000;
	[dreg:$0x13] =	wrdreg s24  }
0x1c: {  	s26 =	simm.s32 $0xA000;
	[dreg:$0x16] =	wrdreg s0;
	s0 =	sadd.s32 $0x12C00, s3  }
0x1d: {  	[dreg:$0x14] =	wrdreg s25;
	s14 =	sadd.s32 $0x8, s18;
	s0 =	sshrl.u32 @p0 s0, $0x3  }
0x1e: {  	s15 =	sadd.s32 $0xC, s18;
	[dreg:$0x17] =	wrdreg s0;
	s0 =	sshrl.u32 @p0 s1, $0x3  }
0x1f: {  	s22 =	simm.s32 $0x6000;
	[dreg:$0x18] =	wrdreg s0;
	s0 =	sadd.s32 $0x39D00, s3  }
0x20: {  	s23 =	simm.s32 $0x7000;
	s1 =	sadd.s32 $0x4D580, s3;
	s0 =	sshrl.u32 @p0 s0, $0x3  }
0x21: {  	s1 =	sshrl.u32 @p0 s1, $0x3;
	[dreg:$0x19] =	wrdreg s0;
	s0 =	sadd.s32 $0x13880, s13  }
0x22: {  	s24 =	simm.s32 $0x8000;
	[dreg:$0x1a] =	wrdreg s1;
	s0 =	sshrl.u32 @!p0 s0, $0x3  }
0x23: {  	s1 =	sshrl.u32 @!p0 s4, $0x3;
	[dreg:$0x1c] =	wrdreg s0;
	s0 =	sadd.s32 $0x27100, s13  }
0x24: {  	[dreg:$0x1b] =	wrdreg s1;
	s1 =	sadd.s32 $0x3A980, s13;
	s0 =	sshrl.u32 @!p0 s0, $0x3  }
0x25: {  	s4 =	sadd.s32 $0x12C00, s2;
	[dreg:$0x1d] =	wrdreg s0;
	s0 =	sshrl.u32 @!p0 s1, $0x3  }
0x26: {  	s25 =	simm.s32 $0x9000;
	[dreg:$0x1e] =	wrdreg s0;
	s0 =	sshrl.u32 @p0 s4, $0x3  }
0x27: {  	s13 =	sadd.s32 $0x4, s18;
	[dreg:$0x1f] =	wrdreg s0;
	s0 =	sadd.s32 $0x26480, s2  }
0x28: {  	s1 =	sadd.s32 $0x39D00, s2;
	s4 =	sadd.s32 $0x4D580, s2;
	s0 =	sshrl.u32 @p0 s0, $0x3  }
0x29: {  	[smem:$0x7FB] =	sst s0;
	s0 =	sshrl.u32 @p0 s1, $0x3;
	s1 =	sadd.s32 $0x27100, s19  }
0x2a: {  	[smem:$0x7FC] =	sst s0;
	s0 =	sshrl.u32 @p0 s4, $0x3;
	s4 =	sadd.s32 $0x3A980, s19  }
0x2b: {  	s11 =	sshrl.u32 @!p0 s1, $0x3;
	[smem:$0x7FD] =	sst s0;
	s0 =	sadd.s32 $0x13880, s19  }
0x2c: {  	s1 =	simm.s32 $0x0;
	s12 =	sshrl.u32 @!p0 s4, $0x3;
	s10 =	sshrl.u32 @!p0 s0, $0x3  }
.LBB2_1:
0x2d: {  	s4 =	rddreg [dreg:$0x4]  }
0x2e: {  	s0 =	simm.s32 $0x0;
	s8 =	rddreg [dreg:$0x5]  }
0x2f: {  	[tilespmem:s0], [sflag:$0x3] =	stream.linear.gather [hbm4b:s4+s0], $0x2800, $0x38;
	[tilespmem:$0x16C50] =	vst v63  }
0x30: {  	s5 =	simm.s32 $0x2800;
	s4 =	rddreg [dreg:$0xc]  }
0x31: {  	[tilespmem:s5], [sflag:$0x4] =	stream.linear.gather [hbm4b:s8+s0], $0x2800, $0x38;
	[tilespmem:$0x16C50] =	vst v63  }
0x32: {  	s0 =	simm.s32 @p0 $0x1FC1;
	s5 =	rddreg [dreg:$0x16]  }
0x33: {  	[spmem:s5], [sflag:s0] =	dma.local @p0 [hbm:s4], $0x840  }
0x34: {  	s6 =	simm.s32 @p0 $0x1FC2;
	s0 =	simm.s32 @p0 $0x1;
	s7 =	rddreg [dreg:$0xd]  }
0x35: {  	s4 =	simm.s32 @p0 $0x4;
	s5 =	simm.s32 @p0 $0x10;
	s8 =	rddreg [dreg:$0x17]  }
0x36: {  	[spmem:s8@s4], [sflag:s6] =	dma.strided @p0 [hbm:s7@s5], $0x190, s0, $0x4   }
0x37: {  	s7 =	rddreg [dreg:$0xe]  }
0x38: {  	s8 =	rddreg [dreg:$0x18]  }
0x39: {  	[spmem:s8@s4], [sflag:s6] =	dma.strided @p0 [hbm:s7@s5], $0x190, s0, $0x4   }
0x3a: {  	s7 =	rddreg [dreg:$0xf]  }
0x3b: {  	s8 =	rddreg [dreg:$0x19]  }
0x3c: {  	[spmem:s8@s4], [sflag:s6] =	dma.strided @p0 [hbm:s7@s5], $0x190, s0, $0x4   }
0x3d: {  	s7 =	rddreg [dreg:$0x10]  }
0x3e: {  	s8 =	rddreg [dreg:$0x1a]  }
0x3f: {  	[spmem:s8@s4], [sflag:s6] =	dma.strided @p0 [hbm:s7@s5], $0x190, s0, $0x4   }
0x40: {  	_ =	swait.ge @p0 [sflag:s0], $0x840  }
0x41: {  	[sflag:s0] =	ssyncset.done @p0 $0x0  }
0x42: {  	[sflag:s0] =	ssyncadd.s32 @p0 $0xFFFFF7C0;
	s0 =	simm.s32 @p0 $0x2  }
0x43: {  	_ =	swait.ge @p0 [sflag:s0], $0x190  }
0x44: {  	[sflag:s0] =	ssyncset.done @p0 $0x0  }
0x45: {  	[sflag:s0] =	ssyncadd.s32 @p0 $0xFFFFFE70  }
0x46: {  	_ =	swait.ge @p0 [sflag:s0], $0x190  }
0x47: {  	[sflag:s0] =	ssyncset.done @p0 $0x0  }
0x48: {  	[sflag:s0] =	ssyncadd.s32 @p0 $0xFFFFFE70  }
0x49: {  	_ =	swait.ge @p0 [sflag:s0], $0x190  }
0x4a: {  	[sflag:s0] =	ssyncset.done @p0 $0x0  }
0x4b: {  	[sflag:s0] =	ssyncadd.s32 @p0 $0xFFFFFE70  }
0x4c: {  	s4 =	stileid.u32;
	s8 =	simm.s32 @!p0 $0x4;
	_ =	swait.ge @p0 [sflag:s0], $0x190  }
0x4d: {  	s4 =	sshll.u32 @!p0 s4, $0x6;
	[sflag:s0] =	ssyncset.done @p0 $0x0;
	s5 =	rddreg [dreg:$0x6]  }
0x4e: {  	s6 =	rddreg [dreg:$0x1b];
	[sflag:s0] =	ssyncadd.s32 @p0 $0xFFFFFE70;
	s0 =	sor.u32 @!p0 $0x1C01, s4  }
0x4f: {  	[spmem:s6], [sflag:s0] =	dma.local @!p0 [hbm:s5], $0x9E0  }
0x50: {  	s7 =	simm.s32 @!p0 $0x10;
	s4 =	sor.u32 @!p0 $0x1C02, s4;
	s5 =	rddreg [dreg:$0x7]  }
0x51: {  	s6 =	simm.s32 @!p0 $0x1;
	s9 =	rddreg [dreg:$0x8];
	s5 =	sshrl.u32 @!p0 s5, $0x3  }
0x52: {  	[spmem:s5@s8], [sflag:s4] =	dma.strided @!p0 [hbm:s9@s7], $0x280, s6, $0x4   }
0x53: {  	s5 =	rddreg [dreg:$0x9]  }
0x54: {  	s9 =	rddreg [dreg:$0x1c]  }
0x55: {  	[spmem:s9@s8], [sflag:s4] =	dma.strided @!p0 [hbm:s5@s7], $0x280, s6, $0x4   }
0x56: {  	s5 =	rddreg [dreg:$0xa]  }
0x57: {  	s9 =	rddreg [dreg:$0x1d]  }
0x58: {  	[spmem:s9@s8], [sflag:s4] =	dma.strided @!p0 [hbm:s5@s7], $0x280, s6, $0x4   }
0x59: {  	s5 =	rddreg [dreg:$0xb]  }
0x5a: {  	s9 =	rddreg [dreg:$0x1e]  }
0x5b: {  	[spmem:s9@s8], [sflag:s4] =	dma.strided @!p0 [hbm:s5@s7], $0x280, s6, $0x4   }
0x5c: {  	_ =	swait.ge @!p0 [sflag:s6], $0x9E0  }
0x5d: {  	[sflag:s6] =	ssyncset.done @!p0 $0x0  }
0x5e: {  	s4 =	simm.s32 @!p0 $0x2;
	[sflag:s6] =	ssyncadd.s32 @!p0 $0xFFFFF620  }
0x5f: {  	_ =	swait.ge @!p0 [sflag:s4], $0x280  }
0x60: {  	[sflag:s4] =	ssyncset.done @!p0 $0x0  }
0x61: {  	[sflag:s4] =	ssyncadd.s32 @!p0 $0xFFFFFD80  }
0x62: {  	_ =	swait.ge @!p0 [sflag:s4], $0x280  }
0x63: {  	[sflag:s4] =	ssyncset.done @!p0 $0x0  }
0x64: {  	[sflag:s4] =	ssyncadd.s32 @!p0 $0xFFFFFD80  }
0x65: {  	_ =	swait.ge @!p0 [sflag:s4], $0x280  }
0x66: {  	[sflag:s4] =	ssyncset.done @!p0 $0x0  }
0x67: {  	[sflag:s4] =	ssyncadd.s32 @!p0 $0xFFFFFD80  }
0x68: {  	_ =	swait.ge @!p0 [sflag:s4], $0x280  }
0x69: {  	[sflag:s4] =	ssyncset.done @!p0 $0x0  }
0x6a: {  	[sflag:s4] =	ssyncadd.s32 @!p0 $0xFFFFFD80  }
0x6b: {  	_ =	swait.ge [sflag:s16], $0x2800  }
0x6c: {  	[sflag:s16] =	ssyncset.done $0x0  }
0x6d: {  	[sflag:s16] =	ssyncadd.s32 $0xFFFFD800  }
0x6e: {  	_ =	swait.ge [sflag:s17], $0x2800  }
0x6f: {  	[sflag:s17] =	ssyncset.done $0x0  }
0x70: {  	[sflag:s17] =	ssyncadd.s32 $0xFFFFD800  }
0x71: {  	s9 =	simm.s32 $0x0;
	[bflag:$0x0] =	sbarrier.arrive $0xFFFF  }
0x72: {  	[tilespmem:s21], [sflag:$0x1] =	stream.indirect.gather [spmem:s3], $0x20, s9, s20, $0xb8;
	[tilespmem:$0x16C50] =	vst v63  }
0x73: {  	s5 =	simm.s32 $0x80  }
0x74: {  	[tilespmem:s22], [sflag:$0x1] =	stream.indirect.gather [spmem:s3], $0x20, s5, s20, $0xb8;
	[tilespmem:$0x16C50] =	vst v63  }
0x75: {  	s6 =	simm.s32 $0x100  }
0x76: {  	[tilespmem:s23], [sflag:$0x1] =	stream.indirect.gather [spmem:s3], $0x20, s6, s20, $0xb8;
	[tilespmem:$0x16C50] =	vst v63  }
0x77: {  	s7 =	simm.s32 $0x180  }
0x78: {  	[tilespmem:s24], [sflag:$0x1] =	stream.indirect.gather [spmem:s3], $0x20, s7, s20, $0xb8;
	[tilespmem:$0x16C50] =	vst v63  }
0x79: {  	s8 =	simm.s32 $0x200  }
0x7a: {  	[tilespmem:s25], [sflag:$0x2] =	stream.indirect.gather [spmem:s3], $0x20, s8, s20, $0xb8;
	[tilespmem:$0x16C50] =	vst v63  }
0x7b: {  	s9 =	simm.s32 $0x280  }
0x7c: {  	[tilespmem:s26], [sflag:$0x2] =	stream.indirect.gather [spmem:s3], $0x20, s9, s20, $0xb8;
	[tilespmem:$0x16C50] =	vst v63  }
0x7d: {  	s5 =	simm.s32 $0x300  }
0x7e: {  	[tilespmem:s28], [sflag:$0x2] =	stream.indirect.gather [spmem:s3], $0x20, s5, s20, $0xb8;
	[tilespmem:$0x16C50] =	vst v63  }
0x7f: {  	s6 =	simm.s32 $0x380  }
0x80: {  	[tilespmem:s29], [sflag:$0x2] =	stream.indirect.gather [spmem:s3], $0x20, s6, s20, $0xb8;
	[tilespmem:$0x16C50] =	vst v63  }
0x81: {  	_ =	swait.ge [sflag:s30], $0x1000  }
0x82: {  	[sflag:s30] =	ssyncset.done $0x0  }
0x83: {  	[sflag:s30] =	ssyncadd.s32 $0xFFFFF000  }
0x84: {  	_ =	swait.ge [sflag:s30], $0x1000  }
0x85: {  	[sflag:s30] =	ssyncset.done $0x0  }
0x86: {  	[sflag:s30] =	ssyncadd.s32 $0xFFFFF000  }
0x87: {  	_ =	swait.ge [sflag:s30], $0x1000  }
0x88: {  	[sflag:s30] =	ssyncset.done $0x0  }
0x89: {  	[sflag:s30] =	ssyncadd.s32 $0xFFFFF000  }
0x8a: {  	_ =	swait.ge [sflag:s30], $0x1000  }
0x8b: {  	[sflag:s30] =	ssyncset.done $0x0  }
0x8c: {  	s7 =	simm.s32 $0x2800;
	[sflag:s30] =	ssyncadd.s32 $0xFFFFF000  }
0x8d: {  	[spmem:s2] =	stream.indirect.scatter.add.f32 [tilespmem:s21], [sflag:$0x3], $0x20, s7, s20, $0xb8;
	[tilespmem:$0x16C50] =	vst v63  }
0x8e: {  	s8 =	simm.s32 $0x2880  }
0x8f: {  	[spmem:s2] =	stream.indirect.scatter.add.f32 [tilespmem:s22], [sflag:$0x3], $0x20, s8, s20, $0xb8;
	[tilespmem:$0x16C50] =	vst v63  }
0x90: {  	s9 =	simm.s32 $0x2900  }
0x91: {  	[spmem:s2] =	stream.indirect.scatter.add.f32 [tilespmem:s23], [sflag:$0x3], $0x20, s9, s20, $0xb8;
	[tilespmem:$0x16C50] =	vst v63  }
0x92: {  	s5 =	simm.s32 $0x2980  }
0x93: {  	[spmem:s2] =	stream.indirect.scatter.add.f32 [tilespmem:s24], [sflag:$0x3], $0x20, s5, s20, $0xb8;
	[tilespmem:$0x16C50] =	vst v63  }
0x94: {  	_ =	swait.ge [sflag:s31], $0x1000  }
0x95: {  	[sflag:s31] =	ssyncset.done $0x0  }
0x96: {  	[sflag:s31] =	ssyncadd.s32 $0xFFFFF000  }
0x97: {  	_ =	swait.ge [sflag:s31], $0x1000  }
0x98: {  	[sflag:s31] =	ssyncset.done $0x0  }
0x99: {  	[sflag:s31] =	ssyncadd.s32 $0xFFFFF000  }
0x9a: {  	_ =	swait.ge [sflag:s31], $0x1000  }
0x9b: {  	[sflag:s31] =	ssyncset.done $0x0  }
0x9c: {  	[sflag:s31] =	ssyncadd.s32 $0xFFFFF000  }
0x9d: {  	_ =	swait.ge [sflag:s31], $0x1000  }
0x9e: {  	[sflag:s31] =	ssyncset.done $0x0  }
0x9f: {  	s6 =	simm.s32 $0x2A00;
	[sflag:s31] =	ssyncadd.s32 $0xFFFFF000  }
0xa0: {  	[spmem:s2] =	stream.indirect.scatter.add.f32 [tilespmem:s25], [sflag:$0x4], $0x20, s6, s20, $0xb8;
	[tilespmem:$0x16C50] =	vst v63  }
0xa1: {  	s7 =	simm.s32 $0x2A80  }
0xa2: {  	[spmem:s2] =	stream.indirect.scatter.add.f32 [tilespmem:s26], [sflag:$0x4], $0x20, s7, s20, $0xb8;
	[tilespmem:$0x16C50] =	vst v63  }
0xa3: {  	s8 =	simm.s32 $0x2B00  }
0xa4: {  	[spmem:s2] =	stream.indirect.scatter.add.f32 [tilespmem:s28], [sflag:$0x4], $0x20, s8, s20, $0xb8;
	[tilespmem:$0x16C50] =	vst v63  }
0xa5: {  	s9 =	simm.s32 $0x2B80  }
0xa6: {  	[spmem:s2] =	stream.indirect.scatter.add.f32 [tilespmem:s29], [sflag:$0x4], $0x20, s9, s20, $0xb8;
	[tilespmem:$0x16C50] =	vst v63  }
0xa7: {  	_ =	swait.ge [sflag:s16], $0x1000  }
0xa8: {  	[sflag:s16] =	ssyncset.done $0x0  }
0xa9: {  	[sflag:s16] =	ssyncadd.s32 $0xFFFFF000  }
0xaa: {  	_ =	swait.ge [sflag:s16], $0x1000  }
0xab: {  	[sflag:s16] =	ssyncset.done $0x0  }
0xac: {  	[sflag:s16] =	ssyncadd.s32 $0xFFFFF000  }
0xad: {  	_ =	swait.ge [sflag:s16], $0x1000  }
0xae: {  	[sflag:s16] =	ssyncset.done $0x0  }
0xaf: {  	[sflag:s16] =	ssyncadd.s32 $0xFFFFF000  }
0xb0: {  	_ =	swait.ge [sflag:s16], $0x1000  }
0xb1: {  	[sflag:s16] =	ssyncset.done $0x0  }
0xb2: {  	[sflag:s16] =	ssyncadd.s32 $0xFFFFF000  }
0xb3: {  	_ =	swait.ge [sflag:s17], $0x1000  }
0xb4: {  	[sflag:s17] =	ssyncset.done $0x0  }
0xb5: {  	[sflag:s17] =	ssyncadd.s32 $0xFFFFF000  }
0xb6: {  	_ =	swait.ge [sflag:s17], $0x1000  }
0xb7: {  	[sflag:s17] =	ssyncset.done $0x0  }
0xb8: {  	[sflag:s17] =	ssyncadd.s32 $0xFFFFF000  }
0xb9: {  	_ =	swait.ge [sflag:s17], $0x1000  }
0xba: {  	[sflag:s17] =	ssyncset.done $0x0  }
0xbb: {  	[sflag:s17] =	ssyncadd.s32 $0xFFFFF000  }
0xbc: {  	_ =	swait.ge [sflag:s17], $0x1000  }
0xbd: {  	s4 =	simm.s32 $0x1000;
	s5 =	simm.s32 $0x2000;
	[sflag:s17] =	ssyncset.done $0x0  }
.LBB2_2:
0xbe: {  	s8 =	sshra.s32 s4, $0x2  }
0xbf: {  	[sflag:s17] =	ssyncadd.s32 $0xFFFFF000;
	s4 =	smov.u32 s5;
	s6 =	sadd.s32 $0x1000, s5  }
0xc0: {  	[tilespmem:s21], [sflag:$0x1] =	stream.indirect.gather [spmem:s3], $0x20, s8, s20, $0xb8;
	[tilespmem:$0x16C50] =	vst v63  }
0xc1: {  	p1 =	sne.s32 s5, $0x9000;
	s5 =	sadd.s32 $0x80, s8  }
0xc2: {  	[tilespmem:s22], [sflag:$0x1] =	stream.indirect.gather [spmem:s3], $0x20, s5, s20, $0xb8;
	[tilespmem:$0x16C50] =	vst v63  }
0xc3: {  	s5 =	sadd.s32 $0x100, s8  }
0xc4: {  	[tilespmem:s23], [sflag:$0x1] =	stream.indirect.gather [spmem:s3], $0x20, s5, s20, $0xb8;
	[tilespmem:$0x16C50] =	vst v63  }
0xc5: {  	s5 =	sadd.s32 $0x180, s8  }
0xc6: {  	[tilespmem:s24], [sflag:$0x1] =	stream.indirect.gather [spmem:s3], $0x20, s5, s20, $0xb8;
	[tilespmem:$0x16C50] =	vst v63  }
0xc7: {  	s5 =	sadd.s32 $0x200, s8  }
0xc8: {  	[tilespmem:s25], [sflag:$0x2] =	stream.indirect.gather [spmem:s3], $0x20, s5, s20, $0xb8;
	[tilespmem:$0x16C50] =	vst v63  }
0xc9: {  	s5 =	sadd.s32 $0x280, s8  }
0xca: {  	[tilespmem:s26], [sflag:$0x2] =	stream.indirect.gather [spmem:s3], $0x20, s5, s20, $0xb8;
	[tilespmem:$0x16C50] =	vst v63  }
0xcb: {  	s5 =	sadd.s32 $0x300, s8  }
0xcc: {  	[tilespmem:s28], [sflag:$0x2] =	stream.indirect.gather [spmem:s3], $0x20, s5, s20, $0xb8;
	[tilespmem:$0x16C50] =	vst v63  }
0xcd: {  	s5 =	sadd.s32 $0x380, s8  }
0xce: {  	[tilespmem:s29], [sflag:$0x2] =	stream.indirect.gather [spmem:s3], $0x20, s5, s20, $0xb8;
	[tilespmem:$0x16C50] =	vst v63  }
0xcf: {  	_ =	swait.ge [sflag:s30], $0x1000  }
0xd0: {  	[sflag:s30] =	ssyncset.done $0x0  }
0xd1: {  	[sflag:s30] =	ssyncadd.s32 $0xFFFFF000  }
0xd2: {  	_ =	swait.ge [sflag:s30], $0x1000  }
0xd3: {  	[sflag:s30] =	ssyncset.done $0x0  }
0xd4: {  	[sflag:s30] =	ssyncadd.s32 $0xFFFFF000  }
0xd5: {  	_ =	swait.ge [sflag:s30], $0x1000  }
0xd6: {  	[sflag:s30] =	ssyncset.done $0x0  }
0xd7: {  	[sflag:s30] =	ssyncadd.s32 $0xFFFFF000  }
0xd8: {  	_ =	swait.ge [sflag:s30], $0x1000  }
0xd9: {  	[sflag:s30] =	ssyncset.done $0x0  }
0xda: {  	s5 =	sadd.s32 $0x2800, s8;
	[sflag:s30] =	ssyncadd.s32 $0xFFFFF000  }
0xdb: {  	[spmem:s2] =	stream.indirect.scatter.add.f32 [tilespmem:s21], [sflag:$0x3], $0x20, s5, s20, $0xb8;
	[tilespmem:$0x16C50] =	vst v63  }
0xdc: {  	s5 =	sadd.s32 $0x2880, s8  }
0xdd: {  	[spmem:s2] =	stream.indirect.scatter.add.f32 [tilespmem:s22], [sflag:$0x3], $0x20, s5, s20, $0xb8;
	[tilespmem:$0x16C50] =	vst v63  }
0xde: {  	s5 =	sadd.s32 $0x2900, s8  }
0xdf: {  	[spmem:s2] =	stream.indirect.scatter.add.f32 [tilespmem:s23], [sflag:$0x3], $0x20, s5, s20, $0xb8;
	[tilespmem:$0x16C50] =	vst v63  }
0xe0: {  	s5 =	sadd.s32 $0x2980, s8  }
0xe1: {  	[spmem:s2] =	stream.indirect.scatter.add.f32 [tilespmem:s24], [sflag:$0x3], $0x20, s5, s20, $0xb8;
	[tilespmem:$0x16C50] =	vst v63  }
0xe2: {  	_ =	swait.ge [sflag:s31], $0x1000  }
0xe3: {  	[sflag:s31] =	ssyncset.done $0x0  }
0xe4: {  	[sflag:s31] =	ssyncadd.s32 $0xFFFFF000  }
0xe5: {  	_ =	swait.ge [sflag:s31], $0x1000  }
0xe6: {  	[sflag:s31] =	ssyncset.done $0x0  }
0xe7: {  	[sflag:s31] =	ssyncadd.s32 $0xFFFFF000  }
0xe8: {  	_ =	swait.ge [sflag:s31], $0x1000  }
0xe9: {  	[sflag:s31] =	ssyncset.done $0x0  }
0xea: {  	[sflag:s31] =	ssyncadd.s32 $0xFFFFF000  }
0xeb: {  	_ =	swait.ge [sflag:s31], $0x1000  }
0xec: {  	[sflag:s31] =	ssyncset.done $0x0  }
0xed: {  	s5 =	sadd.s32 $0x2A00, s8;
	[sflag:s31] =	ssyncadd.s32 $0xFFFFF000  }
0xee: {  	[spmem:s2] =	stream.indirect.scatter.add.f32 [tilespmem:s25], [sflag:$0x4], $0x20, s5, s20, $0xb8;
	[tilespmem:$0x16C50] =	vst v63  }
0xef: {  	s5 =	sadd.s32 $0x2A80, s8  }
0xf0: {  	[spmem:s2] =	stream.indirect.scatter.add.f32 [tilespmem:s26], [sflag:$0x4], $0x20, s5, s20, $0xb8;
	[tilespmem:$0x16C50] =	vst v63  }
0xf1: {  	s5 =	sadd.s32 $0x2B00, s8  }
0xf2: {  	[spmem:s2] =	stream.indirect.scatter.add.f32 [tilespmem:s28], [sflag:$0x4], $0x20, s5, s20, $0xb8;
	[tilespmem:$0x16C50] =	vst v63  }
0xf3: {  	s5 =	sadd.s32 $0x2B80, s8  }
0xf4: {  	[spmem:s2] =	stream.indirect.scatter.add.f32 [tilespmem:s29], [sflag:$0x4], $0x20, s5, s20, $0xb8;
	[tilespmem:$0x16C50] =	vst v63  }
0xf5: {  	_ =	swait.ge [sflag:s16], $0x1000  }
0xf6: {  	[sflag:s16] =	ssyncset.done $0x0  }
0xf7: {  	[sflag:s16] =	ssyncadd.s32 $0xFFFFF000  }
0xf8: {  	_ =	swait.ge [sflag:s16], $0x1000  }
0xf9: {  	[sflag:s16] =	ssyncset.done $0x0  }
0xfa: {  	[sflag:s16] =	ssyncadd.s32 $0xFFFFF000  }
0xfb: {  	_ =	swait.ge [sflag:s16], $0x1000  }
0xfc: {  	[sflag:s16] =	ssyncset.done $0x0  }
0xfd: {  	[sflag:s16] =	ssyncadd.s32 $0xFFFFF000  }
0xfe: {  	_ =	swait.ge [sflag:s16], $0x1000  }
0xff: {  	[sflag:s16] =	ssyncset.done $0x0  }
0x100: {  	[sflag:s16] =	ssyncadd.s32 $0xFFFFF000  }
0x101: {  	_ =	swait.ge [sflag:s17], $0x1000  }
0x102: {  	[sflag:s17] =	ssyncset.done $0x0  }
0x103: {  	[sflag:s17] =	ssyncadd.s32 $0xFFFFF000  }
0x104: {  	_ =	swait.ge [sflag:s17], $0x1000  }
0x105: {  	[sflag:s17] =	ssyncset.done $0x0  }
0x106: {  	[sflag:s17] =	ssyncadd.s32 $0xFFFFF000  }
.Ltmp0:
0x107: {  	_ =	swait.ge [sflag:s17], $0x1000;
	(pc) =	sbr.rel @p1 .LBB2_2-.Ltmp0, $4  }
0x108: {  	[sflag:s17] =	ssyncset.done $0x0  }
0x109: {  	[sflag:s17] =	ssyncadd.s32 $0xFFFFF000  }
0x10a: {  	_ =	swait.ge [sflag:s17], $0x1000  }
0x10b: {  	s5 =	smov.u32 s6;
	[sflag:s17] =	ssyncset.done $0x0  }
0x10c: {  	s4 =	sshra.s32 s4, $0x2;
	[sflag:s17] =	ssyncadd.s32 $0xFFFFF000  }
0x10d: {  	[tilespmem:s21], [sflag:$0x1] =	stream.indirect.gather [spmem:s3], $0x20, s4, s20, $0xb8;
	[tilespmem:$0x16C50] =	vst v63  }
0x10e: {  	s5 =	sadd.s32 $0x80, s4  }
0x10f: {  	[tilespmem:s22], [sflag:$0x1] =	stream.indirect.gather [spmem:s3], $0x20, s5, s20, $0xb8;
	[tilespmem:$0x16C50] =	vst v63  }
0x110: {  	s8 =	sadd.s32 $0x100, s4  }
0x111: {  	[tilespmem:s23], [sflag:$0x1] =	stream.indirect.gather [spmem:s3], $0x20, s8, s20, $0xb8;
	[tilespmem:$0x16C50] =	vst v63  }
0x112: {  	s9 =	sadd.s32 $0x180, s4  }
0x113: {  	[tilespmem:s24], [sflag:$0x1] =	stream.indirect.gather [spmem:s3], $0x20, s9, s20, $0xb8;
	[tilespmem:$0x16C50] =	vst v63  }
0x114: {  	s6 =	sadd.s32 $0x200, s4  }
0x115: {  	[tilespmem:s25], [sflag:$0x2] =	stream.indirect.gather [spmem:s3], $0x20, s6, s20, $0xb8;
	[tilespmem:$0x16C50] =	vst v63  }
0x116: {  	s7 =	sadd.s32 $0x280, s4  }
0x117: {  	[tilespmem:s26], [sflag:$0x2] =	stream.indirect.gather [spmem:s3], $0x20, s7, s20, $0xb8;
	[tilespmem:$0x16C50] =	vst v63  }
0x118: {  	s8 =	sadd.s32 $0x300, s4  }
0x119: {  	[tilespmem:s28], [sflag:$0x2] =	stream.indirect.gather [spmem:s3], $0x20, s8, s20, $0xb8;
	[tilespmem:$0x16C50] =	vst v63  }
0x11a: {  	s9 =	sadd.s32 $0x380, s4  }
0x11b: {  	[tilespmem:s29], [sflag:$0x2] =	stream.indirect.gather [spmem:s3], $0x20, s9, s20, $0xb8;
	[tilespmem:$0x16C50] =	vst v63  }
0x11c: {  	_ =	swait.ge [sflag:s30], $0x1000  }
0x11d: {  	[sflag:s30] =	ssyncset.done $0x0  }
0x11e: {  	[sflag:s30] =	ssyncadd.s32 $0xFFFFF000  }
0x11f: {  	_ =	swait.ge [sflag:s30], $0x1000  }
0x120: {  	[sflag:s30] =	ssyncset.done $0x0  }
0x121: {  	[sflag:s30] =	ssyncadd.s32 $0xFFFFF000  }
0x122: {  	_ =	swait.ge [sflag:s30], $0x1000  }
0x123: {  	[sflag:s30] =	ssyncset.done $0x0  }
0x124: {  	[sflag:s30] =	ssyncadd.s32 $0xFFFFF000  }
0x125: {  	_ =	swait.ge [sflag:s30], $0x1000  }
0x126: {  	[sflag:s30] =	ssyncset.done $0x0  }
0x127: {  	s6 =	sadd.s32 $0x2800, s4;
	[sflag:s30] =	ssyncadd.s32 $0xFFFFF000  }
0x128: {  	[spmem:s2] =	stream.indirect.scatter.add.f32 [tilespmem:s21], [sflag:$0x3], $0x20, s6, s20, $0xb8;
	[tilespmem:$0x16C50] =	vst v63  }
0x129: {  	s7 =	sadd.s32 $0x2880, s4  }
0x12a: {  	[spmem:s2] =	stream.indirect.scatter.add.f32 [tilespmem:s22], [sflag:$0x3], $0x20, s7, s20, $0xb8;
	[tilespmem:$0x16C50] =	vst v63  }
0x12b: {  	s8 =	sadd.s32 $0x2900, s4  }
0x12c: {  	[spmem:s2] =	stream.indirect.scatter.add.f32 [tilespmem:s23], [sflag:$0x3], $0x20, s8, s20, $0xb8;
	[tilespmem:$0x16C50] =	vst v63  }
0x12d: {  	s9 =	sadd.s32 $0x2980, s4  }
0x12e: {  	[spmem:s2] =	stream.indirect.scatter.add.f32 [tilespmem:s24], [sflag:$0x3], $0x20, s9, s20, $0xb8;
	[tilespmem:$0x16C50] =	vst v63  }
0x12f: {  	_ =	swait.ge [sflag:s31], $0x1000  }
0x130: {  	[sflag:s31] =	ssyncset.done $0x0  }
0x131: {  	[sflag:s31] =	ssyncadd.s32 $0xFFFFF000  }
0x132: {  	_ =	swait.ge [sflag:s31], $0x1000  }
0x133: {  	[sflag:s31] =	ssyncset.done $0x0  }
0x134: {  	[sflag:s31] =	ssyncadd.s32 $0xFFFFF000  }
0x135: {  	_ =	swait.ge [sflag:s31], $0x1000  }
0x136: {  	[sflag:s31] =	ssyncset.done $0x0  }
0x137: {  	[sflag:s31] =	ssyncadd.s32 $0xFFFFF000  }
0x138: {  	_ =	swait.ge [sflag:s31], $0x1000  }
0x139: {  	[sflag:s31] =	ssyncset.done $0x0  }
0x13a: {  	s6 =	sadd.s32 $0x2A00, s4;
	[sflag:s31] =	ssyncadd.s32 $0xFFFFF000  }
0x13b: {  	[spmem:s2] =	stream.indirect.scatter.add.f32 [tilespmem:s25], [sflag:$0x4], $0x20, s6, s20, $0xb8;
	[tilespmem:$0x16C50] =	vst v63  }
0x13c: {  	s7 =	sadd.s32 $0x2A80, s4  }
0x13d: {  	[spmem:s2] =	stream.indirect.scatter.add.f32 [tilespmem:s26], [sflag:$0x4], $0x20, s7, s20, $0xb8;
	[tilespmem:$0x16C50] =	vst v63  }
0x13e: {  	s8 =	sadd.s32 $0x2B00, s4  }
0x13f: {  	[spmem:s2] =	stream.indirect.scatter.add.f32 [tilespmem:s28], [sflag:$0x4], $0x20, s8, s20, $0xb8;
	[tilespmem:$0x16C50] =	vst v63  }
0x140: {  	s4 =	sadd.s32 $0x2B80, s4  }
0x141: {  	[spmem:s2] =	stream.indirect.scatter.add.f32 [tilespmem:s29], [sflag:$0x4], $0x20, s4, s20, $0xb8;
	[tilespmem:$0x16C50] =	vst v63  }
0x142: {  	_ =	swait.ge [sflag:s16], $0x1000  }
0x143: {  	[sflag:s16] =	ssyncset.done $0x0  }
0x144: {  	[sflag:s16] =	ssyncadd.s32 $0xFFFFF000  }
0x145: {  	_ =	swait.ge [sflag:s16], $0x1000  }
0x146: {  	[sflag:s16] =	ssyncset.done $0x0  }
0x147: {  	[sflag:s16] =	ssyncadd.s32 $0xFFFFF000  }
0x148: {  	_ =	swait.ge [sflag:s16], $0x1000  }
0x149: {  	[sflag:s16] =	ssyncset.done $0x0  }
0x14a: {  	[sflag:s16] =	ssyncadd.s32 $0xFFFFF000  }
0x14b: {  	_ =	swait.ge [sflag:s16], $0x1000  }
0x14c: {  	[sflag:s16] =	ssyncset.done $0x0  }
0x14d: {  	[sflag:s16] =	ssyncadd.s32 $0xFFFFF000  }
0x14e: {  	_ =	swait.ge [sflag:s17], $0x1000  }
0x14f: {  	[sflag:s17] =	ssyncset.done $0x0  }
0x150: {  	[sflag:s17] =	ssyncadd.s32 $0xFFFFF000  }
0x151: {  	_ =	swait.ge [sflag:s17], $0x1000  }
0x152: {  	[sflag:s17] =	ssyncset.done $0x0  }
0x153: {  	[sflag:s17] =	ssyncadd.s32 $0xFFFFF000  }
0x154: {  	_ =	swait.ge [sflag:s17], $0x1000  }
0x155: {  	[sflag:s17] =	ssyncset.done $0x0  }
0x156: {  	[sflag:s17] =	ssyncadd.s32 $0xFFFFF000  }
0x157: {  	_ =	swait.ge [sflag:s17], $0x1000  }
0x158: {  	[sflag:s17] =	ssyncset.done $0x0  }
0x159: {  	[sflag:s17] =	ssyncadd.s32 $0xFFFFF000  }
0x15a: {  	[bflag:$0x0] =	sbarrier.arrive $0xFFFF  }
0x15b: {  	s5 =	simm.s32 @p0 $0x10;
	s6 =	simm.s32 @p0 $0x4;
	s8 =	rddreg [dreg:$0x11]  }
0x15c: {  	s7 =	simm.s32 @p0 $0x1FC1;
	s4 =	simm.s32 @p0 $0x1;
	s9 =	rddreg [dreg:$0x1f]  }
0x15d: {  	[hbm:s8@s5], [sflag:s7] =	dma.strided @p0 [spmem:s9@s6], $0x190, s4, $0x4   }
0x15e: {  	s9 =	sld [smem:$0x7FB];
	_ =	sdelay $0x1  }
0x15f: {  	s8 =	rddreg [dreg:$0x12]  }
0x160: {  	[hbm:s8@s5], [sflag:s7] =	dma.strided @p0 [spmem:s9@s6], $0x190, s4, $0x4   }
0x161: {  	s9 =	sld [smem:$0x7FC];
	_ =	sdelay $0x1  }
0x162: {  	s8 =	rddreg [dreg:$0x13]  }
0x163: {  	[hbm:s8@s5], [sflag:s7] =	dma.strided @p0 [spmem:s9@s6], $0x190, s4, $0x4   }
0x164: {  	s9 =	sld [smem:$0x7FD];
	_ =	sdelay $0x1  }
0x165: {  	s8 =	rddreg [dreg:$0x14]  }
0x166: {  	[hbm:s8@s5], [sflag:s7] =	dma.strided @p0 [spmem:s9@s6], $0x190, s4, $0x4   }
0x167: {  	_ =	swait.ge @p0 [sflag:s4], $0x190  }
0x168: {  	[sflag:s4] =	ssyncset.done @p0 $0x0  }
0x169: {  	[sflag:s4] =	ssyncadd.s32 @p0 $0xFFFFFE70  }
0x16a: {  	_ =	swait.ge @p0 [sflag:s4], $0x190  }
0x16b: {  	[sflag:s4] =	ssyncset.done @p0 $0x0  }
0x16c: {  	[sflag:s4] =	ssyncadd.s32 @p0 $0xFFFFFE70  }
0x16d: {  	_ =	swait.ge @p0 [sflag:s4], $0x190  }
0x16e: {  	[sflag:s4] =	ssyncset.done @p0 $0x0  }
0x16f: {  	[sflag:s4] =	ssyncadd.s32 @p0 $0xFFFFFE70  }
0x170: {  	_ =	swait.ge @p0 [sflag:s4], $0x190  }
0x171: {  	s5 =	simm.s32 @!p0 $0x1;
	s6 =	simm.s32 @!p0 $0x10;
	[sflag:s4] =	ssyncset.done @p0 $0x0  }
0x172: {  	s7 =	simm.s32 @!p0 $0x4;
	[sflag:s4] =	ssyncadd.s32 @p0 $0xFFFFFE70;
	s4 =	sshrl.u32 @!p0 s19, $0x3  }
0x173: {  	[hbm:s18@s6], [sflag:s0] =	dma.strided @!p0 [spmem:s4@s7], $0x280, s5, $0x4   }
0x174: {  	[hbm:s13@s6], [sflag:s0] =	dma.strided @!p0 [spmem:s10@s7], $0x280, s5, $0x4   }
0x175: {  	[hbm:s14@s6], [sflag:s0] =	dma.strided @!p0 [spmem:s11@s7], $0x280, s5, $0x4   }
0x176: {  	[hbm:s15@s6], [sflag:s0] =	dma.strided @!p0 [spmem:s12@s7], $0x280, s5, $0x4   }
0x177: {  	_ =	swait.ge @!p0 [sflag:s5], $0x280  }
0x178: {  	[sflag:s5] =	ssyncset.done @!p0 $0x0  }
0x179: {  	[sflag:s5] =	ssyncadd.s32 @!p0 $0xFFFFFD80  }
0x17a: {  	_ =	swait.ge @!p0 [sflag:s5], $0x280  }
0x17b: {  	[sflag:s5] =	ssyncset.done @!p0 $0x0  }
0x17c: {  	[sflag:s5] =	ssyncadd.s32 @!p0 $0xFFFFFD80  }
0x17d: {  	_ =	swait.ge @!p0 [sflag:s5], $0x280  }
0x17e: {  	[sflag:s5] =	ssyncset.done @!p0 $0x0  }
0x17f: {  	[sflag:s5] =	ssyncadd.s32 @!p0 $0xFFFFFD80  }
0x180: {  	_ =	swait.ge @!p0 [sflag:s5], $0x280  }
0x181: {  	s1 =	sadd.s32 $0x1, s1;
	s9 =	rddreg [dreg:$0x15]  }
0x182: {  	p1 =	sne.s32 s1, s9  }
.Ltmp1:
0x183: {  	_ = 	snop;
	(pc) =	sbr.rel @p1 .LBB2_1-.Ltmp1, $3  }
0x184: {  	_ =	sdelay $0x1  }
0x185: {  	[sflag:s5] =	ssyncset.done @!p0 $0x0  }
0x186: {  	[sflag:s5] =	ssyncadd.s32 @!p0 $0xFFFFFD80  }
0x187: {  	_ =	sfence.sel $0x180000  }
0x188: {  	[bflag:$0x0] =	sbarrier.arrive $0xFFFF  }
0x189: {  	_ =	strace $0x9000004D  }
0x18a: {  	s0 =	stileid.u32;
	[bflag:$0x2] =	sbarrier.arrive $0xFFFF  }
0x18b: {  	p0 =	sne.s32 s0, $0x0;
	s0 =	rddreg [dreg:$0x3]  }
0x18c: {  	s0 =	sadd.s32 @!p0 $0x100000, s0  }
0x18d: {  	[sflag:s0] =	ssyncadd.tile.s32 @!p0 $0x1;
	_ =	shalt  }
.Lfunc_end2:
_tile_overlayer_lowered:
.L_overlay_start_2:
0x18e: {  	(tag) =	ssettag $0x2  }
0x18f: {  	s0 =	rddreg [dreg:$0x0];
	s2 =	stileid.u32  }
0x190: {  	s1 =	rddreg [dreg:$0x1];
	p0 =	sne.s32 s2, $0x0  }
0x191: {  	s3 =	rddreg [dreg:$0x2];
	[bflag:$0x3] =	sbarrier.arrive $0xFFFF;
	s2 =	simm.s32 @!p0 $0x1C05  }
0x192: {  	[timem:s3], [sflag:s2] =	dma.local @!p0 [hbm:s0], s1  }
0x193: {  	s0 =	simm.s32 @!p0 $0x5  }
0x194: {  	_ =	swait.ge @!p0 [sflag:s0], s1  }
0x195: {  	s1 =	ssub.s32 @!p0 $0x0, s1;
	[sflag:s0] =	ssyncset.done @!p0 $0x0  }
0x196: {  	[sflag:s0] =	ssyncadd.s32 @!p0 s1  }
0x197: {  	[bflag:$0x3] =	sbarrier.arrive $0xFFFF  }
0x198: {  	_ =	shalt  }

// kernel: kernel.9.cloned.1.call-start
scs
__scs_entry_jumppad:
0x0: {  	(pc) =	sbr.rel $0x88, $3  }
0x1: {  	(tag) =	ssettag $0x0;
	lr =	simm.s32 $0x1  }
0x2: {  	[smem:$0x3F88] =	sst lr;
	_ =	strace $0xD0000000  }
0x3: {  	_ = 	snop  }
0x4: {  	_ = 	snop  }
0x5: {  	_ = 	snop  }
0x6: {  	_ = 	snop  }
0x7: {  	_ = 	snop  }
__scs_overlays_trampoline_lowered:
0x8: {  	[smem:$0x3F97] =	sst s0  }
0x9: {  	[smem:$0x3F98] =	sst s1  }
0xa: {  	[smem:$0x3F99] =	sst s2  }
0xb: {  	[smem:$0x3F9A] =	sst s3  }
0xc: {  	[smem:$0x3F9B] =	sst s4  }
0xd: {  	[smem:$0x3F9C] =	sst s5  }
0xe: {  	[smem:$0x3F9D] =	sst s6  }
0xf: {  	[smem:$0x3F9E] =	sst s7  }
0x10: {  	[smem:$0x3F9F] =	sst s8  }
0x11: {  	[smem:$0x3FA0] =	sst s9;
	s0 =	simm.s32 @!p0 $0x0  }
0x12: {  	s1 =	sld [smem:$0x3F86];
	s0 =	simm.s32 @p0 $0x1  }
0x13: {  	[smem:$0x3FA1] =	sst s0;
	s0 =	simm.s32 @!p1 $0x0  }
0x14: {  	s2 =	sld [smem:$0x3F85];
	s0 =	simm.s32 @p1 $0x1  }
0x15: {  	[smem:$0x3FA2] =	sst s0;
	s0 =	simm.s32 @!p2 $0x0  }
0x16: {  	s3 =	sld [smem:$0x3FDB];
	s0 =	simm.s32 @p2 $0x1  }
0x17: {  	s4 =	simm.s32 $0x1BF5;
	[smem:$0x3FA4] =	sst s0  }
0x18: {  	s0 =	sld [smem:$0x3F87];
	_ =	swait.ge [sflag:s4], $0x0  }
0x19: {  	s7 =	sld [smem:$0x3F88]  }
0x1a: {  	s8 =	sadd.s32 $0xFFFFE003, lr  }
0x1b: {  	s9 =	sadd.s32 $0xFFFFFEF7, lr;
	s5 =	simm.s32 $0xFFFFFFFF;
	p2 =	slt.u32 s8, $0xFFFFF086  }
0x1c: {  	p1 =	slt.u32 s9, $0xF7A;
	s5 =	simm.s32 @!p2 $0x0  }
0x1d: {  	s5 =	simm.s32 @p1 $0x1;
	p0 =	seq.s32 s7, s2  }
0x1e: {  	s7 =	smul.u32 @!p0 $0xF7A, s2;
	p2 =	seq.s32 @!p0 s5, $0x0  }
0x1f: {  	s9 =	smul.u32 $0xF7A, s1;
	s8 =	simm.s32 @!p0 $0x1BF5;
	p2 =	por !p2, p0  }
0x20: {  	[sflag:s8] =	ssyncset.s32 @!p0 $0xFFFFF086;
	s6 =	sadd.s32 @!p0 s3, s7;
	s7 =	simm.s32 @!p0 $0x108  }
0x21: {  	s3 =	sadd.s32 s3, s9;
	s6 =	sadd.s32 @!p0 $0x88, s6;
	s7 =	simm.s32 @p2 $0x1082  }
0x22: {  	[simem:s7], [sflag:s8] =	dma.local @!p0 [hbm:s6], $0xF7A  }
0x23: {  	s9 =	sor.u32 $0xD0000000, s2;
	s6 =	simm.s32 $0x108;
	_ =	swait.ge @!p0 [sflag:s8], $0x0  }
0x24: {  	s3 =	sadd.s32 $0x88, s3;
	s6 =	simm.s32 @!p1 $0x1082;
	[sflag:s4] =	ssyncset.s32 $0xFFFFF086  }
0x25: {  	[simem:s6], [sflag:s4] =	dma.local [hbm:s3], $0xF7A  }
0x26: {  	[smem:$0x3F88] =	sst s1;
	(tag) =	ssettag s2;
	_ =	strace s9  }
0x27: {  	s1 =	sld [smem:$0x3F98]  }
0x28: {  	s2 =	sld [smem:$0x3F99]  }
0x29: {  	s4 =	sld [smem:$0x3F9B]  }
0x2a: {  	p0 =	seq.s32 s5, $0x0;
	s5 =	sld [smem:$0x3F9C]  }
0x2b: {  	s6 =	sld [smem:$0x3F9D]  }
0x2c: {  	s7 =	sld [smem:$0x3F9E]  }
0x2d: {  	s3 =	simm.s32 $0x108;
	s8 =	sld [smem:$0x3F9F]  }
0x2e: {  	s3 =	simm.s32 @!p0 $0x1082;
	s9 =	sld [smem:$0x3FA0]  }
0x2f: {  	lr =	sadd.s32 s0, s3;
	s0 =	sld [smem:$0x3F97]  }
0x30: {  	s3 =	sld [smem:$0x3F9A]  }
0x31: {  	[smem:$0x3FA3] =	sst s10  }
0x32: {  	s10 =	sld [smem:$0x3FA1];
	_ =	sdelay $0x3  }
0x33: {  	p0 =	seq.s32 s10, $0x1;
	s10 =	sld [smem:$0x3FA3];
	_ =	sdelay $0x3  }
0x34: {  	[smem:$0x3FA3] =	sst s10  }
0x35: {  	s10 =	sld [smem:$0x3FA2];
	_ =	sdelay $0x3  }
0x36: {  	p1 =	seq.s32 s10, $0x1;
	s10 =	sld [smem:$0x3FA3];
	_ =	sdelay $0x3  }
0x37: {  	[smem:$0x3FA3] =	sst s10  }
0x38: {  	s10 =	sld [smem:$0x3FA4]  }
0x39: {  	_ = 	snop;
	(pc) =	sbr.ind lr, $3  }
0x3a: {  	_ = 	snop  }
0x3b: {  	_ = 	snop  }
0x3c: {  	p2 =	seq.s32 s10, $0x1;
	s10 =	sld [smem:$0x3FA3]  }
0x3d: {  	_ =	shalt  }
0x3e: {  	_ =	shalt  }
0x3f: {  	_ =	shalt  }
0x40: {  	_ =	shalt  }
0x41: {  	_ =	shalt  }
0x42: {  	_ =	shalt  }
0x43: {  	_ =	shalt  }
0x44: {  	_ =	shalt  }
0x45: {  	_ =	shalt  }
0x46: {  	_ =	shalt  }
0x47: {  	_ =	shalt  }
0x48: {  	_ =	shalt  }
0x49: {  	_ =	shalt  }
0x4a: {  	_ =	shalt  }
0x4b: {  	_ =	shalt  }
0x4c: {  	_ =	shalt  }
0x4d: {  	_ =	shalt  }
0x4e: {  	_ =	shalt  }
0x4f: {  	_ =	shalt  }
0x50: {  	_ =	shalt  }
0x51: {  	_ =	shalt  }
0x52: {  	_ =	shalt  }
0x53: {  	_ =	shalt  }
0x54: {  	_ =	shalt  }
0x55: {  	_ =	shalt  }
0x56: {  	_ =	shalt  }
0x57: {  	_ =	shalt  }
0x58: {  	_ =	shalt  }
0x59: {  	_ =	shalt  }
0x5a: {  	_ =	shalt  }
0x5b: {  	_ =	shalt  }
0x5c: {  	_ =	shalt  }
0x5d: {  	_ =	shalt  }
0x5e: {  	_ =	shalt  }
0x5f: {  	_ =	shalt  }
0x60: {  	_ =	shalt  }
0x61: {  	_ =	shalt  }
0x62: {  	_ =	shalt  }
0x63: {  	_ =	shalt  }
0x64: {  	_ =	shalt  }
0x65: {  	_ =	shalt  }
0x66: {  	_ =	shalt  }
0x67: {  	_ =	shalt  }
0x68: {  	_ =	shalt  }
0x69: {  	_ =	shalt  }
0x6a: {  	_ =	shalt  }
0x6b: {  	_ =	shalt  }
0x6c: {  	_ =	shalt  }
0x6d: {  	_ =	shalt  }
0x6e: {  	_ =	shalt  }
0x6f: {  	_ =	shalt  }
0x70: {  	_ =	shalt  }
0x71: {  	_ =	shalt  }
0x72: {  	_ =	shalt  }
0x73: {  	_ =	shalt  }
0x74: {  	_ =	shalt  }
0x75: {  	_ =	shalt  }
0x76: {  	_ =	shalt  }
0x77: {  	_ =	shalt  }
0x78: {  	_ =	shalt  }
0x79: {  	_ =	shalt  }
0x7a: {  	_ =	shalt  }
0x7b: {  	_ =	shalt  }
0x7c: {  	_ =	shalt  }
0x7d: {  	_ =	shalt  }
0x7e: {  	_ =	shalt  }
0x7f: {  	_ =	shalt  }
0x80: {  	_ =	shalt  }
0x81: {  	_ =	shalt  }
0x82: {  	_ =	shalt  }
0x83: {  	_ =	shalt  }
0x84: {  	_ =	shalt  }
0x85: {  	_ =	shalt  }
0x86: {  	_ =	shalt  }
0x87: {  	_ =	shalt  }
.Lfunc_end0:
.L_simem_size_0:
called_computation_lowered:
.L_overlay_start_0:
0x88: {  	s2 =	sld [smem:$0x3FD9]  }
0x89: {  	s3 =	sld [smem:$0x3FFE];
	_ =	sdelay $0x1  }
0x8a: {  	s1 =	srdreg.scid  }
0x8b: {  	s0 =	sand.u32 $0x1, s1  }
0x8c: {  	s16 =	sshll.u32 s0, $0xA;
	s2 =	sadd.s32 s3, s2  }
0x8d: {  	s2 =	sadd.s32 s2, s16  }
0x8e: {  	[smem:$0x3FAF] =	sst s2  }
0x8f: {  	_ = 	snop  }
0x90: {  	(tm) =	ssettm $0x1  }
0x91: {  	s17 =	sld [smem:$0x3FFB];
	_ =	sdelay $0x3  }
0x92: {  	_ =	strace s17  }
0x93: {  	s2 =	sld [smem:$0x3FFC];
	_ =	sdelay $0x3  }
0x94: {  	_ =	strace s2  }
0x95: {  	s2 =	sld [smem:$0x3FFD];
	_ =	sdelay $0x3  }
0x96: {  	_ =	strace s2  }
0x97: {  	_ =	strace $0x8FFFFFFF  }
0x98: {  	s18 =	sld [smem:$0x3FDB];
	_ =	sdelay $0x1  }
0x99: {  	s19 =	simm.s32 $_scs_section_size  }
0x9a: {  	s4 =	simm.s32 $_size__tile_overlayer_lowered;
	s5 =	simm.s32 $_tile_overlayer_lowered  }
0x9b: {  	s22 =	simm.s32 $0x1BFF;
	s21 =	sshll.u32 s5, $0x1;
	s2 =	sadd.s32 s19, s18  }
0x9c: {  	s6 =	simm.s32 $0x0;
	s20 =	sshll.u32 s4, $0x1;
	s4 =	sadd.s32 s21, s2  }
0x9d: {  	[timem:s6], [sflag:s22] =	dma.local [hbm:s4], s20  }
0x9e: {  	_ =	swait.ge [sflag:s22], s20  }
0x9f: {  	s3 =	ssub.s32 $0x0, s20;
	[sflag:s22] =	ssyncset.done $0x0  }
0xa0: {  	[sflag:s22] =	ssyncadd.s32 s3;
	_ =	sdelay $0x1  }
0xa1: {  	s23 =	simm.s32 $0x1B8B  }
0xa2: {  	_ =	swait.ge [sflag:s23], $0x1  }
0xa3: {  	[sflag:s23] =	ssyncset.done $0x0  }
0xa4: {  	s25 =	simm.s32 $0x1B8E;
	s24 =	sld [smem:$0x3FFE];
	[sflag:s23] =	ssyncadd.s32 $0xFFFFFFFF  }
0xa5: {  	s26 =	simm.s32 $execute0_lowered;
	[smem:$0x3FD2] =	sst s25  }
0xa6: {  	s4 =	sshll.u32 s26, $0x1;
	_ =	strace $0x80000046;
	[dreg:$0x1] =	wrdreg $0xFFFFFFFF  }
0xa7: {  	s28 =	simm.s32 $_size_execute0_lowered;
	s2 =	sadd.s32 s2, s4;
	[dreg:$0x0] =	wrdreg $0x0  }
0xa8: {  	s4 =	sshll.u32 s28, $0x1;
	[dreg:$0x2] =	wrdreg s2  }
0xa9: {  	[dreg:$0x3] =	wrdreg s4  }
0xaa: {  	[dreg:$0x4] =	wrdreg $0xC0  }
0xab: {  	_ =	task [dreg:s6], $0x5FFFF  }
0xac: {  	[dreg:$0x1] =	wrdreg $0xFFFFFFFF  }
0xad: {  	[dreg:$0x0] =	wrdreg $0x60  }
0xae: {  	[dreg:$0x2] =	wrdreg s24  }
0xaf: {  	[dreg:$0x3] =	wrdreg $0x11E200  }
0xb0: {  	[dreg:$0x4] =	wrdreg $0xD0000  }
0xb1: {  	[dreg:$0x5] =	wrdreg $0x9  }
0xb2: {  	_ =	task.clear_ibuf [dreg:s6], $0x6FFFF;
	_ =	strace $0x90000046  }
0xb3: {  	s29 =	simm.s32 $0x9;
	_ =	strace $0x80000048  }
0xb4: {  	_ =	swait.ge [sflag:s29], $0x1  }
0xb5: {  	[sflag:s29] =	ssyncadd.s32 $0xFFFFFFFF  }
0xb6: {  	_ =	strace $0x90000048  }
0xb7: {  	_ =	sfence  }
0xb8: {  	s30 =	sld [smem:$0x0];
	_ =	sdelay $0x2  }
0xb9: {  	s31 =	sshll.u32 s1, $0xD;
	s1 =	sshrl.u32 s1, $0x2  }
0xba: {  	s3 =	sand.u32 $0x4000, s31;
	s1 =	sadd.s32 s1, s30  }
0xbb: {  	s0 =	sor.u32 s3, s0;
	s1 =	sshll.u32 s1, $0x11  }
0xbc: {  	s0 =	sor.u32 s1, s0  }
0xbd: {  	s0 =	sadd.s32 $0x8F2B, s0  }
0xbe: {  	[sflag:s0] =	ssyncadd.remote.s32 $0x1  }
0xbf: {  	_ =	sfence.sel $0xFFFF  }
0xc0: {  	[dreg:$0x0] =	wrdreg $0xFFFFFFFF;
	(pc) =	sbr.abs _section_cstart, $3  }
0xc1: {  	[dreg:$0x1] =	wrdreg $0xFFFFFFFF  }
0xc2: {  	_ =	task.clear_ibuf [dreg:s6], $0x2FFFF;
	_ =	strace $0x9FFFFFFF  }
0xc3: {  	(tm) =	ssettm $0x7FFFFFFF  }
tec
execute0_lowered:
.L_overlay_start_1:
0x0: {  	(tag) =	ssettag $0x1  }
0x1: {  	s0 =	rddreg [dreg:$0x0];
	s12 =	stileid.u32  }
0x2: {  	s1 =	srdreg.scid;
	s2 =	rddreg [dreg:$0x1]  }
0x3: {  	s3 =	rddreg [dreg:$0x2];
	s6 =	simm.s32 $0x0;
	s28 =	simm.s32 $0xB000  }
0x4: {  	s29 =	simm.s32 $0xC000;
	s30 =	simm.s32 $0x1;
	s31 =	simm.s32 $0x2  }
0x5: {  	s1 =	sand.u32 $0x1, s1;
	s4 =	sshll.u32 s12, $0x1;
	s5 =	smul.u32 $0x5000, s12  }
0x6: {  	[smem:$0x7FF] =	sst s6;
	s7 =	smul.u32 $0x4F00, s12;
	s10 =	sadd.s32 $0x2C600, s0  }
0x7: {  	s17 =	sadd.s32 $0x2BC20, s0;
	s18 =	sadd.s32 $0x22000, s0;
	s19 =	sadd.s32 $0x22004, s0  }
0x8: {  	s20 =	sadd.s32 $0x22008, s0;
	_ =	strace $0x80000047;
	[dreg:$0xc] =	wrdreg s17  }
0x9: {  	p0 =	seq.s32 s12, $0xF;
	s4 =	sor.u32 s1, s4;
	[dreg:$0xd] =	wrdreg s18  }
0xa: {  	s9 =	ssub.s32 $0x2, s1;
	s1 =	smul.u32 $0x4E400, s1;
	[dreg:$0xe] =	wrdreg s19  }
0xb: {  	[dreg:$0xf] =	wrdreg s20;
	s17 =	simm.s32 $0x4;
	s20 =	simm.s32 $0x80  }
0xc: {  	s4 =	smul.u32 $0x500, s4;
	s24 =	sshrl.u32 s5, $0x3;
	s8 =	sshrl.u32 s7, $0x3  }
0xd: {  	s11 =	sshrl.u32 s9, $0x1;
	s6 =	sadd.s32 s24, s0;
	s8 =	sadd.s32 s8, s0  }
0xe: {  	s9 =	ssub.s32 s9, s11;
	s4 =	sadd.s32 s4, s0;
	s26 =	sadd.s32 $0x22800, s8  }
0xf: {  	s8 =	sshrl.u32 s5, $0x2;
	s14 =	sadd.s32 $0x18A00, s6;
	[dreg:$0x6] =	wrdreg s26  }
0x10: {  	s15 =	sadd.s32 $0x18A04, s6;
	s16 =	sadd.s32 $0x18A08, s6;
	[dreg:$0x8] =	wrdreg s14  }
0x11: {  	s6 =	sadd.s32 $0x18A0C, s6;
	s5 =	sadd.s32 s5, s1;
	[dreg:$0x9] =	wrdreg s15  }
0x12: {  	s1 =	sshrl.u32 s1, $0x3;
	s0 =	sadd.s32 $0x2200C, s0;
	[dreg:$0xa] =	wrdreg s16  }
0x13: {  	s25 =	sadd.s32 $0xEA00, s4;
	s4 =	sadd.s32 $0x4A00, s4;
	[dreg:$0xb] =	wrdreg s6  }
0x14: {  	s13 =	sadd.s32 s8, s3;
	[dreg:$0x10] =	wrdreg s0;
	s21 =	sshrl.u32 s5, $0x3  }
0x15: {  	s1 =	sadd.s32 s10, s1;
	s19 =	sadd.s32 s8, s2;
	[dreg:$0x4] =	wrdreg s25  }
0x16: {  	s26 =	smax.u32 s9, $0x1;
	s0 =	sadd.s32 $0x4A100, s2;
	[dreg:$0x5] =	wrdreg s4  }
0x17: {  	s16 =	simm.s32 $0x3;
	s4 =	sadd.s32 s7, s2;
	[dreg:$0x15] =	wrdreg s26  }
0x18: {  	s18 =	sadd.s32 s10, s21;
	s22 =	sadd.s32 $0x9600, s1;
	[dreg:$0x7] =	wrdreg s13  }
0x19: {  	s23 =	sadd.s32 $0x9604, s1;
	s24 =	sadd.s32 $0x9608, s1;
	[dreg:$0x11] =	wrdreg s22  }
0x1a: {  	s25 =	sadd.s32 $0x960C, s1;
	s0 =	sshrl.u32 @p0 s0, $0x3;
	[dreg:$0x12] =	wrdreg s23  }
0x1b: {  	s1 =	sadd.s32 $0x26480, s3;
	s21 =	simm.s32 $0x5000;
	[dreg:$0x13] =	wrdreg s24  }
0x1c: {  	s26 =	simm.s32 $0xA000;
	[dreg:$0x16] =	wrdreg s0;
	s0 =	sadd.s32 $0x12C00, s3  }
0x1d: {  	[dreg:$0x14] =	wrdreg s25;
	s14 =	sadd.s32 $0x8, s18;
	s0 =	sshrl.u32 @p0 s0, $0x3  }
0x1e: {  	s15 =	sadd.s32 $0xC, s18;
	[dreg:$0x17] =	wrdreg s0;
	s0 =	sshrl.u32 @p0 s1, $0x3  }
0x1f: {  	s22 =	simm.s32 $0x6000;
	[dreg:$0x18] =	wrdreg s0;
	s0 =	sadd.s32 $0x39D00, s3  }
0x20: {  	s23 =	simm.s32 $0x7000;
	s1 =	sadd.s32 $0x4D580, s3;
	s0 =	sshrl.u32 @p0 s0, $0x3  }
0x21: {  	s1 =	sshrl.u32 @p0 s1, $0x3;
	[dreg:$0x19] =	wrdreg s0;
	s0 =	sadd.s32 $0x13880, s13  }
0x22: {  	s24 =	simm.s32 $0x8000;
	[dreg:$0x1a] =	wrdreg s1;
	s0 =	sshrl.u32 @!p0 s0, $0x3  }
0x23: {  	s1 =	sshrl.u32 @!p0 s4, $0x3;
	[dreg:$0x1c] =	wrdreg s0;
	s0 =	sadd.s32 $0x27100, s13  }
0x24: {  	[dreg:$0x1b] =	wrdreg s1;
	s1 =	sadd.s32 $0x3A980, s13;
	s0 =	sshrl.u32 @!p0 s0, $0x3  }
0x25: {  	s4 =	sadd.s32 $0x12C00, s2;
	[dreg:$0x1d] =	wrdreg s0;
	s0 =	sshrl.u32 @!p0 s1, $0x3  }
0x26: {  	s25 =	simm.s32 $0x9000;
	[dreg:$0x1e] =	wrdreg s0;
	s0 =	sshrl.u32 @p0 s4, $0x3  }
0x27: {  	s13 =	sadd.s32 $0x4, s18;
	[dreg:$0x1f] =	wrdreg s0;
	s0 =	sadd.s32 $0x26480, s2  }
0x28: {  	s1 =	sadd.s32 $0x39D00, s2;
	s4 =	sadd.s32 $0x4D580, s2;
	s0 =	sshrl.u32 @p0 s0, $0x3  }
0x29: {  	[smem:$0x7FB] =	sst s0;
	s0 =	sshrl.u32 @p0 s1, $0x3;
	s1 =	sadd.s32 $0x27100, s19  }
0x2a: {  	[smem:$0x7FC] =	sst s0;
	s0 =	sshrl.u32 @p0 s4, $0x3;
	s4 =	sadd.s32 $0x3A980, s19  }
0x2b: {  	s11 =	sshrl.u32 @!p0 s1, $0x3;
	[smem:$0x7FD] =	sst s0;
	s0 =	sadd.s32 $0x13880, s19  }
0x2c: {  	s1 =	simm.s32 $0x0;
	s12 =	sshrl.u32 @!p0 s4, $0x3;
	s10 =	sshrl.u32 @!p0 s0, $0x3  }
.LBB2_1:
0x2d: {  	s4 =	rddreg [dreg:$0x4]  }
0x2e: {  	s0 =	simm.s32 $0x0;
	s8 =	rddreg [dreg:$0x5]  }
0x2f: {  	[tilespmem:s0], [sflag:$0x3] =	stream.linear.gather [hbm4b:s4+s0], $0x2800, $0x38;
	[tilespmem:$0x16C50] =	vst v63  }
0x30: {  	s5 =	simm.s32 $0x2800;
	s4 =	rddreg [dreg:$0xc]  }
0x31: {  	[tilespmem:s5], [sflag:$0x4] =	stream.linear.gather [hbm4b:s8+s0], $0x2800, $0x38;
	[tilespmem:$0x16C50] =	vst v63  }
0x32: {  	s0 =	simm.s32 @p0 $0x1FC1;
	s5 =	rddreg [dreg:$0x16]  }
0x33: {  	[spmem:s5], [sflag:s0] =	dma.local @p0 [hbm:s4], $0x840  }
0x34: {  	s6 =	simm.s32 @p0 $0x1FC2;
	s0 =	simm.s32 @p0 $0x1;
	s7 =	rddreg [dreg:$0xd]  }
0x35: {  	s4 =	simm.s32 @p0 $0x4;
	s5 =	simm.s32 @p0 $0x10;
	s8 =	rddreg [dreg:$0x17]  }
0x36: {  	[spmem:s8@s4], [sflag:s6] =	dma.strided @p0 [hbm:s7@s5], $0x190, s0, $0x4   }
0x37: {  	s7 =	rddreg [dreg:$0xe]  }
0x38: {  	s8 =	rddreg [dreg:$0x18]  }
0x39: {  	[spmem:s8@s4], [sflag:s6] =	dma.strided @p0 [hbm:s7@s5], $0x190, s0, $0x4   }
0x3a: {  	s7 =	rddreg [dreg:$0xf]  }
0x3b: {  	s8 =	rddreg [dreg:$0x19]  }
0x3c: {  	[spmem:s8@s4], [sflag:s6] =	dma.strided @p0 [hbm:s7@s5], $0x190, s0, $0x4   }
0x3d: {  	s7 =	rddreg [dreg:$0x10]  }
0x3e: {  	s8 =	rddreg [dreg:$0x1a]  }
0x3f: {  	[spmem:s8@s4], [sflag:s6] =	dma.strided @p0 [hbm:s7@s5], $0x190, s0, $0x4   }
0x40: {  	_ =	swait.ge @p0 [sflag:s0], $0x840  }
0x41: {  	[sflag:s0] =	ssyncset.done @p0 $0x0  }
0x42: {  	[sflag:s0] =	ssyncadd.s32 @p0 $0xFFFFF7C0;
	s0 =	simm.s32 @p0 $0x2  }
0x43: {  	_ =	swait.ge @p0 [sflag:s0], $0x190  }
0x44: {  	[sflag:s0] =	ssyncset.done @p0 $0x0  }
0x45: {  	[sflag:s0] =	ssyncadd.s32 @p0 $0xFFFFFE70  }
0x46: {  	_ =	swait.ge @p0 [sflag:s0], $0x190  }
0x47: {  	[sflag:s0] =	ssyncset.done @p0 $0x0  }
0x48: {  	[sflag:s0] =	ssyncadd.s32 @p0 $0xFFFFFE70  }
0x49: {  	_ =	swait.ge @p0 [sflag:s0], $0x190  }
0x4a: {  	[sflag:s0] =	ssyncset.done @p0 $0x0  }
0x4b: {  	[sflag:s0] =	ssyncadd.s32 @p0 $0xFFFFFE70  }
0x4c: {  	s4 =	stileid.u32;
	s8 =	simm.s32 @!p0 $0x4;
	_ =	swait.ge @p0 [sflag:s0], $0x190  }
0x4d: {  	s4 =	sshll.u32 @!p0 s4, $0x6;
	[sflag:s0] =	ssyncset.done @p0 $0x0;
	s5 =	rddreg [dreg:$0x6]  }
0x4e: {  	s6 =	rddreg [dreg:$0x1b];
	[sflag:s0] =	ssyncadd.s32 @p0 $0xFFFFFE70;
	s0 =	sor.u32 @!p0 $0x1C01, s4  }
0x4f: {  	[spmem:s6], [sflag:s0] =	dma.local @!p0 [hbm:s5], $0x9E0  }
0x50: {  	s7 =	simm.s32 @!p0 $0x10;
	s4 =	sor.u32 @!p0 $0x1C02, s4;
	s5 =	rddreg [dreg:$0x7]  }
0x51: {  	s6 =	simm.s32 @!p0 $0x1;
	s9 =	rddreg [dreg:$0x8];
	s5 =	sshrl.u32 @!p0 s5, $0x3  }
0x52: {  	[spmem:s5@s8], [sflag:s4] =	dma.strided @!p0 [hbm:s9@s7], $0x280, s6, $0x4   }
0x53: {  	s5 =	rddreg [dreg:$0x9]  }
0x54: {  	s9 =	rddreg [dreg:$0x1c]  }
0x55: {  	[spmem:s9@s8], [sflag:s4] =	dma.strided @!p0 [hbm:s5@s7], $0x280, s6, $0x4   }
0x56: {  	s5 =	rddreg [dreg:$0xa]  }
0x57: {  	s9 =	rddreg [dreg:$0x1d]  }
0x58: {  	[spmem:s9@s8], [sflag:s4] =	dma.strided @!p0 [hbm:s5@s7], $0x280, s6, $0x4   }
0x59: {  	s5 =	rddreg [dreg:$0xb]  }
0x5a: {  	s9 =	rddreg [dreg:$0x1e]  }
0x5b: {  	[spmem:s9@s8], [sflag:s4] =	dma.strided @!p0 [hbm:s5@s7], $0x280, s6, $0x4   }
0x5c: {  	_ =	swait.ge @!p0 [sflag:s6], $0x9E0  }
0x5d: {  	[sflag:s6] =	ssyncset.done @!p0 $0x0  }
0x5e: {  	s4 =	simm.s32 @!p0 $0x2;
	[sflag:s6] =	ssyncadd.s32 @!p0 $0xFFFFF620  }
0x5f: {  	_ =	swait.ge @!p0 [sflag:s4], $0x280  }
0x60: {  	[sflag:s4] =	ssyncset.done @!p0 $0x0  }
0x61: {  	[sflag:s4] =	ssyncadd.s32 @!p0 $0xFFFFFD80  }
0x62: {  	_ =	swait.ge @!p0 [sflag:s4], $0x280  }
0x63: {  	[sflag:s4] =	ssyncset.done @!p0 $0x0  }
0x64: {  	[sflag:s4] =	ssyncadd.s32 @!p0 $0xFFFFFD80  }
0x65: {  	_ =	swait.ge @!p0 [sflag:s4], $0x280  }
0x66: {  	[sflag:s4] =	ssyncset.done @!p0 $0x0  }
0x67: {  	[sflag:s4] =	ssyncadd.s32 @!p0 $0xFFFFFD80  }
0x68: {  	_ =	swait.ge @!p0 [sflag:s4], $0x280  }
0x69: {  	[sflag:s4] =	ssyncset.done @!p0 $0x0  }
0x6a: {  	[sflag:s4] =	ssyncadd.s32 @!p0 $0xFFFFFD80  }
0x6b: {  	_ =	swait.ge [sflag:s16], $0x2800  }
0x6c: {  	[sflag:s16] =	ssyncset.done $0x0  }
0x6d: {  	[sflag:s16] =	ssyncadd.s32 $0xFFFFD800  }
0x6e: {  	_ =	swait.ge [sflag:s17], $0x2800  }
0x6f: {  	[sflag:s17] =	ssyncset.done $0x0  }
0x70: {  	[sflag:s17] =	ssyncadd.s32 $0xFFFFD800  }
0x71: {  	s9 =	simm.s32 $0x0;
	[bflag:$0x0] =	sbarrier.arrive $0xFFFF  }
0x72: {  	[tilespmem:s21], [sflag:$0x1] =	stream.indirect.gather [spmem:s3], $0x20, s9, s20, $0xb8;
	[tilespmem:$0x16C50] =	vst v63  }
0x73: {  	s5 =	simm.s32 $0x80  }
0x74: {  	[tilespmem:s22], [sflag:$0x1] =	stream.indirect.gather [spmem:s3], $0x20, s5, s20, $0xb8;
	[tilespmem:$0x16C50] =	vst v63  }
0x75: {  	s6 =	simm.s32 $0x100  }
0x76: {  	[tilespmem:s23], [sflag:$0x1] =	stream.indirect.gather [spmem:s3], $0x20, s6, s20, $0xb8;
	[tilespmem:$0x16C50] =	vst v63  }
0x77: {  	s7 =	simm.s32 $0x180  }
0x78: {  	[tilespmem:s24], [sflag:$0x1] =	stream.indirect.gather [spmem:s3], $0x20, s7, s20, $0xb8;
	[tilespmem:$0x16C50] =	vst v63  }
0x79: {  	s8 =	simm.s32 $0x200  }
0x7a: {  	[tilespmem:s25], [sflag:$0x2] =	stream.indirect.gather [spmem:s3], $0x20, s8, s20, $0xb8;
	[tilespmem:$0x16C50] =	vst v63  }
0x7b: {  	s9 =	simm.s32 $0x280  }
0x7c: {  	[tilespmem:s26], [sflag:$0x2] =	stream.indirect.gather [spmem:s3], $0x20, s9, s20, $0xb8;
	[tilespmem:$0x16C50] =	vst v63  }
0x7d: {  	s5 =	simm.s32 $0x300  }
0x7e: {  	[tilespmem:s28], [sflag:$0x2] =	stream.indirect.gather [spmem:s3], $0x20, s5, s20, $0xb8;
	[tilespmem:$0x16C50] =	vst v63  }
0x7f: {  	s6 =	simm.s32 $0x380  }
0x80: {  	[tilespmem:s29], [sflag:$0x2] =	stream.indirect.gather [spmem:s3], $0x20, s6, s20, $0xb8;
	[tilespmem:$0x16C50] =	vst v63  }
0x81: {  	_ =	swait.ge [sflag:s30], $0x1000  }
0x82: {  	[sflag:s30] =	ssyncset.done $0x0  }
0x83: {  	[sflag:s30] =	ssyncadd.s32 $0xFFFFF000  }
0x84: {  	_ =	swait.ge [sflag:s30], $0x1000  }
0x85: {  	[sflag:s30] =	ssyncset.done $0x0  }
0x86: {  	[sflag:s30] =	ssyncadd.s32 $0xFFFFF000  }
0x87: {  	_ =	swait.ge [sflag:s30], $0x1000  }
0x88: {  	[sflag:s30] =	ssyncset.done $0x0  }
0x89: {  	[sflag:s30] =	ssyncadd.s32 $0xFFFFF000  }
0x8a: {  	_ =	swait.ge [sflag:s30], $0x1000  }
0x8b: {  	[sflag:s30] =	ssyncset.done $0x0  }
0x8c: {  	s7 =	simm.s32 $0x2800;
	[sflag:s30] =	ssyncadd.s32 $0xFFFFF000  }
0x8d: {  	[spmem:s2] =	stream.indirect.scatter.add.f32 [tilespmem:s21], [sflag:$0x3], $0x20, s7, s20, $0xb8;
	[tilespmem:$0x16C50] =	vst v63  }
0x8e: {  	s8 =	simm.s32 $0x2880  }
0x8f: {  	[spmem:s2] =	stream.indirect.scatter.add.f32 [tilespmem:s22], [sflag:$0x3], $0x20, s8, s20, $0xb8;
	[tilespmem:$0x16C50] =	vst v63  }
0x90: {  	s9 =	simm.s32 $0x2900  }
0x91: {  	[spmem:s2] =	stream.indirect.scatter.add.f32 [tilespmem:s23], [sflag:$0x3], $0x20, s9, s20, $0xb8;
	[tilespmem:$0x16C50] =	vst v63  }
0x92: {  	s5 =	simm.s32 $0x2980  }
0x93: {  	[spmem:s2] =	stream.indirect.scatter.add.f32 [tilespmem:s24], [sflag:$0x3], $0x20, s5, s20, $0xb8;
	[tilespmem:$0x16C50] =	vst v63  }
0x94: {  	_ =	swait.ge [sflag:s31], $0x1000  }
0x95: {  	[sflag:s31] =	ssyncset.done $0x0  }
0x96: {  	[sflag:s31] =	ssyncadd.s32 $0xFFFFF000  }
0x97: {  	_ =	swait.ge [sflag:s31], $0x1000  }
0x98: {  	[sflag:s31] =	ssyncset.done $0x0  }
0x99: {  	[sflag:s31] =	ssyncadd.s32 $0xFFFFF000  }
0x9a: {  	_ =	swait.ge [sflag:s31], $0x1000  }
0x9b: {  	[sflag:s31] =	ssyncset.done $0x0  }
0x9c: {  	[sflag:s31] =	ssyncadd.s32 $0xFFFFF000  }
0x9d: {  	_ =	swait.ge [sflag:s31], $0x1000  }
0x9e: {  	[sflag:s31] =	ssyncset.done $0x0  }
0x9f: {  	s6 =	simm.s32 $0x2A00;
	[sflag:s31] =	ssyncadd.s32 $0xFFFFF000  }
0xa0: {  	[spmem:s2] =	stream.indirect.scatter.add.f32 [tilespmem:s25], [sflag:$0x4], $0x20, s6, s20, $0xb8;
	[tilespmem:$0x16C50] =	vst v63  }
0xa1: {  	s7 =	simm.s32 $0x2A80  }
0xa2: {  	[spmem:s2] =	stream.indirect.scatter.add.f32 [tilespmem:s26], [sflag:$0x4], $0x20, s7, s20, $0xb8;
	[tilespmem:$0x16C50] =	vst v63  }
0xa3: {  	s8 =	simm.s32 $0x2B00  }
0xa4: {  	[spmem:s2] =	stream.indirect.scatter.add.f32 [tilespmem:s28], [sflag:$0x4], $0x20, s8, s20, $0xb8;
	[tilespmem:$0x16C50] =	vst v63  }
0xa5: {  	s9 =	simm.s32 $0x2B80  }
0xa6: {  	[spmem:s2] =	stream.indirect.scatter.add.f32 [tilespmem:s29], [sflag:$0x4], $0x20, s9, s20, $0xb8;
	[tilespmem:$0x16C50] =	vst v63  }
0xa7: {  	_ =	swait.ge [sflag:s16], $0x1000  }
0xa8: {  	[sflag:s16] =	ssyncset.done $0x0  }
0xa9: {  	[sflag:s16] =	ssyncadd.s32 $0xFFFFF000  }
0xaa: {  	_ =	swait.ge [sflag:s16], $0x1000  }
0xab: {  	[sflag:s16] =	ssyncset.done $0x0  }
0xac: {  	[sflag:s16] =	ssyncadd.s32 $0xFFFFF000  }
0xad: {  	_ =	swait.ge [sflag:s16], $0x1000  }
0xae: {  	[sflag:s16] =	ssyncset.done $0x0  }
0xaf: {  	[sflag:s16] =	ssyncadd.s32 $0xFFFFF000  }
0xb0: {  	_ =	swait.ge [sflag:s16], $0x1000  }
0xb1: {  	[sflag:s16] =	ssyncset.done $0x0  }
0xb2: {  	[sflag:s16] =	ssyncadd.s32 $0xFFFFF000  }
0xb3: {  	_ =	swait.ge [sflag:s17], $0x1000  }
0xb4: {  	[sflag:s17] =	ssyncset.done $0x0  }
0xb5: {  	[sflag:s17] =	ssyncadd.s32 $0xFFFFF000  }
0xb6: {  	_ =	swait.ge [sflag:s17], $0x1000  }
0xb7: {  	[sflag:s17] =	ssyncset.done $0x0  }
0xb8: {  	[sflag:s17] =	ssyncadd.s32 $0xFFFFF000  }
0xb9: {  	_ =	swait.ge [sflag:s17], $0x1000  }
0xba: {  	[sflag:s17] =	ssyncset.done $0x0  }
0xbb: {  	[sflag:s17] =	ssyncadd.s32 $0xFFFFF000  }
0xbc: {  	_ =	swait.ge [sflag:s17], $0x1000  }
0xbd: {  	s4 =	simm.s32 $0x1000;
	s5 =	simm.s32 $0x2000;
	[sflag:s17] =	ssyncset.done $0x0  }
.LBB2_2:
0xbe: {  	s8 =	sshra.s32 s4, $0x2  }
0xbf: {  	[sflag:s17] =	ssyncadd.s32 $0xFFFFF000;
	s4 =	smov.u32 s5;
	s6 =	sadd.s32 $0x1000, s5  }
0xc0: {  	[tilespmem:s21], [sflag:$0x1] =	stream.indirect.gather [spmem:s3], $0x20, s8, s20, $0xb8;
	[tilespmem:$0x16C50] =	vst v63  }
0xc1: {  	p1 =	sne.s32 s5, $0x9000;
	s5 =	sadd.s32 $0x80, s8  }
0xc2: {  	[tilespmem:s22], [sflag:$0x1] =	stream.indirect.gather [spmem:s3], $0x20, s5, s20, $0xb8;
	[tilespmem:$0x16C50] =	vst v63  }
0xc3: {  	s5 =	sadd.s32 $0x100, s8  }
0xc4: {  	[tilespmem:s23], [sflag:$0x1] =	stream.indirect.gather [spmem:s3], $0x20, s5, s20, $0xb8;
	[tilespmem:$0x16C50] =	vst v63  }
0xc5: {  	s5 =	sadd.s32 $0x180, s8  }
0xc6: {  	[tilespmem:s24], [sflag:$0x1] =	stream.indirect.gather [spmem:s3], $0x20, s5, s20, $0xb8;
	[tilespmem:$0x16C50] =	vst v63  }
0xc7: {  	s5 =	sadd.s32 $0x200, s8  }
0xc8: {  	[tilespmem:s25], [sflag:$0x2] =	stream.indirect.gather [spmem:s3], $0x20, s5, s20, $0xb8;
	[tilespmem:$0x16C50] =	vst v63  }
0xc9: {  	s5 =	sadd.s32 $0x280, s8  }
0xca: {  	[tilespmem:s26], [sflag:$0x2] =	stream.indirect.gather [spmem:s3], $0x20, s5, s20, $0xb8;
	[tilespmem:$0x16C50] =	vst v63  }
0xcb: {  	s5 =	sadd.s32 $0x300, s8  }
0xcc: {  	[tilespmem:s28], [sflag:$0x2] =	stream.indirect.gather [spmem:s3], $0x20, s5, s20, $0xb8;
	[tilespmem:$0x16C50] =	vst v63  }
0xcd: {  	s5 =	sadd.s32 $0x380, s8  }
0xce: {  	[tilespmem:s29], [sflag:$0x2] =	stream.indirect.gather [spmem:s3], $0x20, s5, s20, $0xb8;
	[tilespmem:$0x16C50] =	vst v63  }
0xcf: {  	_ =	swait.ge [sflag:s30], $0x1000  }
0xd0: {  	[sflag:s30] =	ssyncset.done $0x0  }
0xd1: {  	[sflag:s30] =	ssyncadd.s32 $0xFFFFF000  }
0xd2: {  	_ =	swait.ge [sflag:s30], $0x1000  }
0xd3: {  	[sflag:s30] =	ssyncset.done $0x0  }
0xd4: {  	[sflag:s30] =	ssyncadd.s32 $0xFFFFF000  }
0xd5: {  	_ =	swait.ge [sflag:s30], $0x1000  }
0xd6: {  	[sflag:s30] =	ssyncset.done $0x0  }
0xd7: {  	[sflag:s30] =	ssyncadd.s32 $0xFFFFF000  }
0xd8: {  	_ =	swait.ge [sflag:s30], $0x1000  }
0xd9: {  	[sflag:s30] =	ssyncset.done $0x0  }
0xda: {  	s5 =	sadd.s32 $0x2800, s8;
	[sflag:s30] =	ssyncadd.s32 $0xFFFFF000  }
0xdb: {  	[spmem:s2] =	stream.indirect.scatter.add.f32 [tilespmem:s21], [sflag:$0x3], $0x20, s5, s20, $0xb8;
	[tilespmem:$0x16C50] =	vst v63  }
0xdc: {  	s5 =	sadd.s32 $0x2880, s8  }
0xdd: {  	[spmem:s2] =	stream.indirect.scatter.add.f32 [tilespmem:s22], [sflag:$0x3], $0x20, s5, s20, $0xb8;
	[tilespmem:$0x16C50] =	vst v63  }
0xde: {  	s5 =	sadd.s32 $0x2900, s8  }
0xdf: {  	[spmem:s2] =	stream.indirect.scatter.add.f32 [tilespmem:s23], [sflag:$0x3], $0x20, s5, s20, $0xb8;
	[tilespmem:$0x16C50] =	vst v63  }
0xe0: {  	s5 =	sadd.s32 $0x2980, s8  }
0xe1: {  	[spmem:s2] =	stream.indirect.scatter.add.f32 [tilespmem:s24], [sflag:$0x3], $0x20, s5, s20, $0xb8;
	[tilespmem:$0x16C50] =	vst v63  }
0xe2: {  	_ =	swait.ge [sflag:s31], $0x1000  }
0xe3: {  	[sflag:s31] =	ssyncset.done $0x0  }
0xe4: {  	[sflag:s31] =	ssyncadd.s32 $0xFFFFF000  }
0xe5: {  	_ =	swait.ge [sflag:s31], $0x1000  }
0xe6: {  	[sflag:s31] =	ssyncset.done $0x0  }
0xe7: {  	[sflag:s31] =	ssyncadd.s32 $0xFFFFF000  }
0xe8: {  	_ =	swait.ge [sflag:s31], $0x1000  }
0xe9: {  	[sflag:s31] =	ssyncset.done $0x0  }
0xea: {  	[sflag:s31] =	ssyncadd.s32 $0xFFFFF000  }
0xeb: {  	_ =	swait.ge [sflag:s31], $0x1000  }
0xec: {  	[sflag:s31] =	ssyncset.done $0x0  }
0xed: {  	s5 =	sadd.s32 $0x2A00, s8;
	[sflag:s31] =	ssyncadd.s32 $0xFFFFF000  }
0xee: {  	[spmem:s2] =	stream.indirect.scatter.add.f32 [tilespmem:s25], [sflag:$0x4], $0x20, s5, s20, $0xb8;
	[tilespmem:$0x16C50] =	vst v63  }
0xef: {  	s5 =	sadd.s32 $0x2A80, s8  }
0xf0: {  	[spmem:s2] =	stream.indirect.scatter.add.f32 [tilespmem:s26], [sflag:$0x4], $0x20, s5, s20, $0xb8;
	[tilespmem:$0x16C50] =	vst v63  }
0xf1: {  	s5 =	sadd.s32 $0x2B00, s8  }
0xf2: {  	[spmem:s2] =	stream.indirect.scatter.add.f32 [tilespmem:s28], [sflag:$0x4], $0x20, s5, s20, $0xb8;
	[tilespmem:$0x16C50] =	vst v63  }
0xf3: {  	s5 =	sadd.s32 $0x2B80, s8  }
0xf4: {  	[spmem:s2] =	stream.indirect.scatter.add.f32 [tilespmem:s29], [sflag:$0x4], $0x20, s5, s20, $0xb8;
	[tilespmem:$0x16C50] =	vst v63  }
0xf5: {  	_ =	swait.ge [sflag:s16], $0x1000  }
0xf6: {  	[sflag:s16] =	ssyncset.done $0x0  }
0xf7: {  	[sflag:s16] =	ssyncadd.s32 $0xFFFFF000  }
0xf8: {  	_ =	swait.ge [sflag:s16], $0x1000  }
0xf9: {  	[sflag:s16] =	ssyncset.done $0x0  }
0xfa: {  	[sflag:s16] =	ssyncadd.s32 $0xFFFFF000  }
0xfb: {  	_ =	swait.ge [sflag:s16], $0x1000  }
0xfc: {  	[sflag:s16] =	ssyncset.done $0x0  }
0xfd: {  	[sflag:s16] =	ssyncadd.s32 $0xFFFFF000  }
0xfe: {  	_ =	swait.ge [sflag:s16], $0x1000  }
0xff: {  	[sflag:s16] =	ssyncset.done $0x0  }
0x100: {  	[sflag:s16] =	ssyncadd.s32 $0xFFFFF000  }
0x101: {  	_ =	swait.ge [sflag:s17], $0x1000  }
0x102: {  	[sflag:s17] =	ssyncset.done $0x0  }
0x103: {  	[sflag:s17] =	ssyncadd.s32 $0xFFFFF000  }
0x104: {  	_ =	swait.ge [sflag:s17], $0x1000  }
0x105: {  	[sflag:s17] =	ssyncset.done $0x0  }
0x106: {  	[sflag:s17] =	ssyncadd.s32 $0xFFFFF000  }
.Ltmp0:
0x107: {  	_ =	swait.ge [sflag:s17], $0x1000;
	(pc) =	sbr.rel @p1 .LBB2_2-.Ltmp0, $4  }
0x108: {  	[sflag:s17] =	ssyncset.done $0x0  }
0x109: {  	[sflag:s17] =	ssyncadd.s32 $0xFFFFF000  }
0x10a: {  	_ =	swait.ge [sflag:s17], $0x1000  }
0x10b: {  	s5 =	smov.u32 s6;
	[sflag:s17] =	ssyncset.done $0x0  }
0x10c: {  	s4 =	sshra.s32 s4, $0x2;
	[sflag:s17] =	ssyncadd.s32 $0xFFFFF000  }
0x10d: {  	[tilespmem:s21], [sflag:$0x1] =	stream.indirect.gather [spmem:s3], $0x20, s4, s20, $0xb8;
	[tilespmem:$0x16C50] =	vst v63  }
0x10e: {  	s5 =	sadd.s32 $0x80, s4  }
0x10f: {  	[tilespmem:s22], [sflag:$0x1] =	stream.indirect.gather [spmem:s3], $0x20, s5, s20, $0xb8;
	[tilespmem:$0x16C50] =	vst v63  }
0x110: {  	s8 =	sadd.s32 $0x100, s4  }
0x111: {  	[tilespmem:s23], [sflag:$0x1] =	stream.indirect.gather [spmem:s3], $0x20, s8, s20, $0xb8;
	[tilespmem:$0x16C50] =	vst v63  }
0x112: {  	s9 =	sadd.s32 $0x180, s4  }
0x113: {  	[tilespmem:s24], [sflag:$0x1] =	stream.indirect.gather [spmem:s3], $0x20, s9, s20, $0xb8;
	[tilespmem:$0x16C50] =	vst v63  }
0x114: {  	s6 =	sadd.s32 $0x200, s4  }
0x115: {  	[tilespmem:s25], [sflag:$0x2] =	stream.indirect.gather [spmem:s3], $0x20, s6, s20, $0xb8;
	[tilespmem:$0x16C50] =	vst v63  }
0x116: {  	s7 =	sadd.s32 $0x280, s4  }
0x117: {  	[tilespmem:s26], [sflag:$0x2] =	stream.indirect.gather [spmem:s3], $0x20, s7, s20, $0xb8;
	[tilespmem:$0x16C50] =	vst v63  }
0x118: {  	s8 =	sadd.s32 $0x300, s4  }
0x119: {  	[tilespmem:s28], [sflag:$0x2] =	stream.indirect.gather [spmem:s3], $0x20, s8, s20, $0xb8;
	[tilespmem:$0x16C50] =	vst v63  }
0x11a: {  	s9 =	sadd.s32 $0x380, s4  }
0x11b: {  	[tilespmem:s29], [sflag:$0x2] =	stream.indirect.gather [spmem:s3], $0x20, s9, s20, $0xb8;
	[tilespmem:$0x16C50] =	vst v63  }
0x11c: {  	_ =	swait.ge [sflag:s30], $0x1000  }
0x11d: {  	[sflag:s30] =	ssyncset.done $0x0  }
0x11e: {  	[sflag:s30] =	ssyncadd.s32 $0xFFFFF000  }
0x11f: {  	_ =	swait.ge [sflag:s30], $0x1000  }
0x120: {  	[sflag:s30] =	ssyncset.done $0x0  }
0x121: {  	[sflag:s30] =	ssyncadd.s32 $0xFFFFF000  }
0x122: {  	_ =	swait.ge [sflag:s30], $0x1000  }
0x123: {  	[sflag:s30] =	ssyncset.done $0x0  }
0x124: {  	[sflag:s30] =	ssyncadd.s32 $0xFFFFF000  }
0x125: {  	_ =	swait.ge [sflag:s30], $0x1000  }
0x126: {  	[sflag:s30] =	ssyncset.done $0x0  }
0x127: {  	s6 =	sadd.s32 $0x2800, s4;
	[sflag:s30] =	ssyncadd.s32 $0xFFFFF000  }
0x128: {  	[spmem:s2] =	stream.indirect.scatter.add.f32 [tilespmem:s21], [sflag:$0x3], $0x20, s6, s20, $0xb8;
	[tilespmem:$0x16C50] =	vst v63  }
0x129: {  	s7 =	sadd.s32 $0x2880, s4  }
0x12a: {  	[spmem:s2] =	stream.indirect.scatter.add.f32 [tilespmem:s22], [sflag:$0x3], $0x20, s7, s20, $0xb8;
	[tilespmem:$0x16C50] =	vst v63  }
0x12b: {  	s8 =	sadd.s32 $0x2900, s4  }
0x12c: {  	[spmem:s2] =	stream.indirect.scatter.add.f32 [tilespmem:s23], [sflag:$0x3], $0x20, s8, s20, $0xb8;
	[tilespmem:$0x16C50] =	vst v63  }
0x12d: {  	s9 =	sadd.s32 $0x2980, s4  }
0x12e: {  	[spmem:s2] =	stream.indirect.scatter.add.f32 [tilespmem:s24], [sflag:$0x3], $0x20, s9, s20, $0xb8;
	[tilespmem:$0x16C50] =	vst v63  }
0x12f: {  	_ =	swait.ge [sflag:s31], $0x1000  }
0x130: {  	[sflag:s31] =	ssyncset.done $0x0  }
0x131: {  	[sflag:s31] =	ssyncadd.s32 $0xFFFFF000  }
0x132: {  	_ =	swait.ge [sflag:s31], $0x1000  }
0x133: {  	[sflag:s31] =	ssyncset.done $0x0  }
0x134: {  	[sflag:s31] =	ssyncadd.s32 $0xFFFFF000  }
0x135: {  	_ =	swait.ge [sflag:s31], $0x1000  }
0x136: {  	[sflag:s31] =	ssyncset.done $0x0  }
0x137: {  	[sflag:s31] =	ssyncadd.s32 $0xFFFFF000  }
0x138: {  	_ =	swait.ge [sflag:s31], $0x1000  }
0x139: {  	[sflag:s31] =	ssyncset.done $0x0  }
0x13a: {  	s6 =	sadd.s32 $0x2A00, s4;
	[sflag:s31] =	ssyncadd.s32 $0xFFFFF000  }
0x13b: {  	[spmem:s2] =	stream.indirect.scatter.add.f32 [tilespmem:s25], [sflag:$0x4], $0x20, s6, s20, $0xb8;
	[tilespmem:$0x16C50] =	vst v63  }
0x13c: {  	s7 =	sadd.s32 $0x2A80, s4  }
0x13d: {  	[spmem:s2] =	stream.indirect.scatter.add.f32 [tilespmem:s26], [sflag:$0x4], $0x20, s7, s20, $0xb8;
	[tilespmem:$0x16C50] =	vst v63  }
0x13e: {  	s8 =	sadd.s32 $0x2B00, s4  }
0x13f: {  	[spmem:s2] =	stream.indirect.scatter.add.f32 [tilespmem:s28], [sflag:$0x4], $0x20, s8, s20, $0xb8;
	[tilespmem:$0x16C50] =	vst v63  }
0x140: {  	s4 =	sadd.s32 $0x2B80, s4  }
0x141: {  	[spmem:s2] =	stream.indirect.scatter.add.f32 [tilespmem:s29], [sflag:$0x4], $0x20, s4, s20, $0xb8;
	[tilespmem:$0x16C50] =	vst v63  }
0x142: {  	_ =	swait.ge [sflag:s16], $0x1000  }
0x143: {  	[sflag:s16] =	ssyncset.done $0x0  }
0x144: {  	[sflag:s16] =	ssyncadd.s32 $0xFFFFF000  }
0x145: {  	_ =	swait.ge [sflag:s16], $0x1000  }
0x146: {  	[sflag:s16] =	ssyncset.done $0x0  }
0x147: {  	[sflag:s16] =	ssyncadd.s32 $0xFFFFF000  }
0x148: {  	_ =	swait.ge [sflag:s16], $0x1000  }
0x149: {  	[sflag:s16] =	ssyncset.done $0x0  }
0x14a: {  	[sflag:s16] =	ssyncadd.s32 $0xFFFFF000  }
0x14b: {  	_ =	swait.ge [sflag:s16], $0x1000  }
0x14c: {  	[sflag:s16] =	ssyncset.done $0x0  }
0x14d: {  	[sflag:s16] =	ssyncadd.s32 $0xFFFFF000  }
0x14e: {  	_ =	swait.ge [sflag:s17], $0x1000  }
0x14f: {  	[sflag:s17] =	ssyncset.done $0x0  }
0x150: {  	[sflag:s17] =	ssyncadd.s32 $0xFFFFF000  }
0x151: {  	_ =	swait.ge [sflag:s17], $0x1000  }
0x152: {  	[sflag:s17] =	ssyncset.done $0x0  }
0x153: {  	[sflag:s17] =	ssyncadd.s32 $0xFFFFF000  }
0x154: {  	_ =	swait.ge [sflag:s17], $0x1000  }
0x155: {  	[sflag:s17] =	ssyncset.done $0x0  }
0x156: {  	[sflag:s17] =	ssyncadd.s32 $0xFFFFF000  }
0x157: {  	_ =	swait.ge [sflag:s17], $0x1000  }
0x158: {  	[sflag:s17] =	ssyncset.done $0x0  }
0x159: {  	[sflag:s17] =	ssyncadd.s32 $0xFFFFF000  }
0x15a: {  	[bflag:$0x0] =	sbarrier.arrive $0xFFFF  }
0x15b: {  	s5 =	simm.s32 @p0 $0x10;
	s6 =	simm.s32 @p0 $0x4;
	s8 =	rddreg [dreg:$0x11]  }
0x15c: {  	s7 =	simm.s32 @p0 $0x1FC1;
	s4 =	simm.s32 @p0 $0x1;
	s9 =	rddreg [dreg:$0x1f]  }
0x15d: {  	[hbm:s8@s5], [sflag:s7] =	dma.strided @p0 [spmem:s9@s6], $0x190, s4, $0x4   }
0x15e: {  	s9 =	sld [smem:$0x7FB];
	_ =	sdelay $0x1  }
0x15f: {  	s8 =	rddreg [dreg:$0x12]  }
0x160: {  	[hbm:s8@s5], [sflag:s7] =	dma.strided @p0 [spmem:s9@s6], $0x190, s4, $0x4   }
0x161: {  	s9 =	sld [smem:$0x7FC];
	_ =	sdelay $0x1  }
0x162: {  	s8 =	rddreg [dreg:$0x13]  }
0x163: {  	[hbm:s8@s5], [sflag:s7] =	dma.strided @p0 [spmem:s9@s6], $0x190, s4, $0x4   }
0x164: {  	s9 =	sld [smem:$0x7FD];
	_ =	sdelay $0x1  }
0x165: {  	s8 =	rddreg [dreg:$0x14]  }
0x166: {  	[hbm:s8@s5], [sflag:s7] =	dma.strided @p0 [spmem:s9@s6], $0x190, s4, $0x4   }
0x167: {  	_ =	swait.ge @p0 [sflag:s4], $0x190  }
0x168: {  	[sflag:s4] =	ssyncset.done @p0 $0x0  }
0x169: {  	[sflag:s4] =	ssyncadd.s32 @p0 $0xFFFFFE70  }
0x16a: {  	_ =	swait.ge @p0 [sflag:s4], $0x190  }
0x16b: {  	[sflag:s4] =	ssyncset.done @p0 $0x0  }
0x16c: {  	[sflag:s4] =	ssyncadd.s32 @p0 $0xFFFFFE70  }
0x16d: {  	_ =	swait.ge @p0 [sflag:s4], $0x190  }
0x16e: {  	[sflag:s4] =	ssyncset.done @p0 $0x0  }
0x16f: {  	[sflag:s4] =	ssyncadd.s32 @p0 $0xFFFFFE70  }
0x170: {  	_ =	swait.ge @p0 [sflag:s4], $0x190  }
0x171: {  	s5 =	simm.s32 @!p0 $0x1;
	s6 =	simm.s32 @!p0 $0x10;
	[sflag:s4] =	ssyncset.done @p0 $0x0  }
0x172: {  	s7 =	simm.s32 @!p0 $0x4;
	[sflag:s4] =	ssyncadd.s32 @p0 $0xFFFFFE70;
	s4 =	sshrl.u32 @!p0 s19, $0x3  }
0x173: {  	[hbm:s18@s6], [sflag:s0] =	dma.strided @!p0 [spmem:s4@s7], $0x280, s5, $0x4   }
0x174: {  	[hbm:s13@s6], [sflag:s0] =	dma.strided @!p0 [spmem:s10@s7], $0x280, s5, $0x4   }
0x175: {  	[hbm:s14@s6], [sflag:s0] =	dma.strided @!p0 [spmem:s11@s7], $0x280, s5, $0x4   }
0x176: {  	[hbm:s15@s6], [sflag:s0] =	dma.strided @!p0 [spmem:s12@s7], $0x280, s5, $0x4   }
0x177: {  	_ =	swait.ge @!p0 [sflag:s5], $0x280  }
0x178: {  	[sflag:s5] =	ssyncset.done @!p0 $0x0  }
0x179: {  	[sflag:s5] =	ssyncadd.s32 @!p0 $0xFFFFFD80  }
0x17a: {  	_ =	swait.ge @!p0 [sflag:s5], $0x280  }
0x17b: {  	[sflag:s5] =	ssyncset.done @!p0 $0x0  }
0x17c: {  	[sflag:s5] =	ssyncadd.s32 @!p0 $0xFFFFFD80  }
0x17d: {  	_ =	swait.ge @!p0 [sflag:s5], $0x280  }
0x17e: {  	[sflag:s5] =	ssyncset.done @!p0 $0x0  }
0x17f: {  	[sflag:s5] =	ssyncadd.s32 @!p0 $0xFFFFFD80  }
0x180: {  	_ =	swait.ge @!p0 [sflag:s5], $0x280  }
0x181: {  	s1 =	sadd.s32 $0x1, s1;
	s9 =	rddreg [dreg:$0x15]  }
0x182: {  	p1 =	sne.s32 s1, s9  }
.Ltmp1:
0x183: {  	_ = 	snop;
	(pc) =	sbr.rel @p1 .LBB2_1-.Ltmp1, $3  }
0x184: {  	_ =	sdelay $0x1  }
0x185: {  	[sflag:s5] =	ssyncset.done @!p0 $0x0  }
0x186: {  	[sflag:s5] =	ssyncadd.s32 @!p0 $0xFFFFFD80  }
0x187: {  	_ =	sfence.sel $0x180000  }
0x188: {  	[bflag:$0x0] =	sbarrier.arrive $0xFFFF  }
0x189: {  	_ =	strace $0x90000047  }
0x18a: {  	s0 =	stileid.u32;
	[bflag:$0x2] =	sbarrier.arrive $0xFFFF  }
0x18b: {  	p0 =	sne.s32 s0, $0x0;
	s0 =	rddreg [dreg:$0x3]  }
0x18c: {  	s0 =	sadd.s32 @!p0 $0x100000, s0  }
0x18d: {  	[sflag:s0] =	ssyncadd.tile.s32 @!p0 $0x1;
	_ =	shalt  }
.Lfunc_end2:
_tile_overlayer_lowered:
.L_overlay_start_2:
0x18e: {  	(tag) =	ssettag $0x2  }
0x18f: {  	s0 =	rddreg [dreg:$0x0];
	s2 =	stileid.u32  }
0x190: {  	s1 =	rddreg [dreg:$0x1];
	p0 =	sne.s32 s2, $0x0  }
0x191: {  	s3 =	rddreg [dreg:$0x2];
	[bflag:$0x3] =	sbarrier.arrive $0xFFFF;
	s2 =	simm.s32 @!p0 $0x1C05  }
0x192: {  	[timem:s3], [sflag:s2] =	dma.local @!p0 [hbm:s0], s1  }
0x193: {  	s0 =	simm.s32 @!p0 $0x5  }
0x194: {  	_ =	swait.ge @!p0 [sflag:s0], s1  }
0x195: {  	s1 =	ssub.s32 @!p0 $0x0, s1;
	[sflag:s0] =	ssyncset.done @!p0 $0x0  }
0x196: {  	[sflag:s0] =	ssyncadd.s32 @!p0 s1  }
0x197: {  	[bflag:$0x3] =	sbarrier.arrive $0xFFFF  }
0x198: {  	_ =	shalt  }

</sc_bundles>
